<compile_context>
chip_gen: v7x
topology: tpu7x:2x2x1
jax: 0.10.2.dev20260603
libtpu: 0.0.44.dev20260713+nightly
codegen_flags: <defaults>
</compile_context>

<pallas_src>
import functools

import jax
import jax.numpy as jnp
from jax import lax
from jax.experimental import pallas as pl
from jax.experimental.pallas import tpu as pltpu
from jax.experimental.pallas import tpu_sc as plsc

V = 100000
D = 64
R = 8

NC = 2
NS = 16
L = 16
NW = NC * NS

BK = 128
NBLK = 25
P1R = 392
TAIL_I0 = V - 32


def _body(x_hbm, wP_hbm, aP_hbm, b_hbm, outT_hbm,
          apv, xa, bv, st_v, red_v, lsp, lora_c,
          xv0, xv1, ih0, ih1, pr0, pr1, rb0, rb1, ob0, ob1,
          att, xtt, iht, rbt, obt, shared,
          sx0, sx1, sg0, sg1, so0, so1):
    cid = lax.axis_index("c")
    sid = lax.axis_index("s")
    wid = sid * NC + cid

    iota = lax.iota(jnp.int32, L)
    zero = jnp.zeros((L,), jnp.float32)
    xv = (xv0, xv1)
    ih = (ih0, ih1)
    pr = (pr0, pr1)
    rb = (rb0, rb1)
    ob = (ob0, ob1)
    sx = (sx0, sx1)
    sg = (sg0, sg1)
    so = (so0, so1)

    lastp1 = sid == NS - 1

    @pl.when(jnp.logical_not(lastp1))
    def _():
        lo = pl.multiple_of(sid * P1R, 8)
        pltpu.sync_copy(aP_hbm.at[pl.ds(lo, P1R), :], apv)
        pltpu.sync_copy(x_hbm.at[pl.ds(lo * L, P1R * L)], xa)

    @pl.when(lastp1)
    def _():
        pltpu.sync_copy(aP_hbm.at[pl.ds(15 * P1R, 368), :],
                        apv.at[pl.ds(0, 368), :])
        pltpu.sync_copy(x_hbm.at[pl.ds(15 * P1R * L, 368 * L)],
                        xa.at[pl.ds(0, 368 * L)])
        pltpu.sync_copy(aP_hbm.at[pl.ds(6248, 2), :], att)
        pltpu.sync_copy(x_hbm.at[pl.ds(TAIL_I0, 32)], xtt)

    pltpu.sync_copy(b_hbm, bv)

    @pl.when(jnp.logical_not(lastp1))
    def _():
        for j in range(2):
            for k in range(R):
                att[j, pl.ds(16 * k, L)] = zero

    half = iota < 8
    pair_idx = [jnp.where(half, 2 * k, 2 * k + 1) for k in range(R)]

    def p1blk(t, accs):
        xf = xa[pl.ds(pl.multiple_of(t * L, 16), L)].astype(jnp.float32)
        out = []
        for k in range(R):
            xg = xf.at[pair_idx[k]].get(mode="promise_in_bounds")
            out.append(accs[k] + xg * apv[t, pl.ds(16 * k, L)])
        return tuple(out)

    tend = jnp.where(lastp1, 368, P1R)
    accs = lax.fori_loop(0, tend, p1blk, (zero,) * R)
    part = zero
    for k in range(R):
        part = part + accs[k]
    for j in range(2):
        xtf = xtt[pl.ds(16 * j, L)].astype(jnp.float32)
        for k in range(R):
            xg = xtf.at[pair_idx[k]].get(mode="promise_in_bounds")
            part = part + xg * att[j, pl.ds(16 * k, L)]

    st_v[...] = part
    pltpu.sync_copy(st_v, shared.at[pl.ds(pl.multiple_of(sid * L, 16), L)])
    plsc.subcore_barrier()
    pltpu.sync_copy(shared, red_v)
    tot = red_v[pl.ds(0, L)]
    for i in range(1, NS):
        tot = tot + red_v[pl.ds(pl.multiple_of(16 * i, 16), L)]
    swap = jnp.where(half, iota + 8, iota - 8)
    s = tot + tot.at[swap].get(mode="promise_in_bounds")

    for k in range(D // L):
        lk = zero
        for r in range(R):
            s_r = s.at[jnp.full((L,), r, jnp.int32)].get(
                mode="promise_in_bounds")
            lk = lk + s_r * bv[pl.ds(r * D + k * L, L)]
        lora_c[pl.ds(k * L, L)] = lk
        for cl in range(L):
            c = k * L + cl
            lsp[pl.ds(c * L, L)] = lk.at[jnp.full((L,), cl, jnp.int32)].get(
                mode="promise_in_bounds")

    last = wid == NW - 1
    stripe_lo = jnp.where(last, 30 * 3200 + 768, wid * 3200)
    jbs = [iota + 16 * j for j in range(8)]

    def i0_of(b):
        return pl.multiple_of(stripe_lo + b * BK, 128)

    def xstart(b, p):
        pltpu.async_copy(x_hbm.at[pl.ds(i0_of(b), BK)], xv[p], sx[p])

    def xwait(b, p):
        pltpu.make_async_copy(x_hbm.at[pl.ds(i0_of(b), BK)], xv[p],
                              sx[p]).wait()

    def prep(p):
        for j in range(8):
            xj = xv[p][pl.ds(16 * j, L)]
            ih[p][pl.ds(16 * j, L)] = lax.shift_right_logical(xj, 1)
            pr[p][pl.ds(16 * j, L)] = lax.shift_left(
                jnp.bitwise_and(xj, 1), 6)

    def gstart(p):
        pltpu.async_copy(wP_hbm.at[ih[p]], rb[p], sg[p])

    def gwait(p):
        pltpu.make_async_copy(wP_hbm.at[ih[p]], rb[p], sg[p]).wait()

    def out_slice(b):
        return outT_hbm.at[:, pl.ds(i0_of(b), BK)]

    def ostart(b, p):
        pltpu.async_copy(ob[p], out_slice(b), so[p])

    def owait(b, p):
        pltpu.make_async_copy(ob[p], out_slice(b), so[p]).wait()

    def transpose_add(p):
        prv = [pr[p][pl.ds(16 * j, L)] for j in range(8)]

        def diag(d, carry):
            cd = jnp.bitwise_and(d + iota, D - 1)
            lv = plsc.load_gather(lora_c, [cd])
            for j in range(8):
                v = plsc.load_gather(rb[p], [jbs[j], prv[j] + cd])
                plsc.store_scatter(ob[p], [cd, jbs[j]], v + lv)
            return carry

        lax.fori_loop(0, D, diag, 0)

    def stage(b, p):
        gwait(p)

        @pl.when(b >= 2)
        def _():
            owait(b - 2, p)

        transpose_add(p)
        ostart(b, p)

        @pl.when(b + 2 < NBLK)
        def _():
            xwait(b + 2, p)
            prep(p)
            gstart(p)

        @pl.when(b + 4 < NBLK)
        def _():
            xstart(b + 4, p)

    xstart(0, 0)
    xstart(1, 1)
    xwait(0, 0)
    prep(0)
    gstart(0)
    xwait(1, 1)
    prep(1)
    gstart(1)
    xstart(2, 0)
    xstart(3, 1)

    def blkstep(b, carry):
        @pl.when(jnp.bitwise_and(b, 1) == 0)
        def _():
            stage(b, 0)

        @pl.when(jnp.bitwise_and(b, 1) == 1)
        def _():
            stage(b, 1)

        return carry

    lax.fori_loop(0, NBLK, blkstep, 0)
    owait(NBLK - 2, 1)
    owait(NBLK - 1, 0)

    @pl.when(last)
    def _():
        prt = []
        for j in range(2):
            xj = xtt[pl.ds(16 * j, L)]
            iht[pl.ds(16 * j, L)] = lax.shift_right_logical(xj, 1)
            prt.append(lax.shift_left(jnp.bitwise_and(xj, 1), 6))
        pltpu.async_copy(wP_hbm.at[iht], rbt, sg0)
        pltpu.make_async_copy(wP_hbm.at[iht], rbt, sg0).wait()

        def tdiag(d, carry):
            cd = jnp.bitwise_and(d + iota, D - 1)
            lv = plsc.load_gather(lora_c, [cd])
            for j in range(2):
                v = plsc.load_gather(rbt, [jbs[j], prt[j] + cd])
                plsc.store_scatter(obt, [cd, jbs[j]], v + lv)
            return carry

        lax.fori_loop(0, D, tdiag, 0)
        pltpu.sync_copy(obt, outT_hbm.at[:, pl.ds(TAIL_I0, 32)])


@functools.partial(jax.jit, static_argnums=())
def _emb_lora(x, wP, aP, b_flat):
    mesh = plsc.VectorSubcoreMesh(core_axis_name="c", subcore_axis_name="s")
    k = pl.kernel(
        _body,
        out_type=jax.ShapeDtypeStruct((D, V), jnp.float32),
        mesh=mesh,
        scratch_types=[
            pltpu.VMEM((P1R, BK), jnp.float32),
            pltpu.VMEM((P1R * L,), jnp.int32),
            pltpu.VMEM((R * D,), jnp.float32),
            pltpu.VMEM((L,), jnp.float32),
            pltpu.VMEM((NS * L,), jnp.float32),
            pltpu.VMEM((D * L,), jnp.float32),
            pltpu.VMEM((D,), jnp.float32),
            pltpu.VMEM((BK,), jnp.int32),
            pltpu.VMEM((BK,), jnp.int32),
            pltpu.VMEM((BK,), jnp.int32),
            pltpu.VMEM((BK,), jnp.int32),
            pltpu.VMEM((BK,), jnp.int32),
            pltpu.VMEM((BK,), jnp.int32),
            pltpu.VMEM((BK, BK), jnp.float32),
            pltpu.VMEM((BK, BK), jnp.float32),
            pltpu.VMEM((D, BK), jnp.float32),
            pltpu.VMEM((D, BK), jnp.float32),
            pltpu.VMEM((2, BK), jnp.float32),
            pltpu.VMEM((32,), jnp.int32),
            pltpu.VMEM((32,), jnp.int32),
            pltpu.VMEM((32, BK), jnp.float32),
            pltpu.VMEM((D, 32), jnp.float32),
            pltpu.VMEM_SHARED((NS * L,), jnp.float32),
            pltpu.SemaphoreType.DMA,
            pltpu.SemaphoreType.DMA,
            pltpu.SemaphoreType.DMA,
            pltpu.SemaphoreType.DMA,
            pltpu.SemaphoreType.DMA,
            pltpu.SemaphoreType.DMA,
        ],
        compiler_params=pltpu.CompilerParams(use_tc_tiling_on_sc=True,
                                             needs_layout_passes=False),
    )
    return k(x, wP, aP, b_flat)


def kernel(x, weight, A, B):
    outT = _emb_lora(x, weight.reshape(V // 2, 2 * D),
                     A.reshape(V // L, R * L), B.reshape(-1))
    return outT.T

# --- scband reference (transcript-rebuilt; emitter-appended) ---
"""Pipeline reference for scband-embedding-86414741996115 (READ-ONLY COPY).

The authoritative reference and input builder live on the scoring server;
editing this copy changes nothing except your own understanding.
"""

import jax, jax.numpy as jnp
import numpy as np

V = 100000  # num_embeddings
D = 64      # embedding_dim
R = 8       # lora rank

def setup_inputs(seed: int = 0) -> dict:
    key = jax.random.key(seed)
    k1, k2, k3, k4 = jax.random.split(key, 4)
    # forward arg: indices. NOTE: x.view(-1, num_embeddings) in the module forces
    # x.numel() to be a multiple of V, and broadcasting of the LoRA term against
    # y [L, D] forces exactly one row, i.e. L == V.
    x = jax.random.randint(k1, (V,), 0, V, dtype=jnp.int32)
    # learned parameters
    weight = jax.random.normal(k2, (V, D), dtype=jnp.float32)  # embedding table
    A = jax.random.normal(k3, (V, R), dtype=jnp.float32)
    # original init is zeros; use small random values so the LoRA path is numerically nontrivial
    B = jax.random.normal(k4, (R, D), dtype=jnp.float32) * 0.01
    return {"x": x, "weight": weight, "A": A, "B": B}

def reference(x, weight, A, B):
    # y = Embedding.forward(x) under torch.no_grad() -> detached gather
    y = jax.lax.stop_gradient(jnp.take(weight, x, axis=0))  # [V, D]
    # x = x.view(-1, num_embeddings); torch.mm promotes here only in jax semantics:
    # the original code multiplies the (integer) index tensor itself by A.
    xf = x.reshape(-1, V).astype(jnp.float32)               # [1, V]
    lora = jnp.matmul(jnp.matmul(xf, A), B)                 # [1, D]
    return y + lora                                          # broadcast -> [V, D]

if __name__ == "__main__":
    import jax
    _d = setup_inputs()
    print(jax.jit(kernel)(*tuple(_d.values())))

</pallas_src>

<mosaic_0001>
#map = affine_map<(d0, d1) -> (0)>
#map1 = affine_map<(d0, d1) -> (0, 0)>
module attributes {stable_mosaic.version = 14 : i64} {
  func.func @_body(%arg0: i32, %arg1: i32, %arg2: memref<100000xi32, #tpu.memory_space<hbm>>, %arg3: memref<50000x128xf32, #tpu.memory_space<hbm>>, %arg4: memref<6250x128xf32, #tpu.memory_space<hbm>>, %arg5: memref<512xf32, #tpu.memory_space<hbm>>, %arg6: memref<64x100000xf32, #tpu.memory_space<hbm>>, %arg7: memref<392x128xf32, #tpu.memory_space<vmem>>, %arg8: memref<6272xi32, #tpu.memory_space<vmem>>, %arg9: memref<512xf32, #tpu.memory_space<vmem>>, %arg10: memref<16xf32, #tpu.memory_space<vmem>>, %arg11: memref<256xf32, #tpu.memory_space<vmem>>, %arg12: memref<1024xf32, #tpu.memory_space<vmem>>, %arg13: memref<64xf32, #tpu.memory_space<vmem>>, %arg14: memref<128xi32, #tpu.memory_space<vmem>>, %arg15: memref<128xi32, #tpu.memory_space<vmem>>, %arg16: memref<128xi32, #tpu.memory_space<vmem>>, %arg17: memref<128xi32, #tpu.memory_space<vmem>>, %arg18: memref<128xi32, #tpu.memory_space<vmem>>, %arg19: memref<128xi32, #tpu.memory_space<vmem>>, %arg20: memref<128x128xf32, #tpu.memory_space<vmem>>, %arg21: memref<128x128xf32, #tpu.memory_space<vmem>>, %arg22: memref<64x128xf32, #tpu.memory_space<vmem>>, %arg23: memref<64x128xf32, #tpu.memory_space<vmem>>, %arg24: memref<2x128xf32, #tpu.memory_space<vmem>>, %arg25: memref<32xi32, #tpu.memory_space<vmem>>, %arg26: memref<32xi32, #tpu.memory_space<vmem>>, %arg27: memref<32x128xf32, #tpu.memory_space<vmem>>, %arg28: memref<64x32xf32, #tpu.memory_space<vmem>>, %arg29: memref<256xf32, #tpu.memory_space<vmem_shared>>, %arg30: memref<!tpu.dma_semaphore, #tpu.memory_space<semaphore_mem>>, %arg31: memref<!tpu.dma_semaphore, #tpu.memory_space<semaphore_mem>>, %arg32: memref<!tpu.dma_semaphore, #tpu.memory_space<semaphore_mem>>, %arg33: memref<!tpu.dma_semaphore, #tpu.memory_space<semaphore_mem>>, %arg34: memref<!tpu.dma_semaphore, #tpu.memory_space<semaphore_mem>>, %arg35: memref<!tpu.dma_semaphore, #tpu.memory_space<semaphore_mem>>) attributes {dimension_semantics = [#tpu.dimension_semantics<core_parallel>, #tpu.dimension_semantics<subcore_parallel>], iteration_bounds = array<i64: 2, 16>, scalar_prefetch = 0 : i64, scratch_operands = 29 : i64, tpu.core_type = #tpu.core_type<sc_vector_subcore>, window_params = [{transform_indices = #map}, {transform_indices = #map1}, {transform_indices = #map1}, {transform_indices = #map}, {transform_indices = #map1}]} {
    %mul3A = arith.constant 2 : i32
    %mul3A_0 = arith.muli %arg1, %mul3A : i32
    %add3A = arith.addi %mul3A_0, %arg0 : i32
    %iota3A = tpu.iota {dimensions = array<i32: 0>} : vector<16xi32>
    %broadcast_in_dim3A = arith.constant 0.000000e+00 : f32
    %broadcast_in_dim3A_1 = vector.broadcast %broadcast_in_dim3A : f32 to vector<16xf32>
    %eq3A = arith.constant 15 : i32
    %eq3A_2 = arith.cmpi eq, %arg1, %eq3A : i32
    %not3A = arith.constant true
    %not3A_3 = arith.xori %eq3A_2, %not3A : i1
    %convert_element_type3A = arith.extui %not3A_3 : i1 to i32
    %cond3A = arith.constant 0 : i32
    %cond3A_4 = arith.cmpi ne, %convert_element_type3A, %cond3A : i32
    scf.if %cond3A_4 {
      %mul3A_2170 = arith.constant 392 : i32
      %mul3A_2171 = arith.muli %arg1, %mul3A_2170 : i32
      %multiple_of3A_2172 = tpu.assume_multiple %mul3A_2171, 8 : i32
      "tpu.region"() ({
        %run_scoped3A = tpu.sem_alloc : memref<!tpu.dma_semaphore, #tpu.memory_space<semaphore_mem>>
        %dma_start3A_2175 = arith.constant 0 : i32
        %dma_start3A_2176 = tpu.memref_slice %arg4[%multiple_of3A_2172, %dma_start3A_2175] : memref<6250x128xf32, #tpu.memory_space<hbm>> -> memref<392x128xf32, #tpu.memory_space<hbm>>
        %dma_start3A_2177 = arith.constant 0 : i32
        %dma_start3A_2178 = tpu.memref_slice %arg4[%multiple_of3A_2172, %dma_start3A_2177] : memref<6250x128xf32, #tpu.memory_space<hbm>> -> memref<392x128xf32, #tpu.memory_space<hbm>>
        tpu.enqueue_dma source(%dma_start3A_2178 : memref<392x128xf32, #tpu.memory_space<hbm>>) target(%arg7 : memref<392x128xf32, #tpu.memory_space<vmem>>) target_semaphore(%run_scoped3A : memref<!tpu.dma_semaphore, #tpu.memory_space<semaphore_mem>>)
        %dma_wait3A_2179 = arith.constant 0 : i32
        %dma_wait3A_2180 = tpu.memref_slice %arg4[%multiple_of3A_2172, %dma_wait3A_2179] : memref<6250x128xf32, #tpu.memory_space<hbm>> -> memref<392x128xf32, #tpu.memory_space<hbm>>
        %dma_wait3A_2181 = arith.constant 0 : i32
        %dma_wait3A_2182 = tpu.memref_slice %arg4[%multiple_of3A_2172, %dma_wait3A_2181] : memref<6250x128xf32, #tpu.memory_space<hbm>> -> memref<392x128xf32, #tpu.memory_space<hbm>>
        tpu.wait_dma2 semaphore(%run_scoped3A : memref<!tpu.dma_semaphore, #tpu.memory_space<semaphore_mem>>) src(%dma_wait3A_2182 : memref<392x128xf32, #tpu.memory_space<hbm>>) dst(%arg7 : memref<392x128xf32, #tpu.memory_space<vmem>>)
        tpu.yield
      }) : () -> ()
      %mul3A_2173 = arith.constant 16 : i32
      %mul3A_2174 = arith.muli %multiple_of3A_2172, %mul3A_2173 : i32
      "tpu.region"() ({
        %run_scoped3A = tpu.sem_alloc : memref<!tpu.dma_semaphore, #tpu.memory_space<semaphore_mem>>
        %dma_start3A_2175 = tpu.memref_slice %arg2[%mul3A_2174] : memref<100000xi32, #tpu.memory_space<hbm>> -> memref<6272xi32, #tpu.memory_space<hbm>>
        %dma_start3A_2176 = tpu.memref_slice %arg2[%mul3A_2174] : memref<100000xi32, #tpu.memory_space<hbm>> -> memref<6272xi32, #tpu.memory_space<hbm>>
        tpu.enqueue_dma source(%dma_start3A_2176 : memref<6272xi32, #tpu.memory_space<hbm>>) target(%arg8 : memref<6272xi32, #tpu.memory_space<vmem>>) target_semaphore(%run_scoped3A : memref<!tpu.dma_semaphore, #tpu.memory_space<semaphore_mem>>)
        %dma_wait3A_2177 = tpu.memref_slice %arg2[%mul3A_2174] : memref<100000xi32, #tpu.memory_space<hbm>> -> memref<6272xi32, #tpu.memory_space<hbm>>
        %dma_wait3A_2178 = tpu.memref_slice %arg2[%mul3A_2174] : memref<100000xi32, #tpu.memory_space<hbm>> -> memref<6272xi32, #tpu.memory_space<hbm>>
        tpu.wait_dma2 semaphore(%run_scoped3A : memref<!tpu.dma_semaphore, #tpu.memory_space<semaphore_mem>>) src(%dma_wait3A_2178 : memref<6272xi32, #tpu.memory_space<hbm>>) dst(%arg8 : memref<6272xi32, #tpu.memory_space<vmem>>)
        tpu.yield
      }) : () -> ()
    } else {
    }
    %convert_element_type3A_5 = arith.extui %eq3A_2 : i1 to i32
    %cond3A_6 = arith.constant 0 : i32
    %cond3A_7 = arith.cmpi ne, %convert_element_type3A_5, %cond3A_6 : i32
    scf.if %cond3A_7 {
      "tpu.region"() ({
        %run_scoped3A = tpu.sem_alloc : memref<!tpu.dma_semaphore, #tpu.memory_space<semaphore_mem>>
        %dma_start3A_2170 = arith.constant 0 : i32
        %dma_start3A_2171 = arith.constant 0 : i32
        %dma_start3A_2172 = tpu.memref_slice %arg7[%dma_start3A_2170, %dma_start3A_2171] : memref<392x128xf32, #tpu.memory_space<vmem>> -> memref<368x128xf32, #tpu.memory_space<vmem>>
        %dma_start3A_2173 = arith.constant 5880 : i32
        %dma_start3A_2174 = arith.constant 0 : i32
        %dma_start3A_2175 = tpu.memref_slice %arg4[%dma_start3A_2173, %dma_start3A_2174] : memref<6250x128xf32, #tpu.memory_space<hbm>> -> memref<368x128xf32, #tpu.memory_space<hbm>>
        %dma_start3A_2176 = arith.constant 0 : i32
        %dma_start3A_2177 = arith.constant 0 : i32
        %dma_start3A_2178 = tpu.memref_slice %arg7[%dma_start3A_2176, %dma_start3A_2177] : memref<392x128xf32, #tpu.memory_space<vmem>> -> memref<368x128xf32, #tpu.memory_space<vmem>>
        %dma_start3A_2179 = arith.constant 5880 : i32
        %dma_start3A_2180 = arith.constant 0 : i32
        %dma_start3A_2181 = tpu.memref_slice %arg4[%dma_start3A_2179, %dma_start3A_2180] : memref<6250x128xf32, #tpu.memory_space<hbm>> -> memref<368x128xf32, #tpu.memory_space<hbm>>
        tpu.enqueue_dma source(%dma_start3A_2181 : memref<368x128xf32, #tpu.memory_space<hbm>>) target(%dma_start3A_2178 : memref<368x128xf32, #tpu.memory_space<vmem>>) target_semaphore(%run_scoped3A : memref<!tpu.dma_semaphore, #tpu.memory_space<semaphore_mem>>)
        %dma_wait3A_2182 = arith.constant 0 : i32
        %dma_wait3A_2183 = arith.constant 0 : i32
        %dma_wait3A_2184 = tpu.memref_slice %arg7[%dma_wait3A_2182, %dma_wait3A_2183] : memref<392x128xf32, #tpu.memory_space<vmem>> -> memref<368x128xf32, #tpu.memory_space<vmem>>
        %dma_wait3A_2185 = arith.constant 5880 : i32
        %dma_wait3A_2186 = arith.constant 0 : i32
        %dma_wait3A_2187 = tpu.memref_slice %arg4[%dma_wait3A_2185, %dma_wait3A_2186] : memref<6250x128xf32, #tpu.memory_space<hbm>> -> memref<368x128xf32, #tpu.memory_space<hbm>>
        %dma_wait3A_2188 = arith.constant 0 : i32
        %dma_wait3A_2189 = arith.constant 0 : i32
        %dma_wait3A_2190 = tpu.memref_slice %arg7[%dma_wait3A_2188, %dma_wait3A_2189] : memref<392x128xf32, #tpu.memory_space<vmem>> -> memref<368x128xf32, #tpu.memory_space<vmem>>
        %dma_wait3A_2191 = arith.constant 5880 : i32
        %dma_wait3A_2192 = arith.constant 0 : i32
        %dma_wait3A_2193 = tpu.memref_slice %arg4[%dma_wait3A_2191, %dma_wait3A_2192] : memref<6250x128xf32, #tpu.memory_space<hbm>> -> memref<368x128xf32, #tpu.memory_space<hbm>>
        tpu.wait_dma2 semaphore(%run_scoped3A : memref<!tpu.dma_semaphore, #tpu.memory_space<semaphore_mem>>) src(%dma_wait3A_2193 : memref<368x128xf32, #tpu.memory_space<hbm>>) dst(%dma_wait3A_2190 : memref<368x128xf32, #tpu.memory_space<vmem>>)
        tpu.yield
      }) : () -> ()
      "tpu.region"() ({
        %run_scoped3A = tpu.sem_alloc : memref<!tpu.dma_semaphore, #tpu.memory_space<semaphore_mem>>
        %dma_start3A_2170 = arith.constant 0 : i32
        %dma_start3A_2171 = tpu.memref_slice %arg8[%dma_start3A_2170] : memref<6272xi32, #tpu.memory_space<vmem>> -> memref<5888xi32, #tpu.memory_space<vmem>>
        %dma_start3A_2172 = arith.constant 94080 : i32
        %dma_start3A_2173 = tpu.memref_slice %arg2[%dma_start3A_2172] : memref<100000xi32, #tpu.memory_space<hbm>> -> memref<5888xi32, #tpu.memory_space<hbm>>
        %dma_start3A_2174 = arith.constant 0 : i32
        %dma_start3A_2175 = tpu.memref_slice %arg8[%dma_start3A_2174] : memref<6272xi32, #tpu.memory_space<vmem>> -> memref<5888xi32, #tpu.memory_space<vmem>>
        %dma_start3A_2176 = arith.constant 94080 : i32
        %dma_start3A_2177 = tpu.memref_slice %arg2[%dma_start3A_2176] : memref<100000xi32, #tpu.memory_space<hbm>> -> memref<5888xi32, #tpu.memory_space<hbm>>
        tpu.enqueue_dma source(%dma_start3A_2177 : memref<5888xi32, #tpu.memory_space<hbm>>) target(%dma_start3A_2175 : memref<5888xi32, #tpu.memory_space<vmem>>) target_semaphore(%run_scoped3A : memref<!tpu.dma_semaphore, #tpu.memory_space<semaphore_mem>>)
        %dma_wait3A_2178 = arith.constant 0 : i32
        %dma_wait3A_2179 = tpu.memref_slice %arg8[%dma_wait3A_2178] : memref<6272xi32, #tpu.memory_space<vmem>> -> memref<5888xi32, #tpu.memory_space<vmem>>
        %dma_wait3A_2180 = arith.constant 94080 : i32
        %dma_wait3A_2181 = tpu.memref_slice %arg2[%dma_wait3A_2180] : memref<100000xi32, #tpu.memory_space<hbm>> -> memref<5888xi32, #tpu.memory_space<hbm>>
        %dma_wait3A_2182 = arith.constant 0 : i32
        %dma_wait3A_2183 = tpu.memref_slice %arg8[%dma_wait3A_2182] : memref<6272xi32, #tpu.memory_space<vmem>> -> memref<5888xi32, #tpu.memory_space<vmem>>
        %dma_wait3A_2184 = arith.constant 94080 : i32
        %dma_wait3A_2185 = tpu.memref_slice %arg2[%dma_wait3A_2184] : memref<100000xi32, #tpu.memory_space<hbm>> -> memref<5888xi32, #tpu.memory_space<hbm>>
        tpu.wait_dma2 semaphore(%run_scoped3A : memref<!tpu.dma_semaphore, #tpu.memory_space<semaphore_mem>>) src(%dma_wait3A_2185 : memref<5888xi32, #tpu.memory_space<hbm>>) dst(%dma_wait3A_2183 : memref<5888xi32, #tpu.memory_space<vmem>>)
        tpu.yield
      }) : () -> ()
      "tpu.region"() ({
        %run_scoped3A = tpu.sem_alloc : memref<!tpu.dma_semaphore, #tpu.memory_space<semaphore_mem>>
        %dma_start3A_2170 = arith.constant 6248 : i32
        %dma_start3A_2171 = arith.constant 0 : i32
        %dma_start3A_2172 = tpu.memref_slice %arg4[%dma_start3A_2170, %dma_start3A_2171] : memref<6250x128xf32, #tpu.memory_space<hbm>> -> memref<2x128xf32, #tpu.memory_space<hbm>>
        %dma_start3A_2173 = arith.constant 6248 : i32
        %dma_start3A_2174 = arith.constant 0 : i32
        %dma_start3A_2175 = tpu.memref_slice %arg4[%dma_start3A_2173, %dma_start3A_2174] : memref<6250x128xf32, #tpu.memory_space<hbm>> -> memref<2x128xf32, #tpu.memory_space<hbm>>
        tpu.enqueue_dma source(%dma_start3A_2175 : memref<2x128xf32, #tpu.memory_space<hbm>>) target(%arg24 : memref<2x128xf32, #tpu.memory_space<vmem>>) target_semaphore(%run_scoped3A : memref<!tpu.dma_semaphore, #tpu.memory_space<semaphore_mem>>)
        %dma_wait3A_2176 = arith.constant 6248 : i32
        %dma_wait3A_2177 = arith.constant 0 : i32
        %dma_wait3A_2178 = tpu.memref_slice %arg4[%dma_wait3A_2176, %dma_wait3A_2177] : memref<6250x128xf32, #tpu.memory_space<hbm>> -> memref<2x128xf32, #tpu.memory_space<hbm>>
        %dma_wait3A_2179 = arith.constant 6248 : i32
        %dma_wait3A_2180 = arith.constant 0 : i32
        %dma_wait3A_2181 = tpu.memref_slice %arg4[%dma_wait3A_2179, %dma_wait3A_2180] : memref<6250x128xf32, #tpu.memory_space<hbm>> -> memref<2x128xf32, #tpu.memory_space<hbm>>
        tpu.wait_dma2 semaphore(%run_scoped3A : memref<!tpu.dma_semaphore, #tpu.memory_space<semaphore_mem>>) src(%dma_wait3A_2181 : memref<2x128xf32, #tpu.memory_space<hbm>>) dst(%arg24 : memref<2x128xf32, #tpu.memory_space<vmem>>)
        tpu.yield
      }) : () -> ()
      "tpu.region"() ({
        %run_scoped3A = tpu.sem_alloc : memref<!tpu.dma_semaphore, #tpu.memory_space<semaphore_mem>>
        %dma_start3A_2170 = arith.constant 99968 : i32
        %dma_start3A_2171 = tpu.memref_slice %arg2[%dma_start3A_2170] : memref<100000xi32, #tpu.memory_space<hbm>> -> memref<32xi32, #tpu.memory_space<hbm>>
        %dma_start3A_2172 = arith.constant 99968 : i32
        %dma_start3A_2173 = tpu.memref_slice %arg2[%dma_start3A_2172] : memref<100000xi32, #tpu.memory_space<hbm>> -> memref<32xi32, #tpu.memory_space<hbm>>
        tpu.enqueue_dma source(%dma_start3A_2173 : memref<32xi32, #tpu.memory_space<hbm>>) target(%arg25 : memref<32xi32, #tpu.memory_space<vmem>>) target_semaphore(%run_scoped3A : memref<!tpu.dma_semaphore, #tpu.memory_space<semaphore_mem>>)
        %dma_wait3A_2174 = arith.constant 99968 : i32
        %dma_wait3A_2175 = tpu.memref_slice %arg2[%dma_wait3A_2174] : memref<100000xi32, #tpu.memory_space<hbm>> -> memref<32xi32, #tpu.memory_space<hbm>>
        %dma_wait3A_2176 = arith.constant 99968 : i32
        %dma_wait3A_2177 = tpu.memref_slice %arg2[%dma_wait3A_2176] : memref<100000xi32, #tpu.memory_space<hbm>> -> memref<32xi32, #tpu.memory_space<hbm>>
        tpu.wait_dma2 semaphore(%run_scoped3A : memref<!tpu.dma_semaphore, #tpu.memory_space<semaphore_mem>>) src(%dma_wait3A_2177 : memref<32xi32, #tpu.memory_space<hbm>>) dst(%arg25 : memref<32xi32, #tpu.memory_space<vmem>>)
        tpu.yield
      }) : () -> ()
    } else {
    }
    "tpu.region"() ({
      %run_scoped3A = tpu.sem_alloc : memref<!tpu.dma_semaphore, #tpu.memory_space<semaphore_mem>>
      tpu.enqueue_dma source(%arg5 : memref<512xf32, #tpu.memory_space<hbm>>) target(%arg9 : memref<512xf32, #tpu.memory_space<vmem>>) target_semaphore(%run_scoped3A : memref<!tpu.dma_semaphore, #tpu.memory_space<semaphore_mem>>)
      tpu.wait_dma2 semaphore(%run_scoped3A : memref<!tpu.dma_semaphore, #tpu.memory_space<semaphore_mem>>) src(%arg5 : memref<512xf32, #tpu.memory_space<hbm>>) dst(%arg9 : memref<512xf32, #tpu.memory_space<vmem>>)
      tpu.yield
    }) : () -> ()
    %not3A_8 = arith.constant true
    %not3A_9 = arith.xori %eq3A_2, %not3A_8 : i1
    %convert_element_type3A_10 = arith.extui %not3A_9 : i1 to i32
    %cond3A_11 = arith.constant 0 : i32
    %cond3A_12 = arith.cmpi ne, %convert_element_type3A_10, %cond3A_11 : i32
    scf.if %cond3A_12 {
      %swap3A_2170 = arith.constant 0 : i32
      %swap3A_2171 = arith.index_cast %swap3A_2170 : i32 to index
      %swap3A_2172 = arith.constant 0 : index
      %swap3A_2173 = tpu.vector_load %arg24[%swap3A_2171, %swap3A_2172] {strides = array<i32>} : memref<2x128xf32, #tpu.memory_space<vmem>>, vector<16xf32>,
      tpu.vector_store %arg24[%swap3A_2171, %swap3A_2172], %broadcast_in_dim3A_1 {strides = array<i32>} : memref<2x128xf32, #tpu.memory_space<vmem>>, vector<16xf32>,
      %swap3A_2174 = arith.constant 0 : i32
      %swap3A_2175 = arith.index_cast %swap3A_2174 : i32 to index
      %swap3A_2176 = arith.constant 16 : index
      %swap3A_2177 = tpu.vector_load %arg24[%swap3A_2175, %swap3A_2176] {strides = array<i32>} : memref<2x128xf32, #tpu.memory_space<vmem>>, vector<16xf32>,
      tpu.vector_store %arg24[%swap3A_2175, %swap3A_2176], %broadcast_in_dim3A_1 {strides = array<i32>} : memref<2x128xf32, #tpu.memory_space<vmem>>, vector<16xf32>,
      %swap3A_2178 = arith.constant 0 : i32
      %swap3A_2179 = arith.index_cast %swap3A_2178 : i32 to index
      %swap3A_2180 = arith.constant 32 : index
      %swap3A_2181 = tpu.vector_load %arg24[%swap3A_2179, %swap3A_2180] {strides = array<i32>} : memref<2x128xf32, #tpu.memory_space<vmem>>, vector<16xf32>,
      tpu.vector_store %arg24[%swap3A_2179, %swap3A_2180], %broadcast_in_dim3A_1 {strides = array<i32>} : memref<2x128xf32, #tpu.memory_space<vmem>>, vector<16xf32>,
      %swap3A_2182 = arith.constant 0 : i32
      %swap3A_2183 = arith.index_cast %swap3A_2182 : i32 to index
      %swap3A_2184 = arith.constant 48 : index
      %swap3A_2185 = tpu.vector_load %arg24[%swap3A_2183, %swap3A_2184] {strides = array<i32>} : memref<2x128xf32, #tpu.memory_space<vmem>>, vector<16xf32>,
      tpu.vector_store %arg24[%swap3A_2183, %swap3A_2184], %broadcast_in_dim3A_1 {strides = array<i32>} : memref<2x128xf32, #tpu.memory_space<vmem>>, vector<16xf32>,
      %swap3A_2186 = arith.constant 0 : i32
      %swap3A_2187 = arith.index_cast %swap3A_2186 : i32 to index
      %swap3A_2188 = arith.constant 64 : index
      %swap3A_2189 = tpu.vector_load %arg24[%swap3A_2187, %swap3A_2188] {strides = array<i32>} : memref<2x128xf32, #tpu.memory_space<vmem>>, vector<16xf32>,
      tpu.vector_store %arg24[%swap3A_2187, %swap3A_2188], %broadcast_in_dim3A_1 {strides = array<i32>} : memref<2x128xf32, #tpu.memory_space<vmem>>, vector<16xf32>,
      %swap3A_2190 = arith.constant 0 : i32
      %swap3A_2191 = arith.index_cast %swap3A_2190 : i32 to index
      %swap3A_2192 = arith.constant 80 : index
      %swap3A_2193 = tpu.vector_load %arg24[%swap3A_2191, %swap3A_2192] {strides = array<i32>} : memref<2x128xf32, #tpu.memory_space<vmem>>, vector<16xf32>,
      tpu.vector_store %arg24[%swap3A_2191, %swap3A_2192], %broadcast_in_dim3A_1 {strides = array<i32>} : memref<2x128xf32, #tpu.memory_space<vmem>>, vector<16xf32>,
      %swap3A_2194 = arith.constant 0 : i32
      %swap3A_2195 = arith.index_cast %swap3A_2194 : i32 to index
      %swap3A_2196 = arith.constant 96 : index
      %swap3A_2197 = tpu.vector_load %arg24[%swap3A_2195, %swap3A_2196] {strides = array<i32>} : memref<2x128xf32, #tpu.memory_space<vmem>>, vector<16xf32>,
      tpu.vector_store %arg24[%swap3A_2195, %swap3A_2196], %broadcast_in_dim3A_1 {strides = array<i32>} : memref<2x128xf32, #tpu.memory_space<vmem>>, vector<16xf32>,
      %swap3A_2198 = arith.constant 0 : i32
      %swap3A_2199 = arith.index_cast %swap3A_2198 : i32 to index
      %swap3A_2200 = arith.constant 112 : index
      %swap3A_2201 = tpu.vector_load %arg24[%swap3A_2199, %swap3A_2200] {strides = array<i32>} : memref<2x128xf32, #tpu.memory_space<vmem>>, vector<16xf32>,
      tpu.vector_store %arg24[%swap3A_2199, %swap3A_2200], %broadcast_in_dim3A_1 {strides = array<i32>} : memref<2x128xf32, #tpu.memory_space<vmem>>, vector<16xf32>,
      %swap3A_2202 = arith.constant 1 : i32
      %swap3A_2203 = arith.index_cast %swap3A_2202 : i32 to index
      %swap3A_2204 = arith.constant 0 : index
      %swap3A_2205 = tpu.vector_load %arg24[%swap3A_2203, %swap3A_2204] {strides = array<i32>} : memref<2x128xf32, #tpu.memory_space<vmem>>, vector<16xf32>,
      tpu.vector_store %arg24[%swap3A_2203, %swap3A_2204], %broadcast_in_dim3A_1 {strides = array<i32>} : memref<2x128xf32, #tpu.memory_space<vmem>>, vector<16xf32>,
      %swap3A_2206 = arith.constant 1 : i32
      %swap3A_2207 = arith.index_cast %swap3A_2206 : i32 to index
      %swap3A_2208 = arith.constant 16 : index
      %swap3A_2209 = tpu.vector_load %arg24[%swap3A_2207, %swap3A_2208] {strides = array<i32>} : memref<2x128xf32, #tpu.memory_space<vmem>>, vector<16xf32>,
      tpu.vector_store %arg24[%swap3A_2207, %swap3A_2208], %broadcast_in_dim3A_1 {strides = array<i32>} : memref<2x128xf32, #tpu.memory_space<vmem>>, vector<16xf32>,
      %swap3A_2210 = arith.constant 1 : i32
      %swap3A_2211 = arith.index_cast %swap3A_2210 : i32 to index
      %swap3A_2212 = arith.constant 32 : index
      %swap3A_2213 = tpu.vector_load %arg24[%swap3A_2211, %swap3A_2212] {strides = array<i32>} : memref<2x128xf32, #tpu.memory_space<vmem>>, vector<16xf32>,
      tpu.vector_store %arg24[%swap3A_2211, %swap3A_2212], %broadcast_in_dim3A_1 {strides = array<i32>} : memref<2x128xf32, #tpu.memory_space<vmem>>, vector<16xf32>,
      %swap3A_2214 = arith.constant 1 : i32
      %swap3A_2215 = arith.index_cast %swap3A_2214 : i32 to index
      %swap3A_2216 = arith.constant 48 : index
      %swap3A_2217 = tpu.vector_load %arg24[%swap3A_2215, %swap3A_2216] {strides = array<i32>} : memref<2x128xf32, #tpu.memory_space<vmem>>, vector<16xf32>,
      tpu.vector_store %arg24[%swap3A_2215, %swap3A_2216], %broadcast_in_dim3A_1 {strides = array<i32>} : memref<2x128xf32, #tpu.memory_space<vmem>>, vector<16xf32>,
      %swap3A_2218 = arith.constant 1 : i32
      %swap3A_2219 = arith.index_cast %swap3A_2218 : i32 to index
      %swap3A_2220 = arith.constant 64 : index
      %swap3A_2221 = tpu.vector_load %arg24[%swap3A_2219, %swap3A_2220] {strides = array<i32>} : memref<2x128xf32, #tpu.memory_space<vmem>>, vector<16xf32>,
      tpu.vector_store %arg24[%swap3A_2219, %swap3A_2220], %broadcast_in_dim3A_1 {strides = array<i32>} : memref<2x128xf32, #tpu.memory_space<vmem>>, vector<16xf32>,
      %swap3A_2222 = arith.constant 1 : i32
      %swap3A_2223 = arith.index_cast %swap3A_2222 : i32 to index
      %swap3A_2224 = arith.constant 80 : index
      %swap3A_2225 = tpu.vector_load %arg24[%swap3A_2223, %swap3A_2224] {strides = array<i32>} : memref<2x128xf32, #tpu.memory_space<vmem>>, vector<16xf32>,
      tpu.vector_store %arg24[%swap3A_2223, %swap3A_2224], %broadcast_in_dim3A_1 {strides = array<i32>} : memref<2x128xf32, #tpu.memory_space<vmem>>, vector<16xf32>,
      %swap3A_2226 = arith.constant 1 : i32
      %swap3A_2227 = arith.index_cast %swap3A_2226 : i32 to index
      %swap3A_2228 = arith.constant 96 : index
      %swap3A_2229 = tpu.vector_load %arg24[%swap3A_2227, %swap3A_2228] {strides = array<i32>} : memref<2x128xf32, #tpu.memory_space<vmem>>, vector<16xf32>,
      tpu.vector_store %arg24[%swap3A_2227, %swap3A_2228], %broadcast_in_dim3A_1 {strides = array<i32>} : memref<2x128xf32, #tpu.memory_space<vmem>>, vector<16xf32>,
      %swap3A_2230 = arith.constant 1 : i32
      %swap3A_2231 = arith.index_cast %swap3A_2230 : i32 to index
      %swap3A_2232 = arith.constant 112 : index
      %swap3A_2233 = tpu.vector_load %arg24[%swap3A_2231, %swap3A_2232] {strides = array<i32>} : memref<2x128xf32, #tpu.memory_space<vmem>>, vector<16xf32>,
      tpu.vector_store %arg24[%swap3A_2231, %swap3A_2232], %broadcast_in_dim3A_1 {strides = array<i32>} : memref<2x128xf32, #tpu.memory_space<vmem>>, vector<16xf32>,
    } else {
    }
    %lt3A = arith.constant 8 : i32
    %lt3A_13 = vector.broadcast %lt3A : i32 to vector<16xi32>
    %lt3A_14 = arith.cmpi slt, %iota3A, %lt3A_13 : vector<16xi32>
    %jit3A = arith.constant 0 : i32
    %jit3A_15 = arith.constant 1 : i32
    %broadcast_in_dim3A_16 = vector.broadcast %jit3A : i32 to vector<16xi32>
    %broadcast_in_dim3A_17 = vector.broadcast %jit3A_15 : i32 to vector<16xi32>
    %select_n3A = arith.select %lt3A_14, %broadcast_in_dim3A_16, %broadcast_in_dim3A_17 : vector<16xi1>, vector<16xi32>
    %jit3A_18 = arith.constant 2 : i32
    %jit3A_19 = arith.constant 3 : i32
    %broadcast_in_dim3A_20 = vector.broadcast %jit3A_18 : i32 to vector<16xi32>
    %broadcast_in_dim3A_21 = vector.broadcast %jit3A_19 : i32 to vector<16xi32>
    %select_n3A_22 = arith.select %lt3A_14, %broadcast_in_dim3A_20, %broadcast_in_dim3A_21 : vector<16xi1>, vector<16xi32>
    %jit3A_23 = arith.constant 4 : i32
    %jit3A_24 = arith.constant 5 : i32
    %broadcast_in_dim3A_25 = vector.broadcast %jit3A_23 : i32 to vector<16xi32>
    %broadcast_in_dim3A_26 = vector.broadcast %jit3A_24 : i32 to vector<16xi32>
    %select_n3A_27 = arith.select %lt3A_14, %broadcast_in_dim3A_25, %broadcast_in_dim3A_26 : vector<16xi1>, vector<16xi32>
    %jit3A_28 = arith.constant 6 : i32
    %jit3A_29 = arith.constant 7 : i32
    %broadcast_in_dim3A_30 = vector.broadcast %jit3A_28 : i32 to vector<16xi32>
    %broadcast_in_dim3A_31 = vector.broadcast %jit3A_29 : i32 to vector<16xi32>
    %select_n3A_32 = arith.select %lt3A_14, %broadcast_in_dim3A_30, %broadcast_in_dim3A_31 : vector<16xi1>, vector<16xi32>
    %jit3A_33 = arith.constant 8 : i32
    %jit3A_34 = arith.constant 9 : i32
    %broadcast_in_dim3A_35 = vector.broadcast %jit3A_33 : i32 to vector<16xi32>
    %broadcast_in_dim3A_36 = vector.broadcast %jit3A_34 : i32 to vector<16xi32>
    %select_n3A_37 = arith.select %lt3A_14, %broadcast_in_dim3A_35, %broadcast_in_dim3A_36 : vector<16xi1>, vector<16xi32>
    %jit3A_38 = arith.constant 10 : i32
    %jit3A_39 = arith.constant 11 : i32
    %broadcast_in_dim3A_40 = vector.broadcast %jit3A_38 : i32 to vector<16xi32>
    %broadcast_in_dim3A_41 = vector.broadcast %jit3A_39 : i32 to vector<16xi32>
    %select_n3A_42 = arith.select %lt3A_14, %broadcast_in_dim3A_40, %broadcast_in_dim3A_41 : vector<16xi1>, vector<16xi32>
    %jit3A_43 = arith.constant 12 : i32
    %jit3A_44 = arith.constant 13 : i32
    %broadcast_in_dim3A_45 = vector.broadcast %jit3A_43 : i32 to vector<16xi32>
    %broadcast_in_dim3A_46 = vector.broadcast %jit3A_44 : i32 to vector<16xi32>
    %select_n3A_47 = arith.select %lt3A_14, %broadcast_in_dim3A_45, %broadcast_in_dim3A_46 : vector<16xi1>, vector<16xi32>
    %jit3A_48 = arith.constant 14 : i32
    %jit3A_49 = arith.constant 15 : i32
    %broadcast_in_dim3A_50 = vector.broadcast %jit3A_48 : i32 to vector<16xi32>
    %broadcast_in_dim3A_51 = vector.broadcast %jit3A_49 : i32 to vector<16xi32>
    %select_n3A_52 = arith.select %lt3A_14, %broadcast_in_dim3A_50, %broadcast_in_dim3A_51 : vector<16xi1>, vector<16xi32>
    %jit3A_53 = arith.constant 368 : i32
    %jit3A_54 = arith.constant 392 : i32
    %select_n3A_55 = arith.select %eq3A_2, %jit3A_53, %jit3A_54 : i32
    %while3A = arith.constant 0 : i32
    %while3A_56 = arith.subi %select_n3A_55, %while3A : i32
    %while3A_57 = arith.addi %while3A, %while3A_56 : i32
    %while3A_58 = arith.constant 1 : i32
    %while3A_59 = arith.divsi %while3A_56, %while3A_58 : i32
    %while3A_60 = arith.muli %while3A_59, %while3A_58 : i32
    %while3A_61 = arith.addi %while3A, %while3A_60 : i32
    %while3A_62 = arith.constant 1 : i32
    %while3A_63:8 = scf.for %while3A_2170 = %while3A to %while3A_61 step %while3A_62 iter_args(%while3A_2171 = %broadcast_in_dim3A_1, %while3A_2172 = %broadcast_in_dim3A_1, %while3A_2173 = %broadcast_in_dim3A_1, %while3A_2174 = %broadcast_in_dim3A_1, %while3A_2175 = %broadcast_in_dim3A_1, %while3A_2176 = %broadcast_in_dim3A_1, %while3A_2177 = %broadcast_in_dim3A_1, %while3A_2178 = %broadcast_in_dim3A_1) -> (vector<16xf32>, vector<16xf32>, vector<16xf32>, vector<16xf32>, vector<16xf32>, vector<16xf32>, vector<16xf32>, vector<16xf32>)  : i32 {
      %mul3A_2179 = arith.constant 16 : i32
      %mul3A_2180 = arith.muli %while3A_2170, %mul3A_2179 : i32
      %multiple_of3A_2181 = tpu.assume_multiple %mul3A_2180, 16 : i32
      %get3A_2182 = arith.index_cast %multiple_of3A_2181 : i32 to index
      %get3A_2183 = tpu.vector_load %arg8[%get3A_2182] {strides = array<i32>} : memref<6272xi32, #tpu.memory_space<vmem>>, vector<16xi32>,
      %convert_element_type3A_2184 = arith.sitofp %get3A_2183 : vector<16xi32> to vector<16xf32>
      %lt3A_2185 = arith.constant 0 : i32
      %lt3A_2186 = vector.broadcast %lt3A_2185 : i32 to vector<16xi32>
      %lt3A_2187 = arith.cmpi slt, %select_n3A, %lt3A_2186 : vector<16xi32>
      %add3A_2188 = arith.constant 16 : i32
      %add3A_2189 = vector.broadcast %add3A_2188 : i32 to vector<16xi32>
      %add3A_2190 = arith.addi %select_n3A, %add3A_2189 : vector<16xi32>
      %select_n3A_2191 = arith.select %lt3A_2187, %add3A_2190, %select_n3A : vector<16xi1>, vector<16xi32>
      %broadcast_in_dim3A_2192 = vector.shape_cast %select_n3A_2191 : vector<16xi32> to vector<16x1xi32>
      %gather3A_2193 = vector.shape_cast %broadcast_in_dim3A_2192 : vector<16x1xi32> to vector<16xi32>
      %gather3A_2194 = tpu.dynamic_gather %convert_element_type3A_2184[%gather3A_2193] in [0] : vector<16xf32>, vector<16xi32> -> vector<16xf32>
      %get3A_2195 = arith.index_cast %while3A_2170 : i32 to index
      %get3A_2196 = arith.constant 0 : index
      %get3A_2197 = tpu.vector_load %arg7[%get3A_2195, %get3A_2196] {strides = array<i32>} : memref<392x128xf32, #tpu.memory_space<vmem>>, vector<16xf32>,
      %mul3A_2198 = arith.mulf %gather3A_2194, %get3A_2197 : vector<16xf32>
      %add3A_2199 = arith.addf %while3A_2171, %mul3A_2198 : vector<16xf32>
      %lt3A_2200 = arith.constant 0 : i32
      %lt3A_2201 = vector.broadcast %lt3A_2200 : i32 to vector<16xi32>
      %lt3A_2202 = arith.cmpi slt, %select_n3A_22, %lt3A_2201 : vector<16xi32>
      %add3A_2203 = arith.constant 16 : i32
      %add3A_2204 = vector.broadcast %add3A_2203 : i32 to vector<16xi32>
      %add3A_2205 = arith.addi %select_n3A_22, %add3A_2204 : vector<16xi32>
      %select_n3A_2206 = arith.select %lt3A_2202, %add3A_2205, %select_n3A_22 : vector<16xi1>, vector<16xi32>
      %broadcast_in_dim3A_2207 = vector.shape_cast %select_n3A_2206 : vector<16xi32> to vector<16x1xi32>
      %gather3A_2208 = vector.shape_cast %broadcast_in_dim3A_2207 : vector<16x1xi32> to vector<16xi32>
      %gather3A_2209 = tpu.dynamic_gather %convert_element_type3A_2184[%gather3A_2208] in [0] : vector<16xf32>, vector<16xi32> -> vector<16xf32>
      %get3A_2210 = arith.index_cast %while3A_2170 : i32 to index
      %get3A_2211 = arith.constant 16 : index
      %get3A_2212 = tpu.vector_load %arg7[%get3A_2210, %get3A_2211] {strides = array<i32>} : memref<392x128xf32, #tpu.memory_space<vmem>>, vector<16xf32>,
      %mul3A_2213 = arith.mulf %gather3A_2209, %get3A_2212 : vector<16xf32>
      %add3A_2214 = arith.addf %while3A_2172, %mul3A_2213 : vector<16xf32>
      %lt3A_2215 = arith.constant 0 : i32
      %lt3A_2216 = vector.broadcast %lt3A_2215 : i32 to vector<16xi32>
      %lt3A_2217 = arith.cmpi slt, %select_n3A_27, %lt3A_2216 : vector<16xi32>
      %add3A_2218 = arith.constant 16 : i32
      %add3A_2219 = vector.broadcast %add3A_2218 : i32 to vector<16xi32>
      %add3A_2220 = arith.addi %select_n3A_27, %add3A_2219 : vector<16xi32>
      %select_n3A_2221 = arith.select %lt3A_2217, %add3A_2220, %select_n3A_27 : vector<16xi1>, vector<16xi32>
      %broadcast_in_dim3A_2222 = vector.shape_cast %select_n3A_2221 : vector<16xi32> to vector<16x1xi32>
      %gather3A_2223 = vector.shape_cast %broadcast_in_dim3A_2222 : vector<16x1xi32> to vector<16xi32>
      %gather3A_2224 = tpu.dynamic_gather %convert_element_type3A_2184[%gather3A_2223] in [0] : vector<16xf32>, vector<16xi32> -> vector<16xf32>
      %get3A_2225 = arith.index_cast %while3A_2170 : i32 to index
      %get3A_2226 = arith.constant 32 : index
      %get3A_2227 = tpu.vector_load %arg7[%get3A_2225, %get3A_2226] {strides = array<i32>} : memref<392x128xf32, #tpu.memory_space<vmem>>, vector<16xf32>,
      %mul3A_2228 = arith.mulf %gather3A_2224, %get3A_2227 : vector<16xf32>
      %add3A_2229 = arith.addf %while3A_2173, %mul3A_2228 : vector<16xf32>
      %lt3A_2230 = arith.constant 0 : i32
      %lt3A_2231 = vector.broadcast %lt3A_2230 : i32 to vector<16xi32>
      %lt3A_2232 = arith.cmpi slt, %select_n3A_32, %lt3A_2231 : vector<16xi32>
      %add3A_2233 = arith.constant 16 : i32
      %add3A_2234 = vector.broadcast %add3A_2233 : i32 to vector<16xi32>
      %add3A_2235 = arith.addi %select_n3A_32, %add3A_2234 : vector<16xi32>
      %select_n3A_2236 = arith.select %lt3A_2232, %add3A_2235, %select_n3A_32 : vector<16xi1>, vector<16xi32>
      %broadcast_in_dim3A_2237 = vector.shape_cast %select_n3A_2236 : vector<16xi32> to vector<16x1xi32>
      %gather3A_2238 = vector.shape_cast %broadcast_in_dim3A_2237 : vector<16x1xi32> to vector<16xi32>
      %gather3A_2239 = tpu.dynamic_gather %convert_element_type3A_2184[%gather3A_2238] in [0] : vector<16xf32>, vector<16xi32> -> vector<16xf32>
      %get3A_2240 = arith.index_cast %while3A_2170 : i32 to index
      %get3A_2241 = arith.constant 48 : index
      %get3A_2242 = tpu.vector_load %arg7[%get3A_2240, %get3A_2241] {strides = array<i32>} : memref<392x128xf32, #tpu.memory_space<vmem>>, vector<16xf32>,
      %mul3A_2243 = arith.mulf %gather3A_2239, %get3A_2242 : vector<16xf32>
      %add3A_2244 = arith.addf %while3A_2174, %mul3A_2243 : vector<16xf32>
      %lt3A_2245 = arith.constant 0 : i32
      %lt3A_2246 = vector.broadcast %lt3A_2245 : i32 to vector<16xi32>
      %lt3A_2247 = arith.cmpi slt, %select_n3A_37, %lt3A_2246 : vector<16xi32>
      %add3A_2248 = arith.constant 16 : i32
      %add3A_2249 = vector.broadcast %add3A_2248 : i32 to vector<16xi32>
      %add3A_2250 = arith.addi %select_n3A_37, %add3A_2249 : vector<16xi32>
      %select_n3A_2251 = arith.select %lt3A_2247, %add3A_2250, %select_n3A_37 : vector<16xi1>, vector<16xi32>
      %broadcast_in_dim3A_2252 = vector.shape_cast %select_n3A_2251 : vector<16xi32> to vector<16x1xi32>
      %gather3A_2253 = vector.shape_cast %broadcast_in_dim3A_2252 : vector<16x1xi32> to vector<16xi32>
      %gather3A_2254 = tpu.dynamic_gather %convert_element_type3A_2184[%gather3A_2253] in [0] : vector<16xf32>, vector<16xi32> -> vector<16xf32>
      %get3A_2255 = arith.index_cast %while3A_2170 : i32 to index
      %get3A_2256 = arith.constant 64 : index
      %get3A_2257 = tpu.vector_load %arg7[%get3A_2255, %get3A_2256] {strides = array<i32>} : memref<392x128xf32, #tpu.memory_space<vmem>>, vector<16xf32>,
      %mul3A_2258 = arith.mulf %gather3A_2254, %get3A_2257 : vector<16xf32>
      %add3A_2259 = arith.addf %while3A_2175, %mul3A_2258 : vector<16xf32>
      %lt3A_2260 = arith.constant 0 : i32
      %lt3A_2261 = vector.broadcast %lt3A_2260 : i32 to vector<16xi32>
      %lt3A_2262 = arith.cmpi slt, %select_n3A_42, %lt3A_2261 : vector<16xi32>
      %add3A_2263 = arith.constant 16 : i32
      %add3A_2264 = vector.broadcast %add3A_2263 : i32 to vector<16xi32>
      %add3A_2265 = arith.addi %select_n3A_42, %add3A_2264 : vector<16xi32>
      %select_n3A_2266 = arith.select %lt3A_2262, %add3A_2265, %select_n3A_42 : vector<16xi1>, vector<16xi32>
      %broadcast_in_dim3A_2267 = vector.shape_cast %select_n3A_2266 : vector<16xi32> to vector<16x1xi32>
      %gather3A_2268 = vector.shape_cast %broadcast_in_dim3A_2267 : vector<16x1xi32> to vector<16xi32>
      %gather3A_2269 = tpu.dynamic_gather %convert_element_type3A_2184[%gather3A_2268] in [0] : vector<16xf32>, vector<16xi32> -> vector<16xf32>
      %get3A_2270 = arith.index_cast %while3A_2170 : i32 to index
      %get3A_2271 = arith.constant 80 : index
      %get3A_2272 = tpu.vector_load %arg7[%get3A_2270, %get3A_2271] {strides = array<i32>} : memref<392x128xf32, #tpu.memory_space<vmem>>, vector<16xf32>,
      %mul3A_2273 = arith.mulf %gather3A_2269, %get3A_2272 : vector<16xf32>
      %add3A_2274 = arith.addf %while3A_2176, %mul3A_2273 : vector<16xf32>
      %lt3A_2275 = arith.constant 0 : i32
      %lt3A_2276 = vector.broadcast %lt3A_2275 : i32 to vector<16xi32>
      %lt3A_2277 = arith.cmpi slt, %select_n3A_47, %lt3A_2276 : vector<16xi32>
      %add3A_2278 = arith.constant 16 : i32
      %add3A_2279 = vector.broadcast %add3A_2278 : i32 to vector<16xi32>
      %add3A_2280 = arith.addi %select_n3A_47, %add3A_2279 : vector<16xi32>
      %select_n3A_2281 = arith.select %lt3A_2277, %add3A_2280, %select_n3A_47 : vector<16xi1>, vector<16xi32>
      %broadcast_in_dim3A_2282 = vector.shape_cast %select_n3A_2281 : vector<16xi32> to vector<16x1xi32>
      %gather3A_2283 = vector.shape_cast %broadcast_in_dim3A_2282 : vector<16x1xi32> to vector<16xi32>
      %gather3A_2284 = tpu.dynamic_gather %convert_element_type3A_2184[%gather3A_2283] in [0] : vector<16xf32>, vector<16xi32> -> vector<16xf32>
      %get3A_2285 = arith.index_cast %while3A_2170 : i32 to index
      %get3A_2286 = arith.constant 96 : index
      %get3A_2287 = tpu.vector_load %arg7[%get3A_2285, %get3A_2286] {strides = array<i32>} : memref<392x128xf32, #tpu.memory_space<vmem>>, vector<16xf32>,
      %mul3A_2288 = arith.mulf %gather3A_2284, %get3A_2287 : vector<16xf32>
      %add3A_2289 = arith.addf %while3A_2177, %mul3A_2288 : vector<16xf32>
      %lt3A_2290 = arith.constant 0 : i32
      %lt3A_2291 = vector.broadcast %lt3A_2290 : i32 to vector<16xi32>
      %lt3A_2292 = arith.cmpi slt, %select_n3A_52, %lt3A_2291 : vector<16xi32>
      %add3A_2293 = arith.constant 16 : i32
      %add3A_2294 = vector.broadcast %add3A_2293 : i32 to vector<16xi32>
      %add3A_2295 = arith.addi %select_n3A_52, %add3A_2294 : vector<16xi32>
      %select_n3A_2296 = arith.select %lt3A_2292, %add3A_2295, %select_n3A_52 : vector<16xi1>, vector<16xi32>
      %broadcast_in_dim3A_2297 = vector.shape_cast %select_n3A_2296 : vector<16xi32> to vector<16x1xi32>
      %gather3A_2298 = vector.shape_cast %broadcast_in_dim3A_2297 : vector<16x1xi32> to vector<16xi32>
      %gather3A_2299 = tpu.dynamic_gather %convert_element_type3A_2184[%gather3A_2298] in [0] : vector<16xf32>, vector<16xi32> -> vector<16xf32>
      %get3A_2300 = arith.index_cast %while3A_2170 : i32 to index
      %get3A_2301 = arith.constant 112 : index
      %get3A_2302 = tpu.vector_load %arg7[%get3A_2300, %get3A_2301] {strides = array<i32>} : memref<392x128xf32, #tpu.memory_space<vmem>>, vector<16xf32>,
      %mul3A_2303 = arith.mulf %gather3A_2299, %get3A_2302 : vector<16xf32>
      %add3A_2304 = arith.addf %while3A_2178, %mul3A_2303 : vector<16xf32>
      scf.yield %add3A_2199, %add3A_2214, %add3A_2229, %add3A_2244, %add3A_2259, %add3A_2274, %add3A_2289, %add3A_2304 : vector<16xf32>, vector<16xf32>, vector<16xf32>, vector<16xf32>, vector<16xf32>, vector<16xf32>, vector<16xf32>, vector<16xf32>
    }
    %while3A_64 = arith.constant 1 : i32
    %while3A_65:8 = scf.for %while3A_2170 = %while3A_61 to %while3A_57 step %while3A_64 iter_args(%while3A_2171 = %while3A_63#0, %while3A_2172 = %while3A_63#1, %while3A_2173 = %while3A_63#2, %while3A_2174 = %while3A_63#3, %while3A_2175 = %while3A_63#4, %while3A_2176 = %while3A_63#5, %while3A_2177 = %while3A_63#6, %while3A_2178 = %while3A_63#7) -> (vector<16xf32>, vector<16xf32>, vector<16xf32>, vector<16xf32>, vector<16xf32>, vector<16xf32>, vector<16xf32>, vector<16xf32>)  : i32 {
      %mul3A_2179 = arith.constant 16 : i32
      %mul3A_2180 = arith.muli %while3A_2170, %mul3A_2179 : i32
      %multiple_of3A_2181 = tpu.assume_multiple %mul3A_2180, 16 : i32
      %get3A_2182 = arith.index_cast %multiple_of3A_2181 : i32 to index
      %get3A_2183 = tpu.vector_load %arg8[%get3A_2182] {strides = array<i32>} : memref<6272xi32, #tpu.memory_space<vmem>>, vector<16xi32>,
      %convert_element_type3A_2184 = arith.sitofp %get3A_2183 : vector<16xi32> to vector<16xf32>
      %lt3A_2185 = arith.constant 0 : i32
      %lt3A_2186 = vector.broadcast %lt3A_2185 : i32 to vector<16xi32>
      %lt3A_2187 = arith.cmpi slt, %select_n3A, %lt3A_2186 : vector<16xi32>
      %add3A_2188 = arith.constant 16 : i32
      %add3A_2189 = vector.broadcast %add3A_2188 : i32 to vector<16xi32>
      %add3A_2190 = arith.addi %select_n3A, %add3A_2189 : vector<16xi32>
      %select_n3A_2191 = arith.select %lt3A_2187, %add3A_2190, %select_n3A : vector<16xi1>, vector<16xi32>
      %broadcast_in_dim3A_2192 = vector.shape_cast %select_n3A_2191 : vector<16xi32> to vector<16x1xi32>
      %gather3A_2193 = vector.shape_cast %broadcast_in_dim3A_2192 : vector<16x1xi32> to vector<16xi32>
      %gather3A_2194 = tpu.dynamic_gather %convert_element_type3A_2184[%gather3A_2193] in [0] : vector<16xf32>, vector<16xi32> -> vector<16xf32>
      %get3A_2195 = arith.index_cast %while3A_2170 : i32 to index
      %get3A_2196 = arith.constant 0 : index
      %get3A_2197 = tpu.vector_load %arg7[%get3A_2195, %get3A_2196] {strides = array<i32>} : memref<392x128xf32, #tpu.memory_space<vmem>>, vector<16xf32>,
      %mul3A_2198 = arith.mulf %gather3A_2194, %get3A_2197 : vector<16xf32>
      %add3A_2199 = arith.addf %while3A_2171, %mul3A_2198 : vector<16xf32>
      %lt3A_2200 = arith.constant 0 : i32
      %lt3A_2201 = vector.broadcast %lt3A_2200 : i32 to vector<16xi32>
      %lt3A_2202 = arith.cmpi slt, %select_n3A_22, %lt3A_2201 : vector<16xi32>
      %add3A_2203 = arith.constant 16 : i32
      %add3A_2204 = vector.broadcast %add3A_2203 : i32 to vector<16xi32>
      %add3A_2205 = arith.addi %select_n3A_22, %add3A_2204 : vector<16xi32>
      %select_n3A_2206 = arith.select %lt3A_2202, %add3A_2205, %select_n3A_22 : vector<16xi1>, vector<16xi32>
      %broadcast_in_dim3A_2207 = vector.shape_cast %select_n3A_2206 : vector<16xi32> to vector<16x1xi32>
      %gather3A_2208 = vector.shape_cast %broadcast_in_dim3A_2207 : vector<16x1xi32> to vector<16xi32>
      %gather3A_2209 = tpu.dynamic_gather %convert_element_type3A_2184[%gather3A_2208] in [0] : vector<16xf32>, vector<16xi32> -> vector<16xf32>
      %get3A_2210 = arith.index_cast %while3A_2170 : i32 to index
      %get3A_2211 = arith.constant 16 : index
      %get3A_2212 = tpu.vector_load %arg7[%get3A_2210, %get3A_2211] {strides = array<i32>} : memref<392x128xf32, #tpu.memory_space<vmem>>, vector<16xf32>,
      %mul3A_2213 = arith.mulf %gather3A_2209, %get3A_2212 : vector<16xf32>
      %add3A_2214 = arith.addf %while3A_2172, %mul3A_2213 : vector<16xf32>
      %lt3A_2215 = arith.constant 0 : i32
      %lt3A_2216 = vector.broadcast %lt3A_2215 : i32 to vector<16xi32>
      %lt3A_2217 = arith.cmpi slt, %select_n3A_27, %lt3A_2216 : vector<16xi32>
      %add3A_2218 = arith.constant 16 : i32
      %add3A_2219 = vector.broadcast %add3A_2218 : i32 to vector<16xi32>
      %add3A_2220 = arith.addi %select_n3A_27, %add3A_2219 : vector<16xi32>
      %select_n3A_2221 = arith.select %lt3A_2217, %add3A_2220, %select_n3A_27 : vector<16xi1>, vector<16xi32>
      %broadcast_in_dim3A_2222 = vector.shape_cast %select_n3A_2221 : vector<16xi32> to vector<16x1xi32>
      %gather3A_2223 = vector.shape_cast %broadcast_in_dim3A_2222 : vector<16x1xi32> to vector<16xi32>
      %gather3A_2224 = tpu.dynamic_gather %convert_element_type3A_2184[%gather3A_2223] in [0] : vector<16xf32>, vector<16xi32> -> vector<16xf32>
      %get3A_2225 = arith.index_cast %while3A_2170 : i32 to index
      %get3A_2226 = arith.constant 32 : index
      %get3A_2227 = tpu.vector_load %arg7[%get3A_2225, %get3A_2226] {strides = array<i32>} : memref<392x128xf32, #tpu.memory_space<vmem>>, vector<16xf32>,
      %mul3A_2228 = arith.mulf %gather3A_2224, %get3A_2227 : vector<16xf32>
      %add3A_2229 = arith.addf %while3A_2173, %mul3A_2228 : vector<16xf32>
      %lt3A_2230 = arith.constant 0 : i32
      %lt3A_2231 = vector.broadcast %lt3A_2230 : i32 to vector<16xi32>
      %lt3A_2232 = arith.cmpi slt, %select_n3A_32, %lt3A_2231 : vector<16xi32>
      %add3A_2233 = arith.constant 16 : i32
      %add3A_2234 = vector.broadcast %add3A_2233 : i32 to vector<16xi32>
      %add3A_2235 = arith.addi %select_n3A_32, %add3A_2234 : vector<16xi32>
      %select_n3A_2236 = arith.select %lt3A_2232, %add3A_2235, %select_n3A_32 : vector<16xi1>, vector<16xi32>
      %broadcast_in_dim3A_2237 = vector.shape_cast %select_n3A_2236 : vector<16xi32> to vector<16x1xi32>
      %gather3A_2238 = vector.shape_cast %broadcast_in_dim3A_2237 : vector<16x1xi32> to vector<16xi32>
      %gather3A_2239 = tpu.dynamic_gather %convert_element_type3A_2184[%gather3A_2238] in [0] : vector<16xf32>, vector<16xi32> -> vector<16xf32>
      %get3A_2240 = arith.index_cast %while3A_2170 : i32 to index
      %get3A_2241 = arith.constant 48 : index
      %get3A_2242 = tpu.vector_load %arg7[%get3A_2240, %get3A_2241] {strides = array<i32>} : memref<392x128xf32, #tpu.memory_space<vmem>>, vector<16xf32>,
      %mul3A_2243 = arith.mulf %gather3A_2239, %get3A_2242 : vector<16xf32>
      %add3A_2244 = arith.addf %while3A_2174, %mul3A_2243 : vector<16xf32>
      %lt3A_2245 = arith.constant 0 : i32
      %lt3A_2246 = vector.broadcast %lt3A_2245 : i32 to vector<16xi32>
      %lt3A_2247 = arith.cmpi slt, %select_n3A_37, %lt3A_2246 : vector<16xi32>
      %add3A_2248 = arith.constant 16 : i32
      %add3A_2249 = vector.broadcast %add3A_2248 : i32 to vector<16xi32>
      %add3A_2250 = arith.addi %select_n3A_37, %add3A_2249 : vector<16xi32>
      %select_n3A_2251 = arith.select %lt3A_2247, %add3A_2250, %select_n3A_37 : vector<16xi1>, vector<16xi32>
      %broadcast_in_dim3A_2252 = vector.shape_cast %select_n3A_2251 : vector<16xi32> to vector<16x1xi32>
      %gather3A_2253 = vector.shape_cast %broadcast_in_dim3A_2252 : vector<16x1xi32> to vector<16xi32>
      %gather3A_2254 = tpu.dynamic_gather %convert_element_type3A_2184[%gather3A_2253] in [0] : vector<16xf32>, vector<16xi32> -> vector<16xf32>
      %get3A_2255 = arith.index_cast %while3A_2170 : i32 to index
      %get3A_2256 = arith.constant 64 : index
      %get3A_2257 = tpu.vector_load %arg7[%get3A_2255, %get3A_2256] {strides = array<i32>} : memref<392x128xf32, #tpu.memory_space<vmem>>, vector<16xf32>,
      %mul3A_2258 = arith.mulf %gather3A_2254, %get3A_2257 : vector<16xf32>
      %add3A_2259 = arith.addf %while3A_2175, %mul3A_2258 : vector<16xf32>
      %lt3A_2260 = arith.constant 0 : i32
      %lt3A_2261 = vector.broadcast %lt3A_2260 : i32 to vector<16xi32>
      %lt3A_2262 = arith.cmpi slt, %select_n3A_42, %lt3A_2261 : vector<16xi32>
      %add3A_2263 = arith.constant 16 : i32
      %add3A_2264 = vector.broadcast %add3A_2263 : i32 to vector<16xi32>
      %add3A_2265 = arith.addi %select_n3A_42, %add3A_2264 : vector<16xi32>
      %select_n3A_2266 = arith.select %lt3A_2262, %add3A_2265, %select_n3A_42 : vector<16xi1>, vector<16xi32>
      %broadcast_in_dim3A_2267 = vector.shape_cast %select_n3A_2266 : vector<16xi32> to vector<16x1xi32>
      %gather3A_2268 = vector.shape_cast %broadcast_in_dim3A_2267 : vector<16x1xi32> to vector<16xi32>
      %gather3A_2269 = tpu.dynamic_gather %convert_element_type3A_2184[%gather3A_2268] in [0] : vector<16xf32>, vector<16xi32> -> vector<16xf32>
      %get3A_2270 = arith.index_cast %while3A_2170 : i32 to index
      %get3A_2271 = arith.constant 80 : index
      %get3A_2272 = tpu.vector_load %arg7[%get3A_2270, %get3A_2271] {strides = array<i32>} : memref<392x128xf32, #tpu.memory_space<vmem>>, vector<16xf32>,
      %mul3A_2273 = arith.mulf %gather3A_2269, %get3A_2272 : vector<16xf32>
      %add3A_2274 = arith.addf %while3A_2176, %mul3A_2273 : vector<16xf32>
      %lt3A_2275 = arith.constant 0 : i32
      %lt3A_2276 = vector.broadcast %lt3A_2275 : i32 to vector<16xi32>
      %lt3A_2277 = arith.cmpi slt, %select_n3A_47, %lt3A_2276 : vector<16xi32>
      %add3A_2278 = arith.constant 16 : i32
      %add3A_2279 = vector.broadcast %add3A_2278 : i32 to vector<16xi32>
      %add3A_2280 = arith.addi %select_n3A_47, %add3A_2279 : vector<16xi32>
      %select_n3A_2281 = arith.select %lt3A_2277, %add3A_2280, %select_n3A_47 : vector<16xi1>, vector<16xi32>
      %broadcast_in_dim3A_2282 = vector.shape_cast %select_n3A_2281 : vector<16xi32> to vector<16x1xi32>
      %gather3A_2283 = vector.shape_cast %broadcast_in_dim3A_2282 : vector<16x1xi32> to vector<16xi32>
      %gather3A_2284 = tpu.dynamic_gather %convert_element_type3A_2184[%gather3A_2283] in [0] : vector<16xf32>, vector<16xi32> -> vector<16xf32>
      %get3A_2285 = arith.index_cast %while3A_2170 : i32 to index
      %get3A_2286 = arith.constant 96 : index
      %get3A_2287 = tpu.vector_load %arg7[%get3A_2285, %get3A_2286] {strides = array<i32>} : memref<392x128xf32, #tpu.memory_space<vmem>>, vector<16xf32>,
      %mul3A_2288 = arith.mulf %gather3A_2284, %get3A_2287 : vector<16xf32>
      %add3A_2289 = arith.addf %while3A_2177, %mul3A_2288 : vector<16xf32>
      %lt3A_2290 = arith.constant 0 : i32
      %lt3A_2291 = vector.broadcast %lt3A_2290 : i32 to vector<16xi32>
      %lt3A_2292 = arith.cmpi slt, %select_n3A_52, %lt3A_2291 : vector<16xi32>
      %add3A_2293 = arith.constant 16 : i32
      %add3A_2294 = vector.broadcast %add3A_2293 : i32 to vector<16xi32>
      %add3A_2295 = arith.addi %select_n3A_52, %add3A_2294 : vector<16xi32>
      %select_n3A_2296 = arith.select %lt3A_2292, %add3A_2295, %select_n3A_52 : vector<16xi1>, vector<16xi32>
      %broadcast_in_dim3A_2297 = vector.shape_cast %select_n3A_2296 : vector<16xi32> to vector<16x1xi32>
      %gather3A_2298 = vector.shape_cast %broadcast_in_dim3A_2297 : vector<16x1xi32> to vector<16xi32>
      %gather3A_2299 = tpu.dynamic_gather %convert_element_type3A_2184[%gather3A_2298] in [0] : vector<16xf32>, vector<16xi32> -> vector<16xf32>
      %get3A_2300 = arith.index_cast %while3A_2170 : i32 to index
      %get3A_2301 = arith.constant 112 : index
      %get3A_2302 = tpu.vector_load %arg7[%get3A_2300, %get3A_2301] {strides = array<i32>} : memref<392x128xf32, #tpu.memory_space<vmem>>, vector<16xf32>,
      %mul3A_2303 = arith.mulf %gather3A_2299, %get3A_2302 : vector<16xf32>
      %add3A_2304 = arith.addf %while3A_2178, %mul3A_2303 : vector<16xf32>
      scf.yield %add3A_2199, %add3A_2214, %add3A_2229, %add3A_2244, %add3A_2259, %add3A_2274, %add3A_2289, %add3A_2304 : vector<16xf32>, vector<16xf32>, vector<16xf32>, vector<16xf32>, vector<16xf32>, vector<16xf32>, vector<16xf32>, vector<16xf32>
    }
    %add3A_66 = arith.addf %broadcast_in_dim3A_1, %while3A_65#0 : vector<16xf32>
    %add3A_67 = arith.addf %add3A_66, %while3A_65#1 : vector<16xf32>
    %add3A_68 = arith.addf %add3A_67, %while3A_65#2 : vector<16xf32>
    %add3A_69 = arith.addf %add3A_68, %while3A_65#3 : vector<16xf32>
    %add3A_70 = arith.addf %add3A_69, %while3A_65#4 : vector<16xf32>
    %add3A_71 = arith.addf %add3A_70, %while3A_65#5 : vector<16xf32>
    %add3A_72 = arith.addf %add3A_71, %while3A_65#6 : vector<16xf32>
    %add3A_73 = arith.addf %add3A_72, %while3A_65#7 : vector<16xf32>
    %get3A = arith.constant 0 : index
    %get3A_74 = tpu.vector_load %arg25[%get3A] {strides = array<i32>} : memref<32xi32, #tpu.memory_space<vmem>>, vector<16xi32>,
    %convert_element_type3A_75 = arith.sitofp %get3A_74 : vector<16xi32> to vector<16xf32>
    %lt3A_76 = arith.constant 0 : i32
    %lt3A_77 = vector.broadcast %lt3A_76 : i32 to vector<16xi32>
    %lt3A_78 = arith.cmpi slt, %select_n3A, %lt3A_77 : vector<16xi32>
    %add3A_79 = arith.constant 16 : i32
    %add3A_80 = vector.broadcast %add3A_79 : i32 to vector<16xi32>
    %add3A_81 = arith.addi %select_n3A, %add3A_80 : vector<16xi32>
    %select_n3A_82 = arith.select %lt3A_78, %add3A_81, %select_n3A : vector<16xi1>, vector<16xi32>
    %broadcast_in_dim3A_83 = vector.shape_cast %select_n3A_82 : vector<16xi32> to vector<16x1xi32>
    %gather3A = vector.shape_cast %broadcast_in_dim3A_83 : vector<16x1xi32> to vector<16xi32>
    %gather3A_84 = tpu.dynamic_gather %convert_element_type3A_75[%gather3A] in [0] : vector<16xf32>, vector<16xi32> -> vector<16xf32>
    %get3A_85 = arith.constant 0 : i32
    %get3A_86 = arith.index_cast %get3A_85 : i32 to index
    %get3A_87 = arith.constant 0 : index
    %get3A_88 = tpu.vector_load %arg24[%get3A_86, %get3A_87] {strides = array<i32>} : memref<2x128xf32, #tpu.memory_space<vmem>>, vector<16xf32>,
    %mul3A_89 = arith.mulf %gather3A_84, %get3A_88 : vector<16xf32>
    %add3A_90 = arith.addf %add3A_73, %mul3A_89 : vector<16xf32>
    %lt3A_91 = arith.constant 0 : i32
    %lt3A_92 = vector.broadcast %lt3A_91 : i32 to vector<16xi32>
    %lt3A_93 = arith.cmpi slt, %select_n3A_22, %lt3A_92 : vector<16xi32>
    %add3A_94 = arith.constant 16 : i32
    %add3A_95 = vector.broadcast %add3A_94 : i32 to vector<16xi32>
    %add3A_96 = arith.addi %select_n3A_22, %add3A_95 : vector<16xi32>
    %select_n3A_97 = arith.select %lt3A_93, %add3A_96, %select_n3A_22 : vector<16xi1>, vector<16xi32>
    %broadcast_in_dim3A_98 = vector.shape_cast %select_n3A_97 : vector<16xi32> to vector<16x1xi32>
    %gather3A_99 = vector.shape_cast %broadcast_in_dim3A_98 : vector<16x1xi32> to vector<16xi32>
    %gather3A_100 = tpu.dynamic_gather %convert_element_type3A_75[%gather3A_99] in [0] : vector<16xf32>, vector<16xi32> -> vector<16xf32>
    %get3A_101 = arith.constant 0 : i32
    %get3A_102 = arith.index_cast %get3A_101 : i32 to index
    %get3A_103 = arith.constant 16 : index
    %get3A_104 = tpu.vector_load %arg24[%get3A_102, %get3A_103] {strides = array<i32>} : memref<2x128xf32, #tpu.memory_space<vmem>>, vector<16xf32>,
    %mul3A_105 = arith.mulf %gather3A_100, %get3A_104 : vector<16xf32>
    %add3A_106 = arith.addf %add3A_90, %mul3A_105 : vector<16xf32>
    %lt3A_107 = arith.constant 0 : i32
    %lt3A_108 = vector.broadcast %lt3A_107 : i32 to vector<16xi32>
    %lt3A_109 = arith.cmpi slt, %select_n3A_27, %lt3A_108 : vector<16xi32>
    %add3A_110 = arith.constant 16 : i32
    %add3A_111 = vector.broadcast %add3A_110 : i32 to vector<16xi32>
    %add3A_112 = arith.addi %select_n3A_27, %add3A_111 : vector<16xi32>
    %select_n3A_113 = arith.select %lt3A_109, %add3A_112, %select_n3A_27 : vector<16xi1>, vector<16xi32>
    %broadcast_in_dim3A_114 = vector.shape_cast %select_n3A_113 : vector<16xi32> to vector<16x1xi32>
    %gather3A_115 = vector.shape_cast %broadcast_in_dim3A_114 : vector<16x1xi32> to vector<16xi32>
    %gather3A_116 = tpu.dynamic_gather %convert_element_type3A_75[%gather3A_115] in [0] : vector<16xf32>, vector<16xi32> -> vector<16xf32>
    %get3A_117 = arith.constant 0 : i32
    %get3A_118 = arith.index_cast %get3A_117 : i32 to index
    %get3A_119 = arith.constant 32 : index
    %get3A_120 = tpu.vector_load %arg24[%get3A_118, %get3A_119] {strides = array<i32>} : memref<2x128xf32, #tpu.memory_space<vmem>>, vector<16xf32>,
    %mul3A_121 = arith.mulf %gather3A_116, %get3A_120 : vector<16xf32>
    %add3A_122 = arith.addf %add3A_106, %mul3A_121 : vector<16xf32>
    %lt3A_123 = arith.constant 0 : i32
    %lt3A_124 = vector.broadcast %lt3A_123 : i32 to vector<16xi32>
    %lt3A_125 = arith.cmpi slt, %select_n3A_32, %lt3A_124 : vector<16xi32>
    %add3A_126 = arith.constant 16 : i32
    %add3A_127 = vector.broadcast %add3A_126 : i32 to vector<16xi32>
    %add3A_128 = arith.addi %select_n3A_32, %add3A_127 : vector<16xi32>
    %select_n3A_129 = arith.select %lt3A_125, %add3A_128, %select_n3A_32 : vector<16xi1>, vector<16xi32>
    %broadcast_in_dim3A_130 = vector.shape_cast %select_n3A_129 : vector<16xi32> to vector<16x1xi32>
    %gather3A_131 = vector.shape_cast %broadcast_in_dim3A_130 : vector<16x1xi32> to vector<16xi32>
    %gather3A_132 = tpu.dynamic_gather %convert_element_type3A_75[%gather3A_131] in [0] : vector<16xf32>, vector<16xi32> -> vector<16xf32>
    %get3A_133 = arith.constant 0 : i32
    %get3A_134 = arith.index_cast %get3A_133 : i32 to index
    %get3A_135 = arith.constant 48 : index
    %get3A_136 = tpu.vector_load %arg24[%get3A_134, %get3A_135] {strides = array<i32>} : memref<2x128xf32, #tpu.memory_space<vmem>>, vector<16xf32>,
    %mul3A_137 = arith.mulf %gather3A_132, %get3A_136 : vector<16xf32>
    %add3A_138 = arith.addf %add3A_122, %mul3A_137 : vector<16xf32>
    %lt3A_139 = arith.constant 0 : i32
    %lt3A_140 = vector.broadcast %lt3A_139 : i32 to vector<16xi32>
    %lt3A_141 = arith.cmpi slt, %select_n3A_37, %lt3A_140 : vector<16xi32>
    %add3A_142 = arith.constant 16 : i32
    %add3A_143 = vector.broadcast %add3A_142 : i32 to vector<16xi32>
    %add3A_144 = arith.addi %select_n3A_37, %add3A_143 : vector<16xi32>
    %select_n3A_145 = arith.select %lt3A_141, %add3A_144, %select_n3A_37 : vector<16xi1>, vector<16xi32>
    %broadcast_in_dim3A_146 = vector.shape_cast %select_n3A_145 : vector<16xi32> to vector<16x1xi32>
    %gather3A_147 = vector.shape_cast %broadcast_in_dim3A_146 : vector<16x1xi32> to vector<16xi32>
    %gather3A_148 = tpu.dynamic_gather %convert_element_type3A_75[%gather3A_147] in [0] : vector<16xf32>, vector<16xi32> -> vector<16xf32>
    %get3A_149 = arith.constant 0 : i32
    %get3A_150 = arith.index_cast %get3A_149 : i32 to index
    %get3A_151 = arith.constant 64 : index
    %get3A_152 = tpu.vector_load %arg24[%get3A_150, %get3A_151] {strides = array<i32>} : memref<2x128xf32, #tpu.memory_space<vmem>>, vector<16xf32>,
    %mul3A_153 = arith.mulf %gather3A_148, %get3A_152 : vector<16xf32>
    %add3A_154 = arith.addf %add3A_138, %mul3A_153 : vector<16xf32>
    %lt3A_155 = arith.constant 0 : i32
    %lt3A_156 = vector.broadcast %lt3A_155 : i32 to vector<16xi32>
    %lt3A_157 = arith.cmpi slt, %select_n3A_42, %lt3A_156 : vector<16xi32>
    %add3A_158 = arith.constant 16 : i32
    %add3A_159 = vector.broadcast %add3A_158 : i32 to vector<16xi32>
    %add3A_160 = arith.addi %select_n3A_42, %add3A_159 : vector<16xi32>
    %select_n3A_161 = arith.select %lt3A_157, %add3A_160, %select_n3A_42 : vector<16xi1>, vector<16xi32>
    %broadcast_in_dim3A_162 = vector.shape_cast %select_n3A_161 : vector<16xi32> to vector<16x1xi32>
    %gather3A_163 = vector.shape_cast %broadcast_in_dim3A_162 : vector<16x1xi32> to vector<16xi32>
    %gather3A_164 = tpu.dynamic_gather %convert_element_type3A_75[%gather3A_163] in [0] : vector<16xf32>, vector<16xi32> -> vector<16xf32>
    %get3A_165 = arith.constant 0 : i32
    %get3A_166 = arith.index_cast %get3A_165 : i32 to index
    %get3A_167 = arith.constant 80 : index
    %get3A_168 = tpu.vector_load %arg24[%get3A_166, %get3A_167] {strides = array<i32>} : memref<2x128xf32, #tpu.memory_space<vmem>>, vector<16xf32>,
    %mul3A_169 = arith.mulf %gather3A_164, %get3A_168 : vector<16xf32>
    %add3A_170 = arith.addf %add3A_154, %mul3A_169 : vector<16xf32>
    %lt3A_171 = arith.constant 0 : i32
    %lt3A_172 = vector.broadcast %lt3A_171 : i32 to vector<16xi32>
    %lt3A_173 = arith.cmpi slt, %select_n3A_47, %lt3A_172 : vector<16xi32>
    %add3A_174 = arith.constant 16 : i32
    %add3A_175 = vector.broadcast %add3A_174 : i32 to vector<16xi32>
    %add3A_176 = arith.addi %select_n3A_47, %add3A_175 : vector<16xi32>
    %select_n3A_177 = arith.select %lt3A_173, %add3A_176, %select_n3A_47 : vector<16xi1>, vector<16xi32>
    %broadcast_in_dim3A_178 = vector.shape_cast %select_n3A_177 : vector<16xi32> to vector<16x1xi32>
    %gather3A_179 = vector.shape_cast %broadcast_in_dim3A_178 : vector<16x1xi32> to vector<16xi32>
    %gather3A_180 = tpu.dynamic_gather %convert_element_type3A_75[%gather3A_179] in [0] : vector<16xf32>, vector<16xi32> -> vector<16xf32>
    %get3A_181 = arith.constant 0 : i32
    %get3A_182 = arith.index_cast %get3A_181 : i32 to index
    %get3A_183 = arith.constant 96 : index
    %get3A_184 = tpu.vector_load %arg24[%get3A_182, %get3A_183] {strides = array<i32>} : memref<2x128xf32, #tpu.memory_space<vmem>>, vector<16xf32>,
    %mul3A_185 = arith.mulf %gather3A_180, %get3A_184 : vector<16xf32>
    %add3A_186 = arith.addf %add3A_170, %mul3A_185 : vector<16xf32>
    %lt3A_187 = arith.constant 0 : i32
    %lt3A_188 = vector.broadcast %lt3A_187 : i32 to vector<16xi32>
    %lt3A_189 = arith.cmpi slt, %select_n3A_52, %lt3A_188 : vector<16xi32>
    %add3A_190 = arith.constant 16 : i32
    %add3A_191 = vector.broadcast %add3A_190 : i32 to vector<16xi32>
    %add3A_192 = arith.addi %select_n3A_52, %add3A_191 : vector<16xi32>
    %select_n3A_193 = arith.select %lt3A_189, %add3A_192, %select_n3A_52 : vector<16xi1>, vector<16xi32>
    %broadcast_in_dim3A_194 = vector.shape_cast %select_n3A_193 : vector<16xi32> to vector<16x1xi32>
    %gather3A_195 = vector.shape_cast %broadcast_in_dim3A_194 : vector<16x1xi32> to vector<16xi32>
    %gather3A_196 = tpu.dynamic_gather %convert_element_type3A_75[%gather3A_195] in [0] : vector<16xf32>, vector<16xi32> -> vector<16xf32>
    %get3A_197 = arith.constant 0 : i32
    %get3A_198 = arith.index_cast %get3A_197 : i32 to index
    %get3A_199 = arith.constant 112 : index
    %get3A_200 = tpu.vector_load %arg24[%get3A_198, %get3A_199] {strides = array<i32>} : memref<2x128xf32, #tpu.memory_space<vmem>>, vector<16xf32>,
    %mul3A_201 = arith.mulf %gather3A_196, %get3A_200 : vector<16xf32>
    %add3A_202 = arith.addf %add3A_186, %mul3A_201 : vector<16xf32>
    %get3A_203 = arith.constant 16 : index
    %get3A_204 = tpu.vector_load %arg25[%get3A_203] {strides = array<i32>} : memref<32xi32, #tpu.memory_space<vmem>>, vector<16xi32>,
    %convert_element_type3A_205 = arith.sitofp %get3A_204 : vector<16xi32> to vector<16xf32>
    %lt3A_206 = arith.constant 0 : i32
    %lt3A_207 = vector.broadcast %lt3A_206 : i32 to vector<16xi32>
    %lt3A_208 = arith.cmpi slt, %select_n3A, %lt3A_207 : vector<16xi32>
    %add3A_209 = arith.constant 16 : i32
    %add3A_210 = vector.broadcast %add3A_209 : i32 to vector<16xi32>
    %add3A_211 = arith.addi %select_n3A, %add3A_210 : vector<16xi32>
    %select_n3A_212 = arith.select %lt3A_208, %add3A_211, %select_n3A : vector<16xi1>, vector<16xi32>
    %broadcast_in_dim3A_213 = vector.shape_cast %select_n3A_212 : vector<16xi32> to vector<16x1xi32>
    %gather3A_214 = vector.shape_cast %broadcast_in_dim3A_213 : vector<16x1xi32> to vector<16xi32>
    %gather3A_215 = tpu.dynamic_gather %convert_element_type3A_205[%gather3A_214] in [0] : vector<16xf32>, vector<16xi32> -> vector<16xf32>
    %get3A_216 = arith.constant 1 : i32
    %get3A_217 = arith.index_cast %get3A_216 : i32 to index
    %get3A_218 = arith.constant 0 : index
    %get3A_219 = tpu.vector_load %arg24[%get3A_217, %get3A_218] {strides = array<i32>} : memref<2x128xf32, #tpu.memory_space<vmem>>, vector<16xf32>,
    %mul3A_220 = arith.mulf %gather3A_215, %get3A_219 : vector<16xf32>
    %add3A_221 = arith.addf %add3A_202, %mul3A_220 : vector<16xf32>
    %lt3A_222 = arith.constant 0 : i32
    %lt3A_223 = vector.broadcast %lt3A_222 : i32 to vector<16xi32>
    %lt3A_224 = arith.cmpi slt, %select_n3A_22, %lt3A_223 : vector<16xi32>
    %add3A_225 = arith.constant 16 : i32
    %add3A_226 = vector.broadcast %add3A_225 : i32 to vector<16xi32>
    %add3A_227 = arith.addi %select_n3A_22, %add3A_226 : vector<16xi32>
    %select_n3A_228 = arith.select %lt3A_224, %add3A_227, %select_n3A_22 : vector<16xi1>, vector<16xi32>
    %broadcast_in_dim3A_229 = vector.shape_cast %select_n3A_228 : vector<16xi32> to vector<16x1xi32>
    %gather3A_230 = vector.shape_cast %broadcast_in_dim3A_229 : vector<16x1xi32> to vector<16xi32>
    %gather3A_231 = tpu.dynamic_gather %convert_element_type3A_205[%gather3A_230] in [0] : vector<16xf32>, vector<16xi32> -> vector<16xf32>
    %get3A_232 = arith.constant 1 : i32
    %get3A_233 = arith.index_cast %get3A_232 : i32 to index
    %get3A_234 = arith.constant 16 : index
    %get3A_235 = tpu.vector_load %arg24[%get3A_233, %get3A_234] {strides = array<i32>} : memref<2x128xf32, #tpu.memory_space<vmem>>, vector<16xf32>,
    %mul3A_236 = arith.mulf %gather3A_231, %get3A_235 : vector<16xf32>
    %add3A_237 = arith.addf %add3A_221, %mul3A_236 : vector<16xf32>
    %lt3A_238 = arith.constant 0 : i32
    %lt3A_239 = vector.broadcast %lt3A_238 : i32 to vector<16xi32>
    %lt3A_240 = arith.cmpi slt, %select_n3A_27, %lt3A_239 : vector<16xi32>
    %add3A_241 = arith.constant 16 : i32
    %add3A_242 = vector.broadcast %add3A_241 : i32 to vector<16xi32>
    %add3A_243 = arith.addi %select_n3A_27, %add3A_242 : vector<16xi32>
    %select_n3A_244 = arith.select %lt3A_240, %add3A_243, %select_n3A_27 : vector<16xi1>, vector<16xi32>
    %broadcast_in_dim3A_245 = vector.shape_cast %select_n3A_244 : vector<16xi32> to vector<16x1xi32>
    %gather3A_246 = vector.shape_cast %broadcast_in_dim3A_245 : vector<16x1xi32> to vector<16xi32>
    %gather3A_247 = tpu.dynamic_gather %convert_element_type3A_205[%gather3A_246] in [0] : vector<16xf32>, vector<16xi32> -> vector<16xf32>
    %get3A_248 = arith.constant 1 : i32
    %get3A_249 = arith.index_cast %get3A_248 : i32 to index
    %get3A_250 = arith.constant 32 : index
    %get3A_251 = tpu.vector_load %arg24[%get3A_249, %get3A_250] {strides = array<i32>} : memref<2x128xf32, #tpu.memory_space<vmem>>, vector<16xf32>,
    %mul3A_252 = arith.mulf %gather3A_247, %get3A_251 : vector<16xf32>
    %add3A_253 = arith.addf %add3A_237, %mul3A_252 : vector<16xf32>
    %lt3A_254 = arith.constant 0 : i32
    %lt3A_255 = vector.broadcast %lt3A_254 : i32 to vector<16xi32>
    %lt3A_256 = arith.cmpi slt, %select_n3A_32, %lt3A_255 : vector<16xi32>
    %add3A_257 = arith.constant 16 : i32
    %add3A_258 = vector.broadcast %add3A_257 : i32 to vector<16xi32>
    %add3A_259 = arith.addi %select_n3A_32, %add3A_258 : vector<16xi32>
    %select_n3A_260 = arith.select %lt3A_256, %add3A_259, %select_n3A_32 : vector<16xi1>, vector<16xi32>
    %broadcast_in_dim3A_261 = vector.shape_cast %select_n3A_260 : vector<16xi32> to vector<16x1xi32>
    %gather3A_262 = vector.shape_cast %broadcast_in_dim3A_261 : vector<16x1xi32> to vector<16xi32>
    %gather3A_263 = tpu.dynamic_gather %convert_element_type3A_205[%gather3A_262] in [0] : vector<16xf32>, vector<16xi32> -> vector<16xf32>
    %get3A_264 = arith.constant 1 : i32
    %get3A_265 = arith.index_cast %get3A_264 : i32 to index
    %get3A_266 = arith.constant 48 : index
    %get3A_267 = tpu.vector_load %arg24[%get3A_265, %get3A_266] {strides = array<i32>} : memref<2x128xf32, #tpu.memory_space<vmem>>, vector<16xf32>,
    %mul3A_268 = arith.mulf %gather3A_263, %get3A_267 : vector<16xf32>
    %add3A_269 = arith.addf %add3A_253, %mul3A_268 : vector<16xf32>
    %lt3A_270 = arith.constant 0 : i32
    %lt3A_271 = vector.broadcast %lt3A_270 : i32 to vector<16xi32>
    %lt3A_272 = arith.cmpi slt, %select_n3A_37, %lt3A_271 : vector<16xi32>
    %add3A_273 = arith.constant 16 : i32
    %add3A_274 = vector.broadcast %add3A_273 : i32 to vector<16xi32>
    %add3A_275 = arith.addi %select_n3A_37, %add3A_274 : vector<16xi32>
    %select_n3A_276 = arith.select %lt3A_272, %add3A_275, %select_n3A_37 : vector<16xi1>, vector<16xi32>
    %broadcast_in_dim3A_277 = vector.shape_cast %select_n3A_276 : vector<16xi32> to vector<16x1xi32>
    %gather3A_278 = vector.shape_cast %broadcast_in_dim3A_277 : vector<16x1xi32> to vector<16xi32>
    %gather3A_279 = tpu.dynamic_gather %convert_element_type3A_205[%gather3A_278] in [0] : vector<16xf32>, vector<16xi32> -> vector<16xf32>
    %get3A_280 = arith.constant 1 : i32
    %get3A_281 = arith.index_cast %get3A_280 : i32 to index
    %get3A_282 = arith.constant 64 : index
    %get3A_283 = tpu.vector_load %arg24[%get3A_281, %get3A_282] {strides = array<i32>} : memref<2x128xf32, #tpu.memory_space<vmem>>, vector<16xf32>,
    %mul3A_284 = arith.mulf %gather3A_279, %get3A_283 : vector<16xf32>
    %add3A_285 = arith.addf %add3A_269, %mul3A_284 : vector<16xf32>
    %lt3A_286 = arith.constant 0 : i32
    %lt3A_287 = vector.broadcast %lt3A_286 : i32 to vector<16xi32>
    %lt3A_288 = arith.cmpi slt, %select_n3A_42, %lt3A_287 : vector<16xi32>
    %add3A_289 = arith.constant 16 : i32
    %add3A_290 = vector.broadcast %add3A_289 : i32 to vector<16xi32>
    %add3A_291 = arith.addi %select_n3A_42, %add3A_290 : vector<16xi32>
    %select_n3A_292 = arith.select %lt3A_288, %add3A_291, %select_n3A_42 : vector<16xi1>, vector<16xi32>
    %broadcast_in_dim3A_293 = vector.shape_cast %select_n3A_292 : vector<16xi32> to vector<16x1xi32>
    %gather3A_294 = vector.shape_cast %broadcast_in_dim3A_293 : vector<16x1xi32> to vector<16xi32>
    %gather3A_295 = tpu.dynamic_gather %convert_element_type3A_205[%gather3A_294] in [0] : vector<16xf32>, vector<16xi32> -> vector<16xf32>
    %get3A_296 = arith.constant 1 : i32
    %get3A_297 = arith.index_cast %get3A_296 : i32 to index
    %get3A_298 = arith.constant 80 : index
    %get3A_299 = tpu.vector_load %arg24[%get3A_297, %get3A_298] {strides = array<i32>} : memref<2x128xf32, #tpu.memory_space<vmem>>, vector<16xf32>,
    %mul3A_300 = arith.mulf %gather3A_295, %get3A_299 : vector<16xf32>
    %add3A_301 = arith.addf %add3A_285, %mul3A_300 : vector<16xf32>
    %lt3A_302 = arith.constant 0 : i32
    %lt3A_303 = vector.broadcast %lt3A_302 : i32 to vector<16xi32>
    %lt3A_304 = arith.cmpi slt, %select_n3A_47, %lt3A_303 : vector<16xi32>
    %add3A_305 = arith.constant 16 : i32
    %add3A_306 = vector.broadcast %add3A_305 : i32 to vector<16xi32>
    %add3A_307 = arith.addi %select_n3A_47, %add3A_306 : vector<16xi32>
    %select_n3A_308 = arith.select %lt3A_304, %add3A_307, %select_n3A_47 : vector<16xi1>, vector<16xi32>
    %broadcast_in_dim3A_309 = vector.shape_cast %select_n3A_308 : vector<16xi32> to vector<16x1xi32>
    %gather3A_310 = vector.shape_cast %broadcast_in_dim3A_309 : vector<16x1xi32> to vector<16xi32>
    %gather3A_311 = tpu.dynamic_gather %convert_element_type3A_205[%gather3A_310] in [0] : vector<16xf32>, vector<16xi32> -> vector<16xf32>
    %get3A_312 = arith.constant 1 : i32
    %get3A_313 = arith.index_cast %get3A_312 : i32 to index
    %get3A_314 = arith.constant 96 : index
    %get3A_315 = tpu.vector_load %arg24[%get3A_313, %get3A_314] {strides = array<i32>} : memref<2x128xf32, #tpu.memory_space<vmem>>, vector<16xf32>,
    %mul3A_316 = arith.mulf %gather3A_311, %get3A_315 : vector<16xf32>
    %add3A_317 = arith.addf %add3A_301, %mul3A_316 : vector<16xf32>
    %lt3A_318 = arith.constant 0 : i32
    %lt3A_319 = vector.broadcast %lt3A_318 : i32 to vector<16xi32>
    %lt3A_320 = arith.cmpi slt, %select_n3A_52, %lt3A_319 : vector<16xi32>
    %add3A_321 = arith.constant 16 : i32
    %add3A_322 = vector.broadcast %add3A_321 : i32 to vector<16xi32>
    %add3A_323 = arith.addi %select_n3A_52, %add3A_322 : vector<16xi32>
    %select_n3A_324 = arith.select %lt3A_320, %add3A_323, %select_n3A_52 : vector<16xi1>, vector<16xi32>
    %broadcast_in_dim3A_325 = vector.shape_cast %select_n3A_324 : vector<16xi32> to vector<16x1xi32>
    %gather3A_326 = vector.shape_cast %broadcast_in_dim3A_325 : vector<16x1xi32> to vector<16xi32>
    %gather3A_327 = tpu.dynamic_gather %convert_element_type3A_205[%gather3A_326] in [0] : vector<16xf32>, vector<16xi32> -> vector<16xf32>
    %get3A_328 = arith.constant 1 : i32
    %get3A_329 = arith.index_cast %get3A_328 : i32 to index
    %get3A_330 = arith.constant 112 : index
    %get3A_331 = tpu.vector_load %arg24[%get3A_329, %get3A_330] {strides = array<i32>} : memref<2x128xf32, #tpu.memory_space<vmem>>, vector<16xf32>,
    %mul3A_332 = arith.mulf %gather3A_327, %get3A_331 : vector<16xf32>
    %add3A_333 = arith.addf %add3A_317, %mul3A_332 : vector<16xf32>
    %swap3A = arith.constant 0 : index
    %swap3A_334 = tpu.vector_load %arg10[%swap3A] {strides = array<i32>} : memref<16xf32, #tpu.memory_space<vmem>>, vector<16xf32>,
    tpu.vector_store %arg10[%swap3A], %add3A_333 {strides = array<i32>} : memref<16xf32, #tpu.memory_space<vmem>>, vector<16xf32>,
    %mul3A_335 = arith.constant 16 : i32
    %mul3A_336 = arith.muli %arg1, %mul3A_335 : i32
    %multiple_of3A = tpu.assume_multiple %mul3A_336, 16 : i32
    "tpu.region"() ({
      %run_scoped3A = tpu.sem_alloc : memref<!tpu.dma_semaphore, #tpu.memory_space<semaphore_mem>>
      %dma_start3A_2170 = tpu.memref_slice %arg29[%multiple_of3A] : memref<256xf32, #tpu.memory_space<vmem_shared>> -> memref<16xf32, #tpu.memory_space<vmem_shared>>
      %dma_start3A_2171 = tpu.memref_slice %arg29[%multiple_of3A] : memref<256xf32, #tpu.memory_space<vmem_shared>> -> memref<16xf32, #tpu.memory_space<vmem_shared>>
      tpu.enqueue_dma source(%arg10 : memref<16xf32, #tpu.memory_space<vmem>>) target(%dma_start3A_2171 : memref<16xf32, #tpu.memory_space<vmem_shared>>) target_semaphore(%run_scoped3A : memref<!tpu.dma_semaphore, #tpu.memory_space<semaphore_mem>>)
      %dma_wait3A_2172 = tpu.memref_slice %arg29[%multiple_of3A] : memref<256xf32, #tpu.memory_space<vmem_shared>> -> memref<16xf32, #tpu.memory_space<vmem_shared>>
      %dma_wait3A_2173 = tpu.memref_slice %arg29[%multiple_of3A] : memref<256xf32, #tpu.memory_space<vmem_shared>> -> memref<16xf32, #tpu.memory_space<vmem_shared>>
      tpu.wait_dma2 semaphore(%run_scoped3A : memref<!tpu.dma_semaphore, #tpu.memory_space<semaphore_mem>>) src(%arg10 : memref<16xf32, #tpu.memory_space<vmem>>) dst(%dma_wait3A_2173 : memref<16xf32, #tpu.memory_space<vmem_shared>>)
      tpu.yield
    }) : () -> ()
    %barrier3A = arith.constant 0 : index
    tpu.barrier barrier_id(%barrier3A)
    "tpu.region"() ({
      %run_scoped3A = tpu.sem_alloc : memref<!tpu.dma_semaphore, #tpu.memory_space<semaphore_mem>>
      tpu.enqueue_dma source(%arg29 : memref<256xf32, #tpu.memory_space<vmem_shared>>) target(%arg11 : memref<256xf32, #tpu.memory_space<vmem>>) target_semaphore(%run_scoped3A : memref<!tpu.dma_semaphore, #tpu.memory_space<semaphore_mem>>)
      tpu.wait_dma2 semaphore(%run_scoped3A : memref<!tpu.dma_semaphore, #tpu.memory_space<semaphore_mem>>) src(%arg29 : memref<256xf32, #tpu.memory_space<vmem_shared>>) dst(%arg11 : memref<256xf32, #tpu.memory_space<vmem>>)
      tpu.yield
    }) : () -> ()
    %get3A_337 = arith.constant 0 : index
    %get3A_338 = tpu.vector_load %arg11[%get3A_337] {strides = array<i32>} : memref<256xf32, #tpu.memory_space<vmem>>, vector<16xf32>,
    %multiple_of3A_339 = arith.constant 16 : i32
    %multiple_of3A_340 = tpu.assume_multiple %multiple_of3A_339, 16 : i32
    %get3A_341 = arith.index_cast %multiple_of3A_340 : i32 to index
    %get3A_342 = tpu.vector_load %arg11[%get3A_341] {strides = array<i32>} : memref<256xf32, #tpu.memory_space<vmem>>, vector<16xf32>,
    %add3A_343 = arith.addf %get3A_338, %get3A_342 : vector<16xf32>
    %multiple_of3A_344 = arith.constant 32 : i32
    %multiple_of3A_345 = tpu.assume_multiple %multiple_of3A_344, 16 : i32
    %get3A_346 = arith.index_cast %multiple_of3A_345 : i32 to index
    %get3A_347 = tpu.vector_load %arg11[%get3A_346] {strides = array<i32>} : memref<256xf32, #tpu.memory_space<vmem>>, vector<16xf32>,
    %add3A_348 = arith.addf %add3A_343, %get3A_347 : vector<16xf32>
    %multiple_of3A_349 = arith.constant 48 : i32
    %multiple_of3A_350 = tpu.assume_multiple %multiple_of3A_349, 16 : i32
    %get3A_351 = arith.index_cast %multiple_of3A_350 : i32 to index
    %get3A_352 = tpu.vector_load %arg11[%get3A_351] {strides = array<i32>} : memref<256xf32, #tpu.memory_space<vmem>>, vector<16xf32>,
    %add3A_353 = arith.addf %add3A_348, %get3A_352 : vector<16xf32>
    %multiple_of3A_354 = arith.constant 64 : i32
    %multiple_of3A_355 = tpu.assume_multiple %multiple_of3A_354, 16 : i32
    %get3A_356 = arith.index_cast %multiple_of3A_355 : i32 to index
    %get3A_357 = tpu.vector_load %arg11[%get3A_356] {strides = array<i32>} : memref<256xf32, #tpu.memory_space<vmem>>, vector<16xf32>,
    %add3A_358 = arith.addf %add3A_353, %get3A_357 : vector<16xf32>
    %multiple_of3A_359 = arith.constant 80 : i32
    %multiple_of3A_360 = tpu.assume_multiple %multiple_of3A_359, 16 : i32
    %get3A_361 = arith.index_cast %multiple_of3A_360 : i32 to index
    %get3A_362 = tpu.vector_load %arg11[%get3A_361] {strides = array<i32>} : memref<256xf32, #tpu.memory_space<vmem>>, vector<16xf32>,
    %add3A_363 = arith.addf %add3A_358, %get3A_362 : vector<16xf32>
    %multiple_of3A_364 = arith.constant 96 : i32
    %multiple_of3A_365 = tpu.assume_multiple %multiple_of3A_364, 16 : i32
    %get3A_366 = arith.index_cast %multiple_of3A_365 : i32 to index
    %get3A_367 = tpu.vector_load %arg11[%get3A_366] {strides = array<i32>} : memref<256xf32, #tpu.memory_space<vmem>>, vector<16xf32>,
    %add3A_368 = arith.addf %add3A_363, %get3A_367 : vector<16xf32>
    %multiple_of3A_369 = arith.constant 112 : i32
    %multiple_of3A_370 = tpu.assume_multiple %multiple_of3A_369, 16 : i32
    %get3A_371 = arith.index_cast %multiple_of3A_370 : i32 to index
    %get3A_372 = tpu.vector_load %arg11[%get3A_371] {strides = array<i32>} : memref<256xf32, #tpu.memory_space<vmem>>, vector<16xf32>,
    %add3A_373 = arith.addf %add3A_368, %get3A_372 : vector<16xf32>
    %multiple_of3A_374 = arith.constant 128 : i32
    %multiple_of3A_375 = tpu.assume_multiple %multiple_of3A_374, 16 : i32
    %get3A_376 = arith.index_cast %multiple_of3A_375 : i32 to index
    %get3A_377 = tpu.vector_load %arg11[%get3A_376] {strides = array<i32>} : memref<256xf32, #tpu.memory_space<vmem>>, vector<16xf32>,
    %add3A_378 = arith.addf %add3A_373, %get3A_377 : vector<16xf32>
    %multiple_of3A_379 = arith.constant 144 : i32
    %multiple_of3A_380 = tpu.assume_multiple %multiple_of3A_379, 16 : i32
    %get3A_381 = arith.index_cast %multiple_of3A_380 : i32 to index
    %get3A_382 = tpu.vector_load %arg11[%get3A_381] {strides = array<i32>} : memref<256xf32, #tpu.memory_space<vmem>>, vector<16xf32>,
    %add3A_383 = arith.addf %add3A_378, %get3A_382 : vector<16xf32>
    %multiple_of3A_384 = arith.constant 160 : i32
    %multiple_of3A_385 = tpu.assume_multiple %multiple_of3A_384, 16 : i32
    %get3A_386 = arith.index_cast %multiple_of3A_385 : i32 to index
    %get3A_387 = tpu.vector_load %arg11[%get3A_386] {strides = array<i32>} : memref<256xf32, #tpu.memory_space<vmem>>, vector<16xf32>,
    %add3A_388 = arith.addf %add3A_383, %get3A_387 : vector<16xf32>
    %multiple_of3A_389 = arith.constant 176 : i32
    %multiple_of3A_390 = tpu.assume_multiple %multiple_of3A_389, 16 : i32
    %get3A_391 = arith.index_cast %multiple_of3A_390 : i32 to index
    %get3A_392 = tpu.vector_load %arg11[%get3A_391] {strides = array<i32>} : memref<256xf32, #tpu.memory_space<vmem>>, vector<16xf32>,
    %add3A_393 = arith.addf %add3A_388, %get3A_392 : vector<16xf32>
    %multiple_of3A_394 = arith.constant 192 : i32
    %multiple_of3A_395 = tpu.assume_multiple %multiple_of3A_394, 16 : i32
    %get3A_396 = arith.index_cast %multiple_of3A_395 : i32 to index
    %get3A_397 = tpu.vector_load %arg11[%get3A_396] {strides = array<i32>} : memref<256xf32, #tpu.memory_space<vmem>>, vector<16xf32>,
    %add3A_398 = arith.addf %add3A_393, %get3A_397 : vector<16xf32>
    %multiple_of3A_399 = arith.constant 208 : i32
    %multiple_of3A_400 = tpu.assume_multiple %multiple_of3A_399, 16 : i32
    %get3A_401 = arith.index_cast %multiple_of3A_400 : i32 to index
    %get3A_402 = tpu.vector_load %arg11[%get3A_401] {strides = array<i32>} : memref<256xf32, #tpu.memory_space<vmem>>, vector<16xf32>,
    %add3A_403 = arith.addf %add3A_398, %get3A_402 : vector<16xf32>
    %multiple_of3A_404 = arith.constant 224 : i32
    %multiple_of3A_405 = tpu.assume_multiple %multiple_of3A_404, 16 : i32
    %get3A_406 = arith.index_cast %multiple_of3A_405 : i32 to index
    %get3A_407 = tpu.vector_load %arg11[%get3A_406] {strides = array<i32>} : memref<256xf32, #tpu.memory_space<vmem>>, vector<16xf32>,
    %add3A_408 = arith.addf %add3A_403, %get3A_407 : vector<16xf32>
    %multiple_of3A_409 = arith.constant 240 : i32
    %multiple_of3A_410 = tpu.assume_multiple %multiple_of3A_409, 16 : i32
    %get3A_411 = arith.index_cast %multiple_of3A_410 : i32 to index
    %get3A_412 = tpu.vector_load %arg11[%get3A_411] {strides = array<i32>} : memref<256xf32, #tpu.memory_space<vmem>>, vector<16xf32>,
    %add3A_413 = arith.addf %add3A_408, %get3A_412 : vector<16xf32>
    %add3A_414 = arith.constant 8 : i32
    %add3A_415 = vector.broadcast %add3A_414 : i32 to vector<16xi32>
    %add3A_416 = arith.addi %iota3A, %add3A_415 : vector<16xi32>
    %sub3A = arith.constant 8 : i32
    %sub3A_417 = vector.broadcast %sub3A : i32 to vector<16xi32>
    %sub3A_418 = arith.subi %iota3A, %sub3A_417 : vector<16xi32>
    %select_n3A_419 = arith.select %lt3A_14, %add3A_416, %sub3A_418 : vector<16xi1>, vector<16xi32>
    %lt3A_420 = arith.constant 0 : i32
    %lt3A_421 = vector.broadcast %lt3A_420 : i32 to vector<16xi32>
    %lt3A_422 = arith.cmpi slt, %select_n3A_419, %lt3A_421 : vector<16xi32>
    %add3A_423 = arith.constant 16 : i32
    %add3A_424 = vector.broadcast %add3A_423 : i32 to vector<16xi32>
    %add3A_425 = arith.addi %select_n3A_419, %add3A_424 : vector<16xi32>
    %select_n3A_426 = arith.select %lt3A_422, %add3A_425, %select_n3A_419 : vector<16xi1>, vector<16xi32>
    %broadcast_in_dim3A_427 = vector.shape_cast %select_n3A_426 : vector<16xi32> to vector<16x1xi32>
    %gather3A_428 = vector.shape_cast %broadcast_in_dim3A_427 : vector<16x1xi32> to vector<16xi32>
    %gather3A_429 = tpu.dynamic_gather %add3A_413[%gather3A_428] in [0] : vector<16xf32>, vector<16xi32> -> vector<16xf32>
    %add3A_430 = arith.addf %add3A_413, %gather3A_429 : vector<16xf32>
    %broadcast_in_dim3A_431 = arith.constant 0 : i32
    %broadcast_in_dim3A_432 = vector.broadcast %broadcast_in_dim3A_431 : i32 to vector<16xi32>
    %lt3A_433 = arith.constant 0 : i32
    %lt3A_434 = vector.broadcast %lt3A_433 : i32 to vector<16xi32>
    %lt3A_435 = arith.cmpi slt, %broadcast_in_dim3A_432, %lt3A_434 : vector<16xi32>
    %add3A_436 = arith.constant 16 : i32
    %add3A_437 = vector.broadcast %add3A_436 : i32 to vector<16xi32>
    %add3A_438 = arith.addi %broadcast_in_dim3A_432, %add3A_437 : vector<16xi32>
    %select_n3A_439 = arith.select %lt3A_435, %add3A_438, %broadcast_in_dim3A_432 : vector<16xi1>, vector<16xi32>
    %broadcast_in_dim3A_440 = vector.shape_cast %select_n3A_439 : vector<16xi32> to vector<16x1xi32>
    %gather3A_441 = vector.shape_cast %broadcast_in_dim3A_440 : vector<16x1xi32> to vector<16xi32>
    %gather3A_442 = tpu.dynamic_gather %add3A_430[%gather3A_441] in [0] : vector<16xf32>, vector<16xi32> -> vector<16xf32>
    %get3A_443 = arith.constant 0 : index
    %get3A_444 = tpu.vector_load %arg9[%get3A_443] {strides = array<i32>} : memref<512xf32, #tpu.memory_space<vmem>>, vector<16xf32>,
    %mul3A_445 = arith.mulf %gather3A_442, %get3A_444 : vector<16xf32>
    %add3A_446 = arith.addf %broadcast_in_dim3A_1, %mul3A_445 : vector<16xf32>
    %broadcast_in_dim3A_447 = arith.constant 1 : i32
    %broadcast_in_dim3A_448 = vector.broadcast %broadcast_in_dim3A_447 : i32 to vector<16xi32>
    %lt3A_449 = arith.constant 0 : i32
    %lt3A_450 = vector.broadcast %lt3A_449 : i32 to vector<16xi32>
    %lt3A_451 = arith.cmpi slt, %broadcast_in_dim3A_448, %lt3A_450 : vector<16xi32>
    %add3A_452 = arith.constant 16 : i32
    %add3A_453 = vector.broadcast %add3A_452 : i32 to vector<16xi32>
    %add3A_454 = arith.addi %broadcast_in_dim3A_448, %add3A_453 : vector<16xi32>
    %select_n3A_455 = arith.select %lt3A_451, %add3A_454, %broadcast_in_dim3A_448 : vector<16xi1>, vector<16xi32>
    %broadcast_in_dim3A_456 = vector.shape_cast %select_n3A_455 : vector<16xi32> to vector<16x1xi32>
    %gather3A_457 = vector.shape_cast %broadcast_in_dim3A_456 : vector<16x1xi32> to vector<16xi32>
    %gather3A_458 = tpu.dynamic_gather %add3A_430[%gather3A_457] in [0] : vector<16xf32>, vector<16xi32> -> vector<16xf32>
    %get3A_459 = arith.constant 64 : index
    %get3A_460 = tpu.vector_load %arg9[%get3A_459] {strides = array<i32>} : memref<512xf32, #tpu.memory_space<vmem>>, vector<16xf32>,
    %mul3A_461 = arith.mulf %gather3A_458, %get3A_460 : vector<16xf32>
    %add3A_462 = arith.addf %add3A_446, %mul3A_461 : vector<16xf32>
    %broadcast_in_dim3A_463 = arith.constant 2 : i32
    %broadcast_in_dim3A_464 = vector.broadcast %broadcast_in_dim3A_463 : i32 to vector<16xi32>
    %lt3A_465 = arith.constant 0 : i32
    %lt3A_466 = vector.broadcast %lt3A_465 : i32 to vector<16xi32>
    %lt3A_467 = arith.cmpi slt, %broadcast_in_dim3A_464, %lt3A_466 : vector<16xi32>
    %add3A_468 = arith.constant 16 : i32
    %add3A_469 = vector.broadcast %add3A_468 : i32 to vector<16xi32>
    %add3A_470 = arith.addi %broadcast_in_dim3A_464, %add3A_469 : vector<16xi32>
    %select_n3A_471 = arith.select %lt3A_467, %add3A_470, %broadcast_in_dim3A_464 : vector<16xi1>, vector<16xi32>
    %broadcast_in_dim3A_472 = vector.shape_cast %select_n3A_471 : vector<16xi32> to vector<16x1xi32>
    %gather3A_473 = vector.shape_cast %broadcast_in_dim3A_472 : vector<16x1xi32> to vector<16xi32>
    %gather3A_474 = tpu.dynamic_gather %add3A_430[%gather3A_473] in [0] : vector<16xf32>, vector<16xi32> -> vector<16xf32>
    %get3A_475 = arith.constant 128 : index
    %get3A_476 = tpu.vector_load %arg9[%get3A_475] {strides = array<i32>} : memref<512xf32, #tpu.memory_space<vmem>>, vector<16xf32>,
    %mul3A_477 = arith.mulf %gather3A_474, %get3A_476 : vector<16xf32>
    %add3A_478 = arith.addf %add3A_462, %mul3A_477 : vector<16xf32>
    %broadcast_in_dim3A_479 = arith.constant 3 : i32
    %broadcast_in_dim3A_480 = vector.broadcast %broadcast_in_dim3A_479 : i32 to vector<16xi32>
    %lt3A_481 = arith.constant 0 : i32
    %lt3A_482 = vector.broadcast %lt3A_481 : i32 to vector<16xi32>
    %lt3A_483 = arith.cmpi slt, %broadcast_in_dim3A_480, %lt3A_482 : vector<16xi32>
    %add3A_484 = arith.constant 16 : i32
    %add3A_485 = vector.broadcast %add3A_484 : i32 to vector<16xi32>
    %add3A_486 = arith.addi %broadcast_in_dim3A_480, %add3A_485 : vector<16xi32>
    %select_n3A_487 = arith.select %lt3A_483, %add3A_486, %broadcast_in_dim3A_480 : vector<16xi1>, vector<16xi32>
    %broadcast_in_dim3A_488 = vector.shape_cast %select_n3A_487 : vector<16xi32> to vector<16x1xi32>
    %gather3A_489 = vector.shape_cast %broadcast_in_dim3A_488 : vector<16x1xi32> to vector<16xi32>
    %gather3A_490 = tpu.dynamic_gather %add3A_430[%gather3A_489] in [0] : vector<16xf32>, vector<16xi32> -> vector<16xf32>
    %get3A_491 = arith.constant 192 : index
    %get3A_492 = tpu.vector_load %arg9[%get3A_491] {strides = array<i32>} : memref<512xf32, #tpu.memory_space<vmem>>, vector<16xf32>,
    %mul3A_493 = arith.mulf %gather3A_490, %get3A_492 : vector<16xf32>
    %add3A_494 = arith.addf %add3A_478, %mul3A_493 : vector<16xf32>
    %broadcast_in_dim3A_495 = arith.constant 4 : i32
    %broadcast_in_dim3A_496 = vector.broadcast %broadcast_in_dim3A_495 : i32 to vector<16xi32>
    %lt3A_497 = arith.constant 0 : i32
    %lt3A_498 = vector.broadcast %lt3A_497 : i32 to vector<16xi32>
    %lt3A_499 = arith.cmpi slt, %broadcast_in_dim3A_496, %lt3A_498 : vector<16xi32>
    %add3A_500 = arith.constant 16 : i32
    %add3A_501 = vector.broadcast %add3A_500 : i32 to vector<16xi32>
    %add3A_502 = arith.addi %broadcast_in_dim3A_496, %add3A_501 : vector<16xi32>
    %select_n3A_503 = arith.select %lt3A_499, %add3A_502, %broadcast_in_dim3A_496 : vector<16xi1>, vector<16xi32>
    %broadcast_in_dim3A_504 = vector.shape_cast %select_n3A_503 : vector<16xi32> to vector<16x1xi32>
    %gather3A_505 = vector.shape_cast %broadcast_in_dim3A_504 : vector<16x1xi32> to vector<16xi32>
    %gather3A_506 = tpu.dynamic_gather %add3A_430[%gather3A_505] in [0] : vector<16xf32>, vector<16xi32> -> vector<16xf32>
    %get3A_507 = arith.constant 256 : index
    %get3A_508 = tpu.vector_load %arg9[%get3A_507] {strides = array<i32>} : memref<512xf32, #tpu.memory_space<vmem>>, vector<16xf32>,
    %mul3A_509 = arith.mulf %gather3A_506, %get3A_508 : vector<16xf32>
    %add3A_510 = arith.addf %add3A_494, %mul3A_509 : vector<16xf32>
    %broadcast_in_dim3A_511 = arith.constant 5 : i32
    %broadcast_in_dim3A_512 = vector.broadcast %broadcast_in_dim3A_511 : i32 to vector<16xi32>
    %lt3A_513 = arith.constant 0 : i32
    %lt3A_514 = vector.broadcast %lt3A_513 : i32 to vector<16xi32>
    %lt3A_515 = arith.cmpi slt, %broadcast_in_dim3A_512, %lt3A_514 : vector<16xi32>
    %add3A_516 = arith.constant 16 : i32
    %add3A_517 = vector.broadcast %add3A_516 : i32 to vector<16xi32>
    %add3A_518 = arith.addi %broadcast_in_dim3A_512, %add3A_517 : vector<16xi32>
    %select_n3A_519 = arith.select %lt3A_515, %add3A_518, %broadcast_in_dim3A_512 : vector<16xi1>, vector<16xi32>
    %broadcast_in_dim3A_520 = vector.shape_cast %select_n3A_519 : vector<16xi32> to vector<16x1xi32>
    %gather3A_521 = vector.shape_cast %broadcast_in_dim3A_520 : vector<16x1xi32> to vector<16xi32>
    %gather3A_522 = tpu.dynamic_gather %add3A_430[%gather3A_521] in [0] : vector<16xf32>, vector<16xi32> -> vector<16xf32>
    %get3A_523 = arith.constant 320 : index
    %get3A_524 = tpu.vector_load %arg9[%get3A_523] {strides = array<i32>} : memref<512xf32, #tpu.memory_space<vmem>>, vector<16xf32>,
    %mul3A_525 = arith.mulf %gather3A_522, %get3A_524 : vector<16xf32>
    %add3A_526 = arith.addf %add3A_510, %mul3A_525 : vector<16xf32>
    %broadcast_in_dim3A_527 = arith.constant 6 : i32
    %broadcast_in_dim3A_528 = vector.broadcast %broadcast_in_dim3A_527 : i32 to vector<16xi32>
    %lt3A_529 = arith.constant 0 : i32
    %lt3A_530 = vector.broadcast %lt3A_529 : i32 to vector<16xi32>
    %lt3A_531 = arith.cmpi slt, %broadcast_in_dim3A_528, %lt3A_530 : vector<16xi32>
    %add3A_532 = arith.constant 16 : i32
    %add3A_533 = vector.broadcast %add3A_532 : i32 to vector<16xi32>
    %add3A_534 = arith.addi %broadcast_in_dim3A_528, %add3A_533 : vector<16xi32>
    %select_n3A_535 = arith.select %lt3A_531, %add3A_534, %broadcast_in_dim3A_528 : vector<16xi1>, vector<16xi32>
    %broadcast_in_dim3A_536 = vector.shape_cast %select_n3A_535 : vector<16xi32> to vector<16x1xi32>
    %gather3A_537 = vector.shape_cast %broadcast_in_dim3A_536 : vector<16x1xi32> to vector<16xi32>
    %gather3A_538 = tpu.dynamic_gather %add3A_430[%gather3A_537] in [0] : vector<16xf32>, vector<16xi32> -> vector<16xf32>
    %get3A_539 = arith.constant 384 : index
    %get3A_540 = tpu.vector_load %arg9[%get3A_539] {strides = array<i32>} : memref<512xf32, #tpu.memory_space<vmem>>, vector<16xf32>,
    %mul3A_541 = arith.mulf %gather3A_538, %get3A_540 : vector<16xf32>
    %add3A_542 = arith.addf %add3A_526, %mul3A_541 : vector<16xf32>
    %broadcast_in_dim3A_543 = arith.constant 7 : i32
    %broadcast_in_dim3A_544 = vector.broadcast %broadcast_in_dim3A_543 : i32 to vector<16xi32>
    %lt3A_545 = arith.constant 0 : i32
    %lt3A_546 = vector.broadcast %lt3A_545 : i32 to vector<16xi32>
    %lt3A_547 = arith.cmpi slt, %broadcast_in_dim3A_544, %lt3A_546 : vector<16xi32>
    %add3A_548 = arith.constant 16 : i32
    %add3A_549 = vector.broadcast %add3A_548 : i32 to vector<16xi32>
    %add3A_550 = arith.addi %broadcast_in_dim3A_544, %add3A_549 : vector<16xi32>
    %select_n3A_551 = arith.select %lt3A_547, %add3A_550, %broadcast_in_dim3A_544 : vector<16xi1>, vector<16xi32>
    %broadcast_in_dim3A_552 = vector.shape_cast %select_n3A_551 : vector<16xi32> to vector<16x1xi32>
    %gather3A_553 = vector.shape_cast %broadcast_in_dim3A_552 : vector<16x1xi32> to vector<16xi32>
    %gather3A_554 = tpu.dynamic_gather %add3A_430[%gather3A_553] in [0] : vector<16xf32>, vector<16xi32> -> vector<16xf32>
    %get3A_555 = arith.constant 448 : index
    %get3A_556 = tpu.vector_load %arg9[%get3A_555] {strides = array<i32>} : memref<512xf32, #tpu.memory_space<vmem>>, vector<16xf32>,
    %mul3A_557 = arith.mulf %gather3A_554, %get3A_556 : vector<16xf32>
    %add3A_558 = arith.addf %add3A_542, %mul3A_557 : vector<16xf32>
    %swap3A_559 = arith.constant 0 : index
    %swap3A_560 = tpu.vector_load %arg13[%swap3A_559] {strides = array<i32>} : memref<64xf32, #tpu.memory_space<vmem>>, vector<16xf32>,
    tpu.vector_store %arg13[%swap3A_559], %add3A_558 {strides = array<i32>} : memref<64xf32, #tpu.memory_space<vmem>>, vector<16xf32>,
    %broadcast_in_dim3A_561 = arith.constant 0 : i32
    %broadcast_in_dim3A_562 = vector.broadcast %broadcast_in_dim3A_561 : i32 to vector<16xi32>
    %lt3A_563 = arith.constant 0 : i32
    %lt3A_564 = vector.broadcast %lt3A_563 : i32 to vector<16xi32>
    %lt3A_565 = arith.cmpi slt, %broadcast_in_dim3A_562, %lt3A_564 : vector<16xi32>
    %add3A_566 = arith.constant 16 : i32
    %add3A_567 = vector.broadcast %add3A_566 : i32 to vector<16xi32>
    %add3A_568 = arith.addi %broadcast_in_dim3A_562, %add3A_567 : vector<16xi32>
    %select_n3A_569 = arith.select %lt3A_565, %add3A_568, %broadcast_in_dim3A_562 : vector<16xi1>, vector<16xi32>
    %broadcast_in_dim3A_570 = vector.shape_cast %select_n3A_569 : vector<16xi32> to vector<16x1xi32>
    %gather3A_571 = vector.shape_cast %broadcast_in_dim3A_570 : vector<16x1xi32> to vector<16xi32>
    %gather3A_572 = tpu.dynamic_gather %add3A_558[%gather3A_571] in [0] : vector<16xf32>, vector<16xi32> -> vector<16xf32>
    %swap3A_573 = arith.constant 0 : index
    %swap3A_574 = tpu.vector_load %arg12[%swap3A_573] {strides = array<i32>} : memref<1024xf32, #tpu.memory_space<vmem>>, vector<16xf32>,
    tpu.vector_store %arg12[%swap3A_573], %gather3A_572 {strides = array<i32>} : memref<1024xf32, #tpu.memory_space<vmem>>, vector<16xf32>,
    %broadcast_in_dim3A_575 = arith.constant 1 : i32
    %broadcast_in_dim3A_576 = vector.broadcast %broadcast_in_dim3A_575 : i32 to vector<16xi32>
    %lt3A_577 = arith.constant 0 : i32
    %lt3A_578 = vector.broadcast %lt3A_577 : i32 to vector<16xi32>
    %lt3A_579 = arith.cmpi slt, %broadcast_in_dim3A_576, %lt3A_578 : vector<16xi32>
    %add3A_580 = arith.constant 16 : i32
    %add3A_581 = vector.broadcast %add3A_580 : i32 to vector<16xi32>
    %add3A_582 = arith.addi %broadcast_in_dim3A_576, %add3A_581 : vector<16xi32>
    %select_n3A_583 = arith.select %lt3A_579, %add3A_582, %broadcast_in_dim3A_576 : vector<16xi1>, vector<16xi32>
    %broadcast_in_dim3A_584 = vector.shape_cast %select_n3A_583 : vector<16xi32> to vector<16x1xi32>
    %gather3A_585 = vector.shape_cast %broadcast_in_dim3A_584 : vector<16x1xi32> to vector<16xi32>
    %gather3A_586 = tpu.dynamic_gather %add3A_558[%gather3A_585] in [0] : vector<16xf32>, vector<16xi32> -> vector<16xf32>
    %swap3A_587 = arith.constant 16 : index
    %swap3A_588 = tpu.vector_load %arg12[%swap3A_587] {strides = array<i32>} : memref<1024xf32, #tpu.memory_space<vmem>>, vector<16xf32>,
    tpu.vector_store %arg12[%swap3A_587], %gather3A_586 {strides = array<i32>} : memref<1024xf32, #tpu.memory_space<vmem>>, vector<16xf32>,
    %broadcast_in_dim3A_589 = arith.constant 2 : i32
    %broadcast_in_dim3A_590 = vector.broadcast %broadcast_in_dim3A_589 : i32 to vector<16xi32>
    %lt3A_591 = arith.constant 0 : i32
    %lt3A_592 = vector.broadcast %lt3A_591 : i32 to vector<16xi32>
    %lt3A_593 = arith.cmpi slt, %broadcast_in_dim3A_590, %lt3A_592 : vector<16xi32>
    %add3A_594 = arith.constant 16 : i32
    %add3A_595 = vector.broadcast %add3A_594 : i32 to vector<16xi32>
    %add3A_596 = arith.addi %broadcast_in_dim3A_590, %add3A_595 : vector<16xi32>
    %select_n3A_597 = arith.select %lt3A_593, %add3A_596, %broadcast_in_dim3A_590 : vector<16xi1>, vector<16xi32>
    %broadcast_in_dim3A_598 = vector.shape_cast %select_n3A_597 : vector<16xi32> to vector<16x1xi32>
    %gather3A_599 = vector.shape_cast %broadcast_in_dim3A_598 : vector<16x1xi32> to vector<16xi32>
    %gather3A_600 = tpu.dynamic_gather %add3A_558[%gather3A_599] in [0] : vector<16xf32>, vector<16xi32> -> vector<16xf32>
    %swap3A_601 = arith.constant 32 : index
    %swap3A_602 = tpu.vector_load %arg12[%swap3A_601] {strides = array<i32>} : memref<1024xf32, #tpu.memory_space<vmem>>, vector<16xf32>,
    tpu.vector_store %arg12[%swap3A_601], %gather3A_600 {strides = array<i32>} : memref<1024xf32, #tpu.memory_space<vmem>>, vector<16xf32>,
    %broadcast_in_dim3A_603 = arith.constant 3 : i32
    %broadcast_in_dim3A_604 = vector.broadcast %broadcast_in_dim3A_603 : i32 to vector<16xi32>
    %lt3A_605 = arith.constant 0 : i32
    %lt3A_606 = vector.broadcast %lt3A_605 : i32 to vector<16xi32>
    %lt3A_607 = arith.cmpi slt, %broadcast_in_dim3A_604, %lt3A_606 : vector<16xi32>
    %add3A_608 = arith.constant 16 : i32
    %add3A_609 = vector.broadcast %add3A_608 : i32 to vector<16xi32>
    %add3A_610 = arith.addi %broadcast_in_dim3A_604, %add3A_609 : vector<16xi32>
    %select_n3A_611 = arith.select %lt3A_607, %add3A_610, %broadcast_in_dim3A_604 : vector<16xi1>, vector<16xi32>
    %broadcast_in_dim3A_612 = vector.shape_cast %select_n3A_611 : vector<16xi32> to vector<16x1xi32>
    %gather3A_613 = vector.shape_cast %broadcast_in_dim3A_612 : vector<16x1xi32> to vector<16xi32>
    %gather3A_614 = tpu.dynamic_gather %add3A_558[%gather3A_613] in [0] : vector<16xf32>, vector<16xi32> -> vector<16xf32>
    %swap3A_615 = arith.constant 48 : index
    %swap3A_616 = tpu.vector_load %arg12[%swap3A_615] {strides = array<i32>} : memref<1024xf32, #tpu.memory_space<vmem>>, vector<16xf32>,
    tpu.vector_store %arg12[%swap3A_615], %gather3A_614 {strides = array<i32>} : memref<1024xf32, #tpu.memory_space<vmem>>, vector<16xf32>,
    %broadcast_in_dim3A_617 = arith.constant 4 : i32
    %broadcast_in_dim3A_618 = vector.broadcast %broadcast_in_dim3A_617 : i32 to vector<16xi32>
    %lt3A_619 = arith.constant 0 : i32
    %lt3A_620 = vector.broadcast %lt3A_619 : i32 to vector<16xi32>
    %lt3A_621 = arith.cmpi slt, %broadcast_in_dim3A_618, %lt3A_620 : vector<16xi32>
    %add3A_622 = arith.constant 16 : i32
    %add3A_623 = vector.broadcast %add3A_622 : i32 to vector<16xi32>
    %add3A_624 = arith.addi %broadcast_in_dim3A_618, %add3A_623 : vector<16xi32>
    %select_n3A_625 = arith.select %lt3A_621, %add3A_624, %broadcast_in_dim3A_618 : vector<16xi1>, vector<16xi32>
    %broadcast_in_dim3A_626 = vector.shape_cast %select_n3A_625 : vector<16xi32> to vector<16x1xi32>
    %gather3A_627 = vector.shape_cast %broadcast_in_dim3A_626 : vector<16x1xi32> to vector<16xi32>
    %gather3A_628 = tpu.dynamic_gather %add3A_558[%gather3A_627] in [0] : vector<16xf32>, vector<16xi32> -> vector<16xf32>
    %swap3A_629 = arith.constant 64 : index
    %swap3A_630 = tpu.vector_load %arg12[%swap3A_629] {strides = array<i32>} : memref<1024xf32, #tpu.memory_space<vmem>>, vector<16xf32>,
    tpu.vector_store %arg12[%swap3A_629], %gather3A_628 {strides = array<i32>} : memref<1024xf32, #tpu.memory_space<vmem>>, vector<16xf32>,
    %broadcast_in_dim3A_631 = arith.constant 5 : i32
    %broadcast_in_dim3A_632 = vector.broadcast %broadcast_in_dim3A_631 : i32 to vector<16xi32>
    %lt3A_633 = arith.constant 0 : i32
    %lt3A_634 = vector.broadcast %lt3A_633 : i32 to vector<16xi32>
    %lt3A_635 = arith.cmpi slt, %broadcast_in_dim3A_632, %lt3A_634 : vector<16xi32>
    %add3A_636 = arith.constant 16 : i32
    %add3A_637 = vector.broadcast %add3A_636 : i32 to vector<16xi32>
    %add3A_638 = arith.addi %broadcast_in_dim3A_632, %add3A_637 : vector<16xi32>
    %select_n3A_639 = arith.select %lt3A_635, %add3A_638, %broadcast_in_dim3A_632 : vector<16xi1>, vector<16xi32>
    %broadcast_in_dim3A_640 = vector.shape_cast %select_n3A_639 : vector<16xi32> to vector<16x1xi32>
    %gather3A_641 = vector.shape_cast %broadcast_in_dim3A_640 : vector<16x1xi32> to vector<16xi32>
    %gather3A_642 = tpu.dynamic_gather %add3A_558[%gather3A_641] in [0] : vector<16xf32>, vector<16xi32> -> vector<16xf32>
    %swap3A_643 = arith.constant 80 : index
    %swap3A_644 = tpu.vector_load %arg12[%swap3A_643] {strides = array<i32>} : memref<1024xf32, #tpu.memory_space<vmem>>, vector<16xf32>,
    tpu.vector_store %arg12[%swap3A_643], %gather3A_642 {strides = array<i32>} : memref<1024xf32, #tpu.memory_space<vmem>>, vector<16xf32>,
    %broadcast_in_dim3A_645 = arith.constant 6 : i32
    %broadcast_in_dim3A_646 = vector.broadcast %broadcast_in_dim3A_645 : i32 to vector<16xi32>
    %lt3A_647 = arith.constant 0 : i32
    %lt3A_648 = vector.broadcast %lt3A_647 : i32 to vector<16xi32>
    %lt3A_649 = arith.cmpi slt, %broadcast_in_dim3A_646, %lt3A_648 : vector<16xi32>
    %add3A_650 = arith.constant 16 : i32
    %add3A_651 = vector.broadcast %add3A_650 : i32 to vector<16xi32>
    %add3A_652 = arith.addi %broadcast_in_dim3A_646, %add3A_651 : vector<16xi32>
    %select_n3A_653 = arith.select %lt3A_649, %add3A_652, %broadcast_in_dim3A_646 : vector<16xi1>, vector<16xi32>
    %broadcast_in_dim3A_654 = vector.shape_cast %select_n3A_653 : vector<16xi32> to vector<16x1xi32>
    %gather3A_655 = vector.shape_cast %broadcast_in_dim3A_654 : vector<16x1xi32> to vector<16xi32>
    %gather3A_656 = tpu.dynamic_gather %add3A_558[%gather3A_655] in [0] : vector<16xf32>, vector<16xi32> -> vector<16xf32>
    %swap3A_657 = arith.constant 96 : index
    %swap3A_658 = tpu.vector_load %arg12[%swap3A_657] {strides = array<i32>} : memref<1024xf32, #tpu.memory_space<vmem>>, vector<16xf32>,
    tpu.vector_store %arg12[%swap3A_657], %gather3A_656 {strides = array<i32>} : memref<1024xf32, #tpu.memory_space<vmem>>, vector<16xf32>,
    %broadcast_in_dim3A_659 = arith.constant 7 : i32
    %broadcast_in_dim3A_660 = vector.broadcast %broadcast_in_dim3A_659 : i32 to vector<16xi32>
    %lt3A_661 = arith.constant 0 : i32
    %lt3A_662 = vector.broadcast %lt3A_661 : i32 to vector<16xi32>
    %lt3A_663 = arith.cmpi slt, %broadcast_in_dim3A_660, %lt3A_662 : vector<16xi32>
    %add3A_664 = arith.constant 16 : i32
    %add3A_665 = vector.broadcast %add3A_664 : i32 to vector<16xi32>
    %add3A_666 = arith.addi %broadcast_in_dim3A_660, %add3A_665 : vector<16xi32>
    %select_n3A_667 = arith.select %lt3A_663, %add3A_666, %broadcast_in_dim3A_660 : vector<16xi1>, vector<16xi32>
    %broadcast_in_dim3A_668 = vector.shape_cast %select_n3A_667 : vector<16xi32> to vector<16x1xi32>
    %gather3A_669 = vector.shape_cast %broadcast_in_dim3A_668 : vector<16x1xi32> to vector<16xi32>
    %gather3A_670 = tpu.dynamic_gather %add3A_558[%gather3A_669] in [0] : vector<16xf32>, vector<16xi32> -> vector<16xf32>
    %swap3A_671 = arith.constant 112 : index
    %swap3A_672 = tpu.vector_load %arg12[%swap3A_671] {strides = array<i32>} : memref<1024xf32, #tpu.memory_space<vmem>>, vector<16xf32>,
    tpu.vector_store %arg12[%swap3A_671], %gather3A_670 {strides = array<i32>} : memref<1024xf32, #tpu.memory_space<vmem>>, vector<16xf32>,
    %broadcast_in_dim3A_673 = arith.constant 8 : i32
    %broadcast_in_dim3A_674 = vector.broadcast %broadcast_in_dim3A_673 : i32 to vector<16xi32>
    %lt3A_675 = arith.constant 0 : i32
    %lt3A_676 = vector.broadcast %lt3A_675 : i32 to vector<16xi32>
    %lt3A_677 = arith.cmpi slt, %broadcast_in_dim3A_674, %lt3A_676 : vector<16xi32>
    %add3A_678 = arith.constant 16 : i32
    %add3A_679 = vector.broadcast %add3A_678 : i32 to vector<16xi32>
    %add3A_680 = arith.addi %broadcast_in_dim3A_674, %add3A_679 : vector<16xi32>
    %select_n3A_681 = arith.select %lt3A_677, %add3A_680, %broadcast_in_dim3A_674 : vector<16xi1>, vector<16xi32>
    %broadcast_in_dim3A_682 = vector.shape_cast %select_n3A_681 : vector<16xi32> to vector<16x1xi32>
    %gather3A_683 = vector.shape_cast %broadcast_in_dim3A_682 : vector<16x1xi32> to vector<16xi32>
    %gather3A_684 = tpu.dynamic_gather %add3A_558[%gather3A_683] in [0] : vector<16xf32>, vector<16xi32> -> vector<16xf32>
    %swap3A_685 = arith.constant 128 : index
    %swap3A_686 = tpu.vector_load %arg12[%swap3A_685] {strides = array<i32>} : memref<1024xf32, #tpu.memory_space<vmem>>, vector<16xf32>,
    tpu.vector_store %arg12[%swap3A_685], %gather3A_684 {strides = array<i32>} : memref<1024xf32, #tpu.memory_space<vmem>>, vector<16xf32>,
    %broadcast_in_dim3A_687 = arith.constant 9 : i32
    %broadcast_in_dim3A_688 = vector.broadcast %broadcast_in_dim3A_687 : i32 to vector<16xi32>
    %lt3A_689 = arith.constant 0 : i32
    %lt3A_690 = vector.broadcast %lt3A_689 : i32 to vector<16xi32>
    %lt3A_691 = arith.cmpi slt, %broadcast_in_dim3A_688, %lt3A_690 : vector<16xi32>
    %add3A_692 = arith.constant 16 : i32
    %add3A_693 = vector.broadcast %add3A_692 : i32 to vector<16xi32>
    %add3A_694 = arith.addi %broadcast_in_dim3A_688, %add3A_693 : vector<16xi32>
    %select_n3A_695 = arith.select %lt3A_691, %add3A_694, %broadcast_in_dim3A_688 : vector<16xi1>, vector<16xi32>
    %broadcast_in_dim3A_696 = vector.shape_cast %select_n3A_695 : vector<16xi32> to vector<16x1xi32>
    %gather3A_697 = vector.shape_cast %broadcast_in_dim3A_696 : vector<16x1xi32> to vector<16xi32>
    %gather3A_698 = tpu.dynamic_gather %add3A_558[%gather3A_697] in [0] : vector<16xf32>, vector<16xi32> -> vector<16xf32>
    %swap3A_699 = arith.constant 144 : index
    %swap3A_700 = tpu.vector_load %arg12[%swap3A_699] {strides = array<i32>} : memref<1024xf32, #tpu.memory_space<vmem>>, vector<16xf32>,
    tpu.vector_store %arg12[%swap3A_699], %gather3A_698 {strides = array<i32>} : memref<1024xf32, #tpu.memory_space<vmem>>, vector<16xf32>,
    %broadcast_in_dim3A_701 = arith.constant 10 : i32
    %broadcast_in_dim3A_702 = vector.broadcast %broadcast_in_dim3A_701 : i32 to vector<16xi32>
    %lt3A_703 = arith.constant 0 : i32
    %lt3A_704 = vector.broadcast %lt3A_703 : i32 to vector<16xi32>
    %lt3A_705 = arith.cmpi slt, %broadcast_in_dim3A_702, %lt3A_704 : vector<16xi32>
    %add3A_706 = arith.constant 16 : i32
    %add3A_707 = vector.broadcast %add3A_706 : i32 to vector<16xi32>
    %add3A_708 = arith.addi %broadcast_in_dim3A_702, %add3A_707 : vector<16xi32>
    %select_n3A_709 = arith.select %lt3A_705, %add3A_708, %broadcast_in_dim3A_702 : vector<16xi1>, vector<16xi32>
    %broadcast_in_dim3A_710 = vector.shape_cast %select_n3A_709 : vector<16xi32> to vector<16x1xi32>
    %gather3A_711 = vector.shape_cast %broadcast_in_dim3A_710 : vector<16x1xi32> to vector<16xi32>
    %gather3A_712 = tpu.dynamic_gather %add3A_558[%gather3A_711] in [0] : vector<16xf32>, vector<16xi32> -> vector<16xf32>
    %swap3A_713 = arith.constant 160 : index
    %swap3A_714 = tpu.vector_load %arg12[%swap3A_713] {strides = array<i32>} : memref<1024xf32, #tpu.memory_space<vmem>>, vector<16xf32>,
    tpu.vector_store %arg12[%swap3A_713], %gather3A_712 {strides = array<i32>} : memref<1024xf32, #tpu.memory_space<vmem>>, vector<16xf32>,
    %broadcast_in_dim3A_715 = arith.constant 11 : i32
    %broadcast_in_dim3A_716 = vector.broadcast %broadcast_in_dim3A_715 : i32 to vector<16xi32>
    %lt3A_717 = arith.constant 0 : i32
    %lt3A_718 = vector.broadcast %lt3A_717 : i32 to vector<16xi32>
    %lt3A_719 = arith.cmpi slt, %broadcast_in_dim3A_716, %lt3A_718 : vector<16xi32>
    %add3A_720 = arith.constant 16 : i32
    %add3A_721 = vector.broadcast %add3A_720 : i32 to vector<16xi32>
    %add3A_722 = arith.addi %broadcast_in_dim3A_716, %add3A_721 : vector<16xi32>
    %select_n3A_723 = arith.select %lt3A_719, %add3A_722, %broadcast_in_dim3A_716 : vector<16xi1>, vector<16xi32>
    %broadcast_in_dim3A_724 = vector.shape_cast %select_n3A_723 : vector<16xi32> to vector<16x1xi32>
    %gather3A_725 = vector.shape_cast %broadcast_in_dim3A_724 : vector<16x1xi32> to vector<16xi32>
    %gather3A_726 = tpu.dynamic_gather %add3A_558[%gather3A_725] in [0] : vector<16xf32>, vector<16xi32> -> vector<16xf32>
    %swap3A_727 = arith.constant 176 : index
    %swap3A_728 = tpu.vector_load %arg12[%swap3A_727] {strides = array<i32>} : memref<1024xf32, #tpu.memory_space<vmem>>, vector<16xf32>,
    tpu.vector_store %arg12[%swap3A_727], %gather3A_726 {strides = array<i32>} : memref<1024xf32, #tpu.memory_space<vmem>>, vector<16xf32>,
    %broadcast_in_dim3A_729 = arith.constant 12 : i32
    %broadcast_in_dim3A_730 = vector.broadcast %broadcast_in_dim3A_729 : i32 to vector<16xi32>
    %lt3A_731 = arith.constant 0 : i32
    %lt3A_732 = vector.broadcast %lt3A_731 : i32 to vector<16xi32>
    %lt3A_733 = arith.cmpi slt, %broadcast_in_dim3A_730, %lt3A_732 : vector<16xi32>
    %add3A_734 = arith.constant 16 : i32
    %add3A_735 = vector.broadcast %add3A_734 : i32 to vector<16xi32>
    %add3A_736 = arith.addi %broadcast_in_dim3A_730, %add3A_735 : vector<16xi32>
    %select_n3A_737 = arith.select %lt3A_733, %add3A_736, %broadcast_in_dim3A_730 : vector<16xi1>, vector<16xi32>
    %broadcast_in_dim3A_738 = vector.shape_cast %select_n3A_737 : vector<16xi32> to vector<16x1xi32>
    %gather3A_739 = vector.shape_cast %broadcast_in_dim3A_738 : vector<16x1xi32> to vector<16xi32>
    %gather3A_740 = tpu.dynamic_gather %add3A_558[%gather3A_739] in [0] : vector<16xf32>, vector<16xi32> -> vector<16xf32>
    %swap3A_741 = arith.constant 192 : index
    %swap3A_742 = tpu.vector_load %arg12[%swap3A_741] {strides = array<i32>} : memref<1024xf32, #tpu.memory_space<vmem>>, vector<16xf32>,
    tpu.vector_store %arg12[%swap3A_741], %gather3A_740 {strides = array<i32>} : memref<1024xf32, #tpu.memory_space<vmem>>, vector<16xf32>,
    %broadcast_in_dim3A_743 = arith.constant 13 : i32
    %broadcast_in_dim3A_744 = vector.broadcast %broadcast_in_dim3A_743 : i32 to vector<16xi32>
    %lt3A_745 = arith.constant 0 : i32
    %lt3A_746 = vector.broadcast %lt3A_745 : i32 to vector<16xi32>
    %lt3A_747 = arith.cmpi slt, %broadcast_in_dim3A_744, %lt3A_746 : vector<16xi32>
    %add3A_748 = arith.constant 16 : i32
    %add3A_749 = vector.broadcast %add3A_748 : i32 to vector<16xi32>
    %add3A_750 = arith.addi %broadcast_in_dim3A_744, %add3A_749 : vector<16xi32>
    %select_n3A_751 = arith.select %lt3A_747, %add3A_750, %broadcast_in_dim3A_744 : vector<16xi1>, vector<16xi32>
    %broadcast_in_dim3A_752 = vector.shape_cast %select_n3A_751 : vector<16xi32> to vector<16x1xi32>
    %gather3A_753 = vector.shape_cast %broadcast_in_dim3A_752 : vector<16x1xi32> to vector<16xi32>
    %gather3A_754 = tpu.dynamic_gather %add3A_558[%gather3A_753] in [0] : vector<16xf32>, vector<16xi32> -> vector<16xf32>
    %swap3A_755 = arith.constant 208 : index
    %swap3A_756 = tpu.vector_load %arg12[%swap3A_755] {strides = array<i32>} : memref<1024xf32, #tpu.memory_space<vmem>>, vector<16xf32>,
    tpu.vector_store %arg12[%swap3A_755], %gather3A_754 {strides = array<i32>} : memref<1024xf32, #tpu.memory_space<vmem>>, vector<16xf32>,
    %broadcast_in_dim3A_757 = arith.constant 14 : i32
    %broadcast_in_dim3A_758 = vector.broadcast %broadcast_in_dim3A_757 : i32 to vector<16xi32>
    %lt3A_759 = arith.constant 0 : i32
    %lt3A_760 = vector.broadcast %lt3A_759 : i32 to vector<16xi32>
    %lt3A_761 = arith.cmpi slt, %broadcast_in_dim3A_758, %lt3A_760 : vector<16xi32>
    %add3A_762 = arith.constant 16 : i32
    %add3A_763 = vector.broadcast %add3A_762 : i32 to vector<16xi32>
    %add3A_764 = arith.addi %broadcast_in_dim3A_758, %add3A_763 : vector<16xi32>
    %select_n3A_765 = arith.select %lt3A_761, %add3A_764, %broadcast_in_dim3A_758 : vector<16xi1>, vector<16xi32>
    %broadcast_in_dim3A_766 = vector.shape_cast %select_n3A_765 : vector<16xi32> to vector<16x1xi32>
    %gather3A_767 = vector.shape_cast %broadcast_in_dim3A_766 : vector<16x1xi32> to vector<16xi32>
    %gather3A_768 = tpu.dynamic_gather %add3A_558[%gather3A_767] in [0] : vector<16xf32>, vector<16xi32> -> vector<16xf32>
    %swap3A_769 = arith.constant 224 : index
    %swap3A_770 = tpu.vector_load %arg12[%swap3A_769] {strides = array<i32>} : memref<1024xf32, #tpu.memory_space<vmem>>, vector<16xf32>,
    tpu.vector_store %arg12[%swap3A_769], %gather3A_768 {strides = array<i32>} : memref<1024xf32, #tpu.memory_space<vmem>>, vector<16xf32>,
    %broadcast_in_dim3A_771 = arith.constant 15 : i32
    %broadcast_in_dim3A_772 = vector.broadcast %broadcast_in_dim3A_771 : i32 to vector<16xi32>
    %lt3A_773 = arith.constant 0 : i32
    %lt3A_774 = vector.broadcast %lt3A_773 : i32 to vector<16xi32>
    %lt3A_775 = arith.cmpi slt, %broadcast_in_dim3A_772, %lt3A_774 : vector<16xi32>
    %add3A_776 = arith.constant 16 : i32
    %add3A_777 = vector.broadcast %add3A_776 : i32 to vector<16xi32>
    %add3A_778 = arith.addi %broadcast_in_dim3A_772, %add3A_777 : vector<16xi32>
    %select_n3A_779 = arith.select %lt3A_775, %add3A_778, %broadcast_in_dim3A_772 : vector<16xi1>, vector<16xi32>
    %broadcast_in_dim3A_780 = vector.shape_cast %select_n3A_779 : vector<16xi32> to vector<16x1xi32>
    %gather3A_781 = vector.shape_cast %broadcast_in_dim3A_780 : vector<16x1xi32> to vector<16xi32>
    %gather3A_782 = tpu.dynamic_gather %add3A_558[%gather3A_781] in [0] : vector<16xf32>, vector<16xi32> -> vector<16xf32>
    %swap3A_783 = arith.constant 240 : index
    %swap3A_784 = tpu.vector_load %arg12[%swap3A_783] {strides = array<i32>} : memref<1024xf32, #tpu.memory_space<vmem>>, vector<16xf32>,
    tpu.vector_store %arg12[%swap3A_783], %gather3A_782 {strides = array<i32>} : memref<1024xf32, #tpu.memory_space<vmem>>, vector<16xf32>,
    %broadcast_in_dim3A_785 = arith.constant 0 : i32
    %broadcast_in_dim3A_786 = vector.broadcast %broadcast_in_dim3A_785 : i32 to vector<16xi32>
    %lt3A_787 = arith.constant 0 : i32
    %lt3A_788 = vector.broadcast %lt3A_787 : i32 to vector<16xi32>
    %lt3A_789 = arith.cmpi slt, %broadcast_in_dim3A_786, %lt3A_788 : vector<16xi32>
    %add3A_790 = arith.constant 16 : i32
    %add3A_791 = vector.broadcast %add3A_790 : i32 to vector<16xi32>
    %add3A_792 = arith.addi %broadcast_in_dim3A_786, %add3A_791 : vector<16xi32>
    %select_n3A_793 = arith.select %lt3A_789, %add3A_792, %broadcast_in_dim3A_786 : vector<16xi1>, vector<16xi32>
    %broadcast_in_dim3A_794 = vector.shape_cast %select_n3A_793 : vector<16xi32> to vector<16x1xi32>
    %gather3A_795 = vector.shape_cast %broadcast_in_dim3A_794 : vector<16x1xi32> to vector<16xi32>
    %gather3A_796 = tpu.dynamic_gather %add3A_430[%gather3A_795] in [0] : vector<16xf32>, vector<16xi32> -> vector<16xf32>
    %get3A_797 = arith.constant 16 : index
    %get3A_798 = tpu.vector_load %arg9[%get3A_797] {strides = array<i32>} : memref<512xf32, #tpu.memory_space<vmem>>, vector<16xf32>,
    %mul3A_799 = arith.mulf %gather3A_796, %get3A_798 : vector<16xf32>
    %add3A_800 = arith.addf %broadcast_in_dim3A_1, %mul3A_799 : vector<16xf32>
    %broadcast_in_dim3A_801 = arith.constant 1 : i32
    %broadcast_in_dim3A_802 = vector.broadcast %broadcast_in_dim3A_801 : i32 to vector<16xi32>
    %lt3A_803 = arith.constant 0 : i32
    %lt3A_804 = vector.broadcast %lt3A_803 : i32 to vector<16xi32>
    %lt3A_805 = arith.cmpi slt, %broadcast_in_dim3A_802, %lt3A_804 : vector<16xi32>
    %add3A_806 = arith.constant 16 : i32
    %add3A_807 = vector.broadcast %add3A_806 : i32 to vector<16xi32>
    %add3A_808 = arith.addi %broadcast_in_dim3A_802, %add3A_807 : vector<16xi32>
    %select_n3A_809 = arith.select %lt3A_805, %add3A_808, %broadcast_in_dim3A_802 : vector<16xi1>, vector<16xi32>
    %broadcast_in_dim3A_810 = vector.shape_cast %select_n3A_809 : vector<16xi32> to vector<16x1xi32>
    %gather3A_811 = vector.shape_cast %broadcast_in_dim3A_810 : vector<16x1xi32> to vector<16xi32>
    %gather3A_812 = tpu.dynamic_gather %add3A_430[%gather3A_811] in [0] : vector<16xf32>, vector<16xi32> -> vector<16xf32>
    %get3A_813 = arith.constant 80 : index
    %get3A_814 = tpu.vector_load %arg9[%get3A_813] {strides = array<i32>} : memref<512xf32, #tpu.memory_space<vmem>>, vector<16xf32>,
    %mul3A_815 = arith.mulf %gather3A_812, %get3A_814 : vector<16xf32>
    %add3A_816 = arith.addf %add3A_800, %mul3A_815 : vector<16xf32>
    %broadcast_in_dim3A_817 = arith.constant 2 : i32
    %broadcast_in_dim3A_818 = vector.broadcast %broadcast_in_dim3A_817 : i32 to vector<16xi32>
    %lt3A_819 = arith.constant 0 : i32
    %lt3A_820 = vector.broadcast %lt3A_819 : i32 to vector<16xi32>
    %lt3A_821 = arith.cmpi slt, %broadcast_in_dim3A_818, %lt3A_820 : vector<16xi32>
    %add3A_822 = arith.constant 16 : i32
    %add3A_823 = vector.broadcast %add3A_822 : i32 to vector<16xi32>
    %add3A_824 = arith.addi %broadcast_in_dim3A_818, %add3A_823 : vector<16xi32>
    %select_n3A_825 = arith.select %lt3A_821, %add3A_824, %broadcast_in_dim3A_818 : vector<16xi1>, vector<16xi32>
    %broadcast_in_dim3A_826 = vector.shape_cast %select_n3A_825 : vector<16xi32> to vector<16x1xi32>
    %gather3A_827 = vector.shape_cast %broadcast_in_dim3A_826 : vector<16x1xi32> to vector<16xi32>
    %gather3A_828 = tpu.dynamic_gather %add3A_430[%gather3A_827] in [0] : vector<16xf32>, vector<16xi32> -> vector<16xf32>
    %get3A_829 = arith.constant 144 : index
    %get3A_830 = tpu.vector_load %arg9[%get3A_829] {strides = array<i32>} : memref<512xf32, #tpu.memory_space<vmem>>, vector<16xf32>,
    %mul3A_831 = arith.mulf %gather3A_828, %get3A_830 : vector<16xf32>
    %add3A_832 = arith.addf %add3A_816, %mul3A_831 : vector<16xf32>
    %broadcast_in_dim3A_833 = arith.constant 3 : i32
    %broadcast_in_dim3A_834 = vector.broadcast %broadcast_in_dim3A_833 : i32 to vector<16xi32>
    %lt3A_835 = arith.constant 0 : i32
    %lt3A_836 = vector.broadcast %lt3A_835 : i32 to vector<16xi32>
    %lt3A_837 = arith.cmpi slt, %broadcast_in_dim3A_834, %lt3A_836 : vector<16xi32>
    %add3A_838 = arith.constant 16 : i32
    %add3A_839 = vector.broadcast %add3A_838 : i32 to vector<16xi32>
    %add3A_840 = arith.addi %broadcast_in_dim3A_834, %add3A_839 : vector<16xi32>
    %select_n3A_841 = arith.select %lt3A_837, %add3A_840, %broadcast_in_dim3A_834 : vector<16xi1>, vector<16xi32>
    %broadcast_in_dim3A_842 = vector.shape_cast %select_n3A_841 : vector<16xi32> to vector<16x1xi32>
    %gather3A_843 = vector.shape_cast %broadcast_in_dim3A_842 : vector<16x1xi32> to vector<16xi32>
    %gather3A_844 = tpu.dynamic_gather %add3A_430[%gather3A_843] in [0] : vector<16xf32>, vector<16xi32> -> vector<16xf32>
    %get3A_845 = arith.constant 208 : index
    %get3A_846 = tpu.vector_load %arg9[%get3A_845] {strides = array<i32>} : memref<512xf32, #tpu.memory_space<vmem>>, vector<16xf32>,
    %mul3A_847 = arith.mulf %gather3A_844, %get3A_846 : vector<16xf32>
    %add3A_848 = arith.addf %add3A_832, %mul3A_847 : vector<16xf32>
    %broadcast_in_dim3A_849 = arith.constant 4 : i32
    %broadcast_in_dim3A_850 = vector.broadcast %broadcast_in_dim3A_849 : i32 to vector<16xi32>
    %lt3A_851 = arith.constant 0 : i32
    %lt3A_852 = vector.broadcast %lt3A_851 : i32 to vector<16xi32>
    %lt3A_853 = arith.cmpi slt, %broadcast_in_dim3A_850, %lt3A_852 : vector<16xi32>
    %add3A_854 = arith.constant 16 : i32
    %add3A_855 = vector.broadcast %add3A_854 : i32 to vector<16xi32>
    %add3A_856 = arith.addi %broadcast_in_dim3A_850, %add3A_855 : vector<16xi32>
    %select_n3A_857 = arith.select %lt3A_853, %add3A_856, %broadcast_in_dim3A_850 : vector<16xi1>, vector<16xi32>
    %broadcast_in_dim3A_858 = vector.shape_cast %select_n3A_857 : vector<16xi32> to vector<16x1xi32>
    %gather3A_859 = vector.shape_cast %broadcast_in_dim3A_858 : vector<16x1xi32> to vector<16xi32>
    %gather3A_860 = tpu.dynamic_gather %add3A_430[%gather3A_859] in [0] : vector<16xf32>, vector<16xi32> -> vector<16xf32>
    %get3A_861 = arith.constant 272 : index
    %get3A_862 = tpu.vector_load %arg9[%get3A_861] {strides = array<i32>} : memref<512xf32, #tpu.memory_space<vmem>>, vector<16xf32>,
    %mul3A_863 = arith.mulf %gather3A_860, %get3A_862 : vector<16xf32>
    %add3A_864 = arith.addf %add3A_848, %mul3A_863 : vector<16xf32>
    %broadcast_in_dim3A_865 = arith.constant 5 : i32
    %broadcast_in_dim3A_866 = vector.broadcast %broadcast_in_dim3A_865 : i32 to vector<16xi32>
    %lt3A_867 = arith.constant 0 : i32
    %lt3A_868 = vector.broadcast %lt3A_867 : i32 to vector<16xi32>
    %lt3A_869 = arith.cmpi slt, %broadcast_in_dim3A_866, %lt3A_868 : vector<16xi32>
    %add3A_870 = arith.constant 16 : i32
    %add3A_871 = vector.broadcast %add3A_870 : i32 to vector<16xi32>
    %add3A_872 = arith.addi %broadcast_in_dim3A_866, %add3A_871 : vector<16xi32>
    %select_n3A_873 = arith.select %lt3A_869, %add3A_872, %broadcast_in_dim3A_866 : vector<16xi1>, vector<16xi32>
    %broadcast_in_dim3A_874 = vector.shape_cast %select_n3A_873 : vector<16xi32> to vector<16x1xi32>
    %gather3A_875 = vector.shape_cast %broadcast_in_dim3A_874 : vector<16x1xi32> to vector<16xi32>
    %gather3A_876 = tpu.dynamic_gather %add3A_430[%gather3A_875] in [0] : vector<16xf32>, vector<16xi32> -> vector<16xf32>
    %get3A_877 = arith.constant 336 : index
    %get3A_878 = tpu.vector_load %arg9[%get3A_877] {strides = array<i32>} : memref<512xf32, #tpu.memory_space<vmem>>, vector<16xf32>,
    %mul3A_879 = arith.mulf %gather3A_876, %get3A_878 : vector<16xf32>
    %add3A_880 = arith.addf %add3A_864, %mul3A_879 : vector<16xf32>
    %broadcast_in_dim3A_881 = arith.constant 6 : i32
    %broadcast_in_dim3A_882 = vector.broadcast %broadcast_in_dim3A_881 : i32 to vector<16xi32>
    %lt3A_883 = arith.constant 0 : i32
    %lt3A_884 = vector.broadcast %lt3A_883 : i32 to vector<16xi32>
    %lt3A_885 = arith.cmpi slt, %broadcast_in_dim3A_882, %lt3A_884 : vector<16xi32>
    %add3A_886 = arith.constant 16 : i32
    %add3A_887 = vector.broadcast %add3A_886 : i32 to vector<16xi32>
    %add3A_888 = arith.addi %broadcast_in_dim3A_882, %add3A_887 : vector<16xi32>
    %select_n3A_889 = arith.select %lt3A_885, %add3A_888, %broadcast_in_dim3A_882 : vector<16xi1>, vector<16xi32>
    %broadcast_in_dim3A_890 = vector.shape_cast %select_n3A_889 : vector<16xi32> to vector<16x1xi32>
    %gather3A_891 = vector.shape_cast %broadcast_in_dim3A_890 : vector<16x1xi32> to vector<16xi32>
    %gather3A_892 = tpu.dynamic_gather %add3A_430[%gather3A_891] in [0] : vector<16xf32>, vector<16xi32> -> vector<16xf32>
    %get3A_893 = arith.constant 400 : index
    %get3A_894 = tpu.vector_load %arg9[%get3A_893] {strides = array<i32>} : memref<512xf32, #tpu.memory_space<vmem>>, vector<16xf32>,
    %mul3A_895 = arith.mulf %gather3A_892, %get3A_894 : vector<16xf32>
    %add3A_896 = arith.addf %add3A_880, %mul3A_895 : vector<16xf32>
    %broadcast_in_dim3A_897 = arith.constant 7 : i32
    %broadcast_in_dim3A_898 = vector.broadcast %broadcast_in_dim3A_897 : i32 to vector<16xi32>
    %lt3A_899 = arith.constant 0 : i32
    %lt3A_900 = vector.broadcast %lt3A_899 : i32 to vector<16xi32>
    %lt3A_901 = arith.cmpi slt, %broadcast_in_dim3A_898, %lt3A_900 : vector<16xi32>
    %add3A_902 = arith.constant 16 : i32
    %add3A_903 = vector.broadcast %add3A_902 : i32 to vector<16xi32>
    %add3A_904 = arith.addi %broadcast_in_dim3A_898, %add3A_903 : vector<16xi32>
    %select_n3A_905 = arith.select %lt3A_901, %add3A_904, %broadcast_in_dim3A_898 : vector<16xi1>, vector<16xi32>
    %broadcast_in_dim3A_906 = vector.shape_cast %select_n3A_905 : vector<16xi32> to vector<16x1xi32>
    %gather3A_907 = vector.shape_cast %broadcast_in_dim3A_906 : vector<16x1xi32> to vector<16xi32>
    %gather3A_908 = tpu.dynamic_gather %add3A_430[%gather3A_907] in [0] : vector<16xf32>, vector<16xi32> -> vector<16xf32>
    %get3A_909 = arith.constant 464 : index
    %get3A_910 = tpu.vector_load %arg9[%get3A_909] {strides = array<i32>} : memref<512xf32, #tpu.memory_space<vmem>>, vector<16xf32>,
    %mul3A_911 = arith.mulf %gather3A_908, %get3A_910 : vector<16xf32>
    %add3A_912 = arith.addf %add3A_896, %mul3A_911 : vector<16xf32>
    %swap3A_913 = arith.constant 16 : index
    %swap3A_914 = tpu.vector_load %arg13[%swap3A_913] {strides = array<i32>} : memref<64xf32, #tpu.memory_space<vmem>>, vector<16xf32>,
    tpu.vector_store %arg13[%swap3A_913], %add3A_912 {strides = array<i32>} : memref<64xf32, #tpu.memory_space<vmem>>, vector<16xf32>,
    %broadcast_in_dim3A_915 = arith.constant 0 : i32
    %broadcast_in_dim3A_916 = vector.broadcast %broadcast_in_dim3A_915 : i32 to vector<16xi32>
    %lt3A_917 = arith.constant 0 : i32
    %lt3A_918 = vector.broadcast %lt3A_917 : i32 to vector<16xi32>
    %lt3A_919 = arith.cmpi slt, %broadcast_in_dim3A_916, %lt3A_918 : vector<16xi32>
    %add3A_920 = arith.constant 16 : i32
    %add3A_921 = vector.broadcast %add3A_920 : i32 to vector<16xi32>
    %add3A_922 = arith.addi %broadcast_in_dim3A_916, %add3A_921 : vector<16xi32>
    %select_n3A_923 = arith.select %lt3A_919, %add3A_922, %broadcast_in_dim3A_916 : vector<16xi1>, vector<16xi32>
    %broadcast_in_dim3A_924 = vector.shape_cast %select_n3A_923 : vector<16xi32> to vector<16x1xi32>
    %gather3A_925 = vector.shape_cast %broadcast_in_dim3A_924 : vector<16x1xi32> to vector<16xi32>
    %gather3A_926 = tpu.dynamic_gather %add3A_912[%gather3A_925] in [0] : vector<16xf32>, vector<16xi32> -> vector<16xf32>
    %swap3A_927 = arith.constant 256 : index
    %swap3A_928 = tpu.vector_load %arg12[%swap3A_927] {strides = array<i32>} : memref<1024xf32, #tpu.memory_space<vmem>>, vector<16xf32>,
    tpu.vector_store %arg12[%swap3A_927], %gather3A_926 {strides = array<i32>} : memref<1024xf32, #tpu.memory_space<vmem>>, vector<16xf32>,
    %broadcast_in_dim3A_929 = arith.constant 1 : i32
    %broadcast_in_dim3A_930 = vector.broadcast %broadcast_in_dim3A_929 : i32 to vector<16xi32>
    %lt3A_931 = arith.constant 0 : i32
    %lt3A_932 = vector.broadcast %lt3A_931 : i32 to vector<16xi32>
    %lt3A_933 = arith.cmpi slt, %broadcast_in_dim3A_930, %lt3A_932 : vector<16xi32>
    %add3A_934 = arith.constant 16 : i32
    %add3A_935 = vector.broadcast %add3A_934 : i32 to vector<16xi32>
    %add3A_936 = arith.addi %broadcast_in_dim3A_930, %add3A_935 : vector<16xi32>
    %select_n3A_937 = arith.select %lt3A_933, %add3A_936, %broadcast_in_dim3A_930 : vector<16xi1>, vector<16xi32>
    %broadcast_in_dim3A_938 = vector.shape_cast %select_n3A_937 : vector<16xi32> to vector<16x1xi32>
    %gather3A_939 = vector.shape_cast %broadcast_in_dim3A_938 : vector<16x1xi32> to vector<16xi32>
    %gather3A_940 = tpu.dynamic_gather %add3A_912[%gather3A_939] in [0] : vector<16xf32>, vector<16xi32> -> vector<16xf32>
    %swap3A_941 = arith.constant 272 : index
    %swap3A_942 = tpu.vector_load %arg12[%swap3A_941] {strides = array<i32>} : memref<1024xf32, #tpu.memory_space<vmem>>, vector<16xf32>,
    tpu.vector_store %arg12[%swap3A_941], %gather3A_940 {strides = array<i32>} : memref<1024xf32, #tpu.memory_space<vmem>>, vector<16xf32>,
    %broadcast_in_dim3A_943 = arith.constant 2 : i32
    %broadcast_in_dim3A_944 = vector.broadcast %broadcast_in_dim3A_943 : i32 to vector<16xi32>
    %lt3A_945 = arith.constant 0 : i32
    %lt3A_946 = vector.broadcast %lt3A_945 : i32 to vector<16xi32>
    %lt3A_947 = arith.cmpi slt, %broadcast_in_dim3A_944, %lt3A_946 : vector<16xi32>
    %add3A_948 = arith.constant 16 : i32
    %add3A_949 = vector.broadcast %add3A_948 : i32 to vector<16xi32>
    %add3A_950 = arith.addi %broadcast_in_dim3A_944, %add3A_949 : vector<16xi32>
    %select_n3A_951 = arith.select %lt3A_947, %add3A_950, %broadcast_in_dim3A_944 : vector<16xi1>, vector<16xi32>
    %broadcast_in_dim3A_952 = vector.shape_cast %select_n3A_951 : vector<16xi32> to vector<16x1xi32>
    %gather3A_953 = vector.shape_cast %broadcast_in_dim3A_952 : vector<16x1xi32> to vector<16xi32>
    %gather3A_954 = tpu.dynamic_gather %add3A_912[%gather3A_953] in [0] : vector<16xf32>, vector<16xi32> -> vector<16xf32>
    %swap3A_955 = arith.constant 288 : index
    %swap3A_956 = tpu.vector_load %arg12[%swap3A_955] {strides = array<i32>} : memref<1024xf32, #tpu.memory_space<vmem>>, vector<16xf32>,
    tpu.vector_store %arg12[%swap3A_955], %gather3A_954 {strides = array<i32>} : memref<1024xf32, #tpu.memory_space<vmem>>, vector<16xf32>,
    %broadcast_in_dim3A_957 = arith.constant 3 : i32
    %broadcast_in_dim3A_958 = vector.broadcast %broadcast_in_dim3A_957 : i32 to vector<16xi32>
    %lt3A_959 = arith.constant 0 : i32
    %lt3A_960 = vector.broadcast %lt3A_959 : i32 to vector<16xi32>
    %lt3A_961 = arith.cmpi slt, %broadcast_in_dim3A_958, %lt3A_960 : vector<16xi32>
    %add3A_962 = arith.constant 16 : i32
    %add3A_963 = vector.broadcast %add3A_962 : i32 to vector<16xi32>
    %add3A_964 = arith.addi %broadcast_in_dim3A_958, %add3A_963 : vector<16xi32>
    %select_n3A_965 = arith.select %lt3A_961, %add3A_964, %broadcast_in_dim3A_958 : vector<16xi1>, vector<16xi32>
    %broadcast_in_dim3A_966 = vector.shape_cast %select_n3A_965 : vector<16xi32> to vector<16x1xi32>
    %gather3A_967 = vector.shape_cast %broadcast_in_dim3A_966 : vector<16x1xi32> to vector<16xi32>
    %gather3A_968 = tpu.dynamic_gather %add3A_912[%gather3A_967] in [0] : vector<16xf32>, vector<16xi32> -> vector<16xf32>
    %swap3A_969 = arith.constant 304 : index
    %swap3A_970 = tpu.vector_load %arg12[%swap3A_969] {strides = array<i32>} : memref<1024xf32, #tpu.memory_space<vmem>>, vector<16xf32>,
    tpu.vector_store %arg12[%swap3A_969], %gather3A_968 {strides = array<i32>} : memref<1024xf32, #tpu.memory_space<vmem>>, vector<16xf32>,
    %broadcast_in_dim3A_971 = arith.constant 4 : i32
    %broadcast_in_dim3A_972 = vector.broadcast %broadcast_in_dim3A_971 : i32 to vector<16xi32>
    %lt3A_973 = arith.constant 0 : i32
    %lt3A_974 = vector.broadcast %lt3A_973 : i32 to vector<16xi32>
    %lt3A_975 = arith.cmpi slt, %broadcast_in_dim3A_972, %lt3A_974 : vector<16xi32>
    %add3A_976 = arith.constant 16 : i32
    %add3A_977 = vector.broadcast %add3A_976 : i32 to vector<16xi32>
    %add3A_978 = arith.addi %broadcast_in_dim3A_972, %add3A_977 : vector<16xi32>
    %select_n3A_979 = arith.select %lt3A_975, %add3A_978, %broadcast_in_dim3A_972 : vector<16xi1>, vector<16xi32>
    %broadcast_in_dim3A_980 = vector.shape_cast %select_n3A_979 : vector<16xi32> to vector<16x1xi32>
    %gather3A_981 = vector.shape_cast %broadcast_in_dim3A_980 : vector<16x1xi32> to vector<16xi32>
    %gather3A_982 = tpu.dynamic_gather %add3A_912[%gather3A_981] in [0] : vector<16xf32>, vector<16xi32> -> vector<16xf32>
    %swap3A_983 = arith.constant 320 : index
    %swap3A_984 = tpu.vector_load %arg12[%swap3A_983] {strides = array<i32>} : memref<1024xf32, #tpu.memory_space<vmem>>, vector<16xf32>,
    tpu.vector_store %arg12[%swap3A_983], %gather3A_982 {strides = array<i32>} : memref<1024xf32, #tpu.memory_space<vmem>>, vector<16xf32>,
    %broadcast_in_dim3A_985 = arith.constant 5 : i32
    %broadcast_in_dim3A_986 = vector.broadcast %broadcast_in_dim3A_985 : i32 to vector<16xi32>
    %lt3A_987 = arith.constant 0 : i32
    %lt3A_988 = vector.broadcast %lt3A_987 : i32 to vector<16xi32>
    %lt3A_989 = arith.cmpi slt, %broadcast_in_dim3A_986, %lt3A_988 : vector<16xi32>
    %add3A_990 = arith.constant 16 : i32
    %add3A_991 = vector.broadcast %add3A_990 : i32 to vector<16xi32>
    %add3A_992 = arith.addi %broadcast_in_dim3A_986, %add3A_991 : vector<16xi32>
    %select_n3A_993 = arith.select %lt3A_989, %add3A_992, %broadcast_in_dim3A_986 : vector<16xi1>, vector<16xi32>
    %broadcast_in_dim3A_994 = vector.shape_cast %select_n3A_993 : vector<16xi32> to vector<16x1xi32>
    %gather3A_995 = vector.shape_cast %broadcast_in_dim3A_994 : vector<16x1xi32> to vector<16xi32>
    %gather3A_996 = tpu.dynamic_gather %add3A_912[%gather3A_995] in [0] : vector<16xf32>, vector<16xi32> -> vector<16xf32>
    %swap3A_997 = arith.constant 336 : index
    %swap3A_998 = tpu.vector_load %arg12[%swap3A_997] {strides = array<i32>} : memref<1024xf32, #tpu.memory_space<vmem>>, vector<16xf32>,
    tpu.vector_store %arg12[%swap3A_997], %gather3A_996 {strides = array<i32>} : memref<1024xf32, #tpu.memory_space<vmem>>, vector<16xf32>,
    %broadcast_in_dim3A_999 = arith.constant 6 : i32
    %broadcast_in_dim3A_1000 = vector.broadcast %broadcast_in_dim3A_999 : i32 to vector<16xi32>
    %lt3A_1001 = arith.constant 0 : i32
    %lt3A_1002 = vector.broadcast %lt3A_1001 : i32 to vector<16xi32>
    %lt3A_1003 = arith.cmpi slt, %broadcast_in_dim3A_1000, %lt3A_1002 : vector<16xi32>
    %add3A_1004 = arith.constant 16 : i32
    %add3A_1005 = vector.broadcast %add3A_1004 : i32 to vector<16xi32>
    %add3A_1006 = arith.addi %broadcast_in_dim3A_1000, %add3A_1005 : vector<16xi32>
    %select_n3A_1007 = arith.select %lt3A_1003, %add3A_1006, %broadcast_in_dim3A_1000 : vector<16xi1>, vector<16xi32>
    %broadcast_in_dim3A_1008 = vector.shape_cast %select_n3A_1007 : vector<16xi32> to vector<16x1xi32>
    %gather3A_1009 = vector.shape_cast %broadcast_in_dim3A_1008 : vector<16x1xi32> to vector<16xi32>
    %gather3A_1010 = tpu.dynamic_gather %add3A_912[%gather3A_1009] in [0] : vector<16xf32>, vector<16xi32> -> vector<16xf32>
    %swap3A_1011 = arith.constant 352 : index
    %swap3A_1012 = tpu.vector_load %arg12[%swap3A_1011] {strides = array<i32>} : memref<1024xf32, #tpu.memory_space<vmem>>, vector<16xf32>,
    tpu.vector_store %arg12[%swap3A_1011], %gather3A_1010 {strides = array<i32>} : memref<1024xf32, #tpu.memory_space<vmem>>, vector<16xf32>,
    %broadcast_in_dim3A_1013 = arith.constant 7 : i32
    %broadcast_in_dim3A_1014 = vector.broadcast %broadcast_in_dim3A_1013 : i32 to vector<16xi32>
    %lt3A_1015 = arith.constant 0 : i32
    %lt3A_1016 = vector.broadcast %lt3A_1015 : i32 to vector<16xi32>
    %lt3A_1017 = arith.cmpi slt, %broadcast_in_dim3A_1014, %lt3A_1016 : vector<16xi32>
    %add3A_1018 = arith.constant 16 : i32
    %add3A_1019 = vector.broadcast %add3A_1018 : i32 to vector<16xi32>
    %add3A_1020 = arith.addi %broadcast_in_dim3A_1014, %add3A_1019 : vector<16xi32>
    %select_n3A_1021 = arith.select %lt3A_1017, %add3A_1020, %broadcast_in_dim3A_1014 : vector<16xi1>, vector<16xi32>
    %broadcast_in_dim3A_1022 = vector.shape_cast %select_n3A_1021 : vector<16xi32> to vector<16x1xi32>
    %gather3A_1023 = vector.shape_cast %broadcast_in_dim3A_1022 : vector<16x1xi32> to vector<16xi32>
    %gather3A_1024 = tpu.dynamic_gather %add3A_912[%gather3A_1023] in [0] : vector<16xf32>, vector<16xi32> -> vector<16xf32>
    %swap3A_1025 = arith.constant 368 : index
    %swap3A_1026 = tpu.vector_load %arg12[%swap3A_1025] {strides = array<i32>} : memref<1024xf32, #tpu.memory_space<vmem>>, vector<16xf32>,
    tpu.vector_store %arg12[%swap3A_1025], %gather3A_1024 {strides = array<i32>} : memref<1024xf32, #tpu.memory_space<vmem>>, vector<16xf32>,
    %broadcast_in_dim3A_1027 = arith.constant 8 : i32
    %broadcast_in_dim3A_1028 = vector.broadcast %broadcast_in_dim3A_1027 : i32 to vector<16xi32>
    %lt3A_1029 = arith.constant 0 : i32
    %lt3A_1030 = vector.broadcast %lt3A_1029 : i32 to vector<16xi32>
    %lt3A_1031 = arith.cmpi slt, %broadcast_in_dim3A_1028, %lt3A_1030 : vector<16xi32>
    %add3A_1032 = arith.constant 16 : i32
    %add3A_1033 = vector.broadcast %add3A_1032 : i32 to vector<16xi32>
    %add3A_1034 = arith.addi %broadcast_in_dim3A_1028, %add3A_1033 : vector<16xi32>
    %select_n3A_1035 = arith.select %lt3A_1031, %add3A_1034, %broadcast_in_dim3A_1028 : vector<16xi1>, vector<16xi32>
    %broadcast_in_dim3A_1036 = vector.shape_cast %select_n3A_1035 : vector<16xi32> to vector<16x1xi32>
    %gather3A_1037 = vector.shape_cast %broadcast_in_dim3A_1036 : vector<16x1xi32> to vector<16xi32>
    %gather3A_1038 = tpu.dynamic_gather %add3A_912[%gather3A_1037] in [0] : vector<16xf32>, vector<16xi32> -> vector<16xf32>
    %swap3A_1039 = arith.constant 384 : index
    %swap3A_1040 = tpu.vector_load %arg12[%swap3A_1039] {strides = array<i32>} : memref<1024xf32, #tpu.memory_space<vmem>>, vector<16xf32>,
    tpu.vector_store %arg12[%swap3A_1039], %gather3A_1038 {strides = array<i32>} : memref<1024xf32, #tpu.memory_space<vmem>>, vector<16xf32>,
    %broadcast_in_dim3A_1041 = arith.constant 9 : i32
    %broadcast_in_dim3A_1042 = vector.broadcast %broadcast_in_dim3A_1041 : i32 to vector<16xi32>
    %lt3A_1043 = arith.constant 0 : i32
    %lt3A_1044 = vector.broadcast %lt3A_1043 : i32 to vector<16xi32>
    %lt3A_1045 = arith.cmpi slt, %broadcast_in_dim3A_1042, %lt3A_1044 : vector<16xi32>
    %add3A_1046 = arith.constant 16 : i32
    %add3A_1047 = vector.broadcast %add3A_1046 : i32 to vector<16xi32>
    %add3A_1048 = arith.addi %broadcast_in_dim3A_1042, %add3A_1047 : vector<16xi32>
    %select_n3A_1049 = arith.select %lt3A_1045, %add3A_1048, %broadcast_in_dim3A_1042 : vector<16xi1>, vector<16xi32>
    %broadcast_in_dim3A_1050 = vector.shape_cast %select_n3A_1049 : vector<16xi32> to vector<16x1xi32>
    %gather3A_1051 = vector.shape_cast %broadcast_in_dim3A_1050 : vector<16x1xi32> to vector<16xi32>
    %gather3A_1052 = tpu.dynamic_gather %add3A_912[%gather3A_1051] in [0] : vector<16xf32>, vector<16xi32> -> vector<16xf32>
    %swap3A_1053 = arith.constant 400 : index
    %swap3A_1054 = tpu.vector_load %arg12[%swap3A_1053] {strides = array<i32>} : memref<1024xf32, #tpu.memory_space<vmem>>, vector<16xf32>,
    tpu.vector_store %arg12[%swap3A_1053], %gather3A_1052 {strides = array<i32>} : memref<1024xf32, #tpu.memory_space<vmem>>, vector<16xf32>,
    %broadcast_in_dim3A_1055 = arith.constant 10 : i32
    %broadcast_in_dim3A_1056 = vector.broadcast %broadcast_in_dim3A_1055 : i32 to vector<16xi32>
    %lt3A_1057 = arith.constant 0 : i32
    %lt3A_1058 = vector.broadcast %lt3A_1057 : i32 to vector<16xi32>
    %lt3A_1059 = arith.cmpi slt, %broadcast_in_dim3A_1056, %lt3A_1058 : vector<16xi32>
    %add3A_1060 = arith.constant 16 : i32
    %add3A_1061 = vector.broadcast %add3A_1060 : i32 to vector<16xi32>
    %add3A_1062 = arith.addi %broadcast_in_dim3A_1056, %add3A_1061 : vector<16xi32>
    %select_n3A_1063 = arith.select %lt3A_1059, %add3A_1062, %broadcast_in_dim3A_1056 : vector<16xi1>, vector<16xi32>
    %broadcast_in_dim3A_1064 = vector.shape_cast %select_n3A_1063 : vector<16xi32> to vector<16x1xi32>
    %gather3A_1065 = vector.shape_cast %broadcast_in_dim3A_1064 : vector<16x1xi32> to vector<16xi32>
    %gather3A_1066 = tpu.dynamic_gather %add3A_912[%gather3A_1065] in [0] : vector<16xf32>, vector<16xi32> -> vector<16xf32>
    %swap3A_1067 = arith.constant 416 : index
    %swap3A_1068 = tpu.vector_load %arg12[%swap3A_1067] {strides = array<i32>} : memref<1024xf32, #tpu.memory_space<vmem>>, vector<16xf32>,
    tpu.vector_store %arg12[%swap3A_1067], %gather3A_1066 {strides = array<i32>} : memref<1024xf32, #tpu.memory_space<vmem>>, vector<16xf32>,
    %broadcast_in_dim3A_1069 = arith.constant 11 : i32
    %broadcast_in_dim3A_1070 = vector.broadcast %broadcast_in_dim3A_1069 : i32 to vector<16xi32>
    %lt3A_1071 = arith.constant 0 : i32
    %lt3A_1072 = vector.broadcast %lt3A_1071 : i32 to vector<16xi32>
    %lt3A_1073 = arith.cmpi slt, %broadcast_in_dim3A_1070, %lt3A_1072 : vector<16xi32>
    %add3A_1074 = arith.constant 16 : i32
    %add3A_1075 = vector.broadcast %add3A_1074 : i32 to vector<16xi32>
    %add3A_1076 = arith.addi %broadcast_in_dim3A_1070, %add3A_1075 : vector<16xi32>
    %select_n3A_1077 = arith.select %lt3A_1073, %add3A_1076, %broadcast_in_dim3A_1070 : vector<16xi1>, vector<16xi32>
    %broadcast_in_dim3A_1078 = vector.shape_cast %select_n3A_1077 : vector<16xi32> to vector<16x1xi32>
    %gather3A_1079 = vector.shape_cast %broadcast_in_dim3A_1078 : vector<16x1xi32> to vector<16xi32>
    %gather3A_1080 = tpu.dynamic_gather %add3A_912[%gather3A_1079] in [0] : vector<16xf32>, vector<16xi32> -> vector<16xf32>
    %swap3A_1081 = arith.constant 432 : index
    %swap3A_1082 = tpu.vector_load %arg12[%swap3A_1081] {strides = array<i32>} : memref<1024xf32, #tpu.memory_space<vmem>>, vector<16xf32>,
    tpu.vector_store %arg12[%swap3A_1081], %gather3A_1080 {strides = array<i32>} : memref<1024xf32, #tpu.memory_space<vmem>>, vector<16xf32>,
    %broadcast_in_dim3A_1083 = arith.constant 12 : i32
    %broadcast_in_dim3A_1084 = vector.broadcast %broadcast_in_dim3A_1083 : i32 to vector<16xi32>
    %lt3A_1085 = arith.constant 0 : i32
    %lt3A_1086 = vector.broadcast %lt3A_1085 : i32 to vector<16xi32>
    %lt3A_1087 = arith.cmpi slt, %broadcast_in_dim3A_1084, %lt3A_1086 : vector<16xi32>
    %add3A_1088 = arith.constant 16 : i32
    %add3A_1089 = vector.broadcast %add3A_1088 : i32 to vector<16xi32>
    %add3A_1090 = arith.addi %broadcast_in_dim3A_1084, %add3A_1089 : vector<16xi32>
    %select_n3A_1091 = arith.select %lt3A_1087, %add3A_1090, %broadcast_in_dim3A_1084 : vector<16xi1>, vector<16xi32>
    %broadcast_in_dim3A_1092 = vector.shape_cast %select_n3A_1091 : vector<16xi32> to vector<16x1xi32>
    %gather3A_1093 = vector.shape_cast %broadcast_in_dim3A_1092 : vector<16x1xi32> to vector<16xi32>
    %gather3A_1094 = tpu.dynamic_gather %add3A_912[%gather3A_1093] in [0] : vector<16xf32>, vector<16xi32> -> vector<16xf32>
    %swap3A_1095 = arith.constant 448 : index
    %swap3A_1096 = tpu.vector_load %arg12[%swap3A_1095] {strides = array<i32>} : memref<1024xf32, #tpu.memory_space<vmem>>, vector<16xf32>,
    tpu.vector_store %arg12[%swap3A_1095], %gather3A_1094 {strides = array<i32>} : memref<1024xf32, #tpu.memory_space<vmem>>, vector<16xf32>,
    %broadcast_in_dim3A_1097 = arith.constant 13 : i32
    %broadcast_in_dim3A_1098 = vector.broadcast %broadcast_in_dim3A_1097 : i32 to vector<16xi32>
    %lt3A_1099 = arith.constant 0 : i32
    %lt3A_1100 = vector.broadcast %lt3A_1099 : i32 to vector<16xi32>
    %lt3A_1101 = arith.cmpi slt, %broadcast_in_dim3A_1098, %lt3A_1100 : vector<16xi32>
    %add3A_1102 = arith.constant 16 : i32
    %add3A_1103 = vector.broadcast %add3A_1102 : i32 to vector<16xi32>
    %add3A_1104 = arith.addi %broadcast_in_dim3A_1098, %add3A_1103 : vector<16xi32>
    %select_n3A_1105 = arith.select %lt3A_1101, %add3A_1104, %broadcast_in_dim3A_1098 : vector<16xi1>, vector<16xi32>
    %broadcast_in_dim3A_1106 = vector.shape_cast %select_n3A_1105 : vector<16xi32> to vector<16x1xi32>
    %gather3A_1107 = vector.shape_cast %broadcast_in_dim3A_1106 : vector<16x1xi32> to vector<16xi32>
    %gather3A_1108 = tpu.dynamic_gather %add3A_912[%gather3A_1107] in [0] : vector<16xf32>, vector<16xi32> -> vector<16xf32>
    %swap3A_1109 = arith.constant 464 : index
    %swap3A_1110 = tpu.vector_load %arg12[%swap3A_1109] {strides = array<i32>} : memref<1024xf32, #tpu.memory_space<vmem>>, vector<16xf32>,
    tpu.vector_store %arg12[%swap3A_1109], %gather3A_1108 {strides = array<i32>} : memref<1024xf32, #tpu.memory_space<vmem>>, vector<16xf32>,
    %broadcast_in_dim3A_1111 = arith.constant 14 : i32
    %broadcast_in_dim3A_1112 = vector.broadcast %broadcast_in_dim3A_1111 : i32 to vector<16xi32>
    %lt3A_1113 = arith.constant 0 : i32
    %lt3A_1114 = vector.broadcast %lt3A_1113 : i32 to vector<16xi32>
    %lt3A_1115 = arith.cmpi slt, %broadcast_in_dim3A_1112, %lt3A_1114 : vector<16xi32>
    %add3A_1116 = arith.constant 16 : i32
    %add3A_1117 = vector.broadcast %add3A_1116 : i32 to vector<16xi32>
    %add3A_1118 = arith.addi %broadcast_in_dim3A_1112, %add3A_1117 : vector<16xi32>
    %select_n3A_1119 = arith.select %lt3A_1115, %add3A_1118, %broadcast_in_dim3A_1112 : vector<16xi1>, vector<16xi32>
    %broadcast_in_dim3A_1120 = vector.shape_cast %select_n3A_1119 : vector<16xi32> to vector<16x1xi32>
    %gather3A_1121 = vector.shape_cast %broadcast_in_dim3A_1120 : vector<16x1xi32> to vector<16xi32>
    %gather3A_1122 = tpu.dynamic_gather %add3A_912[%gather3A_1121] in [0] : vector<16xf32>, vector<16xi32> -> vector<16xf32>
    %swap3A_1123 = arith.constant 480 : index
    %swap3A_1124 = tpu.vector_load %arg12[%swap3A_1123] {strides = array<i32>} : memref<1024xf32, #tpu.memory_space<vmem>>, vector<16xf32>,
    tpu.vector_store %arg12[%swap3A_1123], %gather3A_1122 {strides = array<i32>} : memref<1024xf32, #tpu.memory_space<vmem>>, vector<16xf32>,
    %broadcast_in_dim3A_1125 = arith.constant 15 : i32
    %broadcast_in_dim3A_1126 = vector.broadcast %broadcast_in_dim3A_1125 : i32 to vector<16xi32>
    %lt3A_1127 = arith.constant 0 : i32
    %lt3A_1128 = vector.broadcast %lt3A_1127 : i32 to vector<16xi32>
    %lt3A_1129 = arith.cmpi slt, %broadcast_in_dim3A_1126, %lt3A_1128 : vector<16xi32>
    %add3A_1130 = arith.constant 16 : i32
    %add3A_1131 = vector.broadcast %add3A_1130 : i32 to vector<16xi32>
    %add3A_1132 = arith.addi %broadcast_in_dim3A_1126, %add3A_1131 : vector<16xi32>
    %select_n3A_1133 = arith.select %lt3A_1129, %add3A_1132, %broadcast_in_dim3A_1126 : vector<16xi1>, vector<16xi32>
    %broadcast_in_dim3A_1134 = vector.shape_cast %select_n3A_1133 : vector<16xi32> to vector<16x1xi32>
    %gather3A_1135 = vector.shape_cast %broadcast_in_dim3A_1134 : vector<16x1xi32> to vector<16xi32>
    %gather3A_1136 = tpu.dynamic_gather %add3A_912[%gather3A_1135] in [0] : vector<16xf32>, vector<16xi32> -> vector<16xf32>
    %swap3A_1137 = arith.constant 496 : index
    %swap3A_1138 = tpu.vector_load %arg12[%swap3A_1137] {strides = array<i32>} : memref<1024xf32, #tpu.memory_space<vmem>>, vector<16xf32>,
    tpu.vector_store %arg12[%swap3A_1137], %gather3A_1136 {strides = array<i32>} : memref<1024xf32, #tpu.memory_space<vmem>>, vector<16xf32>,
    %broadcast_in_dim3A_1139 = arith.constant 0 : i32
    %broadcast_in_dim3A_1140 = vector.broadcast %broadcast_in_dim3A_1139 : i32 to vector<16xi32>
    %lt3A_1141 = arith.constant 0 : i32
    %lt3A_1142 = vector.broadcast %lt3A_1141 : i32 to vector<16xi32>
    %lt3A_1143 = arith.cmpi slt, %broadcast_in_dim3A_1140, %lt3A_1142 : vector<16xi32>
    %add3A_1144 = arith.constant 16 : i32
    %add3A_1145 = vector.broadcast %add3A_1144 : i32 to vector<16xi32>
    %add3A_1146 = arith.addi %broadcast_in_dim3A_1140, %add3A_1145 : vector<16xi32>
    %select_n3A_1147 = arith.select %lt3A_1143, %add3A_1146, %broadcast_in_dim3A_1140 : vector<16xi1>, vector<16xi32>
    %broadcast_in_dim3A_1148 = vector.shape_cast %select_n3A_1147 : vector<16xi32> to vector<16x1xi32>
    %gather3A_1149 = vector.shape_cast %broadcast_in_dim3A_1148 : vector<16x1xi32> to vector<16xi32>
    %gather3A_1150 = tpu.dynamic_gather %add3A_430[%gather3A_1149] in [0] : vector<16xf32>, vector<16xi32> -> vector<16xf32>
    %get3A_1151 = arith.constant 32 : index
    %get3A_1152 = tpu.vector_load %arg9[%get3A_1151] {strides = array<i32>} : memref<512xf32, #tpu.memory_space<vmem>>, vector<16xf32>,
    %mul3A_1153 = arith.mulf %gather3A_1150, %get3A_1152 : vector<16xf32>
    %add3A_1154 = arith.addf %broadcast_in_dim3A_1, %mul3A_1153 : vector<16xf32>
    %broadcast_in_dim3A_1155 = arith.constant 1 : i32
    %broadcast_in_dim3A_1156 = vector.broadcast %broadcast_in_dim3A_1155 : i32 to vector<16xi32>
    %lt3A_1157 = arith.constant 0 : i32
    %lt3A_1158 = vector.broadcast %lt3A_1157 : i32 to vector<16xi32>
    %lt3A_1159 = arith.cmpi slt, %broadcast_in_dim3A_1156, %lt3A_1158 : vector<16xi32>
    %add3A_1160 = arith.constant 16 : i32
    %add3A_1161 = vector.broadcast %add3A_1160 : i32 to vector<16xi32>
    %add3A_1162 = arith.addi %broadcast_in_dim3A_1156, %add3A_1161 : vector<16xi32>
    %select_n3A_1163 = arith.select %lt3A_1159, %add3A_1162, %broadcast_in_dim3A_1156 : vector<16xi1>, vector<16xi32>
    %broadcast_in_dim3A_1164 = vector.shape_cast %select_n3A_1163 : vector<16xi32> to vector<16x1xi32>
    %gather3A_1165 = vector.shape_cast %broadcast_in_dim3A_1164 : vector<16x1xi32> to vector<16xi32>
    %gather3A_1166 = tpu.dynamic_gather %add3A_430[%gather3A_1165] in [0] : vector<16xf32>, vector<16xi32> -> vector<16xf32>
    %get3A_1167 = arith.constant 96 : index
    %get3A_1168 = tpu.vector_load %arg9[%get3A_1167] {strides = array<i32>} : memref<512xf32, #tpu.memory_space<vmem>>, vector<16xf32>,
    %mul3A_1169 = arith.mulf %gather3A_1166, %get3A_1168 : vector<16xf32>
    %add3A_1170 = arith.addf %add3A_1154, %mul3A_1169 : vector<16xf32>
    %broadcast_in_dim3A_1171 = arith.constant 2 : i32
    %broadcast_in_dim3A_1172 = vector.broadcast %broadcast_in_dim3A_1171 : i32 to vector<16xi32>
    %lt3A_1173 = arith.constant 0 : i32
    %lt3A_1174 = vector.broadcast %lt3A_1173 : i32 to vector<16xi32>
    %lt3A_1175 = arith.cmpi slt, %broadcast_in_dim3A_1172, %lt3A_1174 : vector<16xi32>
    %add3A_1176 = arith.constant 16 : i32
    %add3A_1177 = vector.broadcast %add3A_1176 : i32 to vector<16xi32>
    %add3A_1178 = arith.addi %broadcast_in_dim3A_1172, %add3A_1177 : vector<16xi32>
    %select_n3A_1179 = arith.select %lt3A_1175, %add3A_1178, %broadcast_in_dim3A_1172 : vector<16xi1>, vector<16xi32>
    %broadcast_in_dim3A_1180 = vector.shape_cast %select_n3A_1179 : vector<16xi32> to vector<16x1xi32>
    %gather3A_1181 = vector.shape_cast %broadcast_in_dim3A_1180 : vector<16x1xi32> to vector<16xi32>
    %gather3A_1182 = tpu.dynamic_gather %add3A_430[%gather3A_1181] in [0] : vector<16xf32>, vector<16xi32> -> vector<16xf32>
    %get3A_1183 = arith.constant 160 : index
    %get3A_1184 = tpu.vector_load %arg9[%get3A_1183] {strides = array<i32>} : memref<512xf32, #tpu.memory_space<vmem>>, vector<16xf32>,
    %mul3A_1185 = arith.mulf %gather3A_1182, %get3A_1184 : vector<16xf32>
    %add3A_1186 = arith.addf %add3A_1170, %mul3A_1185 : vector<16xf32>
    %broadcast_in_dim3A_1187 = arith.constant 3 : i32
    %broadcast_in_dim3A_1188 = vector.broadcast %broadcast_in_dim3A_1187 : i32 to vector<16xi32>
    %lt3A_1189 = arith.constant 0 : i32
    %lt3A_1190 = vector.broadcast %lt3A_1189 : i32 to vector<16xi32>
    %lt3A_1191 = arith.cmpi slt, %broadcast_in_dim3A_1188, %lt3A_1190 : vector<16xi32>
    %add3A_1192 = arith.constant 16 : i32
    %add3A_1193 = vector.broadcast %add3A_1192 : i32 to vector<16xi32>
    %add3A_1194 = arith.addi %broadcast_in_dim3A_1188, %add3A_1193 : vector<16xi32>
    %select_n3A_1195 = arith.select %lt3A_1191, %add3A_1194, %broadcast_in_dim3A_1188 : vector<16xi1>, vector<16xi32>
    %broadcast_in_dim3A_1196 = vector.shape_cast %select_n3A_1195 : vector<16xi32> to vector<16x1xi32>
    %gather3A_1197 = vector.shape_cast %broadcast_in_dim3A_1196 : vector<16x1xi32> to vector<16xi32>
    %gather3A_1198 = tpu.dynamic_gather %add3A_430[%gather3A_1197] in [0] : vector<16xf32>, vector<16xi32> -> vector<16xf32>
    %get3A_1199 = arith.constant 224 : index
    %get3A_1200 = tpu.vector_load %arg9[%get3A_1199] {strides = array<i32>} : memref<512xf32, #tpu.memory_space<vmem>>, vector<16xf32>,
    %mul3A_1201 = arith.mulf %gather3A_1198, %get3A_1200 : vector<16xf32>
    %add3A_1202 = arith.addf %add3A_1186, %mul3A_1201 : vector<16xf32>
    %broadcast_in_dim3A_1203 = arith.constant 4 : i32
    %broadcast_in_dim3A_1204 = vector.broadcast %broadcast_in_dim3A_1203 : i32 to vector<16xi32>
    %lt3A_1205 = arith.constant 0 : i32
    %lt3A_1206 = vector.broadcast %lt3A_1205 : i32 to vector<16xi32>
    %lt3A_1207 = arith.cmpi slt, %broadcast_in_dim3A_1204, %lt3A_1206 : vector<16xi32>
    %add3A_1208 = arith.constant 16 : i32
    %add3A_1209 = vector.broadcast %add3A_1208 : i32 to vector<16xi32>
    %add3A_1210 = arith.addi %broadcast_in_dim3A_1204, %add3A_1209 : vector<16xi32>
    %select_n3A_1211 = arith.select %lt3A_1207, %add3A_1210, %broadcast_in_dim3A_1204 : vector<16xi1>, vector<16xi32>
    %broadcast_in_dim3A_1212 = vector.shape_cast %select_n3A_1211 : vector<16xi32> to vector<16x1xi32>
    %gather3A_1213 = vector.shape_cast %broadcast_in_dim3A_1212 : vector<16x1xi32> to vector<16xi32>
    %gather3A_1214 = tpu.dynamic_gather %add3A_430[%gather3A_1213] in [0] : vector<16xf32>, vector<16xi32> -> vector<16xf32>
    %get3A_1215 = arith.constant 288 : index
    %get3A_1216 = tpu.vector_load %arg9[%get3A_1215] {strides = array<i32>} : memref<512xf32, #tpu.memory_space<vmem>>, vector<16xf32>,
    %mul3A_1217 = arith.mulf %gather3A_1214, %get3A_1216 : vector<16xf32>
    %add3A_1218 = arith.addf %add3A_1202, %mul3A_1217 : vector<16xf32>
    %broadcast_in_dim3A_1219 = arith.constant 5 : i32
    %broadcast_in_dim3A_1220 = vector.broadcast %broadcast_in_dim3A_1219 : i32 to vector<16xi32>
    %lt3A_1221 = arith.constant 0 : i32
    %lt3A_1222 = vector.broadcast %lt3A_1221 : i32 to vector<16xi32>
    %lt3A_1223 = arith.cmpi slt, %broadcast_in_dim3A_1220, %lt3A_1222 : vector<16xi32>
    %add3A_1224 = arith.constant 16 : i32
    %add3A_1225 = vector.broadcast %add3A_1224 : i32 to vector<16xi32>
    %add3A_1226 = arith.addi %broadcast_in_dim3A_1220, %add3A_1225 : vector<16xi32>
    %select_n3A_1227 = arith.select %lt3A_1223, %add3A_1226, %broadcast_in_dim3A_1220 : vector<16xi1>, vector<16xi32>
    %broadcast_in_dim3A_1228 = vector.shape_cast %select_n3A_1227 : vector<16xi32> to vector<16x1xi32>
    %gather3A_1229 = vector.shape_cast %broadcast_in_dim3A_1228 : vector<16x1xi32> to vector<16xi32>
    %gather3A_1230 = tpu.dynamic_gather %add3A_430[%gather3A_1229] in [0] : vector<16xf32>, vector<16xi32> -> vector<16xf32>
    %get3A_1231 = arith.constant 352 : index
    %get3A_1232 = tpu.vector_load %arg9[%get3A_1231] {strides = array<i32>} : memref<512xf32, #tpu.memory_space<vmem>>, vector<16xf32>,
    %mul3A_1233 = arith.mulf %gather3A_1230, %get3A_1232 : vector<16xf32>
    %add3A_1234 = arith.addf %add3A_1218, %mul3A_1233 : vector<16xf32>
    %broadcast_in_dim3A_1235 = arith.constant 6 : i32
    %broadcast_in_dim3A_1236 = vector.broadcast %broadcast_in_dim3A_1235 : i32 to vector<16xi32>
    %lt3A_1237 = arith.constant 0 : i32
    %lt3A_1238 = vector.broadcast %lt3A_1237 : i32 to vector<16xi32>
    %lt3A_1239 = arith.cmpi slt, %broadcast_in_dim3A_1236, %lt3A_1238 : vector<16xi32>
    %add3A_1240 = arith.constant 16 : i32
    %add3A_1241 = vector.broadcast %add3A_1240 : i32 to vector<16xi32>
    %add3A_1242 = arith.addi %broadcast_in_dim3A_1236, %add3A_1241 : vector<16xi32>
    %select_n3A_1243 = arith.select %lt3A_1239, %add3A_1242, %broadcast_in_dim3A_1236 : vector<16xi1>, vector<16xi32>
    %broadcast_in_dim3A_1244 = vector.shape_cast %select_n3A_1243 : vector<16xi32> to vector<16x1xi32>
    %gather3A_1245 = vector.shape_cast %broadcast_in_dim3A_1244 : vector<16x1xi32> to vector<16xi32>
    %gather3A_1246 = tpu.dynamic_gather %add3A_430[%gather3A_1245] in [0] : vector<16xf32>, vector<16xi32> -> vector<16xf32>
    %get3A_1247 = arith.constant 416 : index
    %get3A_1248 = tpu.vector_load %arg9[%get3A_1247] {strides = array<i32>} : memref<512xf32, #tpu.memory_space<vmem>>, vector<16xf32>,
    %mul3A_1249 = arith.mulf %gather3A_1246, %get3A_1248 : vector<16xf32>
    %add3A_1250 = arith.addf %add3A_1234, %mul3A_1249 : vector<16xf32>
    %broadcast_in_dim3A_1251 = arith.constant 7 : i32
    %broadcast_in_dim3A_1252 = vector.broadcast %broadcast_in_dim3A_1251 : i32 to vector<16xi32>
    %lt3A_1253 = arith.constant 0 : i32
    %lt3A_1254 = vector.broadcast %lt3A_1253 : i32 to vector<16xi32>
    %lt3A_1255 = arith.cmpi slt, %broadcast_in_dim3A_1252, %lt3A_1254 : vector<16xi32>
    %add3A_1256 = arith.constant 16 : i32
    %add3A_1257 = vector.broadcast %add3A_1256 : i32 to vector<16xi32>
    %add3A_1258 = arith.addi %broadcast_in_dim3A_1252, %add3A_1257 : vector<16xi32>
    %select_n3A_1259 = arith.select %lt3A_1255, %add3A_1258, %broadcast_in_dim3A_1252 : vector<16xi1>, vector<16xi32>
    %broadcast_in_dim3A_1260 = vector.shape_cast %select_n3A_1259 : vector<16xi32> to vector<16x1xi32>
    %gather3A_1261 = vector.shape_cast %broadcast_in_dim3A_1260 : vector<16x1xi32> to vector<16xi32>
    %gather3A_1262 = tpu.dynamic_gather %add3A_430[%gather3A_1261] in [0] : vector<16xf32>, vector<16xi32> -> vector<16xf32>
    %get3A_1263 = arith.constant 480 : index
    %get3A_1264 = tpu.vector_load %arg9[%get3A_1263] {strides = array<i32>} : memref<512xf32, #tpu.memory_space<vmem>>, vector<16xf32>,
    %mul3A_1265 = arith.mulf %gather3A_1262, %get3A_1264 : vector<16xf32>
    %add3A_1266 = arith.addf %add3A_1250, %mul3A_1265 : vector<16xf32>
    %swap3A_1267 = arith.constant 32 : index
    %swap3A_1268 = tpu.vector_load %arg13[%swap3A_1267] {strides = array<i32>} : memref<64xf32, #tpu.memory_space<vmem>>, vector<16xf32>,
    tpu.vector_store %arg13[%swap3A_1267], %add3A_1266 {strides = array<i32>} : memref<64xf32, #tpu.memory_space<vmem>>, vector<16xf32>,
    %broadcast_in_dim3A_1269 = arith.constant 0 : i32
    %broadcast_in_dim3A_1270 = vector.broadcast %broadcast_in_dim3A_1269 : i32 to vector<16xi32>
    %lt3A_1271 = arith.constant 0 : i32
    %lt3A_1272 = vector.broadcast %lt3A_1271 : i32 to vector<16xi32>
    %lt3A_1273 = arith.cmpi slt, %broadcast_in_dim3A_1270, %lt3A_1272 : vector<16xi32>
    %add3A_1274 = arith.constant 16 : i32
    %add3A_1275 = vector.broadcast %add3A_1274 : i32 to vector<16xi32>
    %add3A_1276 = arith.addi %broadcast_in_dim3A_1270, %add3A_1275 : vector<16xi32>
    %select_n3A_1277 = arith.select %lt3A_1273, %add3A_1276, %broadcast_in_dim3A_1270 : vector<16xi1>, vector<16xi32>
    %broadcast_in_dim3A_1278 = vector.shape_cast %select_n3A_1277 : vector<16xi32> to vector<16x1xi32>
    %gather3A_1279 = vector.shape_cast %broadcast_in_dim3A_1278 : vector<16x1xi32> to vector<16xi32>
    %gather3A_1280 = tpu.dynamic_gather %add3A_1266[%gather3A_1279] in [0] : vector<16xf32>, vector<16xi32> -> vector<16xf32>
    %swap3A_1281 = arith.constant 512 : index
    %swap3A_1282 = tpu.vector_load %arg12[%swap3A_1281] {strides = array<i32>} : memref<1024xf32, #tpu.memory_space<vmem>>, vector<16xf32>,
    tpu.vector_store %arg12[%swap3A_1281], %gather3A_1280 {strides = array<i32>} : memref<1024xf32, #tpu.memory_space<vmem>>, vector<16xf32>,
    %broadcast_in_dim3A_1283 = arith.constant 1 : i32
    %broadcast_in_dim3A_1284 = vector.broadcast %broadcast_in_dim3A_1283 : i32 to vector<16xi32>
    %lt3A_1285 = arith.constant 0 : i32
    %lt3A_1286 = vector.broadcast %lt3A_1285 : i32 to vector<16xi32>
    %lt3A_1287 = arith.cmpi slt, %broadcast_in_dim3A_1284, %lt3A_1286 : vector<16xi32>
    %add3A_1288 = arith.constant 16 : i32
    %add3A_1289 = vector.broadcast %add3A_1288 : i32 to vector<16xi32>
    %add3A_1290 = arith.addi %broadcast_in_dim3A_1284, %add3A_1289 : vector<16xi32>
    %select_n3A_1291 = arith.select %lt3A_1287, %add3A_1290, %broadcast_in_dim3A_1284 : vector<16xi1>, vector<16xi32>
    %broadcast_in_dim3A_1292 = vector.shape_cast %select_n3A_1291 : vector<16xi32> to vector<16x1xi32>
    %gather3A_1293 = vector.shape_cast %broadcast_in_dim3A_1292 : vector<16x1xi32> to vector<16xi32>
    %gather3A_1294 = tpu.dynamic_gather %add3A_1266[%gather3A_1293] in [0] : vector<16xf32>, vector<16xi32> -> vector<16xf32>
    %swap3A_1295 = arith.constant 528 : index
    %swap3A_1296 = tpu.vector_load %arg12[%swap3A_1295] {strides = array<i32>} : memref<1024xf32, #tpu.memory_space<vmem>>, vector<16xf32>,
    tpu.vector_store %arg12[%swap3A_1295], %gather3A_1294 {strides = array<i32>} : memref<1024xf32, #tpu.memory_space<vmem>>, vector<16xf32>,
    %broadcast_in_dim3A_1297 = arith.constant 2 : i32
    %broadcast_in_dim3A_1298 = vector.broadcast %broadcast_in_dim3A_1297 : i32 to vector<16xi32>
    %lt3A_1299 = arith.constant 0 : i32
    %lt3A_1300 = vector.broadcast %lt3A_1299 : i32 to vector<16xi32>
    %lt3A_1301 = arith.cmpi slt, %broadcast_in_dim3A_1298, %lt3A_1300 : vector<16xi32>
    %add3A_1302 = arith.constant 16 : i32
    %add3A_1303 = vector.broadcast %add3A_1302 : i32 to vector<16xi32>
    %add3A_1304 = arith.addi %broadcast_in_dim3A_1298, %add3A_1303 : vector<16xi32>
    %select_n3A_1305 = arith.select %lt3A_1301, %add3A_1304, %broadcast_in_dim3A_1298 : vector<16xi1>, vector<16xi32>
    %broadcast_in_dim3A_1306 = vector.shape_cast %select_n3A_1305 : vector<16xi32> to vector<16x1xi32>
    %gather3A_1307 = vector.shape_cast %broadcast_in_dim3A_1306 : vector<16x1xi32> to vector<16xi32>
    %gather3A_1308 = tpu.dynamic_gather %add3A_1266[%gather3A_1307] in [0] : vector<16xf32>, vector<16xi32> -> vector<16xf32>
    %swap3A_1309 = arith.constant 544 : index
    %swap3A_1310 = tpu.vector_load %arg12[%swap3A_1309] {strides = array<i32>} : memref<1024xf32, #tpu.memory_space<vmem>>, vector<16xf32>,
    tpu.vector_store %arg12[%swap3A_1309], %gather3A_1308 {strides = array<i32>} : memref<1024xf32, #tpu.memory_space<vmem>>, vector<16xf32>,
    %broadcast_in_dim3A_1311 = arith.constant 3 : i32
    %broadcast_in_dim3A_1312 = vector.broadcast %broadcast_in_dim3A_1311 : i32 to vector<16xi32>
    %lt3A_1313 = arith.constant 0 : i32
    %lt3A_1314 = vector.broadcast %lt3A_1313 : i32 to vector<16xi32>
    %lt3A_1315 = arith.cmpi slt, %broadcast_in_dim3A_1312, %lt3A_1314 : vector<16xi32>
    %add3A_1316 = arith.constant 16 : i32
    %add3A_1317 = vector.broadcast %add3A_1316 : i32 to vector<16xi32>
    %add3A_1318 = arith.addi %broadcast_in_dim3A_1312, %add3A_1317 : vector<16xi32>
    %select_n3A_1319 = arith.select %lt3A_1315, %add3A_1318, %broadcast_in_dim3A_1312 : vector<16xi1>, vector<16xi32>
    %broadcast_in_dim3A_1320 = vector.shape_cast %select_n3A_1319 : vector<16xi32> to vector<16x1xi32>
    %gather3A_1321 = vector.shape_cast %broadcast_in_dim3A_1320 : vector<16x1xi32> to vector<16xi32>
    %gather3A_1322 = tpu.dynamic_gather %add3A_1266[%gather3A_1321] in [0] : vector<16xf32>, vector<16xi32> -> vector<16xf32>
    %swap3A_1323 = arith.constant 560 : index
    %swap3A_1324 = tpu.vector_load %arg12[%swap3A_1323] {strides = array<i32>} : memref<1024xf32, #tpu.memory_space<vmem>>, vector<16xf32>,
    tpu.vector_store %arg12[%swap3A_1323], %gather3A_1322 {strides = array<i32>} : memref<1024xf32, #tpu.memory_space<vmem>>, vector<16xf32>,
    %broadcast_in_dim3A_1325 = arith.constant 4 : i32
    %broadcast_in_dim3A_1326 = vector.broadcast %broadcast_in_dim3A_1325 : i32 to vector<16xi32>
    %lt3A_1327 = arith.constant 0 : i32
    %lt3A_1328 = vector.broadcast %lt3A_1327 : i32 to vector<16xi32>
    %lt3A_1329 = arith.cmpi slt, %broadcast_in_dim3A_1326, %lt3A_1328 : vector<16xi32>
    %add3A_1330 = arith.constant 16 : i32
    %add3A_1331 = vector.broadcast %add3A_1330 : i32 to vector<16xi32>
    %add3A_1332 = arith.addi %broadcast_in_dim3A_1326, %add3A_1331 : vector<16xi32>
    %select_n3A_1333 = arith.select %lt3A_1329, %add3A_1332, %broadcast_in_dim3A_1326 : vector<16xi1>, vector<16xi32>
    %broadcast_in_dim3A_1334 = vector.shape_cast %select_n3A_1333 : vector<16xi32> to vector<16x1xi32>
    %gather3A_1335 = vector.shape_cast %broadcast_in_dim3A_1334 : vector<16x1xi32> to vector<16xi32>
    %gather3A_1336 = tpu.dynamic_gather %add3A_1266[%gather3A_1335] in [0] : vector<16xf32>, vector<16xi32> -> vector<16xf32>
    %swap3A_1337 = arith.constant 576 : index
    %swap3A_1338 = tpu.vector_load %arg12[%swap3A_1337] {strides = array<i32>} : memref<1024xf32, #tpu.memory_space<vmem>>, vector<16xf32>,
    tpu.vector_store %arg12[%swap3A_1337], %gather3A_1336 {strides = array<i32>} : memref<1024xf32, #tpu.memory_space<vmem>>, vector<16xf32>,
    %broadcast_in_dim3A_1339 = arith.constant 5 : i32
    %broadcast_in_dim3A_1340 = vector.broadcast %broadcast_in_dim3A_1339 : i32 to vector<16xi32>
    %lt3A_1341 = arith.constant 0 : i32
    %lt3A_1342 = vector.broadcast %lt3A_1341 : i32 to vector<16xi32>
    %lt3A_1343 = arith.cmpi slt, %broadcast_in_dim3A_1340, %lt3A_1342 : vector<16xi32>
    %add3A_1344 = arith.constant 16 : i32
    %add3A_1345 = vector.broadcast %add3A_1344 : i32 to vector<16xi32>
    %add3A_1346 = arith.addi %broadcast_in_dim3A_1340, %add3A_1345 : vector<16xi32>
    %select_n3A_1347 = arith.select %lt3A_1343, %add3A_1346, %broadcast_in_dim3A_1340 : vector<16xi1>, vector<16xi32>
    %broadcast_in_dim3A_1348 = vector.shape_cast %select_n3A_1347 : vector<16xi32> to vector<16x1xi32>
    %gather3A_1349 = vector.shape_cast %broadcast_in_dim3A_1348 : vector<16x1xi32> to vector<16xi32>
    %gather3A_1350 = tpu.dynamic_gather %add3A_1266[%gather3A_1349] in [0] : vector<16xf32>, vector<16xi32> -> vector<16xf32>
    %swap3A_1351 = arith.constant 592 : index
    %swap3A_1352 = tpu.vector_load %arg12[%swap3A_1351] {strides = array<i32>} : memref<1024xf32, #tpu.memory_space<vmem>>, vector<16xf32>,
    tpu.vector_store %arg12[%swap3A_1351], %gather3A_1350 {strides = array<i32>} : memref<1024xf32, #tpu.memory_space<vmem>>, vector<16xf32>,
    %broadcast_in_dim3A_1353 = arith.constant 6 : i32
    %broadcast_in_dim3A_1354 = vector.broadcast %broadcast_in_dim3A_1353 : i32 to vector<16xi32>
    %lt3A_1355 = arith.constant 0 : i32
    %lt3A_1356 = vector.broadcast %lt3A_1355 : i32 to vector<16xi32>
    %lt3A_1357 = arith.cmpi slt, %broadcast_in_dim3A_1354, %lt3A_1356 : vector<16xi32>
    %add3A_1358 = arith.constant 16 : i32
    %add3A_1359 = vector.broadcast %add3A_1358 : i32 to vector<16xi32>
    %add3A_1360 = arith.addi %broadcast_in_dim3A_1354, %add3A_1359 : vector<16xi32>
    %select_n3A_1361 = arith.select %lt3A_1357, %add3A_1360, %broadcast_in_dim3A_1354 : vector<16xi1>, vector<16xi32>
    %broadcast_in_dim3A_1362 = vector.shape_cast %select_n3A_1361 : vector<16xi32> to vector<16x1xi32>
    %gather3A_1363 = vector.shape_cast %broadcast_in_dim3A_1362 : vector<16x1xi32> to vector<16xi32>
    %gather3A_1364 = tpu.dynamic_gather %add3A_1266[%gather3A_1363] in [0] : vector<16xf32>, vector<16xi32> -> vector<16xf32>
    %swap3A_1365 = arith.constant 608 : index
    %swap3A_1366 = tpu.vector_load %arg12[%swap3A_1365] {strides = array<i32>} : memref<1024xf32, #tpu.memory_space<vmem>>, vector<16xf32>,
    tpu.vector_store %arg12[%swap3A_1365], %gather3A_1364 {strides = array<i32>} : memref<1024xf32, #tpu.memory_space<vmem>>, vector<16xf32>,
    %broadcast_in_dim3A_1367 = arith.constant 7 : i32
    %broadcast_in_dim3A_1368 = vector.broadcast %broadcast_in_dim3A_1367 : i32 to vector<16xi32>
    %lt3A_1369 = arith.constant 0 : i32
    %lt3A_1370 = vector.broadcast %lt3A_1369 : i32 to vector<16xi32>
    %lt3A_1371 = arith.cmpi slt, %broadcast_in_dim3A_1368, %lt3A_1370 : vector<16xi32>
    %add3A_1372 = arith.constant 16 : i32
    %add3A_1373 = vector.broadcast %add3A_1372 : i32 to vector<16xi32>
    %add3A_1374 = arith.addi %broadcast_in_dim3A_1368, %add3A_1373 : vector<16xi32>
    %select_n3A_1375 = arith.select %lt3A_1371, %add3A_1374, %broadcast_in_dim3A_1368 : vector<16xi1>, vector<16xi32>
    %broadcast_in_dim3A_1376 = vector.shape_cast %select_n3A_1375 : vector<16xi32> to vector<16x1xi32>
    %gather3A_1377 = vector.shape_cast %broadcast_in_dim3A_1376 : vector<16x1xi32> to vector<16xi32>
    %gather3A_1378 = tpu.dynamic_gather %add3A_1266[%gather3A_1377] in [0] : vector<16xf32>, vector<16xi32> -> vector<16xf32>
    %swap3A_1379 = arith.constant 624 : index
    %swap3A_1380 = tpu.vector_load %arg12[%swap3A_1379] {strides = array<i32>} : memref<1024xf32, #tpu.memory_space<vmem>>, vector<16xf32>,
    tpu.vector_store %arg12[%swap3A_1379], %gather3A_1378 {strides = array<i32>} : memref<1024xf32, #tpu.memory_space<vmem>>, vector<16xf32>,
    %broadcast_in_dim3A_1381 = arith.constant 8 : i32
    %broadcast_in_dim3A_1382 = vector.broadcast %broadcast_in_dim3A_1381 : i32 to vector<16xi32>
    %lt3A_1383 = arith.constant 0 : i32
    %lt3A_1384 = vector.broadcast %lt3A_1383 : i32 to vector<16xi32>
    %lt3A_1385 = arith.cmpi slt, %broadcast_in_dim3A_1382, %lt3A_1384 : vector<16xi32>
    %add3A_1386 = arith.constant 16 : i32
    %add3A_1387 = vector.broadcast %add3A_1386 : i32 to vector<16xi32>
    %add3A_1388 = arith.addi %broadcast_in_dim3A_1382, %add3A_1387 : vector<16xi32>
    %select_n3A_1389 = arith.select %lt3A_1385, %add3A_1388, %broadcast_in_dim3A_1382 : vector<16xi1>, vector<16xi32>
    %broadcast_in_dim3A_1390 = vector.shape_cast %select_n3A_1389 : vector<16xi32> to vector<16x1xi32>
    %gather3A_1391 = vector.shape_cast %broadcast_in_dim3A_1390 : vector<16x1xi32> to vector<16xi32>
    %gather3A_1392 = tpu.dynamic_gather %add3A_1266[%gather3A_1391] in [0] : vector<16xf32>, vector<16xi32> -> vector<16xf32>
    %swap3A_1393 = arith.constant 640 : index
    %swap3A_1394 = tpu.vector_load %arg12[%swap3A_1393] {strides = array<i32>} : memref<1024xf32, #tpu.memory_space<vmem>>, vector<16xf32>,
    tpu.vector_store %arg12[%swap3A_1393], %gather3A_1392 {strides = array<i32>} : memref<1024xf32, #tpu.memory_space<vmem>>, vector<16xf32>,
    %broadcast_in_dim3A_1395 = arith.constant 9 : i32
    %broadcast_in_dim3A_1396 = vector.broadcast %broadcast_in_dim3A_1395 : i32 to vector<16xi32>
    %lt3A_1397 = arith.constant 0 : i32
    %lt3A_1398 = vector.broadcast %lt3A_1397 : i32 to vector<16xi32>
    %lt3A_1399 = arith.cmpi slt, %broadcast_in_dim3A_1396, %lt3A_1398 : vector<16xi32>
    %add3A_1400 = arith.constant 16 : i32
    %add3A_1401 = vector.broadcast %add3A_1400 : i32 to vector<16xi32>
    %add3A_1402 = arith.addi %broadcast_in_dim3A_1396, %add3A_1401 : vector<16xi32>
    %select_n3A_1403 = arith.select %lt3A_1399, %add3A_1402, %broadcast_in_dim3A_1396 : vector<16xi1>, vector<16xi32>
    %broadcast_in_dim3A_1404 = vector.shape_cast %select_n3A_1403 : vector<16xi32> to vector<16x1xi32>
    %gather3A_1405 = vector.shape_cast %broadcast_in_dim3A_1404 : vector<16x1xi32> to vector<16xi32>
    %gather3A_1406 = tpu.dynamic_gather %add3A_1266[%gather3A_1405] in [0] : vector<16xf32>, vector<16xi32> -> vector<16xf32>
    %swap3A_1407 = arith.constant 656 : index
    %swap3A_1408 = tpu.vector_load %arg12[%swap3A_1407] {strides = array<i32>} : memref<1024xf32, #tpu.memory_space<vmem>>, vector<16xf32>,
    tpu.vector_store %arg12[%swap3A_1407], %gather3A_1406 {strides = array<i32>} : memref<1024xf32, #tpu.memory_space<vmem>>, vector<16xf32>,
    %broadcast_in_dim3A_1409 = arith.constant 10 : i32
    %broadcast_in_dim3A_1410 = vector.broadcast %broadcast_in_dim3A_1409 : i32 to vector<16xi32>
    %lt3A_1411 = arith.constant 0 : i32
    %lt3A_1412 = vector.broadcast %lt3A_1411 : i32 to vector<16xi32>
    %lt3A_1413 = arith.cmpi slt, %broadcast_in_dim3A_1410, %lt3A_1412 : vector<16xi32>
    %add3A_1414 = arith.constant 16 : i32
    %add3A_1415 = vector.broadcast %add3A_1414 : i32 to vector<16xi32>
    %add3A_1416 = arith.addi %broadcast_in_dim3A_1410, %add3A_1415 : vector<16xi32>
    %select_n3A_1417 = arith.select %lt3A_1413, %add3A_1416, %broadcast_in_dim3A_1410 : vector<16xi1>, vector<16xi32>
    %broadcast_in_dim3A_1418 = vector.shape_cast %select_n3A_1417 : vector<16xi32> to vector<16x1xi32>
    %gather3A_1419 = vector.shape_cast %broadcast_in_dim3A_1418 : vector<16x1xi32> to vector<16xi32>
    %gather3A_1420 = tpu.dynamic_gather %add3A_1266[%gather3A_1419] in [0] : vector<16xf32>, vector<16xi32> -> vector<16xf32>
    %swap3A_1421 = arith.constant 672 : index
    %swap3A_1422 = tpu.vector_load %arg12[%swap3A_1421] {strides = array<i32>} : memref<1024xf32, #tpu.memory_space<vmem>>, vector<16xf32>,
    tpu.vector_store %arg12[%swap3A_1421], %gather3A_1420 {strides = array<i32>} : memref<1024xf32, #tpu.memory_space<vmem>>, vector<16xf32>,
    %broadcast_in_dim3A_1423 = arith.constant 11 : i32
    %broadcast_in_dim3A_1424 = vector.broadcast %broadcast_in_dim3A_1423 : i32 to vector<16xi32>
    %lt3A_1425 = arith.constant 0 : i32
    %lt3A_1426 = vector.broadcast %lt3A_1425 : i32 to vector<16xi32>
    %lt3A_1427 = arith.cmpi slt, %broadcast_in_dim3A_1424, %lt3A_1426 : vector<16xi32>
    %add3A_1428 = arith.constant 16 : i32
    %add3A_1429 = vector.broadcast %add3A_1428 : i32 to vector<16xi32>
    %add3A_1430 = arith.addi %broadcast_in_dim3A_1424, %add3A_1429 : vector<16xi32>
    %select_n3A_1431 = arith.select %lt3A_1427, %add3A_1430, %broadcast_in_dim3A_1424 : vector<16xi1>, vector<16xi32>
    %broadcast_in_dim3A_1432 = vector.shape_cast %select_n3A_1431 : vector<16xi32> to vector<16x1xi32>
    %gather3A_1433 = vector.shape_cast %broadcast_in_dim3A_1432 : vector<16x1xi32> to vector<16xi32>
    %gather3A_1434 = tpu.dynamic_gather %add3A_1266[%gather3A_1433] in [0] : vector<16xf32>, vector<16xi32> -> vector<16xf32>
    %swap3A_1435 = arith.constant 688 : index
    %swap3A_1436 = tpu.vector_load %arg12[%swap3A_1435] {strides = array<i32>} : memref<1024xf32, #tpu.memory_space<vmem>>, vector<16xf32>,
    tpu.vector_store %arg12[%swap3A_1435], %gather3A_1434 {strides = array<i32>} : memref<1024xf32, #tpu.memory_space<vmem>>, vector<16xf32>,
    %broadcast_in_dim3A_1437 = arith.constant 12 : i32
    %broadcast_in_dim3A_1438 = vector.broadcast %broadcast_in_dim3A_1437 : i32 to vector<16xi32>
    %lt3A_1439 = arith.constant 0 : i32
    %lt3A_1440 = vector.broadcast %lt3A_1439 : i32 to vector<16xi32>
    %lt3A_1441 = arith.cmpi slt, %broadcast_in_dim3A_1438, %lt3A_1440 : vector<16xi32>
    %add3A_1442 = arith.constant 16 : i32
    %add3A_1443 = vector.broadcast %add3A_1442 : i32 to vector<16xi32>
    %add3A_1444 = arith.addi %broadcast_in_dim3A_1438, %add3A_1443 : vector<16xi32>
    %select_n3A_1445 = arith.select %lt3A_1441, %add3A_1444, %broadcast_in_dim3A_1438 : vector<16xi1>, vector<16xi32>
    %broadcast_in_dim3A_1446 = vector.shape_cast %select_n3A_1445 : vector<16xi32> to vector<16x1xi32>
    %gather3A_1447 = vector.shape_cast %broadcast_in_dim3A_1446 : vector<16x1xi32> to vector<16xi32>
    %gather3A_1448 = tpu.dynamic_gather %add3A_1266[%gather3A_1447] in [0] : vector<16xf32>, vector<16xi32> -> vector<16xf32>
    %swap3A_1449 = arith.constant 704 : index
    %swap3A_1450 = tpu.vector_load %arg12[%swap3A_1449] {strides = array<i32>} : memref<1024xf32, #tpu.memory_space<vmem>>, vector<16xf32>,
    tpu.vector_store %arg12[%swap3A_1449], %gather3A_1448 {strides = array<i32>} : memref<1024xf32, #tpu.memory_space<vmem>>, vector<16xf32>,
    %broadcast_in_dim3A_1451 = arith.constant 13 : i32
    %broadcast_in_dim3A_1452 = vector.broadcast %broadcast_in_dim3A_1451 : i32 to vector<16xi32>
    %lt3A_1453 = arith.constant 0 : i32
    %lt3A_1454 = vector.broadcast %lt3A_1453 : i32 to vector<16xi32>
    %lt3A_1455 = arith.cmpi slt, %broadcast_in_dim3A_1452, %lt3A_1454 : vector<16xi32>
    %add3A_1456 = arith.constant 16 : i32
    %add3A_1457 = vector.broadcast %add3A_1456 : i32 to vector<16xi32>
    %add3A_1458 = arith.addi %broadcast_in_dim3A_1452, %add3A_1457 : vector<16xi32>
    %select_n3A_1459 = arith.select %lt3A_1455, %add3A_1458, %broadcast_in_dim3A_1452 : vector<16xi1>, vector<16xi32>
    %broadcast_in_dim3A_1460 = vector.shape_cast %select_n3A_1459 : vector<16xi32> to vector<16x1xi32>
    %gather3A_1461 = vector.shape_cast %broadcast_in_dim3A_1460 : vector<16x1xi32> to vector<16xi32>
    %gather3A_1462 = tpu.dynamic_gather %add3A_1266[%gather3A_1461] in [0] : vector<16xf32>, vector<16xi32> -> vector<16xf32>
    %swap3A_1463 = arith.constant 720 : index
    %swap3A_1464 = tpu.vector_load %arg12[%swap3A_1463] {strides = array<i32>} : memref<1024xf32, #tpu.memory_space<vmem>>, vector<16xf32>,
    tpu.vector_store %arg12[%swap3A_1463], %gather3A_1462 {strides = array<i32>} : memref<1024xf32, #tpu.memory_space<vmem>>, vector<16xf32>,
    %broadcast_in_dim3A_1465 = arith.constant 14 : i32
    %broadcast_in_dim3A_1466 = vector.broadcast %broadcast_in_dim3A_1465 : i32 to vector<16xi32>
    %lt3A_1467 = arith.constant 0 : i32
    %lt3A_1468 = vector.broadcast %lt3A_1467 : i32 to vector<16xi32>
    %lt3A_1469 = arith.cmpi slt, %broadcast_in_dim3A_1466, %lt3A_1468 : vector<16xi32>
    %add3A_1470 = arith.constant 16 : i32
    %add3A_1471 = vector.broadcast %add3A_1470 : i32 to vector<16xi32>
    %add3A_1472 = arith.addi %broadcast_in_dim3A_1466, %add3A_1471 : vector<16xi32>
    %select_n3A_1473 = arith.select %lt3A_1469, %add3A_1472, %broadcast_in_dim3A_1466 : vector<16xi1>, vector<16xi32>
    %broadcast_in_dim3A_1474 = vector.shape_cast %select_n3A_1473 : vector<16xi32> to vector<16x1xi32>
    %gather3A_1475 = vector.shape_cast %broadcast_in_dim3A_1474 : vector<16x1xi32> to vector<16xi32>
    %gather3A_1476 = tpu.dynamic_gather %add3A_1266[%gather3A_1475] in [0] : vector<16xf32>, vector<16xi32> -> vector<16xf32>
    %swap3A_1477 = arith.constant 736 : index
    %swap3A_1478 = tpu.vector_load %arg12[%swap3A_1477] {strides = array<i32>} : memref<1024xf32, #tpu.memory_space<vmem>>, vector<16xf32>,
    tpu.vector_store %arg12[%swap3A_1477], %gather3A_1476 {strides = array<i32>} : memref<1024xf32, #tpu.memory_space<vmem>>, vector<16xf32>,
    %broadcast_in_dim3A_1479 = arith.constant 15 : i32
    %broadcast_in_dim3A_1480 = vector.broadcast %broadcast_in_dim3A_1479 : i32 to vector<16xi32>
    %lt3A_1481 = arith.constant 0 : i32
    %lt3A_1482 = vector.broadcast %lt3A_1481 : i32 to vector<16xi32>
    %lt3A_1483 = arith.cmpi slt, %broadcast_in_dim3A_1480, %lt3A_1482 : vector<16xi32>
    %add3A_1484 = arith.constant 16 : i32
    %add3A_1485 = vector.broadcast %add3A_1484 : i32 to vector<16xi32>
    %add3A_1486 = arith.addi %broadcast_in_dim3A_1480, %add3A_1485 : vector<16xi32>
    %select_n3A_1487 = arith.select %lt3A_1483, %add3A_1486, %broadcast_in_dim3A_1480 : vector<16xi1>, vector<16xi32>
    %broadcast_in_dim3A_1488 = vector.shape_cast %select_n3A_1487 : vector<16xi32> to vector<16x1xi32>
    %gather3A_1489 = vector.shape_cast %broadcast_in_dim3A_1488 : vector<16x1xi32> to vector<16xi32>
    %gather3A_1490 = tpu.dynamic_gather %add3A_1266[%gather3A_1489] in [0] : vector<16xf32>, vector<16xi32> -> vector<16xf32>
    %swap3A_1491 = arith.constant 752 : index
    %swap3A_1492 = tpu.vector_load %arg12[%swap3A_1491] {strides = array<i32>} : memref<1024xf32, #tpu.memory_space<vmem>>, vector<16xf32>,
    tpu.vector_store %arg12[%swap3A_1491], %gather3A_1490 {strides = array<i32>} : memref<1024xf32, #tpu.memory_space<vmem>>, vector<16xf32>,
    %broadcast_in_dim3A_1493 = arith.constant 0 : i32
    %broadcast_in_dim3A_1494 = vector.broadcast %broadcast_in_dim3A_1493 : i32 to vector<16xi32>
    %lt3A_1495 = arith.constant 0 : i32
    %lt3A_1496 = vector.broadcast %lt3A_1495 : i32 to vector<16xi32>
    %lt3A_1497 = arith.cmpi slt, %broadcast_in_dim3A_1494, %lt3A_1496 : vector<16xi32>
    %add3A_1498 = arith.constant 16 : i32
    %add3A_1499 = vector.broadcast %add3A_1498 : i32 to vector<16xi32>
    %add3A_1500 = arith.addi %broadcast_in_dim3A_1494, %add3A_1499 : vector<16xi32>
    %select_n3A_1501 = arith.select %lt3A_1497, %add3A_1500, %broadcast_in_dim3A_1494 : vector<16xi1>, vector<16xi32>
    %broadcast_in_dim3A_1502 = vector.shape_cast %select_n3A_1501 : vector<16xi32> to vector<16x1xi32>
    %gather3A_1503 = vector.shape_cast %broadcast_in_dim3A_1502 : vector<16x1xi32> to vector<16xi32>
    %gather3A_1504 = tpu.dynamic_gather %add3A_430[%gather3A_1503] in [0] : vector<16xf32>, vector<16xi32> -> vector<16xf32>
    %get3A_1505 = arith.constant 48 : index
    %get3A_1506 = tpu.vector_load %arg9[%get3A_1505] {strides = array<i32>} : memref<512xf32, #tpu.memory_space<vmem>>, vector<16xf32>,
    %mul3A_1507 = arith.mulf %gather3A_1504, %get3A_1506 : vector<16xf32>
    %add3A_1508 = arith.addf %broadcast_in_dim3A_1, %mul3A_1507 : vector<16xf32>
    %broadcast_in_dim3A_1509 = arith.constant 1 : i32
    %broadcast_in_dim3A_1510 = vector.broadcast %broadcast_in_dim3A_1509 : i32 to vector<16xi32>
    %lt3A_1511 = arith.constant 0 : i32
    %lt3A_1512 = vector.broadcast %lt3A_1511 : i32 to vector<16xi32>
    %lt3A_1513 = arith.cmpi slt, %broadcast_in_dim3A_1510, %lt3A_1512 : vector<16xi32>
    %add3A_1514 = arith.constant 16 : i32
    %add3A_1515 = vector.broadcast %add3A_1514 : i32 to vector<16xi32>
    %add3A_1516 = arith.addi %broadcast_in_dim3A_1510, %add3A_1515 : vector<16xi32>
    %select_n3A_1517 = arith.select %lt3A_1513, %add3A_1516, %broadcast_in_dim3A_1510 : vector<16xi1>, vector<16xi32>
    %broadcast_in_dim3A_1518 = vector.shape_cast %select_n3A_1517 : vector<16xi32> to vector<16x1xi32>
    %gather3A_1519 = vector.shape_cast %broadcast_in_dim3A_1518 : vector<16x1xi32> to vector<16xi32>
    %gather3A_1520 = tpu.dynamic_gather %add3A_430[%gather3A_1519] in [0] : vector<16xf32>, vector<16xi32> -> vector<16xf32>
    %get3A_1521 = arith.constant 112 : index
    %get3A_1522 = tpu.vector_load %arg9[%get3A_1521] {strides = array<i32>} : memref<512xf32, #tpu.memory_space<vmem>>, vector<16xf32>,
    %mul3A_1523 = arith.mulf %gather3A_1520, %get3A_1522 : vector<16xf32>
    %add3A_1524 = arith.addf %add3A_1508, %mul3A_1523 : vector<16xf32>
    %broadcast_in_dim3A_1525 = arith.constant 2 : i32
    %broadcast_in_dim3A_1526 = vector.broadcast %broadcast_in_dim3A_1525 : i32 to vector<16xi32>
    %lt3A_1527 = arith.constant 0 : i32
    %lt3A_1528 = vector.broadcast %lt3A_1527 : i32 to vector<16xi32>
    %lt3A_1529 = arith.cmpi slt, %broadcast_in_dim3A_1526, %lt3A_1528 : vector<16xi32>
    %add3A_1530 = arith.constant 16 : i32
    %add3A_1531 = vector.broadcast %add3A_1530 : i32 to vector<16xi32>
    %add3A_1532 = arith.addi %broadcast_in_dim3A_1526, %add3A_1531 : vector<16xi32>
    %select_n3A_1533 = arith.select %lt3A_1529, %add3A_1532, %broadcast_in_dim3A_1526 : vector<16xi1>, vector<16xi32>
    %broadcast_in_dim3A_1534 = vector.shape_cast %select_n3A_1533 : vector<16xi32> to vector<16x1xi32>
    %gather3A_1535 = vector.shape_cast %broadcast_in_dim3A_1534 : vector<16x1xi32> to vector<16xi32>
    %gather3A_1536 = tpu.dynamic_gather %add3A_430[%gather3A_1535] in [0] : vector<16xf32>, vector<16xi32> -> vector<16xf32>
    %get3A_1537 = arith.constant 176 : index
    %get3A_1538 = tpu.vector_load %arg9[%get3A_1537] {strides = array<i32>} : memref<512xf32, #tpu.memory_space<vmem>>, vector<16xf32>,
    %mul3A_1539 = arith.mulf %gather3A_1536, %get3A_1538 : vector<16xf32>
    %add3A_1540 = arith.addf %add3A_1524, %mul3A_1539 : vector<16xf32>
    %broadcast_in_dim3A_1541 = arith.constant 3 : i32
    %broadcast_in_dim3A_1542 = vector.broadcast %broadcast_in_dim3A_1541 : i32 to vector<16xi32>
    %lt3A_1543 = arith.constant 0 : i32
    %lt3A_1544 = vector.broadcast %lt3A_1543 : i32 to vector<16xi32>
    %lt3A_1545 = arith.cmpi slt, %broadcast_in_dim3A_1542, %lt3A_1544 : vector<16xi32>
    %add3A_1546 = arith.constant 16 : i32
    %add3A_1547 = vector.broadcast %add3A_1546 : i32 to vector<16xi32>
    %add3A_1548 = arith.addi %broadcast_in_dim3A_1542, %add3A_1547 : vector<16xi32>
    %select_n3A_1549 = arith.select %lt3A_1545, %add3A_1548, %broadcast_in_dim3A_1542 : vector<16xi1>, vector<16xi32>
    %broadcast_in_dim3A_1550 = vector.shape_cast %select_n3A_1549 : vector<16xi32> to vector<16x1xi32>
    %gather3A_1551 = vector.shape_cast %broadcast_in_dim3A_1550 : vector<16x1xi32> to vector<16xi32>
    %gather3A_1552 = tpu.dynamic_gather %add3A_430[%gather3A_1551] in [0] : vector<16xf32>, vector<16xi32> -> vector<16xf32>
    %get3A_1553 = arith.constant 240 : index
    %get3A_1554 = tpu.vector_load %arg9[%get3A_1553] {strides = array<i32>} : memref<512xf32, #tpu.memory_space<vmem>>, vector<16xf32>,
    %mul3A_1555 = arith.mulf %gather3A_1552, %get3A_1554 : vector<16xf32>
    %add3A_1556 = arith.addf %add3A_1540, %mul3A_1555 : vector<16xf32>
    %broadcast_in_dim3A_1557 = arith.constant 4 : i32
    %broadcast_in_dim3A_1558 = vector.broadcast %broadcast_in_dim3A_1557 : i32 to vector<16xi32>
    %lt3A_1559 = arith.constant 0 : i32
    %lt3A_1560 = vector.broadcast %lt3A_1559 : i32 to vector<16xi32>
    %lt3A_1561 = arith.cmpi slt, %broadcast_in_dim3A_1558, %lt3A_1560 : vector<16xi32>
    %add3A_1562 = arith.constant 16 : i32
    %add3A_1563 = vector.broadcast %add3A_1562 : i32 to vector<16xi32>
    %add3A_1564 = arith.addi %broadcast_in_dim3A_1558, %add3A_1563 : vector<16xi32>
    %select_n3A_1565 = arith.select %lt3A_1561, %add3A_1564, %broadcast_in_dim3A_1558 : vector<16xi1>, vector<16xi32>
    %broadcast_in_dim3A_1566 = vector.shape_cast %select_n3A_1565 : vector<16xi32> to vector<16x1xi32>
    %gather3A_1567 = vector.shape_cast %broadcast_in_dim3A_1566 : vector<16x1xi32> to vector<16xi32>
    %gather3A_1568 = tpu.dynamic_gather %add3A_430[%gather3A_1567] in [0] : vector<16xf32>, vector<16xi32> -> vector<16xf32>
    %get3A_1569 = arith.constant 304 : index
    %get3A_1570 = tpu.vector_load %arg9[%get3A_1569] {strides = array<i32>} : memref<512xf32, #tpu.memory_space<vmem>>, vector<16xf32>,
    %mul3A_1571 = arith.mulf %gather3A_1568, %get3A_1570 : vector<16xf32>
    %add3A_1572 = arith.addf %add3A_1556, %mul3A_1571 : vector<16xf32>
    %broadcast_in_dim3A_1573 = arith.constant 5 : i32
    %broadcast_in_dim3A_1574 = vector.broadcast %broadcast_in_dim3A_1573 : i32 to vector<16xi32>
    %lt3A_1575 = arith.constant 0 : i32
    %lt3A_1576 = vector.broadcast %lt3A_1575 : i32 to vector<16xi32>
    %lt3A_1577 = arith.cmpi slt, %broadcast_in_dim3A_1574, %lt3A_1576 : vector<16xi32>
    %add3A_1578 = arith.constant 16 : i32
    %add3A_1579 = vector.broadcast %add3A_1578 : i32 to vector<16xi32>
    %add3A_1580 = arith.addi %broadcast_in_dim3A_1574, %add3A_1579 : vector<16xi32>
    %select_n3A_1581 = arith.select %lt3A_1577, %add3A_1580, %broadcast_in_dim3A_1574 : vector<16xi1>, vector<16xi32>
    %broadcast_in_dim3A_1582 = vector.shape_cast %select_n3A_1581 : vector<16xi32> to vector<16x1xi32>
    %gather3A_1583 = vector.shape_cast %broadcast_in_dim3A_1582 : vector<16x1xi32> to vector<16xi32>
    %gather3A_1584 = tpu.dynamic_gather %add3A_430[%gather3A_1583] in [0] : vector<16xf32>, vector<16xi32> -> vector<16xf32>
    %get3A_1585 = arith.constant 368 : index
    %get3A_1586 = tpu.vector_load %arg9[%get3A_1585] {strides = array<i32>} : memref<512xf32, #tpu.memory_space<vmem>>, vector<16xf32>,
    %mul3A_1587 = arith.mulf %gather3A_1584, %get3A_1586 : vector<16xf32>
    %add3A_1588 = arith.addf %add3A_1572, %mul3A_1587 : vector<16xf32>
    %broadcast_in_dim3A_1589 = arith.constant 6 : i32
    %broadcast_in_dim3A_1590 = vector.broadcast %broadcast_in_dim3A_1589 : i32 to vector<16xi32>
    %lt3A_1591 = arith.constant 0 : i32
    %lt3A_1592 = vector.broadcast %lt3A_1591 : i32 to vector<16xi32>
    %lt3A_1593 = arith.cmpi slt, %broadcast_in_dim3A_1590, %lt3A_1592 : vector<16xi32>
    %add3A_1594 = arith.constant 16 : i32
    %add3A_1595 = vector.broadcast %add3A_1594 : i32 to vector<16xi32>
    %add3A_1596 = arith.addi %broadcast_in_dim3A_1590, %add3A_1595 : vector<16xi32>
    %select_n3A_1597 = arith.select %lt3A_1593, %add3A_1596, %broadcast_in_dim3A_1590 : vector<16xi1>, vector<16xi32>
    %broadcast_in_dim3A_1598 = vector.shape_cast %select_n3A_1597 : vector<16xi32> to vector<16x1xi32>
    %gather3A_1599 = vector.shape_cast %broadcast_in_dim3A_1598 : vector<16x1xi32> to vector<16xi32>
    %gather3A_1600 = tpu.dynamic_gather %add3A_430[%gather3A_1599] in [0] : vector<16xf32>, vector<16xi32> -> vector<16xf32>
    %get3A_1601 = arith.constant 432 : index
    %get3A_1602 = tpu.vector_load %arg9[%get3A_1601] {strides = array<i32>} : memref<512xf32, #tpu.memory_space<vmem>>, vector<16xf32>,
    %mul3A_1603 = arith.mulf %gather3A_1600, %get3A_1602 : vector<16xf32>
    %add3A_1604 = arith.addf %add3A_1588, %mul3A_1603 : vector<16xf32>
    %broadcast_in_dim3A_1605 = arith.constant 7 : i32
    %broadcast_in_dim3A_1606 = vector.broadcast %broadcast_in_dim3A_1605 : i32 to vector<16xi32>
    %lt3A_1607 = arith.constant 0 : i32
    %lt3A_1608 = vector.broadcast %lt3A_1607 : i32 to vector<16xi32>
    %lt3A_1609 = arith.cmpi slt, %broadcast_in_dim3A_1606, %lt3A_1608 : vector<16xi32>
    %add3A_1610 = arith.constant 16 : i32
    %add3A_1611 = vector.broadcast %add3A_1610 : i32 to vector<16xi32>
    %add3A_1612 = arith.addi %broadcast_in_dim3A_1606, %add3A_1611 : vector<16xi32>
    %select_n3A_1613 = arith.select %lt3A_1609, %add3A_1612, %broadcast_in_dim3A_1606 : vector<16xi1>, vector<16xi32>
    %broadcast_in_dim3A_1614 = vector.shape_cast %select_n3A_1613 : vector<16xi32> to vector<16x1xi32>
    %gather3A_1615 = vector.shape_cast %broadcast_in_dim3A_1614 : vector<16x1xi32> to vector<16xi32>
    %gather3A_1616 = tpu.dynamic_gather %add3A_430[%gather3A_1615] in [0] : vector<16xf32>, vector<16xi32> -> vector<16xf32>
    %get3A_1617 = arith.constant 496 : index
    %get3A_1618 = tpu.vector_load %arg9[%get3A_1617] {strides = array<i32>} : memref<512xf32, #tpu.memory_space<vmem>>, vector<16xf32>,
    %mul3A_1619 = arith.mulf %gather3A_1616, %get3A_1618 : vector<16xf32>
    %add3A_1620 = arith.addf %add3A_1604, %mul3A_1619 : vector<16xf32>
    %swap3A_1621 = arith.constant 48 : index
    %swap3A_1622 = tpu.vector_load %arg13[%swap3A_1621] {strides = array<i32>} : memref<64xf32, #tpu.memory_space<vmem>>, vector<16xf32>,
    tpu.vector_store %arg13[%swap3A_1621], %add3A_1620 {strides = array<i32>} : memref<64xf32, #tpu.memory_space<vmem>>, vector<16xf32>,
    %broadcast_in_dim3A_1623 = arith.constant 0 : i32
    %broadcast_in_dim3A_1624 = vector.broadcast %broadcast_in_dim3A_1623 : i32 to vector<16xi32>
    %lt3A_1625 = arith.constant 0 : i32
    %lt3A_1626 = vector.broadcast %lt3A_1625 : i32 to vector<16xi32>
    %lt3A_1627 = arith.cmpi slt, %broadcast_in_dim3A_1624, %lt3A_1626 : vector<16xi32>
    %add3A_1628 = arith.constant 16 : i32
    %add3A_1629 = vector.broadcast %add3A_1628 : i32 to vector<16xi32>
    %add3A_1630 = arith.addi %broadcast_in_dim3A_1624, %add3A_1629 : vector<16xi32>
    %select_n3A_1631 = arith.select %lt3A_1627, %add3A_1630, %broadcast_in_dim3A_1624 : vector<16xi1>, vector<16xi32>
    %broadcast_in_dim3A_1632 = vector.shape_cast %select_n3A_1631 : vector<16xi32> to vector<16x1xi32>
    %gather3A_1633 = vector.shape_cast %broadcast_in_dim3A_1632 : vector<16x1xi32> to vector<16xi32>
    %gather3A_1634 = tpu.dynamic_gather %add3A_1620[%gather3A_1633] in [0] : vector<16xf32>, vector<16xi32> -> vector<16xf32>
    %swap3A_1635 = arith.constant 768 : index
    %swap3A_1636 = tpu.vector_load %arg12[%swap3A_1635] {strides = array<i32>} : memref<1024xf32, #tpu.memory_space<vmem>>, vector<16xf32>,
    tpu.vector_store %arg12[%swap3A_1635], %gather3A_1634 {strides = array<i32>} : memref<1024xf32, #tpu.memory_space<vmem>>, vector<16xf32>,
    %broadcast_in_dim3A_1637 = arith.constant 1 : i32
    %broadcast_in_dim3A_1638 = vector.broadcast %broadcast_in_dim3A_1637 : i32 to vector<16xi32>
    %lt3A_1639 = arith.constant 0 : i32
    %lt3A_1640 = vector.broadcast %lt3A_1639 : i32 to vector<16xi32>
    %lt3A_1641 = arith.cmpi slt, %broadcast_in_dim3A_1638, %lt3A_1640 : vector<16xi32>
    %add3A_1642 = arith.constant 16 : i32
    %add3A_1643 = vector.broadcast %add3A_1642 : i32 to vector<16xi32>
    %add3A_1644 = arith.addi %broadcast_in_dim3A_1638, %add3A_1643 : vector<16xi32>
    %select_n3A_1645 = arith.select %lt3A_1641, %add3A_1644, %broadcast_in_dim3A_1638 : vector<16xi1>, vector<16xi32>
    %broadcast_in_dim3A_1646 = vector.shape_cast %select_n3A_1645 : vector<16xi32> to vector<16x1xi32>
    %gather3A_1647 = vector.shape_cast %broadcast_in_dim3A_1646 : vector<16x1xi32> to vector<16xi32>
    %gather3A_1648 = tpu.dynamic_gather %add3A_1620[%gather3A_1647] in [0] : vector<16xf32>, vector<16xi32> -> vector<16xf32>
    %swap3A_1649 = arith.constant 784 : index
    %swap3A_1650 = tpu.vector_load %arg12[%swap3A_1649] {strides = array<i32>} : memref<1024xf32, #tpu.memory_space<vmem>>, vector<16xf32>,
    tpu.vector_store %arg12[%swap3A_1649], %gather3A_1648 {strides = array<i32>} : memref<1024xf32, #tpu.memory_space<vmem>>, vector<16xf32>,
    %broadcast_in_dim3A_1651 = arith.constant 2 : i32
    %broadcast_in_dim3A_1652 = vector.broadcast %broadcast_in_dim3A_1651 : i32 to vector<16xi32>
    %lt3A_1653 = arith.constant 0 : i32
    %lt3A_1654 = vector.broadcast %lt3A_1653 : i32 to vector<16xi32>
    %lt3A_1655 = arith.cmpi slt, %broadcast_in_dim3A_1652, %lt3A_1654 : vector<16xi32>
    %add3A_1656 = arith.constant 16 : i32
    %add3A_1657 = vector.broadcast %add3A_1656 : i32 to vector<16xi32>
    %add3A_1658 = arith.addi %broadcast_in_dim3A_1652, %add3A_1657 : vector<16xi32>
    %select_n3A_1659 = arith.select %lt3A_1655, %add3A_1658, %broadcast_in_dim3A_1652 : vector<16xi1>, vector<16xi32>
    %broadcast_in_dim3A_1660 = vector.shape_cast %select_n3A_1659 : vector<16xi32> to vector<16x1xi32>
    %gather3A_1661 = vector.shape_cast %broadcast_in_dim3A_1660 : vector<16x1xi32> to vector<16xi32>
    %gather3A_1662 = tpu.dynamic_gather %add3A_1620[%gather3A_1661] in [0] : vector<16xf32>, vector<16xi32> -> vector<16xf32>
    %swap3A_1663 = arith.constant 800 : index
    %swap3A_1664 = tpu.vector_load %arg12[%swap3A_1663] {strides = array<i32>} : memref<1024xf32, #tpu.memory_space<vmem>>, vector<16xf32>,
    tpu.vector_store %arg12[%swap3A_1663], %gather3A_1662 {strides = array<i32>} : memref<1024xf32, #tpu.memory_space<vmem>>, vector<16xf32>,
    %broadcast_in_dim3A_1665 = arith.constant 3 : i32
    %broadcast_in_dim3A_1666 = vector.broadcast %broadcast_in_dim3A_1665 : i32 to vector<16xi32>
    %lt3A_1667 = arith.constant 0 : i32
    %lt3A_1668 = vector.broadcast %lt3A_1667 : i32 to vector<16xi32>
    %lt3A_1669 = arith.cmpi slt, %broadcast_in_dim3A_1666, %lt3A_1668 : vector<16xi32>
    %add3A_1670 = arith.constant 16 : i32
    %add3A_1671 = vector.broadcast %add3A_1670 : i32 to vector<16xi32>
    %add3A_1672 = arith.addi %broadcast_in_dim3A_1666, %add3A_1671 : vector<16xi32>
    %select_n3A_1673 = arith.select %lt3A_1669, %add3A_1672, %broadcast_in_dim3A_1666 : vector<16xi1>, vector<16xi32>
    %broadcast_in_dim3A_1674 = vector.shape_cast %select_n3A_1673 : vector<16xi32> to vector<16x1xi32>
    %gather3A_1675 = vector.shape_cast %broadcast_in_dim3A_1674 : vector<16x1xi32> to vector<16xi32>
    %gather3A_1676 = tpu.dynamic_gather %add3A_1620[%gather3A_1675] in [0] : vector<16xf32>, vector<16xi32> -> vector<16xf32>
    %swap3A_1677 = arith.constant 816 : index
    %swap3A_1678 = tpu.vector_load %arg12[%swap3A_1677] {strides = array<i32>} : memref<1024xf32, #tpu.memory_space<vmem>>, vector<16xf32>,
    tpu.vector_store %arg12[%swap3A_1677], %gather3A_1676 {strides = array<i32>} : memref<1024xf32, #tpu.memory_space<vmem>>, vector<16xf32>,
    %broadcast_in_dim3A_1679 = arith.constant 4 : i32
    %broadcast_in_dim3A_1680 = vector.broadcast %broadcast_in_dim3A_1679 : i32 to vector<16xi32>
    %lt3A_1681 = arith.constant 0 : i32
    %lt3A_1682 = vector.broadcast %lt3A_1681 : i32 to vector<16xi32>
    %lt3A_1683 = arith.cmpi slt, %broadcast_in_dim3A_1680, %lt3A_1682 : vector<16xi32>
    %add3A_1684 = arith.constant 16 : i32
    %add3A_1685 = vector.broadcast %add3A_1684 : i32 to vector<16xi32>
    %add3A_1686 = arith.addi %broadcast_in_dim3A_1680, %add3A_1685 : vector<16xi32>
    %select_n3A_1687 = arith.select %lt3A_1683, %add3A_1686, %broadcast_in_dim3A_1680 : vector<16xi1>, vector<16xi32>
    %broadcast_in_dim3A_1688 = vector.shape_cast %select_n3A_1687 : vector<16xi32> to vector<16x1xi32>
    %gather3A_1689 = vector.shape_cast %broadcast_in_dim3A_1688 : vector<16x1xi32> to vector<16xi32>
    %gather3A_1690 = tpu.dynamic_gather %add3A_1620[%gather3A_1689] in [0] : vector<16xf32>, vector<16xi32> -> vector<16xf32>
    %swap3A_1691 = arith.constant 832 : index
    %swap3A_1692 = tpu.vector_load %arg12[%swap3A_1691] {strides = array<i32>} : memref<1024xf32, #tpu.memory_space<vmem>>, vector<16xf32>,
    tpu.vector_store %arg12[%swap3A_1691], %gather3A_1690 {strides = array<i32>} : memref<1024xf32, #tpu.memory_space<vmem>>, vector<16xf32>,
    %broadcast_in_dim3A_1693 = arith.constant 5 : i32
    %broadcast_in_dim3A_1694 = vector.broadcast %broadcast_in_dim3A_1693 : i32 to vector<16xi32>
    %lt3A_1695 = arith.constant 0 : i32
    %lt3A_1696 = vector.broadcast %lt3A_1695 : i32 to vector<16xi32>
    %lt3A_1697 = arith.cmpi slt, %broadcast_in_dim3A_1694, %lt3A_1696 : vector<16xi32>
    %add3A_1698 = arith.constant 16 : i32
    %add3A_1699 = vector.broadcast %add3A_1698 : i32 to vector<16xi32>
    %add3A_1700 = arith.addi %broadcast_in_dim3A_1694, %add3A_1699 : vector<16xi32>
    %select_n3A_1701 = arith.select %lt3A_1697, %add3A_1700, %broadcast_in_dim3A_1694 : vector<16xi1>, vector<16xi32>
    %broadcast_in_dim3A_1702 = vector.shape_cast %select_n3A_1701 : vector<16xi32> to vector<16x1xi32>
    %gather3A_1703 = vector.shape_cast %broadcast_in_dim3A_1702 : vector<16x1xi32> to vector<16xi32>
    %gather3A_1704 = tpu.dynamic_gather %add3A_1620[%gather3A_1703] in [0] : vector<16xf32>, vector<16xi32> -> vector<16xf32>
    %swap3A_1705 = arith.constant 848 : index
    %swap3A_1706 = tpu.vector_load %arg12[%swap3A_1705] {strides = array<i32>} : memref<1024xf32, #tpu.memory_space<vmem>>, vector<16xf32>,
    tpu.vector_store %arg12[%swap3A_1705], %gather3A_1704 {strides = array<i32>} : memref<1024xf32, #tpu.memory_space<vmem>>, vector<16xf32>,
    %broadcast_in_dim3A_1707 = arith.constant 6 : i32
    %broadcast_in_dim3A_1708 = vector.broadcast %broadcast_in_dim3A_1707 : i32 to vector<16xi32>
    %lt3A_1709 = arith.constant 0 : i32
    %lt3A_1710 = vector.broadcast %lt3A_1709 : i32 to vector<16xi32>
    %lt3A_1711 = arith.cmpi slt, %broadcast_in_dim3A_1708, %lt3A_1710 : vector<16xi32>
    %add3A_1712 = arith.constant 16 : i32
    %add3A_1713 = vector.broadcast %add3A_1712 : i32 to vector<16xi32>
    %add3A_1714 = arith.addi %broadcast_in_dim3A_1708, %add3A_1713 : vector<16xi32>
    %select_n3A_1715 = arith.select %lt3A_1711, %add3A_1714, %broadcast_in_dim3A_1708 : vector<16xi1>, vector<16xi32>
    %broadcast_in_dim3A_1716 = vector.shape_cast %select_n3A_1715 : vector<16xi32> to vector<16x1xi32>
    %gather3A_1717 = vector.shape_cast %broadcast_in_dim3A_1716 : vector<16x1xi32> to vector<16xi32>
    %gather3A_1718 = tpu.dynamic_gather %add3A_1620[%gather3A_1717] in [0] : vector<16xf32>, vector<16xi32> -> vector<16xf32>
    %swap3A_1719 = arith.constant 864 : index
    %swap3A_1720 = tpu.vector_load %arg12[%swap3A_1719] {strides = array<i32>} : memref<1024xf32, #tpu.memory_space<vmem>>, vector<16xf32>,
    tpu.vector_store %arg12[%swap3A_1719], %gather3A_1718 {strides = array<i32>} : memref<1024xf32, #tpu.memory_space<vmem>>, vector<16xf32>,
    %broadcast_in_dim3A_1721 = arith.constant 7 : i32
    %broadcast_in_dim3A_1722 = vector.broadcast %broadcast_in_dim3A_1721 : i32 to vector<16xi32>
    %lt3A_1723 = arith.constant 0 : i32
    %lt3A_1724 = vector.broadcast %lt3A_1723 : i32 to vector<16xi32>
    %lt3A_1725 = arith.cmpi slt, %broadcast_in_dim3A_1722, %lt3A_1724 : vector<16xi32>
    %add3A_1726 = arith.constant 16 : i32
    %add3A_1727 = vector.broadcast %add3A_1726 : i32 to vector<16xi32>
    %add3A_1728 = arith.addi %broadcast_in_dim3A_1722, %add3A_1727 : vector<16xi32>
    %select_n3A_1729 = arith.select %lt3A_1725, %add3A_1728, %broadcast_in_dim3A_1722 : vector<16xi1>, vector<16xi32>
    %broadcast_in_dim3A_1730 = vector.shape_cast %select_n3A_1729 : vector<16xi32> to vector<16x1xi32>
    %gather3A_1731 = vector.shape_cast %broadcast_in_dim3A_1730 : vector<16x1xi32> to vector<16xi32>
    %gather3A_1732 = tpu.dynamic_gather %add3A_1620[%gather3A_1731] in [0] : vector<16xf32>, vector<16xi32> -> vector<16xf32>
    %swap3A_1733 = arith.constant 880 : index
    %swap3A_1734 = tpu.vector_load %arg12[%swap3A_1733] {strides = array<i32>} : memref<1024xf32, #tpu.memory_space<vmem>>, vector<16xf32>,
    tpu.vector_store %arg12[%swap3A_1733], %gather3A_1732 {strides = array<i32>} : memref<1024xf32, #tpu.memory_space<vmem>>, vector<16xf32>,
    %broadcast_in_dim3A_1735 = arith.constant 8 : i32
    %broadcast_in_dim3A_1736 = vector.broadcast %broadcast_in_dim3A_1735 : i32 to vector<16xi32>
    %lt3A_1737 = arith.constant 0 : i32
    %lt3A_1738 = vector.broadcast %lt3A_1737 : i32 to vector<16xi32>
    %lt3A_1739 = arith.cmpi slt, %broadcast_in_dim3A_1736, %lt3A_1738 : vector<16xi32>
    %add3A_1740 = arith.constant 16 : i32
    %add3A_1741 = vector.broadcast %add3A_1740 : i32 to vector<16xi32>
    %add3A_1742 = arith.addi %broadcast_in_dim3A_1736, %add3A_1741 : vector<16xi32>
    %select_n3A_1743 = arith.select %lt3A_1739, %add3A_1742, %broadcast_in_dim3A_1736 : vector<16xi1>, vector<16xi32>
    %broadcast_in_dim3A_1744 = vector.shape_cast %select_n3A_1743 : vector<16xi32> to vector<16x1xi32>
    %gather3A_1745 = vector.shape_cast %broadcast_in_dim3A_1744 : vector<16x1xi32> to vector<16xi32>
    %gather3A_1746 = tpu.dynamic_gather %add3A_1620[%gather3A_1745] in [0] : vector<16xf32>, vector<16xi32> -> vector<16xf32>
    %swap3A_1747 = arith.constant 896 : index
    %swap3A_1748 = tpu.vector_load %arg12[%swap3A_1747] {strides = array<i32>} : memref<1024xf32, #tpu.memory_space<vmem>>, vector<16xf32>,
    tpu.vector_store %arg12[%swap3A_1747], %gather3A_1746 {strides = array<i32>} : memref<1024xf32, #tpu.memory_space<vmem>>, vector<16xf32>,
    %broadcast_in_dim3A_1749 = arith.constant 9 : i32
    %broadcast_in_dim3A_1750 = vector.broadcast %broadcast_in_dim3A_1749 : i32 to vector<16xi32>
    %lt3A_1751 = arith.constant 0 : i32
    %lt3A_1752 = vector.broadcast %lt3A_1751 : i32 to vector<16xi32>
    %lt3A_1753 = arith.cmpi slt, %broadcast_in_dim3A_1750, %lt3A_1752 : vector<16xi32>
    %add3A_1754 = arith.constant 16 : i32
    %add3A_1755 = vector.broadcast %add3A_1754 : i32 to vector<16xi32>
    %add3A_1756 = arith.addi %broadcast_in_dim3A_1750, %add3A_1755 : vector<16xi32>
    %select_n3A_1757 = arith.select %lt3A_1753, %add3A_1756, %broadcast_in_dim3A_1750 : vector<16xi1>, vector<16xi32>
    %broadcast_in_dim3A_1758 = vector.shape_cast %select_n3A_1757 : vector<16xi32> to vector<16x1xi32>
    %gather3A_1759 = vector.shape_cast %broadcast_in_dim3A_1758 : vector<16x1xi32> to vector<16xi32>
    %gather3A_1760 = tpu.dynamic_gather %add3A_1620[%gather3A_1759] in [0] : vector<16xf32>, vector<16xi32> -> vector<16xf32>
    %swap3A_1761 = arith.constant 912 : index
    %swap3A_1762 = tpu.vector_load %arg12[%swap3A_1761] {strides = array<i32>} : memref<1024xf32, #tpu.memory_space<vmem>>, vector<16xf32>,
    tpu.vector_store %arg12[%swap3A_1761], %gather3A_1760 {strides = array<i32>} : memref<1024xf32, #tpu.memory_space<vmem>>, vector<16xf32>,
    %broadcast_in_dim3A_1763 = arith.constant 10 : i32
    %broadcast_in_dim3A_1764 = vector.broadcast %broadcast_in_dim3A_1763 : i32 to vector<16xi32>
    %lt3A_1765 = arith.constant 0 : i32
    %lt3A_1766 = vector.broadcast %lt3A_1765 : i32 to vector<16xi32>
    %lt3A_1767 = arith.cmpi slt, %broadcast_in_dim3A_1764, %lt3A_1766 : vector<16xi32>
    %add3A_1768 = arith.constant 16 : i32
    %add3A_1769 = vector.broadcast %add3A_1768 : i32 to vector<16xi32>
    %add3A_1770 = arith.addi %broadcast_in_dim3A_1764, %add3A_1769 : vector<16xi32>
    %select_n3A_1771 = arith.select %lt3A_1767, %add3A_1770, %broadcast_in_dim3A_1764 : vector<16xi1>, vector<16xi32>
    %broadcast_in_dim3A_1772 = vector.shape_cast %select_n3A_1771 : vector<16xi32> to vector<16x1xi32>
    %gather3A_1773 = vector.shape_cast %broadcast_in_dim3A_1772 : vector<16x1xi32> to vector<16xi32>
    %gather3A_1774 = tpu.dynamic_gather %add3A_1620[%gather3A_1773] in [0] : vector<16xf32>, vector<16xi32> -> vector<16xf32>
    %swap3A_1775 = arith.constant 928 : index
    %swap3A_1776 = tpu.vector_load %arg12[%swap3A_1775] {strides = array<i32>} : memref<1024xf32, #tpu.memory_space<vmem>>, vector<16xf32>,
    tpu.vector_store %arg12[%swap3A_1775], %gather3A_1774 {strides = array<i32>} : memref<1024xf32, #tpu.memory_space<vmem>>, vector<16xf32>,
    %broadcast_in_dim3A_1777 = arith.constant 11 : i32
    %broadcast_in_dim3A_1778 = vector.broadcast %broadcast_in_dim3A_1777 : i32 to vector<16xi32>
    %lt3A_1779 = arith.constant 0 : i32
    %lt3A_1780 = vector.broadcast %lt3A_1779 : i32 to vector<16xi32>
    %lt3A_1781 = arith.cmpi slt, %broadcast_in_dim3A_1778, %lt3A_1780 : vector<16xi32>
    %add3A_1782 = arith.constant 16 : i32
    %add3A_1783 = vector.broadcast %add3A_1782 : i32 to vector<16xi32>
    %add3A_1784 = arith.addi %broadcast_in_dim3A_1778, %add3A_1783 : vector<16xi32>
    %select_n3A_1785 = arith.select %lt3A_1781, %add3A_1784, %broadcast_in_dim3A_1778 : vector<16xi1>, vector<16xi32>
    %broadcast_in_dim3A_1786 = vector.shape_cast %select_n3A_1785 : vector<16xi32> to vector<16x1xi32>
    %gather3A_1787 = vector.shape_cast %broadcast_in_dim3A_1786 : vector<16x1xi32> to vector<16xi32>
    %gather3A_1788 = tpu.dynamic_gather %add3A_1620[%gather3A_1787] in [0] : vector<16xf32>, vector<16xi32> -> vector<16xf32>
    %swap3A_1789 = arith.constant 944 : index
    %swap3A_1790 = tpu.vector_load %arg12[%swap3A_1789] {strides = array<i32>} : memref<1024xf32, #tpu.memory_space<vmem>>, vector<16xf32>,
    tpu.vector_store %arg12[%swap3A_1789], %gather3A_1788 {strides = array<i32>} : memref<1024xf32, #tpu.memory_space<vmem>>, vector<16xf32>,
    %broadcast_in_dim3A_1791 = arith.constant 12 : i32
    %broadcast_in_dim3A_1792 = vector.broadcast %broadcast_in_dim3A_1791 : i32 to vector<16xi32>
    %lt3A_1793 = arith.constant 0 : i32
    %lt3A_1794 = vector.broadcast %lt3A_1793 : i32 to vector<16xi32>
    %lt3A_1795 = arith.cmpi slt, %broadcast_in_dim3A_1792, %lt3A_1794 : vector<16xi32>
    %add3A_1796 = arith.constant 16 : i32
    %add3A_1797 = vector.broadcast %add3A_1796 : i32 to vector<16xi32>
    %add3A_1798 = arith.addi %broadcast_in_dim3A_1792, %add3A_1797 : vector<16xi32>
    %select_n3A_1799 = arith.select %lt3A_1795, %add3A_1798, %broadcast_in_dim3A_1792 : vector<16xi1>, vector<16xi32>
    %broadcast_in_dim3A_1800 = vector.shape_cast %select_n3A_1799 : vector<16xi32> to vector<16x1xi32>
    %gather3A_1801 = vector.shape_cast %broadcast_in_dim3A_1800 : vector<16x1xi32> to vector<16xi32>
    %gather3A_1802 = tpu.dynamic_gather %add3A_1620[%gather3A_1801] in [0] : vector<16xf32>, vector<16xi32> -> vector<16xf32>
    %swap3A_1803 = arith.constant 960 : index
    %swap3A_1804 = tpu.vector_load %arg12[%swap3A_1803] {strides = array<i32>} : memref<1024xf32, #tpu.memory_space<vmem>>, vector<16xf32>,
    tpu.vector_store %arg12[%swap3A_1803], %gather3A_1802 {strides = array<i32>} : memref<1024xf32, #tpu.memory_space<vmem>>, vector<16xf32>,
    %broadcast_in_dim3A_1805 = arith.constant 13 : i32
    %broadcast_in_dim3A_1806 = vector.broadcast %broadcast_in_dim3A_1805 : i32 to vector<16xi32>
    %lt3A_1807 = arith.constant 0 : i32
    %lt3A_1808 = vector.broadcast %lt3A_1807 : i32 to vector<16xi32>
    %lt3A_1809 = arith.cmpi slt, %broadcast_in_dim3A_1806, %lt3A_1808 : vector<16xi32>
    %add3A_1810 = arith.constant 16 : i32
    %add3A_1811 = vector.broadcast %add3A_1810 : i32 to vector<16xi32>
    %add3A_1812 = arith.addi %broadcast_in_dim3A_1806, %add3A_1811 : vector<16xi32>
    %select_n3A_1813 = arith.select %lt3A_1809, %add3A_1812, %broadcast_in_dim3A_1806 : vector<16xi1>, vector<16xi32>
    %broadcast_in_dim3A_1814 = vector.shape_cast %select_n3A_1813 : vector<16xi32> to vector<16x1xi32>
    %gather3A_1815 = vector.shape_cast %broadcast_in_dim3A_1814 : vector<16x1xi32> to vector<16xi32>
    %gather3A_1816 = tpu.dynamic_gather %add3A_1620[%gather3A_1815] in [0] : vector<16xf32>, vector<16xi32> -> vector<16xf32>
    %swap3A_1817 = arith.constant 976 : index
    %swap3A_1818 = tpu.vector_load %arg12[%swap3A_1817] {strides = array<i32>} : memref<1024xf32, #tpu.memory_space<vmem>>, vector<16xf32>,
    tpu.vector_store %arg12[%swap3A_1817], %gather3A_1816 {strides = array<i32>} : memref<1024xf32, #tpu.memory_space<vmem>>, vector<16xf32>,
    %broadcast_in_dim3A_1819 = arith.constant 14 : i32
    %broadcast_in_dim3A_1820 = vector.broadcast %broadcast_in_dim3A_1819 : i32 to vector<16xi32>
    %lt3A_1821 = arith.constant 0 : i32
    %lt3A_1822 = vector.broadcast %lt3A_1821 : i32 to vector<16xi32>
    %lt3A_1823 = arith.cmpi slt, %broadcast_in_dim3A_1820, %lt3A_1822 : vector<16xi32>
    %add3A_1824 = arith.constant 16 : i32
    %add3A_1825 = vector.broadcast %add3A_1824 : i32 to vector<16xi32>
    %add3A_1826 = arith.addi %broadcast_in_dim3A_1820, %add3A_1825 : vector<16xi32>
    %select_n3A_1827 = arith.select %lt3A_1823, %add3A_1826, %broadcast_in_dim3A_1820 : vector<16xi1>, vector<16xi32>
    %broadcast_in_dim3A_1828 = vector.shape_cast %select_n3A_1827 : vector<16xi32> to vector<16x1xi32>
    %gather3A_1829 = vector.shape_cast %broadcast_in_dim3A_1828 : vector<16x1xi32> to vector<16xi32>
    %gather3A_1830 = tpu.dynamic_gather %add3A_1620[%gather3A_1829] in [0] : vector<16xf32>, vector<16xi32> -> vector<16xf32>
    %swap3A_1831 = arith.constant 992 : index
    %swap3A_1832 = tpu.vector_load %arg12[%swap3A_1831] {strides = array<i32>} : memref<1024xf32, #tpu.memory_space<vmem>>, vector<16xf32>,
    tpu.vector_store %arg12[%swap3A_1831], %gather3A_1830 {strides = array<i32>} : memref<1024xf32, #tpu.memory_space<vmem>>, vector<16xf32>,
    %broadcast_in_dim3A_1833 = arith.constant 15 : i32
    %broadcast_in_dim3A_1834 = vector.broadcast %broadcast_in_dim3A_1833 : i32 to vector<16xi32>
    %lt3A_1835 = arith.constant 0 : i32
    %lt3A_1836 = vector.broadcast %lt3A_1835 : i32 to vector<16xi32>
    %lt3A_1837 = arith.cmpi slt, %broadcast_in_dim3A_1834, %lt3A_1836 : vector<16xi32>
    %add3A_1838 = arith.constant 16 : i32
    %add3A_1839 = vector.broadcast %add3A_1838 : i32 to vector<16xi32>
    %add3A_1840 = arith.addi %broadcast_in_dim3A_1834, %add3A_1839 : vector<16xi32>
    %select_n3A_1841 = arith.select %lt3A_1837, %add3A_1840, %broadcast_in_dim3A_1834 : vector<16xi1>, vector<16xi32>
    %broadcast_in_dim3A_1842 = vector.shape_cast %select_n3A_1841 : vector<16xi32> to vector<16x1xi32>
    %gather3A_1843 = vector.shape_cast %broadcast_in_dim3A_1842 : vector<16x1xi32> to vector<16xi32>
    %gather3A_1844 = tpu.dynamic_gather %add3A_1620[%gather3A_1843] in [0] : vector<16xf32>, vector<16xi32> -> vector<16xf32>
    %swap3A_1845 = arith.constant 1008 : index
    %swap3A_1846 = tpu.vector_load %arg12[%swap3A_1845] {strides = array<i32>} : memref<1024xf32, #tpu.memory_space<vmem>>, vector<16xf32>,
    tpu.vector_store %arg12[%swap3A_1845], %gather3A_1844 {strides = array<i32>} : memref<1024xf32, #tpu.memory_space<vmem>>, vector<16xf32>,
    %eq3A_1847 = arith.constant 31 : i32
    %eq3A_1848 = arith.cmpi eq, %add3A, %eq3A_1847 : i32
    %mul3A_1849 = arith.constant 3200 : i32
    %mul3A_1850 = arith.muli %add3A, %mul3A_1849 : i32
    %jit3A_1851 = arith.constant 96768 : i32
    %select_n3A_1852 = arith.select %eq3A_1848, %jit3A_1851, %mul3A_1850 : i32
    %add3A_1853 = arith.constant 0 : i32
    %add3A_1854 = vector.broadcast %add3A_1853 : i32 to vector<16xi32>
    %add3A_1855 = arith.addi %iota3A, %add3A_1854 : vector<16xi32>
    %add3A_1856 = arith.constant 16 : i32
    %add3A_1857 = vector.broadcast %add3A_1856 : i32 to vector<16xi32>
    %add3A_1858 = arith.addi %iota3A, %add3A_1857 : vector<16xi32>
    %add3A_1859 = arith.constant 32 : i32
    %add3A_1860 = vector.broadcast %add3A_1859 : i32 to vector<16xi32>
    %add3A_1861 = arith.addi %iota3A, %add3A_1860 : vector<16xi32>
    %add3A_1862 = arith.constant 48 : i32
    %add3A_1863 = vector.broadcast %add3A_1862 : i32 to vector<16xi32>
    %add3A_1864 = arith.addi %iota3A, %add3A_1863 : vector<16xi32>
    %add3A_1865 = arith.constant 64 : i32
    %add3A_1866 = vector.broadcast %add3A_1865 : i32 to vector<16xi32>
    %add3A_1867 = arith.addi %iota3A, %add3A_1866 : vector<16xi32>
    %add3A_1868 = arith.constant 80 : i32
    %add3A_1869 = vector.broadcast %add3A_1868 : i32 to vector<16xi32>
    %add3A_1870 = arith.addi %iota3A, %add3A_1869 : vector<16xi32>
    %add3A_1871 = arith.constant 96 : i32
    %add3A_1872 = vector.broadcast %add3A_1871 : i32 to vector<16xi32>
    %add3A_1873 = arith.addi %iota3A, %add3A_1872 : vector<16xi32>
    %add3A_1874 = arith.constant 112 : i32
    %add3A_1875 = vector.broadcast %add3A_1874 : i32 to vector<16xi32>
    %add3A_1876 = arith.addi %iota3A, %add3A_1875 : vector<16xi32>
    %add3A_1877 = arith.constant 0 : i32
    %add3A_1878 = arith.addi %select_n3A_1852, %add3A_1877 : i32
    %multiple_of3A_1879 = tpu.assume_multiple %add3A_1878, 128 : i32
    %dma_start3A = tpu.memref_slice %arg2[%multiple_of3A_1879] : memref<100000xi32, #tpu.memory_space<hbm>> -> memref<128xi32, #tpu.memory_space<hbm>>
    %dma_start3A_1880 = tpu.memref_slice %arg2[%multiple_of3A_1879] : memref<100000xi32, #tpu.memory_space<hbm>> -> memref<128xi32, #tpu.memory_space<hbm>>
    tpu.enqueue_dma source(%dma_start3A_1880 : memref<128xi32, #tpu.memory_space<hbm>>) target(%arg14 : memref<128xi32, #tpu.memory_space<vmem>>) target_semaphore(%arg30 : memref<!tpu.dma_semaphore, #tpu.memory_space<semaphore_mem>>)
    %add3A_1881 = arith.constant 128 : i32
    %add3A_1882 = arith.addi %select_n3A_1852, %add3A_1881 : i32
    %multiple_of3A_1883 = tpu.assume_multiple %add3A_1882, 128 : i32
    %dma_start3A_1884 = tpu.memref_slice %arg2[%multiple_of3A_1883] : memref<100000xi32, #tpu.memory_space<hbm>> -> memref<128xi32, #tpu.memory_space<hbm>>
    %dma_start3A_1885 = tpu.memref_slice %arg2[%multiple_of3A_1883] : memref<100000xi32, #tpu.memory_space<hbm>> -> memref<128xi32, #tpu.memory_space<hbm>>
    tpu.enqueue_dma source(%dma_start3A_1885 : memref<128xi32, #tpu.memory_space<hbm>>) target(%arg15 : memref<128xi32, #tpu.memory_space<vmem>>) target_semaphore(%arg31 : memref<!tpu.dma_semaphore, #tpu.memory_space<semaphore_mem>>)
    %add3A_1886 = arith.constant 0 : i32
    %add3A_1887 = arith.addi %select_n3A_1852, %add3A_1886 : i32
    %multiple_of3A_1888 = tpu.assume_multiple %add3A_1887, 128 : i32
    %dma_wait3A = tpu.memref_slice %arg2[%multiple_of3A_1888] : memref<100000xi32, #tpu.memory_space<hbm>> -> memref<128xi32, #tpu.memory_space<hbm>>
    %dma_wait3A_1889 = tpu.memref_slice %arg2[%multiple_of3A_1888] : memref<100000xi32, #tpu.memory_space<hbm>> -> memref<128xi32, #tpu.memory_space<hbm>>
    tpu.wait_dma2 semaphore(%arg30 : memref<!tpu.dma_semaphore, #tpu.memory_space<semaphore_mem>>) src(%dma_wait3A_1889 : memref<128xi32, #tpu.memory_space<hbm>>) dst(%arg14 : memref<128xi32, #tpu.memory_space<vmem>>)
    %get3A_1890 = arith.constant 0 : index
    %get3A_1891 = tpu.vector_load %arg14[%get3A_1890] {strides = array<i32>} : memref<128xi32, #tpu.memory_space<vmem>>, vector<16xi32>,
    %shift_right_logical3A = arith.constant 1 : i32
    %shift_right_logical3A_1892 = vector.broadcast %shift_right_logical3A : i32 to vector<16xi32>
    %shift_right_logical3A_1893 = arith.shrui %get3A_1891, %shift_right_logical3A_1892 : vector<16xi32>
    %swap3A_1894 = arith.constant 0 : index
    %swap3A_1895 = tpu.vector_load %arg16[%swap3A_1894] {strides = array<i32>} : memref<128xi32, #tpu.memory_space<vmem>>, vector<16xi32>,
    tpu.vector_store %arg16[%swap3A_1894], %shift_right_logical3A_1893 {strides = array<i32>} : memref<128xi32, #tpu.memory_space<vmem>>, vector<16xi32>,
    %and3A = arith.constant 1 : i32
    %and3A_1896 = vector.broadcast %and3A : i32 to vector<16xi32>
    %and3A_1897 = arith.andi %get3A_1891, %and3A_1896 : vector<16xi32>
    %shift_left3A = arith.constant 6 : i32
    %shift_left3A_1898 = vector.broadcast %shift_left3A : i32 to vector<16xi32>
    %shift_left3A_1899 = arith.shli %and3A_1897, %shift_left3A_1898 : vector<16xi32>
    %swap3A_1900 = arith.constant 0 : index
    %swap3A_1901 = tpu.vector_load %arg18[%swap3A_1900] {strides = array<i32>} : memref<128xi32, #tpu.memory_space<vmem>>, vector<16xi32>,
    tpu.vector_store %arg18[%swap3A_1900], %shift_left3A_1899 {strides = array<i32>} : memref<128xi32, #tpu.memory_space<vmem>>, vector<16xi32>,
    %get3A_1902 = arith.constant 16 : index
    %get3A_1903 = tpu.vector_load %arg14[%get3A_1902] {strides = array<i32>} : memref<128xi32, #tpu.memory_space<vmem>>, vector<16xi32>,
    %shift_right_logical3A_1904 = arith.constant 1 : i32
    %shift_right_logical3A_1905 = vector.broadcast %shift_right_logical3A_1904 : i32 to vector<16xi32>
    %shift_right_logical3A_1906 = arith.shrui %get3A_1903, %shift_right_logical3A_1905 : vector<16xi32>
    %swap3A_1907 = arith.constant 16 : index
    %swap3A_1908 = tpu.vector_load %arg16[%swap3A_1907] {strides = array<i32>} : memref<128xi32, #tpu.memory_space<vmem>>, vector<16xi32>,
    tpu.vector_store %arg16[%swap3A_1907], %shift_right_logical3A_1906 {strides = array<i32>} : memref<128xi32, #tpu.memory_space<vmem>>, vector<16xi32>,
    %and3A_1909 = arith.constant 1 : i32
    %and3A_1910 = vector.broadcast %and3A_1909 : i32 to vector<16xi32>
    %and3A_1911 = arith.andi %get3A_1903, %and3A_1910 : vector<16xi32>
    %shift_left3A_1912 = arith.constant 6 : i32
    %shift_left3A_1913 = vector.broadcast %shift_left3A_1912 : i32 to vector<16xi32>
    %shift_left3A_1914 = arith.shli %and3A_1911, %shift_left3A_1913 : vector<16xi32>
    %swap3A_1915 = arith.constant 16 : index
    %swap3A_1916 = tpu.vector_load %arg18[%swap3A_1915] {strides = array<i32>} : memref<128xi32, #tpu.memory_space<vmem>>, vector<16xi32>,
    tpu.vector_store %arg18[%swap3A_1915], %shift_left3A_1914 {strides = array<i32>} : memref<128xi32, #tpu.memory_space<vmem>>, vector<16xi32>,
    %get3A_1917 = arith.constant 32 : index
    %get3A_1918 = tpu.vector_load %arg14[%get3A_1917] {strides = array<i32>} : memref<128xi32, #tpu.memory_space<vmem>>, vector<16xi32>,
    %shift_right_logical3A_1919 = arith.constant 1 : i32
    %shift_right_logical3A_1920 = vector.broadcast %shift_right_logical3A_1919 : i32 to vector<16xi32>
    %shift_right_logical3A_1921 = arith.shrui %get3A_1918, %shift_right_logical3A_1920 : vector<16xi32>
    %swap3A_1922 = arith.constant 32 : index
    %swap3A_1923 = tpu.vector_load %arg16[%swap3A_1922] {strides = array<i32>} : memref<128xi32, #tpu.memory_space<vmem>>, vector<16xi32>,
    tpu.vector_store %arg16[%swap3A_1922], %shift_right_logical3A_1921 {strides = array<i32>} : memref<128xi32, #tpu.memory_space<vmem>>, vector<16xi32>,
    %and3A_1924 = arith.constant 1 : i32
    %and3A_1925 = vector.broadcast %and3A_1924 : i32 to vector<16xi32>
    %and3A_1926 = arith.andi %get3A_1918, %and3A_1925 : vector<16xi32>
    %shift_left3A_1927 = arith.constant 6 : i32
    %shift_left3A_1928 = vector.broadcast %shift_left3A_1927 : i32 to vector<16xi32>
    %shift_left3A_1929 = arith.shli %and3A_1926, %shift_left3A_1928 : vector<16xi32>
    %swap3A_1930 = arith.constant 32 : index
    %swap3A_1931 = tpu.vector_load %arg18[%swap3A_1930] {strides = array<i32>} : memref<128xi32, #tpu.memory_space<vmem>>, vector<16xi32>,
    tpu.vector_store %arg18[%swap3A_1930], %shift_left3A_1929 {strides = array<i32>} : memref<128xi32, #tpu.memory_space<vmem>>, vector<16xi32>,
    %get3A_1932 = arith.constant 48 : index
    %get3A_1933 = tpu.vector_load %arg14[%get3A_1932] {strides = array<i32>} : memref<128xi32, #tpu.memory_space<vmem>>, vector<16xi32>,
    %shift_right_logical3A_1934 = arith.constant 1 : i32
    %shift_right_logical3A_1935 = vector.broadcast %shift_right_logical3A_1934 : i32 to vector<16xi32>
    %shift_right_logical3A_1936 = arith.shrui %get3A_1933, %shift_right_logical3A_1935 : vector<16xi32>
    %swap3A_1937 = arith.constant 48 : index
    %swap3A_1938 = tpu.vector_load %arg16[%swap3A_1937] {strides = array<i32>} : memref<128xi32, #tpu.memory_space<vmem>>, vector<16xi32>,
    tpu.vector_store %arg16[%swap3A_1937], %shift_right_logical3A_1936 {strides = array<i32>} : memref<128xi32, #tpu.memory_space<vmem>>, vector<16xi32>,
    %and3A_1939 = arith.constant 1 : i32
    %and3A_1940 = vector.broadcast %and3A_1939 : i32 to vector<16xi32>
    %and3A_1941 = arith.andi %get3A_1933, %and3A_1940 : vector<16xi32>
    %shift_left3A_1942 = arith.constant 6 : i32
    %shift_left3A_1943 = vector.broadcast %shift_left3A_1942 : i32 to vector<16xi32>
    %shift_left3A_1944 = arith.shli %and3A_1941, %shift_left3A_1943 : vector<16xi32>
    %swap3A_1945 = arith.constant 48 : index
    %swap3A_1946 = tpu.vector_load %arg18[%swap3A_1945] {strides = array<i32>} : memref<128xi32, #tpu.memory_space<vmem>>, vector<16xi32>,
    tpu.vector_store %arg18[%swap3A_1945], %shift_left3A_1944 {strides = array<i32>} : memref<128xi32, #tpu.memory_space<vmem>>, vector<16xi32>,
    %get3A_1947 = arith.constant 64 : index
    %get3A_1948 = tpu.vector_load %arg14[%get3A_1947] {strides = array<i32>} : memref<128xi32, #tpu.memory_space<vmem>>, vector<16xi32>,
    %shift_right_logical3A_1949 = arith.constant 1 : i32
    %shift_right_logical3A_1950 = vector.broadcast %shift_right_logical3A_1949 : i32 to vector<16xi32>
    %shift_right_logical3A_1951 = arith.shrui %get3A_1948, %shift_right_logical3A_1950 : vector<16xi32>
    %swap3A_1952 = arith.constant 64 : index
    %swap3A_1953 = tpu.vector_load %arg16[%swap3A_1952] {strides = array<i32>} : memref<128xi32, #tpu.memory_space<vmem>>, vector<16xi32>,
    tpu.vector_store %arg16[%swap3A_1952], %shift_right_logical3A_1951 {strides = array<i32>} : memref<128xi32, #tpu.memory_space<vmem>>, vector<16xi32>,
    %and3A_1954 = arith.constant 1 : i32
    %and3A_1955 = vector.broadcast %and3A_1954 : i32 to vector<16xi32>
    %and3A_1956 = arith.andi %get3A_1948, %and3A_1955 : vector<16xi32>
    %shift_left3A_1957 = arith.constant 6 : i32
    %shift_left3A_1958 = vector.broadcast %shift_left3A_1957 : i32 to vector<16xi32>
    %shift_left3A_1959 = arith.shli %and3A_1956, %shift_left3A_1958 : vector<16xi32>
    %swap3A_1960 = arith.constant 64 : index
    %swap3A_1961 = tpu.vector_load %arg18[%swap3A_1960] {strides = array<i32>} : memref<128xi32, #tpu.memory_space<vmem>>, vector<16xi32>,
    tpu.vector_store %arg18[%swap3A_1960], %shift_left3A_1959 {strides = array<i32>} : memref<128xi32, #tpu.memory_space<vmem>>, vector<16xi32>,
    %get3A_1962 = arith.constant 80 : index
    %get3A_1963 = tpu.vector_load %arg14[%get3A_1962] {strides = array<i32>} : memref<128xi32, #tpu.memory_space<vmem>>, vector<16xi32>,
    %shift_right_logical3A_1964 = arith.constant 1 : i32
    %shift_right_logical3A_1965 = vector.broadcast %shift_right_logical3A_1964 : i32 to vector<16xi32>
    %shift_right_logical3A_1966 = arith.shrui %get3A_1963, %shift_right_logical3A_1965 : vector<16xi32>
    %swap3A_1967 = arith.constant 80 : index
    %swap3A_1968 = tpu.vector_load %arg16[%swap3A_1967] {strides = array<i32>} : memref<128xi32, #tpu.memory_space<vmem>>, vector<16xi32>,
    tpu.vector_store %arg16[%swap3A_1967], %shift_right_logical3A_1966 {strides = array<i32>} : memref<128xi32, #tpu.memory_space<vmem>>, vector<16xi32>,
    %and3A_1969 = arith.constant 1 : i32
    %and3A_1970 = vector.broadcast %and3A_1969 : i32 to vector<16xi32>
    %and3A_1971 = arith.andi %get3A_1963, %and3A_1970 : vector<16xi32>
    %shift_left3A_1972 = arith.constant 6 : i32
    %shift_left3A_1973 = vector.broadcast %shift_left3A_1972 : i32 to vector<16xi32>
    %shift_left3A_1974 = arith.shli %and3A_1971, %shift_left3A_1973 : vector<16xi32>
    %swap3A_1975 = arith.constant 80 : index
    %swap3A_1976 = tpu.vector_load %arg18[%swap3A_1975] {strides = array<i32>} : memref<128xi32, #tpu.memory_space<vmem>>, vector<16xi32>,
    tpu.vector_store %arg18[%swap3A_1975], %shift_left3A_1974 {strides = array<i32>} : memref<128xi32, #tpu.memory_space<vmem>>, vector<16xi32>,
    %get3A_1977 = arith.constant 96 : index
    %get3A_1978 = tpu.vector_load %arg14[%get3A_1977] {strides = array<i32>} : memref<128xi32, #tpu.memory_space<vmem>>, vector<16xi32>,
    %shift_right_logical3A_1979 = arith.constant 1 : i32
    %shift_right_logical3A_1980 = vector.broadcast %shift_right_logical3A_1979 : i32 to vector<16xi32>
    %shift_right_logical3A_1981 = arith.shrui %get3A_1978, %shift_right_logical3A_1980 : vector<16xi32>
    %swap3A_1982 = arith.constant 96 : index
    %swap3A_1983 = tpu.vector_load %arg16[%swap3A_1982] {strides = array<i32>} : memref<128xi32, #tpu.memory_space<vmem>>, vector<16xi32>,
    tpu.vector_store %arg16[%swap3A_1982], %shift_right_logical3A_1981 {strides = array<i32>} : memref<128xi32, #tpu.memory_space<vmem>>, vector<16xi32>,
    %and3A_1984 = arith.constant 1 : i32
    %and3A_1985 = vector.broadcast %and3A_1984 : i32 to vector<16xi32>
    %and3A_1986 = arith.andi %get3A_1978, %and3A_1985 : vector<16xi32>
    %shift_left3A_1987 = arith.constant 6 : i32
    %shift_left3A_1988 = vector.broadcast %shift_left3A_1987 : i32 to vector<16xi32>
    %shift_left3A_1989 = arith.shli %and3A_1986, %shift_left3A_1988 : vector<16xi32>
    %swap3A_1990 = arith.constant 96 : index
    %swap3A_1991 = tpu.vector_load %arg18[%swap3A_1990] {strides = array<i32>} : memref<128xi32, #tpu.memory_space<vmem>>, vector<16xi32>,
    tpu.vector_store %arg18[%swap3A_1990], %shift_left3A_1989 {strides = array<i32>} : memref<128xi32, #tpu.memory_space<vmem>>, vector<16xi32>,
    %get3A_1992 = arith.constant 112 : index
    %get3A_1993 = tpu.vector_load %arg14[%get3A_1992] {strides = array<i32>} : memref<128xi32, #tpu.memory_space<vmem>>, vector<16xi32>,
    %shift_right_logical3A_1994 = arith.constant 1 : i32
    %shift_right_logical3A_1995 = vector.broadcast %shift_right_logical3A_1994 : i32 to vector<16xi32>
    %shift_right_logical3A_1996 = arith.shrui %get3A_1993, %shift_right_logical3A_1995 : vector<16xi32>
    %swap3A_1997 = arith.constant 112 : index
    %swap3A_1998 = tpu.vector_load %arg16[%swap3A_1997] {strides = array<i32>} : memref<128xi32, #tpu.memory_space<vmem>>, vector<16xi32>,
    tpu.vector_store %arg16[%swap3A_1997], %shift_right_logical3A_1996 {strides = array<i32>} : memref<128xi32, #tpu.memory_space<vmem>>, vector<16xi32>,
    %and3A_1999 = arith.constant 1 : i32
    %and3A_2000 = vector.broadcast %and3A_1999 : i32 to vector<16xi32>
    %and3A_2001 = arith.andi %get3A_1993, %and3A_2000 : vector<16xi32>
    %shift_left3A_2002 = arith.constant 6 : i32
    %shift_left3A_2003 = vector.broadcast %shift_left3A_2002 : i32 to vector<16xi32>
    %shift_left3A_2004 = arith.shli %and3A_2001, %shift_left3A_2003 : vector<16xi32>
    %swap3A_2005 = arith.constant 112 : index
    %swap3A_2006 = tpu.vector_load %arg18[%swap3A_2005] {strides = array<i32>} : memref<128xi32, #tpu.memory_space<vmem>>, vector<16xi32>,
    tpu.vector_store %arg18[%swap3A_2005], %shift_left3A_2004 {strides = array<i32>} : memref<128xi32, #tpu.memory_space<vmem>>, vector<16xi32>,
    %dma_start3A_2007 = arith.constant 0 : i32
    %dma_start3A_2008 = arith.constant 0 : i32
    %dma_start3A_2009 = tpu.memref_slice %arg3[%dma_start3A_2007, %dma_start3A_2008] : memref<50000x128xf32, #tpu.memory_space<hbm>> -> memref<50000x128xf32, #tpu.memory_space<hbm>>
    tpu.enqueue_indirect_dma source(%dma_start3A_2009 : memref<50000x128xf32, #tpu.memory_space<hbm>>) target(%arg20 : memref<128x128xf32, #tpu.memory_space<vmem>>) offsets(%arg16 : memref<128xi32, #tpu.memory_space<vmem>>) semaphore(%arg32 : memref<!tpu.dma_semaphore, #tpu.memory_space<semaphore_mem>>)
    %add3A_2010 = arith.constant 128 : i32
    %add3A_2011 = arith.addi %select_n3A_1852, %add3A_2010 : i32
    %multiple_of3A_2012 = tpu.assume_multiple %add3A_2011, 128 : i32
    %dma_wait3A_2013 = tpu.memref_slice %arg2[%multiple_of3A_2012] : memref<100000xi32, #tpu.memory_space<hbm>> -> memref<128xi32, #tpu.memory_space<hbm>>
    %dma_wait3A_2014 = tpu.memref_slice %arg2[%multiple_of3A_2012] : memref<100000xi32, #tpu.memory_space<hbm>> -> memref<128xi32, #tpu.memory_space<hbm>>
    tpu.wait_dma2 semaphore(%arg31 : memref<!tpu.dma_semaphore, #tpu.memory_space<semaphore_mem>>) src(%dma_wait3A_2014 : memref<128xi32, #tpu.memory_space<hbm>>) dst(%arg15 : memref<128xi32, #tpu.memory_space<vmem>>)
    %get3A_2015 = arith.constant 0 : index
    %get3A_2016 = tpu.vector_load %arg15[%get3A_2015] {strides = array<i32>} : memref<128xi32, #tpu.memory_space<vmem>>, vector<16xi32>,
    %shift_right_logical3A_2017 = arith.constant 1 : i32
    %shift_right_logical3A_2018 = vector.broadcast %shift_right_logical3A_2017 : i32 to vector<16xi32>
    %shift_right_logical3A_2019 = arith.shrui %get3A_2016, %shift_right_logical3A_2018 : vector<16xi32>
    %swap3A_2020 = arith.constant 0 : index
    %swap3A_2021 = tpu.vector_load %arg17[%swap3A_2020] {strides = array<i32>} : memref<128xi32, #tpu.memory_space<vmem>>, vector<16xi32>,
    tpu.vector_store %arg17[%swap3A_2020], %shift_right_logical3A_2019 {strides = array<i32>} : memref<128xi32, #tpu.memory_space<vmem>>, vector<16xi32>,
    %and3A_2022 = arith.constant 1 : i32
    %and3A_2023 = vector.broadcast %and3A_2022 : i32 to vector<16xi32>
    %and3A_2024 = arith.andi %get3A_2016, %and3A_2023 : vector<16xi32>
    %shift_left3A_2025 = arith.constant 6 : i32
    %shift_left3A_2026 = vector.broadcast %shift_left3A_2025 : i32 to vector<16xi32>
    %shift_left3A_2027 = arith.shli %and3A_2024, %shift_left3A_2026 : vector<16xi32>
    %swap3A_2028 = arith.constant 0 : index
    %swap3A_2029 = tpu.vector_load %arg19[%swap3A_2028] {strides = array<i32>} : memref<128xi32, #tpu.memory_space<vmem>>, vector<16xi32>,
    tpu.vector_store %arg19[%swap3A_2028], %shift_left3A_2027 {strides = array<i32>} : memref<128xi32, #tpu.memory_space<vmem>>, vector<16xi32>,
    %get3A_2030 = arith.constant 16 : index
    %get3A_2031 = tpu.vector_load %arg15[%get3A_2030] {strides = array<i32>} : memref<128xi32, #tpu.memory_space<vmem>>, vector<16xi32>,
    %shift_right_logical3A_2032 = arith.constant 1 : i32
    %shift_right_logical3A_2033 = vector.broadcast %shift_right_logical3A_2032 : i32 to vector<16xi32>
    %shift_right_logical3A_2034 = arith.shrui %get3A_2031, %shift_right_logical3A_2033 : vector<16xi32>
    %swap3A_2035 = arith.constant 16 : index
    %swap3A_2036 = tpu.vector_load %arg17[%swap3A_2035] {strides = array<i32>} : memref<128xi32, #tpu.memory_space<vmem>>, vector<16xi32>,
    tpu.vector_store %arg17[%swap3A_2035], %shift_right_logical3A_2034 {strides = array<i32>} : memref<128xi32, #tpu.memory_space<vmem>>, vector<16xi32>,
    %and3A_2037 = arith.constant 1 : i32
    %and3A_2038 = vector.broadcast %and3A_2037 : i32 to vector<16xi32>
    %and3A_2039 = arith.andi %get3A_2031, %and3A_2038 : vector<16xi32>
    %shift_left3A_2040 = arith.constant 6 : i32
    %shift_left3A_2041 = vector.broadcast %shift_left3A_2040 : i32 to vector<16xi32>
    %shift_left3A_2042 = arith.shli %and3A_2039, %shift_left3A_2041 : vector<16xi32>
    %swap3A_2043 = arith.constant 16 : index
    %swap3A_2044 = tpu.vector_load %arg19[%swap3A_2043] {strides = array<i32>} : memref<128xi32, #tpu.memory_space<vmem>>, vector<16xi32>,
    tpu.vector_store %arg19[%swap3A_2043], %shift_left3A_2042 {strides = array<i32>} : memref<128xi32, #tpu.memory_space<vmem>>, vector<16xi32>,
    %get3A_2045 = arith.constant 32 : index
    %get3A_2046 = tpu.vector_load %arg15[%get3A_2045] {strides = array<i32>} : memref<128xi32, #tpu.memory_space<vmem>>, vector<16xi32>,
    %shift_right_logical3A_2047 = arith.constant 1 : i32
    %shift_right_logical3A_2048 = vector.broadcast %shift_right_logical3A_2047 : i32 to vector<16xi32>
    %shift_right_logical3A_2049 = arith.shrui %get3A_2046, %shift_right_logical3A_2048 : vector<16xi32>
    %swap3A_2050 = arith.constant 32 : index
    %swap3A_2051 = tpu.vector_load %arg17[%swap3A_2050] {strides = array<i32>} : memref<128xi32, #tpu.memory_space<vmem>>, vector<16xi32>,
    tpu.vector_store %arg17[%swap3A_2050], %shift_right_logical3A_2049 {strides = array<i32>} : memref<128xi32, #tpu.memory_space<vmem>>, vector<16xi32>,
    %and3A_2052 = arith.constant 1 : i32
    %and3A_2053 = vector.broadcast %and3A_2052 : i32 to vector<16xi32>
    %and3A_2054 = arith.andi %get3A_2046, %and3A_2053 : vector<16xi32>
    %shift_left3A_2055 = arith.constant 6 : i32
    %shift_left3A_2056 = vector.broadcast %shift_left3A_2055 : i32 to vector<16xi32>
    %shift_left3A_2057 = arith.shli %and3A_2054, %shift_left3A_2056 : vector<16xi32>
    %swap3A_2058 = arith.constant 32 : index
    %swap3A_2059 = tpu.vector_load %arg19[%swap3A_2058] {strides = array<i32>} : memref<128xi32, #tpu.memory_space<vmem>>, vector<16xi32>,
    tpu.vector_store %arg19[%swap3A_2058], %shift_left3A_2057 {strides = array<i32>} : memref<128xi32, #tpu.memory_space<vmem>>, vector<16xi32>,
    %get3A_2060 = arith.constant 48 : index
    %get3A_2061 = tpu.vector_load %arg15[%get3A_2060] {strides = array<i32>} : memref<128xi32, #tpu.memory_space<vmem>>, vector<16xi32>,
    %shift_right_logical3A_2062 = arith.constant 1 : i32
    %shift_right_logical3A_2063 = vector.broadcast %shift_right_logical3A_2062 : i32 to vector<16xi32>
    %shift_right_logical3A_2064 = arith.shrui %get3A_2061, %shift_right_logical3A_2063 : vector<16xi32>
    %swap3A_2065 = arith.constant 48 : index
    %swap3A_2066 = tpu.vector_load %arg17[%swap3A_2065] {strides = array<i32>} : memref<128xi32, #tpu.memory_space<vmem>>, vector<16xi32>,
    tpu.vector_store %arg17[%swap3A_2065], %shift_right_logical3A_2064 {strides = array<i32>} : memref<128xi32, #tpu.memory_space<vmem>>, vector<16xi32>,
    %and3A_2067 = arith.constant 1 : i32
    %and3A_2068 = vector.broadcast %and3A_2067 : i32 to vector<16xi32>
    %and3A_2069 = arith.andi %get3A_2061, %and3A_2068 : vector<16xi32>
    %shift_left3A_2070 = arith.constant 6 : i32
    %shift_left3A_2071 = vector.broadcast %shift_left3A_2070 : i32 to vector<16xi32>
    %shift_left3A_2072 = arith.shli %and3A_2069, %shift_left3A_2071 : vector<16xi32>
    %swap3A_2073 = arith.constant 48 : index
    %swap3A_2074 = tpu.vector_load %arg19[%swap3A_2073] {strides = array<i32>} : memref<128xi32, #tpu.memory_space<vmem>>, vector<16xi32>,
    tpu.vector_store %arg19[%swap3A_2073], %shift_left3A_2072 {strides = array<i32>} : memref<128xi32, #tpu.memory_space<vmem>>, vector<16xi32>,
    %get3A_2075 = arith.constant 64 : index
    %get3A_2076 = tpu.vector_load %arg15[%get3A_2075] {strides = array<i32>} : memref<128xi32, #tpu.memory_space<vmem>>, vector<16xi32>,
    %shift_right_logical3A_2077 = arith.constant 1 : i32
    %shift_right_logical3A_2078 = vector.broadcast %shift_right_logical3A_2077 : i32 to vector<16xi32>
    %shift_right_logical3A_2079 = arith.shrui %get3A_2076, %shift_right_logical3A_2078 : vector<16xi32>
    %swap3A_2080 = arith.constant 64 : index
    %swap3A_2081 = tpu.vector_load %arg17[%swap3A_2080] {strides = array<i32>} : memref<128xi32, #tpu.memory_space<vmem>>, vector<16xi32>,
    tpu.vector_store %arg17[%swap3A_2080], %shift_right_logical3A_2079 {strides = array<i32>} : memref<128xi32, #tpu.memory_space<vmem>>, vector<16xi32>,
    %and3A_2082 = arith.constant 1 : i32
    %and3A_2083 = vector.broadcast %and3A_2082 : i32 to vector<16xi32>
    %and3A_2084 = arith.andi %get3A_2076, %and3A_2083 : vector<16xi32>
    %shift_left3A_2085 = arith.constant 6 : i32
    %shift_left3A_2086 = vector.broadcast %shift_left3A_2085 : i32 to vector<16xi32>
    %shift_left3A_2087 = arith.shli %and3A_2084, %shift_left3A_2086 : vector<16xi32>
    %swap3A_2088 = arith.constant 64 : index
    %swap3A_2089 = tpu.vector_load %arg19[%swap3A_2088] {strides = array<i32>} : memref<128xi32, #tpu.memory_space<vmem>>, vector<16xi32>,
    tpu.vector_store %arg19[%swap3A_2088], %shift_left3A_2087 {strides = array<i32>} : memref<128xi32, #tpu.memory_space<vmem>>, vector<16xi32>,
    %get3A_2090 = arith.constant 80 : index
    %get3A_2091 = tpu.vector_load %arg15[%get3A_2090] {strides = array<i32>} : memref<128xi32, #tpu.memory_space<vmem>>, vector<16xi32>,
    %shift_right_logical3A_2092 = arith.constant 1 : i32
    %shift_right_logical3A_2093 = vector.broadcast %shift_right_logical3A_2092 : i32 to vector<16xi32>
    %shift_right_logical3A_2094 = arith.shrui %get3A_2091, %shift_right_logical3A_2093 : vector<16xi32>
    %swap3A_2095 = arith.constant 80 : index
    %swap3A_2096 = tpu.vector_load %arg17[%swap3A_2095] {strides = array<i32>} : memref<128xi32, #tpu.memory_space<vmem>>, vector<16xi32>,
    tpu.vector_store %arg17[%swap3A_2095], %shift_right_logical3A_2094 {strides = array<i32>} : memref<128xi32, #tpu.memory_space<vmem>>, vector<16xi32>,
    %and3A_2097 = arith.constant 1 : i32
    %and3A_2098 = vector.broadcast %and3A_2097 : i32 to vector<16xi32>
    %and3A_2099 = arith.andi %get3A_2091, %and3A_2098 : vector<16xi32>
    %shift_left3A_2100 = arith.constant 6 : i32
    %shift_left3A_2101 = vector.broadcast %shift_left3A_2100 : i32 to vector<16xi32>
    %shift_left3A_2102 = arith.shli %and3A_2099, %shift_left3A_2101 : vector<16xi32>
    %swap3A_2103 = arith.constant 80 : index
    %swap3A_2104 = tpu.vector_load %arg19[%swap3A_2103] {strides = array<i32>} : memref<128xi32, #tpu.memory_space<vmem>>, vector<16xi32>,
    tpu.vector_store %arg19[%swap3A_2103], %shift_left3A_2102 {strides = array<i32>} : memref<128xi32, #tpu.memory_space<vmem>>, vector<16xi32>,
    %get3A_2105 = arith.constant 96 : index
    %get3A_2106 = tpu.vector_load %arg15[%get3A_2105] {strides = array<i32>} : memref<128xi32, #tpu.memory_space<vmem>>, vector<16xi32>,
    %shift_right_logical3A_2107 = arith.constant 1 : i32
    %shift_right_logical3A_2108 = vector.broadcast %shift_right_logical3A_2107 : i32 to vector<16xi32>
    %shift_right_logical3A_2109 = arith.shrui %get3A_2106, %shift_right_logical3A_2108 : vector<16xi32>
    %swap3A_2110 = arith.constant 96 : index
    %swap3A_2111 = tpu.vector_load %arg17[%swap3A_2110] {strides = array<i32>} : memref<128xi32, #tpu.memory_space<vmem>>, vector<16xi32>,
    tpu.vector_store %arg17[%swap3A_2110], %shift_right_logical3A_2109 {strides = array<i32>} : memref<128xi32, #tpu.memory_space<vmem>>, vector<16xi32>,
    %and3A_2112 = arith.constant 1 : i32
    %and3A_2113 = vector.broadcast %and3A_2112 : i32 to vector<16xi32>
    %and3A_2114 = arith.andi %get3A_2106, %and3A_2113 : vector<16xi32>
    %shift_left3A_2115 = arith.constant 6 : i32
    %shift_left3A_2116 = vector.broadcast %shift_left3A_2115 : i32 to vector<16xi32>
    %shift_left3A_2117 = arith.shli %and3A_2114, %shift_left3A_2116 : vector<16xi32>
    %swap3A_2118 = arith.constant 96 : index
    %swap3A_2119 = tpu.vector_load %arg19[%swap3A_2118] {strides = array<i32>} : memref<128xi32, #tpu.memory_space<vmem>>, vector<16xi32>,
    tpu.vector_store %arg19[%swap3A_2118], %shift_left3A_2117 {strides = array<i32>} : memref<128xi32, #tpu.memory_space<vmem>>, vector<16xi32>,
    %get3A_2120 = arith.constant 112 : index
    %get3A_2121 = tpu.vector_load %arg15[%get3A_2120] {strides = array<i32>} : memref<128xi32, #tpu.memory_space<vmem>>, vector<16xi32>,
    %shift_right_logical3A_2122 = arith.constant 1 : i32
    %shift_right_logical3A_2123 = vector.broadcast %shift_right_logical3A_2122 : i32 to vector<16xi32>
    %shift_right_logical3A_2124 = arith.shrui %get3A_2121, %shift_right_logical3A_2123 : vector<16xi32>
    %swap3A_2125 = arith.constant 112 : index
    %swap3A_2126 = tpu.vector_load %arg17[%swap3A_2125] {strides = array<i32>} : memref<128xi32, #tpu.memory_space<vmem>>, vector<16xi32>,
    tpu.vector_store %arg17[%swap3A_2125], %shift_right_logical3A_2124 {strides = array<i32>} : memref<128xi32, #tpu.memory_space<vmem>>, vector<16xi32>,
    %and3A_2127 = arith.constant 1 : i32
    %and3A_2128 = vector.broadcast %and3A_2127 : i32 to vector<16xi32>
    %and3A_2129 = arith.andi %get3A_2121, %and3A_2128 : vector<16xi32>
    %shift_left3A_2130 = arith.constant 6 : i32
    %shift_left3A_2131 = vector.broadcast %shift_left3A_2130 : i32 to vector<16xi32>
    %shift_left3A_2132 = arith.shli %and3A_2129, %shift_left3A_2131 : vector<16xi32>
    %swap3A_2133 = arith.constant 112 : index
    %swap3A_2134 = tpu.vector_load %arg19[%swap3A_2133] {strides = array<i32>} : memref<128xi32, #tpu.memory_space<vmem>>, vector<16xi32>,
    tpu.vector_store %arg19[%swap3A_2133], %shift_left3A_2132 {strides = array<i32>} : memref<128xi32, #tpu.memory_space<vmem>>, vector<16xi32>,
    %dma_start3A_2135 = arith.constant 0 : i32
    %dma_start3A_2136 = arith.constant 0 : i32
    %dma_start3A_2137 = tpu.memref_slice %arg3[%dma_start3A_2135, %dma_start3A_2136] : memref<50000x128xf32, #tpu.memory_space<hbm>> -> memref<50000x128xf32, #tpu.memory_space<hbm>>
    tpu.enqueue_indirect_dma source(%dma_start3A_2137 : memref<50000x128xf32, #tpu.memory_space<hbm>>) target(%arg21 : memref<128x128xf32, #tpu.memory_space<vmem>>) offsets(%arg17 : memref<128xi32, #tpu.memory_space<vmem>>) semaphore(%arg33 : memref<!tpu.dma_semaphore, #tpu.memory_space<semaphore_mem>>)
    %add3A_2138 = arith.constant 256 : i32
    %add3A_2139 = arith.addi %select_n3A_1852, %add3A_2138 : i32
    %multiple_of3A_2140 = tpu.assume_multiple %add3A_2139, 128 : i32
    %dma_start3A_2141 = tpu.memref_slice %arg2[%multiple_of3A_2140] : memref<100000xi32, #tpu.memory_space<hbm>> -> memref<128xi32, #tpu.memory_space<hbm>>
    %dma_start3A_2142 = tpu.memref_slice %arg2[%multiple_of3A_2140] : memref<100000xi32, #tpu.memory_space<hbm>> -> memref<128xi32, #tpu.memory_space<hbm>>
    tpu.enqueue_dma source(%dma_start3A_2142 : memref<128xi32, #tpu.memory_space<hbm>>) target(%arg14 : memref<128xi32, #tpu.memory_space<vmem>>) target_semaphore(%arg30 : memref<!tpu.dma_semaphore, #tpu.memory_space<semaphore_mem>>)
    %add3A_2143 = arith.constant 384 : i32
    %add3A_2144 = arith.addi %select_n3A_1852, %add3A_2143 : i32
    %multiple_of3A_2145 = tpu.assume_multiple %add3A_2144, 128 : i32
    %dma_start3A_2146 = tpu.memref_slice %arg2[%multiple_of3A_2145] : memref<100000xi32, #tpu.memory_space<hbm>> -> memref<128xi32, #tpu.memory_space<hbm>>
    %dma_start3A_2147 = tpu.memref_slice %arg2[%multiple_of3A_2145] : memref<100000xi32, #tpu.memory_space<hbm>> -> memref<128xi32, #tpu.memory_space<hbm>>
    tpu.enqueue_dma source(%dma_start3A_2147 : memref<128xi32, #tpu.memory_space<hbm>>) target(%arg15 : memref<128xi32, #tpu.memory_space<vmem>>) target_semaphore(%arg31 : memref<!tpu.dma_semaphore, #tpu.memory_space<semaphore_mem>>)
    %scan3A = arith.constant 0 : i32
    %scan3A_2148 = arith.constant 0 : i32
    %scan3A_2149 = arith.constant 25 : i32
    %scan3A_2150 = arith.addi %scan3A_2148, %scan3A_2149 : i32
    %scan3A_2151 = arith.constant 1 : i32
    scf.for %scan3A_2170 = %scan3A_2148 to %scan3A_2150 step %scan3A_2151  : i32 {
      %and3A_2171 = arith.constant 1 : i32
      %and3A_2172 = arith.andi %scan3A_2170, %and3A_2171 : i32
      %eq3A_2173 = arith.constant 0 : i32
      %eq3A_2174 = arith.cmpi eq, %and3A_2172, %eq3A_2173 : i32
      %convert_element_type3A_2175 = arith.extui %eq3A_2174 : i1 to i32
      %cond3A_2176 = arith.constant 0 : i32
      %cond3A_2177 = arith.cmpi ne, %convert_element_type3A_2175, %cond3A_2176 : i32
      scf.if %cond3A_2177 {
        %dma_wait3A_2185 = arith.constant 0 : i32
        %dma_wait3A_2186 = arith.constant 0 : i32
        %dma_wait3A_2187 = tpu.memref_slice %arg3[%dma_wait3A_2185, %dma_wait3A_2186] : memref<50000x128xf32, #tpu.memory_space<hbm>> -> memref<50000x128xf32, #tpu.memory_space<hbm>>
        tpu.wait_indirect_dma semaphore(%arg32 : memref<!tpu.dma_semaphore, #tpu.memory_space<semaphore_mem>>) src(%dma_wait3A_2187 : memref<50000x128xf32, #tpu.memory_space<hbm>>) dst(%arg20 : memref<128x128xf32, #tpu.memory_space<vmem>>)
        %ge3A = arith.constant 2 : i32
        %ge3A_2188 = arith.cmpi sge, %scan3A_2170, %ge3A : i32
        %convert_element_type3A_2189 = arith.extui %ge3A_2188 : i1 to i32
        %cond3A_2190 = arith.constant 0 : i32
        %cond3A_2191 = arith.cmpi ne, %convert_element_type3A_2189, %cond3A_2190 : i32
        scf.if %cond3A_2191 {
          %sub3A_2236 = arith.constant 2 : i32
          %sub3A_2237 = arith.subi %scan3A_2170, %sub3A_2236 : i32
          %mul3A_2238 = arith.constant 128 : i32
          %mul3A_2239 = arith.muli %sub3A_2237, %mul3A_2238 : i32
          %add3A_2240 = arith.addi %select_n3A_1852, %mul3A_2239 : i32
          %multiple_of3A_2241 = tpu.assume_multiple %add3A_2240, 128 : i32
          %dma_wait3A_2242 = arith.constant 0 : i32
          %dma_wait3A_2243 = tpu.memref_slice %arg6[%dma_wait3A_2242, %multiple_of3A_2241] : memref<64x100000xf32, #tpu.memory_space<hbm>> -> memref<64x128xf32, #tpu.memory_space<hbm>>
          %dma_wait3A_2244 = arith.constant 0 : i32
          %dma_wait3A_2245 = tpu.memref_slice %arg6[%dma_wait3A_2244, %multiple_of3A_2241] : memref<64x100000xf32, #tpu.memory_space<hbm>> -> memref<64x128xf32, #tpu.memory_space<hbm>>
          tpu.wait_dma2 semaphore(%arg34 : memref<!tpu.dma_semaphore, #tpu.memory_space<semaphore_mem>>) src(%arg22 : memref<64x128xf32, #tpu.memory_space<vmem>>) dst(%dma_wait3A_2245 : memref<64x128xf32, #tpu.memory_space<hbm>>)
        } else {
        }
        %get3A_2192 = arith.constant 0 : index
        %get3A_2193 = tpu.vector_load %arg18[%get3A_2192] {strides = array<i32>} : memref<128xi32, #tpu.memory_space<vmem>>, vector<16xi32>,
        %get3A_2194 = arith.constant 16 : index
        %get3A_2195 = tpu.vector_load %arg18[%get3A_2194] {strides = array<i32>} : memref<128xi32, #tpu.memory_space<vmem>>, vector<16xi32>,
        %get3A_2196 = arith.constant 32 : index
        %get3A_2197 = tpu.vector_load %arg18[%get3A_2196] {strides = array<i32>} : memref<128xi32, #tpu.memory_space<vmem>>, vector<16xi32>,
        %get3A_2198 = arith.constant 48 : index
        %get3A_2199 = tpu.vector_load %arg18[%get3A_2198] {strides = array<i32>} : memref<128xi32, #tpu.memory_space<vmem>>, vector<16xi32>,
        %get3A_2200 = arith.constant 64 : index
        %get3A_2201 = tpu.vector_load %arg18[%get3A_2200] {strides = array<i32>} : memref<128xi32, #tpu.memory_space<vmem>>, vector<16xi32>,
        %get3A_2202 = arith.constant 80 : index
        %get3A_2203 = tpu.vector_load %arg18[%get3A_2202] {strides = array<i32>} : memref<128xi32, #tpu.memory_space<vmem>>, vector<16xi32>,
        %get3A_2204 = arith.constant 96 : index
        %get3A_2205 = tpu.vector_load %arg18[%get3A_2204] {strides = array<i32>} : memref<128xi32, #tpu.memory_space<vmem>>, vector<16xi32>,
        %get3A_2206 = arith.constant 112 : index
        %get3A_2207 = tpu.vector_load %arg18[%get3A_2206] {strides = array<i32>} : memref<128xi32, #tpu.memory_space<vmem>>, vector<16xi32>,
        %scan3A_2208 = arith.constant 0 : i32
        %scan3A_2209 = arith.constant 0 : i32
        %scan3A_2210 = arith.constant 64 : i32
        %scan3A_2211 = arith.addi %scan3A_2209, %scan3A_2210 : i32
        %scan3A_2212 = arith.constant 1 : i32
        scf.for %scan3A_2236 = %scan3A_2209 to %scan3A_2211 step %scan3A_2212  : i32 {
          %add3A_2237 = vector.broadcast %scan3A_2236 : i32 to vector<16xi32>
          %add3A_2238 = arith.addi %add3A_2237, %iota3A : vector<16xi32>
          %and3A_2239 = arith.constant 63 : i32
          %and3A_2240 = vector.broadcast %and3A_2239 : i32 to vector<16xi32>
          %and3A_2241 = arith.andi %add3A_2238, %and3A_2240 : vector<16xi32>
          %gather3A_2242 = tpu.vector_load_idx %arg13[%and3A_2241] : memref<64xf32, #tpu.memory_space<vmem>>[vector<16xi32>], vector<16xf32>,
          %add3A_2243 = arith.addi %get3A_2193, %and3A_2241 : vector<16xi32>
          %gather3A_2244 = tpu.vector_load_idx %arg20[%add3A_1855, %add3A_2243] : memref<128x128xf32, #tpu.memory_space<vmem>>[vector<16xi32>, vector<16xi32>], vector<16xf32>,
          %add3A_2245 = arith.addf %gather3A_2244, %gather3A_2242 : vector<16xf32>
          tpu.vector_store_idx %arg22[%and3A_2241, %add3A_1855], %add3A_2245 : memref<64x128xf32, #tpu.memory_space<vmem>>[vector<16xi32>, vector<16xi32>], vector<16xf32>,
          %add3A_2246 = arith.addi %get3A_2195, %and3A_2241 : vector<16xi32>
          %gather3A_2247 = tpu.vector_load_idx %arg20[%add3A_1858, %add3A_2246] : memref<128x128xf32, #tpu.memory_space<vmem>>[vector<16xi32>, vector<16xi32>], vector<16xf32>,
          %add3A_2248 = arith.addf %gather3A_2247, %gather3A_2242 : vector<16xf32>
          tpu.vector_store_idx %arg22[%and3A_2241, %add3A_1858], %add3A_2248 : memref<64x128xf32, #tpu.memory_space<vmem>>[vector<16xi32>, vector<16xi32>], vector<16xf32>,
          %add3A_2249 = arith.addi %get3A_2197, %and3A_2241 : vector<16xi32>
          %gather3A_2250 = tpu.vector_load_idx %arg20[%add3A_1861, %add3A_2249] : memref<128x128xf32, #tpu.memory_space<vmem>>[vector<16xi32>, vector<16xi32>], vector<16xf32>,
          %add3A_2251 = arith.addf %gather3A_2250, %gather3A_2242 : vector<16xf32>
          tpu.vector_store_idx %arg22[%and3A_2241, %add3A_1861], %add3A_2251 : memref<64x128xf32, #tpu.memory_space<vmem>>[vector<16xi32>, vector<16xi32>], vector<16xf32>,
          %add3A_2252 = arith.addi %get3A_2199, %and3A_2241 : vector<16xi32>
          %gather3A_2253 = tpu.vector_load_idx %arg20[%add3A_1864, %add3A_2252] : memref<128x128xf32, #tpu.memory_space<vmem>>[vector<16xi32>, vector<16xi32>], vector<16xf32>,
          %add3A_2254 = arith.addf %gather3A_2253, %gather3A_2242 : vector<16xf32>
          tpu.vector_store_idx %arg22[%and3A_2241, %add3A_1864], %add3A_2254 : memref<64x128xf32, #tpu.memory_space<vmem>>[vector<16xi32>, vector<16xi32>], vector<16xf32>,
          %add3A_2255 = arith.addi %get3A_2201, %and3A_2241 : vector<16xi32>
          %gather3A_2256 = tpu.vector_load_idx %arg20[%add3A_1867, %add3A_2255] : memref<128x128xf32, #tpu.memory_space<vmem>>[vector<16xi32>, vector<16xi32>], vector<16xf32>,
          %add3A_2257 = arith.addf %gather3A_2256, %gather3A_2242 : vector<16xf32>
          tpu.vector_store_idx %arg22[%and3A_2241, %add3A_1867], %add3A_2257 : memref<64x128xf32, #tpu.memory_space<vmem>>[vector<16xi32>, vector<16xi32>], vector<16xf32>,
          %add3A_2258 = arith.addi %get3A_2203, %and3A_2241 : vector<16xi32>
          %gather3A_2259 = tpu.vector_load_idx %arg20[%add3A_1870, %add3A_2258] : memref<128x128xf32, #tpu.memory_space<vmem>>[vector<16xi32>, vector<16xi32>], vector<16xf32>,
          %add3A_2260 = arith.addf %gather3A_2259, %gather3A_2242 : vector<16xf32>
          tpu.vector_store_idx %arg22[%and3A_2241, %add3A_1870], %add3A_2260 : memref<64x128xf32, #tpu.memory_space<vmem>>[vector<16xi32>, vector<16xi32>], vector<16xf32>,
          %add3A_2261 = arith.addi %get3A_2205, %and3A_2241 : vector<16xi32>
          %gather3A_2262 = tpu.vector_load_idx %arg20[%add3A_1873, %add3A_2261] : memref<128x128xf32, #tpu.memory_space<vmem>>[vector<16xi32>, vector<16xi32>], vector<16xf32>,
          %add3A_2263 = arith.addf %gather3A_2262, %gather3A_2242 : vector<16xf32>
          tpu.vector_store_idx %arg22[%and3A_2241, %add3A_1873], %add3A_2263 : memref<64x128xf32, #tpu.memory_space<vmem>>[vector<16xi32>, vector<16xi32>], vector<16xf32>,
          %add3A_2264 = arith.addi %get3A_2207, %and3A_2241 : vector<16xi32>
          %gather3A_2265 = tpu.vector_load_idx %arg20[%add3A_1876, %add3A_2264] : memref<128x128xf32, #tpu.memory_space<vmem>>[vector<16xi32>, vector<16xi32>], vector<16xf32>,
          %add3A_2266 = arith.addf %gather3A_2265, %gather3A_2242 : vector<16xf32>
          tpu.vector_store_idx %arg22[%and3A_2241, %add3A_1876], %add3A_2266 : memref<64x128xf32, #tpu.memory_space<vmem>>[vector<16xi32>, vector<16xi32>], vector<16xf32>,
        }
        %scan3A_2213 = arith.constant 64 : i32
        %mul3A_2214 = arith.constant 128 : i32
        %mul3A_2215 = arith.muli %scan3A_2170, %mul3A_2214 : i32
        %add3A_2216 = arith.addi %select_n3A_1852, %mul3A_2215 : i32
        %multiple_of3A_2217 = tpu.assume_multiple %add3A_2216, 128 : i32
        %dma_start3A_2218 = arith.constant 0 : i32
        %dma_start3A_2219 = tpu.memref_slice %arg6[%dma_start3A_2218, %multiple_of3A_2217] : memref<64x100000xf32, #tpu.memory_space<hbm>> -> memref<64x128xf32, #tpu.memory_space<hbm>>
        %dma_start3A_2220 = arith.constant 0 : i32
        %dma_start3A_2221 = tpu.memref_slice %arg6[%dma_start3A_2220, %multiple_of3A_2217] : memref<64x100000xf32, #tpu.memory_space<hbm>> -> memref<64x128xf32, #tpu.memory_space<hbm>>
        tpu.enqueue_dma source(%arg22 : memref<64x128xf32, #tpu.memory_space<vmem>>) target(%dma_start3A_2221 : memref<64x128xf32, #tpu.memory_space<hbm>>) target_semaphore(%arg34 : memref<!tpu.dma_semaphore, #tpu.memory_space<semaphore_mem>>)
        %add3A_2222 = arith.constant 2 : i32
        %add3A_2223 = arith.addi %scan3A_2170, %add3A_2222 : i32
        %lt3A_2224 = arith.constant 25 : i32
        %lt3A_2225 = arith.cmpi slt, %add3A_2223, %lt3A_2224 : i32
        %convert_element_type3A_2226 = arith.extui %lt3A_2225 : i1 to i32
        %cond3A_2227 = arith.constant 0 : i32
        %cond3A_2228 = arith.cmpi ne, %convert_element_type3A_2226, %cond3A_2227 : i32
        scf.if %cond3A_2228 {
          %add3A_2236 = arith.constant 2 : i32
          %add3A_2237 = arith.addi %scan3A_2170, %add3A_2236 : i32
          %mul3A_2238 = arith.constant 128 : i32
          %mul3A_2239 = arith.muli %add3A_2237, %mul3A_2238 : i32
          %add3A_2240 = arith.addi %select_n3A_1852, %mul3A_2239 : i32
          %multiple_of3A_2241 = tpu.assume_multiple %add3A_2240, 128 : i32
          %dma_wait3A_2242 = tpu.memref_slice %arg2[%multiple_of3A_2241] : memref<100000xi32, #tpu.memory_space<hbm>> -> memref<128xi32, #tpu.memory_space<hbm>>
          %dma_wait3A_2243 = tpu.memref_slice %arg2[%multiple_of3A_2241] : memref<100000xi32, #tpu.memory_space<hbm>> -> memref<128xi32, #tpu.memory_space<hbm>>
          tpu.wait_dma2 semaphore(%arg30 : memref<!tpu.dma_semaphore, #tpu.memory_space<semaphore_mem>>) src(%dma_wait3A_2243 : memref<128xi32, #tpu.memory_space<hbm>>) dst(%arg14 : memref<128xi32, #tpu.memory_space<vmem>>)
          %get3A_2244 = arith.constant 0 : index
          %get3A_2245 = tpu.vector_load %arg14[%get3A_2244] {strides = array<i32>} : memref<128xi32, #tpu.memory_space<vmem>>, vector<16xi32>,
          %shift_right_logical3A_2246 = arith.constant 1 : i32
          %shift_right_logical3A_2247 = vector.broadcast %shift_right_logical3A_2246 : i32 to vector<16xi32>
          %shift_right_logical3A_2248 = arith.shrui %get3A_2245, %shift_right_logical3A_2247 : vector<16xi32>
          %swap3A_2249 = arith.constant 0 : index
          %swap3A_2250 = tpu.vector_load %arg16[%swap3A_2249] {strides = array<i32>} : memref<128xi32, #tpu.memory_space<vmem>>, vector<16xi32>,
          tpu.vector_store %arg16[%swap3A_2249], %shift_right_logical3A_2248 {strides = array<i32>} : memref<128xi32, #tpu.memory_space<vmem>>, vector<16xi32>,
          %and3A_2251 = arith.constant 1 : i32
          %and3A_2252 = vector.broadcast %and3A_2251 : i32 to vector<16xi32>
          %and3A_2253 = arith.andi %get3A_2245, %and3A_2252 : vector<16xi32>
          %shift_left3A_2254 = arith.constant 6 : i32
          %shift_left3A_2255 = vector.broadcast %shift_left3A_2254 : i32 to vector<16xi32>
          %shift_left3A_2256 = arith.shli %and3A_2253, %shift_left3A_2255 : vector<16xi32>
          %swap3A_2257 = arith.constant 0 : index
          %swap3A_2258 = tpu.vector_load %arg18[%swap3A_2257] {strides = array<i32>} : memref<128xi32, #tpu.memory_space<vmem>>, vector<16xi32>,
          tpu.vector_store %arg18[%swap3A_2257], %shift_left3A_2256 {strides = array<i32>} : memref<128xi32, #tpu.memory_space<vmem>>, vector<16xi32>,
          %get3A_2259 = arith.constant 16 : index
          %get3A_2260 = tpu.vector_load %arg14[%get3A_2259] {strides = array<i32>} : memref<128xi32, #tpu.memory_space<vmem>>, vector<16xi32>,
          %shift_right_logical3A_2261 = arith.constant 1 : i32
          %shift_right_logical3A_2262 = vector.broadcast %shift_right_logical3A_2261 : i32 to vector<16xi32>
          %shift_right_logical3A_2263 = arith.shrui %get3A_2260, %shift_right_logical3A_2262 : vector<16xi32>
          %swap3A_2264 = arith.constant 16 : index
          %swap3A_2265 = tpu.vector_load %arg16[%swap3A_2264] {strides = array<i32>} : memref<128xi32, #tpu.memory_space<vmem>>, vector<16xi32>,
          tpu.vector_store %arg16[%swap3A_2264], %shift_right_logical3A_2263 {strides = array<i32>} : memref<128xi32, #tpu.memory_space<vmem>>, vector<16xi32>,
          %and3A_2266 = arith.constant 1 : i32
          %and3A_2267 = vector.broadcast %and3A_2266 : i32 to vector<16xi32>
          %and3A_2268 = arith.andi %get3A_2260, %and3A_2267 : vector<16xi32>
          %shift_left3A_2269 = arith.constant 6 : i32
          %shift_left3A_2270 = vector.broadcast %shift_left3A_2269 : i32 to vector<16xi32>
          %shift_left3A_2271 = arith.shli %and3A_2268, %shift_left3A_2270 : vector<16xi32>
          %swap3A_2272 = arith.constant 16 : index
          %swap3A_2273 = tpu.vector_load %arg18[%swap3A_2272] {strides = array<i32>} : memref<128xi32, #tpu.memory_space<vmem>>, vector<16xi32>,
          tpu.vector_store %arg18[%swap3A_2272], %shift_left3A_2271 {strides = array<i32>} : memref<128xi32, #tpu.memory_space<vmem>>, vector<16xi32>,
          %get3A_2274 = arith.constant 32 : index
          %get3A_2275 = tpu.vector_load %arg14[%get3A_2274] {strides = array<i32>} : memref<128xi32, #tpu.memory_space<vmem>>, vector<16xi32>,
          %shift_right_logical3A_2276 = arith.constant 1 : i32
          %shift_right_logical3A_2277 = vector.broadcast %shift_right_logical3A_2276 : i32 to vector<16xi32>
          %shift_right_logical3A_2278 = arith.shrui %get3A_2275, %shift_right_logical3A_2277 : vector<16xi32>
          %swap3A_2279 = arith.constant 32 : index
          %swap3A_2280 = tpu.vector_load %arg16[%swap3A_2279] {strides = array<i32>} : memref<128xi32, #tpu.memory_space<vmem>>, vector<16xi32>,
          tpu.vector_store %arg16[%swap3A_2279], %shift_right_logical3A_2278 {strides = array<i32>} : memref<128xi32, #tpu.memory_space<vmem>>, vector<16xi32>,
          %and3A_2281 = arith.constant 1 : i32
          %and3A_2282 = vector.broadcast %and3A_2281 : i32 to vector<16xi32>
          %and3A_2283 = arith.andi %get3A_2275, %and3A_2282 : vector<16xi32>
          %shift_left3A_2284 = arith.constant 6 : i32
          %shift_left3A_2285 = vector.broadcast %shift_left3A_2284 : i32 to vector<16xi32>
          %shift_left3A_2286 = arith.shli %and3A_2283, %shift_left3A_2285 : vector<16xi32>
          %swap3A_2287 = arith.constant 32 : index
          %swap3A_2288 = tpu.vector_load %arg18[%swap3A_2287] {strides = array<i32>} : memref<128xi32, #tpu.memory_space<vmem>>, vector<16xi32>,
          tpu.vector_store %arg18[%swap3A_2287], %shift_left3A_2286 {strides = array<i32>} : memref<128xi32, #tpu.memory_space<vmem>>, vector<16xi32>,
          %get3A_2289 = arith.constant 48 : index
          %get3A_2290 = tpu.vector_load %arg14[%get3A_2289] {strides = array<i32>} : memref<128xi32, #tpu.memory_space<vmem>>, vector<16xi32>,
          %shift_right_logical3A_2291 = arith.constant 1 : i32
          %shift_right_logical3A_2292 = vector.broadcast %shift_right_logical3A_2291 : i32 to vector<16xi32>
          %shift_right_logical3A_2293 = arith.shrui %get3A_2290, %shift_right_logical3A_2292 : vector<16xi32>
          %swap3A_2294 = arith.constant 48 : index
          %swap3A_2295 = tpu.vector_load %arg16[%swap3A_2294] {strides = array<i32>} : memref<128xi32, #tpu.memory_space<vmem>>, vector<16xi32>,
          tpu.vector_store %arg16[%swap3A_2294], %shift_right_logical3A_2293 {strides = array<i32>} : memref<128xi32, #tpu.memory_space<vmem>>, vector<16xi32>,
          %and3A_2296 = arith.constant 1 : i32
          %and3A_2297 = vector.broadcast %and3A_2296 : i32 to vector<16xi32>
          %and3A_2298 = arith.andi %get3A_2290, %and3A_2297 : vector<16xi32>
          %shift_left3A_2299 = arith.constant 6 : i32
          %shift_left3A_2300 = vector.broadcast %shift_left3A_2299 : i32 to vector<16xi32>
          %shift_left3A_2301 = arith.shli %and3A_2298, %shift_left3A_2300 : vector<16xi32>
          %swap3A_2302 = arith.constant 48 : index
          %swap3A_2303 = tpu.vector_load %arg18[%swap3A_2302] {strides = array<i32>} : memref<128xi32, #tpu.memory_space<vmem>>, vector<16xi32>,
          tpu.vector_store %arg18[%swap3A_2302], %shift_left3A_2301 {strides = array<i32>} : memref<128xi32, #tpu.memory_space<vmem>>, vector<16xi32>,
          %get3A_2304 = arith.constant 64 : index
          %get3A_2305 = tpu.vector_load %arg14[%get3A_2304] {strides = array<i32>} : memref<128xi32, #tpu.memory_space<vmem>>, vector<16xi32>,
          %shift_right_logical3A_2306 = arith.constant 1 : i32
          %shift_right_logical3A_2307 = vector.broadcast %shift_right_logical3A_2306 : i32 to vector<16xi32>
          %shift_right_logical3A_2308 = arith.shrui %get3A_2305, %shift_right_logical3A_2307 : vector<16xi32>
          %swap3A_2309 = arith.constant 64 : index
          %swap3A_2310 = tpu.vector_load %arg16[%swap3A_2309] {strides = array<i32>} : memref<128xi32, #tpu.memory_space<vmem>>, vector<16xi32>,
          tpu.vector_store %arg16[%swap3A_2309], %shift_right_logical3A_2308 {strides = array<i32>} : memref<128xi32, #tpu.memory_space<vmem>>, vector<16xi32>,
          %and3A_2311 = arith.constant 1 : i32
          %and3A_2312 = vector.broadcast %and3A_2311 : i32 to vector<16xi32>
          %and3A_2313 = arith.andi %get3A_2305, %and3A_2312 : vector<16xi32>
          %shift_left3A_2314 = arith.constant 6 : i32
          %shift_left3A_2315 = vector.broadcast %shift_left3A_2314 : i32 to vector<16xi32>
          %shift_left3A_2316 = arith.shli %and3A_2313, %shift_left3A_2315 : vector<16xi32>
          %swap3A_2317 = arith.constant 64 : index
          %swap3A_2318 = tpu.vector_load %arg18[%swap3A_2317] {strides = array<i32>} : memref<128xi32, #tpu.memory_space<vmem>>, vector<16xi32>,
          tpu.vector_store %arg18[%swap3A_2317], %shift_left3A_2316 {strides = array<i32>} : memref<128xi32, #tpu.memory_space<vmem>>, vector<16xi32>,
          %get3A_2319 = arith.constant 80 : index
          %get3A_2320 = tpu.vector_load %arg14[%get3A_2319] {strides = array<i32>} : memref<128xi32, #tpu.memory_space<vmem>>, vector<16xi32>,
          %shift_right_logical3A_2321 = arith.constant 1 : i32
          %shift_right_logical3A_2322 = vector.broadcast %shift_right_logical3A_2321 : i32 to vector<16xi32>
          %shift_right_logical3A_2323 = arith.shrui %get3A_2320, %shift_right_logical3A_2322 : vector<16xi32>
          %swap3A_2324 = arith.constant 80 : index
          %swap3A_2325 = tpu.vector_load %arg16[%swap3A_2324] {strides = array<i32>} : memref<128xi32, #tpu.memory_space<vmem>>, vector<16xi32>,
          tpu.vector_store %arg16[%swap3A_2324], %shift_right_logical3A_2323 {strides = array<i32>} : memref<128xi32, #tpu.memory_space<vmem>>, vector<16xi32>,
          %and3A_2326 = arith.constant 1 : i32
          %and3A_2327 = vector.broadcast %and3A_2326 : i32 to vector<16xi32>
          %and3A_2328 = arith.andi %get3A_2320, %and3A_2327 : vector<16xi32>
          %shift_left3A_2329 = arith.constant 6 : i32
          %shift_left3A_2330 = vector.broadcast %shift_left3A_2329 : i32 to vector<16xi32>
          %shift_left3A_2331 = arith.shli %and3A_2328, %shift_left3A_2330 : vector<16xi32>
          %swap3A_2332 = arith.constant 80 : index
          %swap3A_2333 = tpu.vector_load %arg18[%swap3A_2332] {strides = array<i32>} : memref<128xi32, #tpu.memory_space<vmem>>, vector<16xi32>,
          tpu.vector_store %arg18[%swap3A_2332], %shift_left3A_2331 {strides = array<i32>} : memref<128xi32, #tpu.memory_space<vmem>>, vector<16xi32>,
          %get3A_2334 = arith.constant 96 : index
          %get3A_2335 = tpu.vector_load %arg14[%get3A_2334] {strides = array<i32>} : memref<128xi32, #tpu.memory_space<vmem>>, vector<16xi32>,
          %shift_right_logical3A_2336 = arith.constant 1 : i32
          %shift_right_logical3A_2337 = vector.broadcast %shift_right_logical3A_2336 : i32 to vector<16xi32>
          %shift_right_logical3A_2338 = arith.shrui %get3A_2335, %shift_right_logical3A_2337 : vector<16xi32>
          %swap3A_2339 = arith.constant 96 : index
          %swap3A_2340 = tpu.vector_load %arg16[%swap3A_2339] {strides = array<i32>} : memref<128xi32, #tpu.memory_space<vmem>>, vector<16xi32>,
          tpu.vector_store %arg16[%swap3A_2339], %shift_right_logical3A_2338 {strides = array<i32>} : memref<128xi32, #tpu.memory_space<vmem>>, vector<16xi32>,
          %and3A_2341 = arith.constant 1 : i32
          %and3A_2342 = vector.broadcast %and3A_2341 : i32 to vector<16xi32>
          %and3A_2343 = arith.andi %get3A_2335, %and3A_2342 : vector<16xi32>
          %shift_left3A_2344 = arith.constant 6 : i32
          %shift_left3A_2345 = vector.broadcast %shift_left3A_2344 : i32 to vector<16xi32>
          %shift_left3A_2346 = arith.shli %and3A_2343, %shift_left3A_2345 : vector<16xi32>
          %swap3A_2347 = arith.constant 96 : index
          %swap3A_2348 = tpu.vector_load %arg18[%swap3A_2347] {strides = array<i32>} : memref<128xi32, #tpu.memory_space<vmem>>, vector<16xi32>,
          tpu.vector_store %arg18[%swap3A_2347], %shift_left3A_2346 {strides = array<i32>} : memref<128xi32, #tpu.memory_space<vmem>>, vector<16xi32>,
          %get3A_2349 = arith.constant 112 : index
          %get3A_2350 = tpu.vector_load %arg14[%get3A_2349] {strides = array<i32>} : memref<128xi32, #tpu.memory_space<vmem>>, vector<16xi32>,
          %shift_right_logical3A_2351 = arith.constant 1 : i32
          %shift_right_logical3A_2352 = vector.broadcast %shift_right_logical3A_2351 : i32 to vector<16xi32>
          %shift_right_logical3A_2353 = arith.shrui %get3A_2350, %shift_right_logical3A_2352 : vector<16xi32>
          %swap3A_2354 = arith.constant 112 : index
          %swap3A_2355 = tpu.vector_load %arg16[%swap3A_2354] {strides = array<i32>} : memref<128xi32, #tpu.memory_space<vmem>>, vector<16xi32>,
          tpu.vector_store %arg16[%swap3A_2354], %shift_right_logical3A_2353 {strides = array<i32>} : memref<128xi32, #tpu.memory_space<vmem>>, vector<16xi32>,
          %and3A_2356 = arith.constant 1 : i32
          %and3A_2357 = vector.broadcast %and3A_2356 : i32 to vector<16xi32>
          %and3A_2358 = arith.andi %get3A_2350, %and3A_2357 : vector<16xi32>
          %shift_left3A_2359 = arith.constant 6 : i32
          %shift_left3A_2360 = vector.broadcast %shift_left3A_2359 : i32 to vector<16xi32>
          %shift_left3A_2361 = arith.shli %and3A_2358, %shift_left3A_2360 : vector<16xi32>
          %swap3A_2362 = arith.constant 112 : index
          %swap3A_2363 = tpu.vector_load %arg18[%swap3A_2362] {strides = array<i32>} : memref<128xi32, #tpu.memory_space<vmem>>, vector<16xi32>,
          tpu.vector_store %arg18[%swap3A_2362], %shift_left3A_2361 {strides = array<i32>} : memref<128xi32, #tpu.memory_space<vmem>>, vector<16xi32>,
          %dma_start3A_2364 = arith.constant 0 : i32
          %dma_start3A_2365 = arith.constant 0 : i32
          %dma_start3A_2366 = tpu.memref_slice %arg3[%dma_start3A_2364, %dma_start3A_2365] : memref<50000x128xf32, #tpu.memory_space<hbm>> -> memref<50000x128xf32, #tpu.memory_space<hbm>>
          tpu.enqueue_indirect_dma source(%dma_start3A_2366 : memref<50000x128xf32, #tpu.memory_space<hbm>>) target(%arg20 : memref<128x128xf32, #tpu.memory_space<vmem>>) offsets(%arg16 : memref<128xi32, #tpu.memory_space<vmem>>) semaphore(%arg32 : memref<!tpu.dma_semaphore, #tpu.memory_space<semaphore_mem>>)
        } else {
        }
        %add3A_2229 = arith.constant 4 : i32
        %add3A_2230 = arith.addi %scan3A_2170, %add3A_2229 : i32
        %lt3A_2231 = arith.constant 25 : i32
        %lt3A_2232 = arith.cmpi slt, %add3A_2230, %lt3A_2231 : i32
        %convert_element_type3A_2233 = arith.extui %lt3A_2232 : i1 to i32
        %cond3A_2234 = arith.constant 0 : i32
        %cond3A_2235 = arith.cmpi ne, %convert_element_type3A_2233, %cond3A_2234 : i32
        scf.if %cond3A_2235 {
          %add3A_2236 = arith.constant 4 : i32
          %add3A_2237 = arith.addi %scan3A_2170, %add3A_2236 : i32
          %mul3A_2238 = arith.constant 128 : i32
          %mul3A_2239 = arith.muli %add3A_2237, %mul3A_2238 : i32
          %add3A_2240 = arith.addi %select_n3A_1852, %mul3A_2239 : i32
          %multiple_of3A_2241 = tpu.assume_multiple %add3A_2240, 128 : i32
          %dma_start3A_2242 = tpu.memref_slice %arg2[%multiple_of3A_2241] : memref<100000xi32, #tpu.memory_space<hbm>> -> memref<128xi32, #tpu.memory_space<hbm>>
          %dma_start3A_2243 = tpu.memref_slice %arg2[%multiple_of3A_2241] : memref<100000xi32, #tpu.memory_space<hbm>> -> memref<128xi32, #tpu.memory_space<hbm>>
          tpu.enqueue_dma source(%dma_start3A_2243 : memref<128xi32, #tpu.memory_space<hbm>>) target(%arg14 : memref<128xi32, #tpu.memory_space<vmem>>) target_semaphore(%arg30 : memref<!tpu.dma_semaphore, #tpu.memory_space<semaphore_mem>>)
        } else {
        }
      } else {
      }
      %and3A_2178 = arith.constant 1 : i32
      %and3A_2179 = arith.andi %scan3A_2170, %and3A_2178 : i32
      %eq3A_2180 = arith.constant 1 : i32
      %eq3A_2181 = arith.cmpi eq, %and3A_2179, %eq3A_2180 : i32
      %convert_element_type3A_2182 = arith.extui %eq3A_2181 : i1 to i32
      %cond3A_2183 = arith.constant 0 : i32
      %cond3A_2184 = arith.cmpi ne, %convert_element_type3A_2182, %cond3A_2183 : i32
      scf.if %cond3A_2184 {
        %dma_wait3A_2185 = arith.constant 0 : i32
        %dma_wait3A_2186 = arith.constant 0 : i32
        %dma_wait3A_2187 = tpu.memref_slice %arg3[%dma_wait3A_2185, %dma_wait3A_2186] : memref<50000x128xf32, #tpu.memory_space<hbm>> -> memref<50000x128xf32, #tpu.memory_space<hbm>>
        tpu.wait_indirect_dma semaphore(%arg33 : memref<!tpu.dma_semaphore, #tpu.memory_space<semaphore_mem>>) src(%dma_wait3A_2187 : memref<50000x128xf32, #tpu.memory_space<hbm>>) dst(%arg21 : memref<128x128xf32, #tpu.memory_space<vmem>>)
        %ge3A = arith.constant 2 : i32
        %ge3A_2188 = arith.cmpi sge, %scan3A_2170, %ge3A : i32
        %convert_element_type3A_2189 = arith.extui %ge3A_2188 : i1 to i32
        %cond3A_2190 = arith.constant 0 : i32
        %cond3A_2191 = arith.cmpi ne, %convert_element_type3A_2189, %cond3A_2190 : i32
        scf.if %cond3A_2191 {
          %sub3A_2236 = arith.constant 2 : i32
          %sub3A_2237 = arith.subi %scan3A_2170, %sub3A_2236 : i32
          %mul3A_2238 = arith.constant 128 : i32
          %mul3A_2239 = arith.muli %sub3A_2237, %mul3A_2238 : i32
          %add3A_2240 = arith.addi %select_n3A_1852, %mul3A_2239 : i32
          %multiple_of3A_2241 = tpu.assume_multiple %add3A_2240, 128 : i32
          %dma_wait3A_2242 = arith.constant 0 : i32
          %dma_wait3A_2243 = tpu.memref_slice %arg6[%dma_wait3A_2242, %multiple_of3A_2241] : memref<64x100000xf32, #tpu.memory_space<hbm>> -> memref<64x128xf32, #tpu.memory_space<hbm>>
          %dma_wait3A_2244 = arith.constant 0 : i32
          %dma_wait3A_2245 = tpu.memref_slice %arg6[%dma_wait3A_2244, %multiple_of3A_2241] : memref<64x100000xf32, #tpu.memory_space<hbm>> -> memref<64x128xf32, #tpu.memory_space<hbm>>
          tpu.wait_dma2 semaphore(%arg35 : memref<!tpu.dma_semaphore, #tpu.memory_space<semaphore_mem>>) src(%arg23 : memref<64x128xf32, #tpu.memory_space<vmem>>) dst(%dma_wait3A_2245 : memref<64x128xf32, #tpu.memory_space<hbm>>)
        } else {
        }
        %get3A_2192 = arith.constant 0 : index
        %get3A_2193 = tpu.vector_load %arg19[%get3A_2192] {strides = array<i32>} : memref<128xi32, #tpu.memory_space<vmem>>, vector<16xi32>,
        %get3A_2194 = arith.constant 16 : index
        %get3A_2195 = tpu.vector_load %arg19[%get3A_2194] {strides = array<i32>} : memref<128xi32, #tpu.memory_space<vmem>>, vector<16xi32>,
        %get3A_2196 = arith.constant 32 : index
        %get3A_2197 = tpu.vector_load %arg19[%get3A_2196] {strides = array<i32>} : memref<128xi32, #tpu.memory_space<vmem>>, vector<16xi32>,
        %get3A_2198 = arith.constant 48 : index
        %get3A_2199 = tpu.vector_load %arg19[%get3A_2198] {strides = array<i32>} : memref<128xi32, #tpu.memory_space<vmem>>, vector<16xi32>,
        %get3A_2200 = arith.constant 64 : index
        %get3A_2201 = tpu.vector_load %arg19[%get3A_2200] {strides = array<i32>} : memref<128xi32, #tpu.memory_space<vmem>>, vector<16xi32>,
        %get3A_2202 = arith.constant 80 : index
        %get3A_2203 = tpu.vector_load %arg19[%get3A_2202] {strides = array<i32>} : memref<128xi32, #tpu.memory_space<vmem>>, vector<16xi32>,
        %get3A_2204 = arith.constant 96 : index
        %get3A_2205 = tpu.vector_load %arg19[%get3A_2204] {strides = array<i32>} : memref<128xi32, #tpu.memory_space<vmem>>, vector<16xi32>,
        %get3A_2206 = arith.constant 112 : index
        %get3A_2207 = tpu.vector_load %arg19[%get3A_2206] {strides = array<i32>} : memref<128xi32, #tpu.memory_space<vmem>>, vector<16xi32>,
        %scan3A_2208 = arith.constant 0 : i32
        %scan3A_2209 = arith.constant 0 : i32
        %scan3A_2210 = arith.constant 64 : i32
        %scan3A_2211 = arith.addi %scan3A_2209, %scan3A_2210 : i32
        %scan3A_2212 = arith.constant 1 : i32
        scf.for %scan3A_2236 = %scan3A_2209 to %scan3A_2211 step %scan3A_2212  : i32 {
          %add3A_2237 = vector.broadcast %scan3A_2236 : i32 to vector<16xi32>
          %add3A_2238 = arith.addi %add3A_2237, %iota3A : vector<16xi32>
          %and3A_2239 = arith.constant 63 : i32
          %and3A_2240 = vector.broadcast %and3A_2239 : i32 to vector<16xi32>
          %and3A_2241 = arith.andi %add3A_2238, %and3A_2240 : vector<16xi32>
          %gather3A_2242 = tpu.vector_load_idx %arg13[%and3A_2241] : memref<64xf32, #tpu.memory_space<vmem>>[vector<16xi32>], vector<16xf32>,
          %add3A_2243 = arith.addi %get3A_2193, %and3A_2241 : vector<16xi32>
          %gather3A_2244 = tpu.vector_load_idx %arg21[%add3A_1855, %add3A_2243] : memref<128x128xf32, #tpu.memory_space<vmem>>[vector<16xi32>, vector<16xi32>], vector<16xf32>,
          %add3A_2245 = arith.addf %gather3A_2244, %gather3A_2242 : vector<16xf32>
          tpu.vector_store_idx %arg23[%and3A_2241, %add3A_1855], %add3A_2245 : memref<64x128xf32, #tpu.memory_space<vmem>>[vector<16xi32>, vector<16xi32>], vector<16xf32>,
          %add3A_2246 = arith.addi %get3A_2195, %and3A_2241 : vector<16xi32>
          %gather3A_2247 = tpu.vector_load_idx %arg21[%add3A_1858, %add3A_2246] : memref<128x128xf32, #tpu.memory_space<vmem>>[vector<16xi32>, vector<16xi32>], vector<16xf32>,
          %add3A_2248 = arith.addf %gather3A_2247, %gather3A_2242 : vector<16xf32>
          tpu.vector_store_idx %arg23[%and3A_2241, %add3A_1858], %add3A_2248 : memref<64x128xf32, #tpu.memory_space<vmem>>[vector<16xi32>, vector<16xi32>], vector<16xf32>,
          %add3A_2249 = arith.addi %get3A_2197, %and3A_2241 : vector<16xi32>
          %gather3A_2250 = tpu.vector_load_idx %arg21[%add3A_1861, %add3A_2249] : memref<128x128xf32, #tpu.memory_space<vmem>>[vector<16xi32>, vector<16xi32>], vector<16xf32>,
          %add3A_2251 = arith.addf %gather3A_2250, %gather3A_2242 : vector<16xf32>
          tpu.vector_store_idx %arg23[%and3A_2241, %add3A_1861], %add3A_2251 : memref<64x128xf32, #tpu.memory_space<vmem>>[vector<16xi32>, vector<16xi32>], vector<16xf32>,
          %add3A_2252 = arith.addi %get3A_2199, %and3A_2241 : vector<16xi32>
          %gather3A_2253 = tpu.vector_load_idx %arg21[%add3A_1864, %add3A_2252] : memref<128x128xf32, #tpu.memory_space<vmem>>[vector<16xi32>, vector<16xi32>], vector<16xf32>,
          %add3A_2254 = arith.addf %gather3A_2253, %gather3A_2242 : vector<16xf32>
          tpu.vector_store_idx %arg23[%and3A_2241, %add3A_1864], %add3A_2254 : memref<64x128xf32, #tpu.memory_space<vmem>>[vector<16xi32>, vector<16xi32>], vector<16xf32>,
          %add3A_2255 = arith.addi %get3A_2201, %and3A_2241 : vector<16xi32>
          %gather3A_2256 = tpu.vector_load_idx %arg21[%add3A_1867, %add3A_2255] : memref<128x128xf32, #tpu.memory_space<vmem>>[vector<16xi32>, vector<16xi32>], vector<16xf32>,
          %add3A_2257 = arith.addf %gather3A_2256, %gather3A_2242 : vector<16xf32>
          tpu.vector_store_idx %arg23[%and3A_2241, %add3A_1867], %add3A_2257 : memref<64x128xf32, #tpu.memory_space<vmem>>[vector<16xi32>, vector<16xi32>], vector<16xf32>,
          %add3A_2258 = arith.addi %get3A_2203, %and3A_2241 : vector<16xi32>
          %gather3A_2259 = tpu.vector_load_idx %arg21[%add3A_1870, %add3A_2258] : memref<128x128xf32, #tpu.memory_space<vmem>>[vector<16xi32>, vector<16xi32>], vector<16xf32>,
          %add3A_2260 = arith.addf %gather3A_2259, %gather3A_2242 : vector<16xf32>
          tpu.vector_store_idx %arg23[%and3A_2241, %add3A_1870], %add3A_2260 : memref<64x128xf32, #tpu.memory_space<vmem>>[vector<16xi32>, vector<16xi32>], vector<16xf32>,
          %add3A_2261 = arith.addi %get3A_2205, %and3A_2241 : vector<16xi32>
          %gather3A_2262 = tpu.vector_load_idx %arg21[%add3A_1873, %add3A_2261] : memref<128x128xf32, #tpu.memory_space<vmem>>[vector<16xi32>, vector<16xi32>], vector<16xf32>,
          %add3A_2263 = arith.addf %gather3A_2262, %gather3A_2242 : vector<16xf32>
          tpu.vector_store_idx %arg23[%and3A_2241, %add3A_1873], %add3A_2263 : memref<64x128xf32, #tpu.memory_space<vmem>>[vector<16xi32>, vector<16xi32>], vector<16xf32>,
          %add3A_2264 = arith.addi %get3A_2207, %and3A_2241 : vector<16xi32>
          %gather3A_2265 = tpu.vector_load_idx %arg21[%add3A_1876, %add3A_2264] : memref<128x128xf32, #tpu.memory_space<vmem>>[vector<16xi32>, vector<16xi32>], vector<16xf32>,
          %add3A_2266 = arith.addf %gather3A_2265, %gather3A_2242 : vector<16xf32>
          tpu.vector_store_idx %arg23[%and3A_2241, %add3A_1876], %add3A_2266 : memref<64x128xf32, #tpu.memory_space<vmem>>[vector<16xi32>, vector<16xi32>], vector<16xf32>,
        }
        %scan3A_2213 = arith.constant 64 : i32
        %mul3A_2214 = arith.constant 128 : i32
        %mul3A_2215 = arith.muli %scan3A_2170, %mul3A_2214 : i32
        %add3A_2216 = arith.addi %select_n3A_1852, %mul3A_2215 : i32
        %multiple_of3A_2217 = tpu.assume_multiple %add3A_2216, 128 : i32
        %dma_start3A_2218 = arith.constant 0 : i32
        %dma_start3A_2219 = tpu.memref_slice %arg6[%dma_start3A_2218, %multiple_of3A_2217] : memref<64x100000xf32, #tpu.memory_space<hbm>> -> memref<64x128xf32, #tpu.memory_space<hbm>>
        %dma_start3A_2220 = arith.constant 0 : i32
        %dma_start3A_2221 = tpu.memref_slice %arg6[%dma_start3A_2220, %multiple_of3A_2217] : memref<64x100000xf32, #tpu.memory_space<hbm>> -> memref<64x128xf32, #tpu.memory_space<hbm>>
        tpu.enqueue_dma source(%arg23 : memref<64x128xf32, #tpu.memory_space<vmem>>) target(%dma_start3A_2221 : memref<64x128xf32, #tpu.memory_space<hbm>>) target_semaphore(%arg35 : memref<!tpu.dma_semaphore, #tpu.memory_space<semaphore_mem>>)
        %add3A_2222 = arith.constant 2 : i32
        %add3A_2223 = arith.addi %scan3A_2170, %add3A_2222 : i32
        %lt3A_2224 = arith.constant 25 : i32
        %lt3A_2225 = arith.cmpi slt, %add3A_2223, %lt3A_2224 : i32
        %convert_element_type3A_2226 = arith.extui %lt3A_2225 : i1 to i32
        %cond3A_2227 = arith.constant 0 : i32
        %cond3A_2228 = arith.cmpi ne, %convert_element_type3A_2226, %cond3A_2227 : i32
        scf.if %cond3A_2228 {
          %add3A_2236 = arith.constant 2 : i32
          %add3A_2237 = arith.addi %scan3A_2170, %add3A_2236 : i32
          %mul3A_2238 = arith.constant 128 : i32
          %mul3A_2239 = arith.muli %add3A_2237, %mul3A_2238 : i32
          %add3A_2240 = arith.addi %select_n3A_1852, %mul3A_2239 : i32
          %multiple_of3A_2241 = tpu.assume_multiple %add3A_2240, 128 : i32
          %dma_wait3A_2242 = tpu.memref_slice %arg2[%multiple_of3A_2241] : memref<100000xi32, #tpu.memory_space<hbm>> -> memref<128xi32, #tpu.memory_space<hbm>>
          %dma_wait3A_2243 = tpu.memref_slice %arg2[%multiple_of3A_2241] : memref<100000xi32, #tpu.memory_space<hbm>> -> memref<128xi32, #tpu.memory_space<hbm>>
          tpu.wait_dma2 semaphore(%arg31 : memref<!tpu.dma_semaphore, #tpu.memory_space<semaphore_mem>>) src(%dma_wait3A_2243 : memref<128xi32, #tpu.memory_space<hbm>>) dst(%arg15 : memref<128xi32, #tpu.memory_space<vmem>>)
          %get3A_2244 = arith.constant 0 : index
          %get3A_2245 = tpu.vector_load %arg15[%get3A_2244] {strides = array<i32>} : memref<128xi32, #tpu.memory_space<vmem>>, vector<16xi32>,
          %shift_right_logical3A_2246 = arith.constant 1 : i32
          %shift_right_logical3A_2247 = vector.broadcast %shift_right_logical3A_2246 : i32 to vector<16xi32>
          %shift_right_logical3A_2248 = arith.shrui %get3A_2245, %shift_right_logical3A_2247 : vector<16xi32>
          %swap3A_2249 = arith.constant 0 : index
          %swap3A_2250 = tpu.vector_load %arg17[%swap3A_2249] {strides = array<i32>} : memref<128xi32, #tpu.memory_space<vmem>>, vector<16xi32>,
          tpu.vector_store %arg17[%swap3A_2249], %shift_right_logical3A_2248 {strides = array<i32>} : memref<128xi32, #tpu.memory_space<vmem>>, vector<16xi32>,
          %and3A_2251 = arith.constant 1 : i32
          %and3A_2252 = vector.broadcast %and3A_2251 : i32 to vector<16xi32>
          %and3A_2253 = arith.andi %get3A_2245, %and3A_2252 : vector<16xi32>
          %shift_left3A_2254 = arith.constant 6 : i32
          %shift_left3A_2255 = vector.broadcast %shift_left3A_2254 : i32 to vector<16xi32>
          %shift_left3A_2256 = arith.shli %and3A_2253, %shift_left3A_2255 : vector<16xi32>
          %swap3A_2257 = arith.constant 0 : index
          %swap3A_2258 = tpu.vector_load %arg19[%swap3A_2257] {strides = array<i32>} : memref<128xi32, #tpu.memory_space<vmem>>, vector<16xi32>,
          tpu.vector_store %arg19[%swap3A_2257], %shift_left3A_2256 {strides = array<i32>} : memref<128xi32, #tpu.memory_space<vmem>>, vector<16xi32>,
          %get3A_2259 = arith.constant 16 : index
          %get3A_2260 = tpu.vector_load %arg15[%get3A_2259] {strides = array<i32>} : memref<128xi32, #tpu.memory_space<vmem>>, vector<16xi32>,
          %shift_right_logical3A_2261 = arith.constant 1 : i32
          %shift_right_logical3A_2262 = vector.broadcast %shift_right_logical3A_2261 : i32 to vector<16xi32>
          %shift_right_logical3A_2263 = arith.shrui %get3A_2260, %shift_right_logical3A_2262 : vector<16xi32>
          %swap3A_2264 = arith.constant 16 : index
          %swap3A_2265 = tpu.vector_load %arg17[%swap3A_2264] {strides = array<i32>} : memref<128xi32, #tpu.memory_space<vmem>>, vector<16xi32>,
          tpu.vector_store %arg17[%swap3A_2264], %shift_right_logical3A_2263 {strides = array<i32>} : memref<128xi32, #tpu.memory_space<vmem>>, vector<16xi32>,
          %and3A_2266 = arith.constant 1 : i32
          %and3A_2267 = vector.broadcast %and3A_2266 : i32 to vector<16xi32>
          %and3A_2268 = arith.andi %get3A_2260, %and3A_2267 : vector<16xi32>
          %shift_left3A_2269 = arith.constant 6 : i32
          %shift_left3A_2270 = vector.broadcast %shift_left3A_2269 : i32 to vector<16xi32>
          %shift_left3A_2271 = arith.shli %and3A_2268, %shift_left3A_2270 : vector<16xi32>
          %swap3A_2272 = arith.constant 16 : index
          %swap3A_2273 = tpu.vector_load %arg19[%swap3A_2272] {strides = array<i32>} : memref<128xi32, #tpu.memory_space<vmem>>, vector<16xi32>,
          tpu.vector_store %arg19[%swap3A_2272], %shift_left3A_2271 {strides = array<i32>} : memref<128xi32, #tpu.memory_space<vmem>>, vector<16xi32>,
          %get3A_2274 = arith.constant 32 : index
          %get3A_2275 = tpu.vector_load %arg15[%get3A_2274] {strides = array<i32>} : memref<128xi32, #tpu.memory_space<vmem>>, vector<16xi32>,
          %shift_right_logical3A_2276 = arith.constant 1 : i32
          %shift_right_logical3A_2277 = vector.broadcast %shift_right_logical3A_2276 : i32 to vector<16xi32>
          %shift_right_logical3A_2278 = arith.shrui %get3A_2275, %shift_right_logical3A_2277 : vector<16xi32>
          %swap3A_2279 = arith.constant 32 : index
          %swap3A_2280 = tpu.vector_load %arg17[%swap3A_2279] {strides = array<i32>} : memref<128xi32, #tpu.memory_space<vmem>>, vector<16xi32>,
          tpu.vector_store %arg17[%swap3A_2279], %shift_right_logical3A_2278 {strides = array<i32>} : memref<128xi32, #tpu.memory_space<vmem>>, vector<16xi32>,
          %and3A_2281 = arith.constant 1 : i32
          %and3A_2282 = vector.broadcast %and3A_2281 : i32 to vector<16xi32>
          %and3A_2283 = arith.andi %get3A_2275, %and3A_2282 : vector<16xi32>
          %shift_left3A_2284 = arith.constant 6 : i32
          %shift_left3A_2285 = vector.broadcast %shift_left3A_2284 : i32 to vector<16xi32>
          %shift_left3A_2286 = arith.shli %and3A_2283, %shift_left3A_2285 : vector<16xi32>
          %swap3A_2287 = arith.constant 32 : index
          %swap3A_2288 = tpu.vector_load %arg19[%swap3A_2287] {strides = array<i32>} : memref<128xi32, #tpu.memory_space<vmem>>, vector<16xi32>,
          tpu.vector_store %arg19[%swap3A_2287], %shift_left3A_2286 {strides = array<i32>} : memref<128xi32, #tpu.memory_space<vmem>>, vector<16xi32>,
          %get3A_2289 = arith.constant 48 : index
          %get3A_2290 = tpu.vector_load %arg15[%get3A_2289] {strides = array<i32>} : memref<128xi32, #tpu.memory_space<vmem>>, vector<16xi32>,
          %shift_right_logical3A_2291 = arith.constant 1 : i32
          %shift_right_logical3A_2292 = vector.broadcast %shift_right_logical3A_2291 : i32 to vector<16xi32>
          %shift_right_logical3A_2293 = arith.shrui %get3A_2290, %shift_right_logical3A_2292 : vector<16xi32>
          %swap3A_2294 = arith.constant 48 : index
          %swap3A_2295 = tpu.vector_load %arg17[%swap3A_2294] {strides = array<i32>} : memref<128xi32, #tpu.memory_space<vmem>>, vector<16xi32>,
          tpu.vector_store %arg17[%swap3A_2294], %shift_right_logical3A_2293 {strides = array<i32>} : memref<128xi32, #tpu.memory_space<vmem>>, vector<16xi32>,
          %and3A_2296 = arith.constant 1 : i32
          %and3A_2297 = vector.broadcast %and3A_2296 : i32 to vector<16xi32>
          %and3A_2298 = arith.andi %get3A_2290, %and3A_2297 : vector<16xi32>
          %shift_left3A_2299 = arith.constant 6 : i32
          %shift_left3A_2300 = vector.broadcast %shift_left3A_2299 : i32 to vector<16xi32>
          %shift_left3A_2301 = arith.shli %and3A_2298, %shift_left3A_2300 : vector<16xi32>
          %swap3A_2302 = arith.constant 48 : index
          %swap3A_2303 = tpu.vector_load %arg19[%swap3A_2302] {strides = array<i32>} : memref<128xi32, #tpu.memory_space<vmem>>, vector<16xi32>,
          tpu.vector_store %arg19[%swap3A_2302], %shift_left3A_2301 {strides = array<i32>} : memref<128xi32, #tpu.memory_space<vmem>>, vector<16xi32>,
          %get3A_2304 = arith.constant 64 : index
          %get3A_2305 = tpu.vector_load %arg15[%get3A_2304] {strides = array<i32>} : memref<128xi32, #tpu.memory_space<vmem>>, vector<16xi32>,
          %shift_right_logical3A_2306 = arith.constant 1 : i32
          %shift_right_logical3A_2307 = vector.broadcast %shift_right_logical3A_2306 : i32 to vector<16xi32>
          %shift_right_logical3A_2308 = arith.shrui %get3A_2305, %shift_right_logical3A_2307 : vector<16xi32>
          %swap3A_2309 = arith.constant 64 : index
          %swap3A_2310 = tpu.vector_load %arg17[%swap3A_2309] {strides = array<i32>} : memref<128xi32, #tpu.memory_space<vmem>>, vector<16xi32>,
          tpu.vector_store %arg17[%swap3A_2309], %shift_right_logical3A_2308 {strides = array<i32>} : memref<128xi32, #tpu.memory_space<vmem>>, vector<16xi32>,
          %and3A_2311 = arith.constant 1 : i32
          %and3A_2312 = vector.broadcast %and3A_2311 : i32 to vector<16xi32>
          %and3A_2313 = arith.andi %get3A_2305, %and3A_2312 : vector<16xi32>
          %shift_left3A_2314 = arith.constant 6 : i32
          %shift_left3A_2315 = vector.broadcast %shift_left3A_2314 : i32 to vector<16xi32>
          %shift_left3A_2316 = arith.shli %and3A_2313, %shift_left3A_2315 : vector<16xi32>
          %swap3A_2317 = arith.constant 64 : index
          %swap3A_2318 = tpu.vector_load %arg19[%swap3A_2317] {strides = array<i32>} : memref<128xi32, #tpu.memory_space<vmem>>, vector<16xi32>,
          tpu.vector_store %arg19[%swap3A_2317], %shift_left3A_2316 {strides = array<i32>} : memref<128xi32, #tpu.memory_space<vmem>>, vector<16xi32>,
          %get3A_2319 = arith.constant 80 : index
          %get3A_2320 = tpu.vector_load %arg15[%get3A_2319] {strides = array<i32>} : memref<128xi32, #tpu.memory_space<vmem>>, vector<16xi32>,
          %shift_right_logical3A_2321 = arith.constant 1 : i32
          %shift_right_logical3A_2322 = vector.broadcast %shift_right_logical3A_2321 : i32 to vector<16xi32>
          %shift_right_logical3A_2323 = arith.shrui %get3A_2320, %shift_right_logical3A_2322 : vector<16xi32>
          %swap3A_2324 = arith.constant 80 : index
          %swap3A_2325 = tpu.vector_load %arg17[%swap3A_2324] {strides = array<i32>} : memref<128xi32, #tpu.memory_space<vmem>>, vector<16xi32>,
          tpu.vector_store %arg17[%swap3A_2324], %shift_right_logical3A_2323 {strides = array<i32>} : memref<128xi32, #tpu.memory_space<vmem>>, vector<16xi32>,
          %and3A_2326 = arith.constant 1 : i32
          %and3A_2327 = vector.broadcast %and3A_2326 : i32 to vector<16xi32>
          %and3A_2328 = arith.andi %get3A_2320, %and3A_2327 : vector<16xi32>
          %shift_left3A_2329 = arith.constant 6 : i32
          %shift_left3A_2330 = vector.broadcast %shift_left3A_2329 : i32 to vector<16xi32>
          %shift_left3A_2331 = arith.shli %and3A_2328, %shift_left3A_2330 : vector<16xi32>
          %swap3A_2332 = arith.constant 80 : index
          %swap3A_2333 = tpu.vector_load %arg19[%swap3A_2332] {strides = array<i32>} : memref<128xi32, #tpu.memory_space<vmem>>, vector<16xi32>,
          tpu.vector_store %arg19[%swap3A_2332], %shift_left3A_2331 {strides = array<i32>} : memref<128xi32, #tpu.memory_space<vmem>>, vector<16xi32>,
          %get3A_2334 = arith.constant 96 : index
          %get3A_2335 = tpu.vector_load %arg15[%get3A_2334] {strides = array<i32>} : memref<128xi32, #tpu.memory_space<vmem>>, vector<16xi32>,
          %shift_right_logical3A_2336 = arith.constant 1 : i32
          %shift_right_logical3A_2337 = vector.broadcast %shift_right_logical3A_2336 : i32 to vector<16xi32>
          %shift_right_logical3A_2338 = arith.shrui %get3A_2335, %shift_right_logical3A_2337 : vector<16xi32>
          %swap3A_2339 = arith.constant 96 : index
          %swap3A_2340 = tpu.vector_load %arg17[%swap3A_2339] {strides = array<i32>} : memref<128xi32, #tpu.memory_space<vmem>>, vector<16xi32>,
          tpu.vector_store %arg17[%swap3A_2339], %shift_right_logical3A_2338 {strides = array<i32>} : memref<128xi32, #tpu.memory_space<vmem>>, vector<16xi32>,
          %and3A_2341 = arith.constant 1 : i32
          %and3A_2342 = vector.broadcast %and3A_2341 : i32 to vector<16xi32>
          %and3A_2343 = arith.andi %get3A_2335, %and3A_2342 : vector<16xi32>
          %shift_left3A_2344 = arith.constant 6 : i32
          %shift_left3A_2345 = vector.broadcast %shift_left3A_2344 : i32 to vector<16xi32>
          %shift_left3A_2346 = arith.shli %and3A_2343, %shift_left3A_2345 : vector<16xi32>
          %swap3A_2347 = arith.constant 96 : index
          %swap3A_2348 = tpu.vector_load %arg19[%swap3A_2347] {strides = array<i32>} : memref<128xi32, #tpu.memory_space<vmem>>, vector<16xi32>,
          tpu.vector_store %arg19[%swap3A_2347], %shift_left3A_2346 {strides = array<i32>} : memref<128xi32, #tpu.memory_space<vmem>>, vector<16xi32>,
          %get3A_2349 = arith.constant 112 : index
          %get3A_2350 = tpu.vector_load %arg15[%get3A_2349] {strides = array<i32>} : memref<128xi32, #tpu.memory_space<vmem>>, vector<16xi32>,
          %shift_right_logical3A_2351 = arith.constant 1 : i32
          %shift_right_logical3A_2352 = vector.broadcast %shift_right_logical3A_2351 : i32 to vector<16xi32>
          %shift_right_logical3A_2353 = arith.shrui %get3A_2350, %shift_right_logical3A_2352 : vector<16xi32>
          %swap3A_2354 = arith.constant 112 : index
          %swap3A_2355 = tpu.vector_load %arg17[%swap3A_2354] {strides = array<i32>} : memref<128xi32, #tpu.memory_space<vmem>>, vector<16xi32>,
          tpu.vector_store %arg17[%swap3A_2354], %shift_right_logical3A_2353 {strides = array<i32>} : memref<128xi32, #tpu.memory_space<vmem>>, vector<16xi32>,
          %and3A_2356 = arith.constant 1 : i32
          %and3A_2357 = vector.broadcast %and3A_2356 : i32 to vector<16xi32>
          %and3A_2358 = arith.andi %get3A_2350, %and3A_2357 : vector<16xi32>
          %shift_left3A_2359 = arith.constant 6 : i32
          %shift_left3A_2360 = vector.broadcast %shift_left3A_2359 : i32 to vector<16xi32>
          %shift_left3A_2361 = arith.shli %and3A_2358, %shift_left3A_2360 : vector<16xi32>
          %swap3A_2362 = arith.constant 112 : index
          %swap3A_2363 = tpu.vector_load %arg19[%swap3A_2362] {strides = array<i32>} : memref<128xi32, #tpu.memory_space<vmem>>, vector<16xi32>,
          tpu.vector_store %arg19[%swap3A_2362], %shift_left3A_2361 {strides = array<i32>} : memref<128xi32, #tpu.memory_space<vmem>>, vector<16xi32>,
          %dma_start3A_2364 = arith.constant 0 : i32
          %dma_start3A_2365 = arith.constant 0 : i32
          %dma_start3A_2366 = tpu.memref_slice %arg3[%dma_start3A_2364, %dma_start3A_2365] : memref<50000x128xf32, #tpu.memory_space<hbm>> -> memref<50000x128xf32, #tpu.memory_space<hbm>>
          tpu.enqueue_indirect_dma source(%dma_start3A_2366 : memref<50000x128xf32, #tpu.memory_space<hbm>>) target(%arg21 : memref<128x128xf32, #tpu.memory_space<vmem>>) offsets(%arg17 : memref<128xi32, #tpu.memory_space<vmem>>) semaphore(%arg33 : memref<!tpu.dma_semaphore, #tpu.memory_space<semaphore_mem>>)
        } else {
        }
        %add3A_2229 = arith.constant 4 : i32
        %add3A_2230 = arith.addi %scan3A_2170, %add3A_2229 : i32
        %lt3A_2231 = arith.constant 25 : i32
        %lt3A_2232 = arith.cmpi slt, %add3A_2230, %lt3A_2231 : i32
        %convert_element_type3A_2233 = arith.extui %lt3A_2232 : i1 to i32
        %cond3A_2234 = arith.constant 0 : i32
        %cond3A_2235 = arith.cmpi ne, %convert_element_type3A_2233, %cond3A_2234 : i32
        scf.if %cond3A_2235 {
          %add3A_2236 = arith.constant 4 : i32
          %add3A_2237 = arith.addi %scan3A_2170, %add3A_2236 : i32
          %mul3A_2238 = arith.constant 128 : i32
          %mul3A_2239 = arith.muli %add3A_2237, %mul3A_2238 : i32
          %add3A_2240 = arith.addi %select_n3A_1852, %mul3A_2239 : i32
          %multiple_of3A_2241 = tpu.assume_multiple %add3A_2240, 128 : i32
          %dma_start3A_2242 = tpu.memref_slice %arg2[%multiple_of3A_2241] : memref<100000xi32, #tpu.memory_space<hbm>> -> memref<128xi32, #tpu.memory_space<hbm>>
          %dma_start3A_2243 = tpu.memref_slice %arg2[%multiple_of3A_2241] : memref<100000xi32, #tpu.memory_space<hbm>> -> memref<128xi32, #tpu.memory_space<hbm>>
          tpu.enqueue_dma source(%dma_start3A_2243 : memref<128xi32, #tpu.memory_space<hbm>>) target(%arg15 : memref<128xi32, #tpu.memory_space<vmem>>) target_semaphore(%arg31 : memref<!tpu.dma_semaphore, #tpu.memory_space<semaphore_mem>>)
        } else {
        }
      } else {
      }
    }
    %scan3A_2152 = arith.constant 25 : i32
    %add3A_2153 = arith.constant 2944 : i32
    %add3A_2154 = arith.addi %select_n3A_1852, %add3A_2153 : i32
    %multiple_of3A_2155 = tpu.assume_multiple %add3A_2154, 128 : i32
    %dma_wait3A_2156 = arith.constant 0 : i32
    %dma_wait3A_2157 = tpu.memref_slice %arg6[%dma_wait3A_2156, %multiple_of3A_2155] : memref<64x100000xf32, #tpu.memory_space<hbm>> -> memref<64x128xf32, #tpu.memory_space<hbm>>
    %dma_wait3A_2158 = arith.constant 0 : i32
    %dma_wait3A_2159 = tpu.memref_slice %arg6[%dma_wait3A_2158, %multiple_of3A_2155] : memref<64x100000xf32, #tpu.memory_space<hbm>> -> memref<64x128xf32, #tpu.memory_space<hbm>>
    tpu.wait_dma2 semaphore(%arg35 : memref<!tpu.dma_semaphore, #tpu.memory_space<semaphore_mem>>) src(%arg23 : memref<64x128xf32, #tpu.memory_space<vmem>>) dst(%dma_wait3A_2159 : memref<64x128xf32, #tpu.memory_space<hbm>>)
    %add3A_2160 = arith.constant 3072 : i32
    %add3A_2161 = arith.addi %select_n3A_1852, %add3A_2160 : i32
    %multiple_of3A_2162 = tpu.assume_multiple %add3A_2161, 128 : i32
    %dma_wait3A_2163 = arith.constant 0 : i32
    %dma_wait3A_2164 = tpu.memref_slice %arg6[%dma_wait3A_2163, %multiple_of3A_2162] : memref<64x100000xf32, #tpu.memory_space<hbm>> -> memref<64x128xf32, #tpu.memory_space<hbm>>
    %dma_wait3A_2165 = arith.constant 0 : i32
    %dma_wait3A_2166 = tpu.memref_slice %arg6[%dma_wait3A_2165, %multiple_of3A_2162] : memref<64x100000xf32, #tpu.memory_space<hbm>> -> memref<64x128xf32, #tpu.memory_space<hbm>>
    tpu.wait_dma2 semaphore(%arg34 : memref<!tpu.dma_semaphore, #tpu.memory_space<semaphore_mem>>) src(%arg22 : memref<64x128xf32, #tpu.memory_space<vmem>>) dst(%dma_wait3A_2166 : memref<64x128xf32, #tpu.memory_space<hbm>>)
    %convert_element_type3A_2167 = arith.extui %eq3A_1848 : i1 to i32
    %cond3A_2168 = arith.constant 0 : i32
    %cond3A_2169 = arith.cmpi ne, %convert_element_type3A_2167, %cond3A_2168 : i32
    scf.if %cond3A_2169 {
      %get3A_2170 = arith.constant 0 : index
      %get3A_2171 = tpu.vector_load %arg25[%get3A_2170] {strides = array<i32>} : memref<32xi32, #tpu.memory_space<vmem>>, vector<16xi32>,
      %shift_right_logical3A_2172 = arith.constant 1 : i32
      %shift_right_logical3A_2173 = vector.broadcast %shift_right_logical3A_2172 : i32 to vector<16xi32>
      %shift_right_logical3A_2174 = arith.shrui %get3A_2171, %shift_right_logical3A_2173 : vector<16xi32>
      %swap3A_2175 = arith.constant 0 : index
      %swap3A_2176 = tpu.vector_load %arg26[%swap3A_2175] {strides = array<i32>} : memref<32xi32, #tpu.memory_space<vmem>>, vector<16xi32>,
      tpu.vector_store %arg26[%swap3A_2175], %shift_right_logical3A_2174 {strides = array<i32>} : memref<32xi32, #tpu.memory_space<vmem>>, vector<16xi32>,
      %and3A_2177 = arith.constant 1 : i32
      %and3A_2178 = vector.broadcast %and3A_2177 : i32 to vector<16xi32>
      %and3A_2179 = arith.andi %get3A_2171, %and3A_2178 : vector<16xi32>
      %shift_left3A_2180 = arith.constant 6 : i32
      %shift_left3A_2181 = vector.broadcast %shift_left3A_2180 : i32 to vector<16xi32>
      %shift_left3A_2182 = arith.shli %and3A_2179, %shift_left3A_2181 : vector<16xi32>
      %get3A_2183 = arith.constant 16 : index
      %get3A_2184 = tpu.vector_load %arg25[%get3A_2183] {strides = array<i32>} : memref<32xi32, #tpu.memory_space<vmem>>, vector<16xi32>,
      %shift_right_logical3A_2185 = arith.constant 1 : i32
      %shift_right_logical3A_2186 = vector.broadcast %shift_right_logical3A_2185 : i32 to vector<16xi32>
      %shift_right_logical3A_2187 = arith.shrui %get3A_2184, %shift_right_logical3A_2186 : vector<16xi32>
      %swap3A_2188 = arith.constant 16 : index
      %swap3A_2189 = tpu.vector_load %arg26[%swap3A_2188] {strides = array<i32>} : memref<32xi32, #tpu.memory_space<vmem>>, vector<16xi32>,
      tpu.vector_store %arg26[%swap3A_2188], %shift_right_logical3A_2187 {strides = array<i32>} : memref<32xi32, #tpu.memory_space<vmem>>, vector<16xi32>,
      %and3A_2190 = arith.constant 1 : i32
      %and3A_2191 = vector.broadcast %and3A_2190 : i32 to vector<16xi32>
      %and3A_2192 = arith.andi %get3A_2184, %and3A_2191 : vector<16xi32>
      %shift_left3A_2193 = arith.constant 6 : i32
      %shift_left3A_2194 = vector.broadcast %shift_left3A_2193 : i32 to vector<16xi32>
      %shift_left3A_2195 = arith.shli %and3A_2192, %shift_left3A_2194 : vector<16xi32>
      %dma_start3A_2196 = arith.constant 0 : i32
      %dma_start3A_2197 = arith.constant 0 : i32
      %dma_start3A_2198 = tpu.memref_slice %arg3[%dma_start3A_2196, %dma_start3A_2197] : memref<50000x128xf32, #tpu.memory_space<hbm>> -> memref<50000x128xf32, #tpu.memory_space<hbm>>
      tpu.enqueue_indirect_dma source(%dma_start3A_2198 : memref<50000x128xf32, #tpu.memory_space<hbm>>) target(%arg27 : memref<32x128xf32, #tpu.memory_space<vmem>>) offsets(%arg26 : memref<32xi32, #tpu.memory_space<vmem>>) semaphore(%arg32 : memref<!tpu.dma_semaphore, #tpu.memory_space<semaphore_mem>>)
      %dma_wait3A_2199 = arith.constant 0 : i32
      %dma_wait3A_2200 = arith.constant 0 : i32
      %dma_wait3A_2201 = tpu.memref_slice %arg3[%dma_wait3A_2199, %dma_wait3A_2200] : memref<50000x128xf32, #tpu.memory_space<hbm>> -> memref<50000x128xf32, #tpu.memory_space<hbm>>
      tpu.wait_indirect_dma semaphore(%arg32 : memref<!tpu.dma_semaphore, #tpu.memory_space<semaphore_mem>>) src(%dma_wait3A_2201 : memref<50000x128xf32, #tpu.memory_space<hbm>>) dst(%arg27 : memref<32x128xf32, #tpu.memory_space<vmem>>)
      %scan3A_2202 = arith.constant 0 : i32
      %scan3A_2203 = arith.constant 0 : i32
      %scan3A_2204 = arith.constant 64 : i32
      %scan3A_2205 = arith.addi %scan3A_2203, %scan3A_2204 : i32
      %scan3A_2206 = arith.constant 1 : i32
      scf.for %scan3A_2208 = %scan3A_2203 to %scan3A_2205 step %scan3A_2206  : i32 {
        %add3A_2209 = vector.broadcast %scan3A_2208 : i32 to vector<16xi32>
        %add3A_2210 = arith.addi %add3A_2209, %iota3A : vector<16xi32>
        %and3A_2211 = arith.constant 63 : i32
        %and3A_2212 = vector.broadcast %and3A_2211 : i32 to vector<16xi32>
        %and3A_2213 = arith.andi %add3A_2210, %and3A_2212 : vector<16xi32>
        %gather3A_2214 = tpu.vector_load_idx %arg13[%and3A_2213] : memref<64xf32, #tpu.memory_space<vmem>>[vector<16xi32>], vector<16xf32>,
        %add3A_2215 = arith.addi %shift_left3A_2182, %and3A_2213 : vector<16xi32>
        %gather3A_2216 = tpu.vector_load_idx %arg27[%add3A_1855, %add3A_2215] : memref<32x128xf32, #tpu.memory_space<vmem>>[vector<16xi32>, vector<16xi32>], vector<16xf32>,
        %add3A_2217 = arith.addf %gather3A_2216, %gather3A_2214 : vector<16xf32>
        tpu.vector_store_idx %arg28[%and3A_2213, %add3A_1855], %add3A_2217 : memref<64x32xf32, #tpu.memory_space<vmem>>[vector<16xi32>, vector<16xi32>], vector<16xf32>,
        %add3A_2218 = arith.addi %shift_left3A_2195, %and3A_2213 : vector<16xi32>
        %gather3A_2219 = tpu.vector_load_idx %arg27[%add3A_1858, %add3A_2218] : memref<32x128xf32, #tpu.memory_space<vmem>>[vector<16xi32>, vector<16xi32>], vector<16xf32>,
        %add3A_2220 = arith.addf %gather3A_2219, %gather3A_2214 : vector<16xf32>
        tpu.vector_store_idx %arg28[%and3A_2213, %add3A_1858], %add3A_2220 : memref<64x32xf32, #tpu.memory_space<vmem>>[vector<16xi32>, vector<16xi32>], vector<16xf32>,
      }
      %scan3A_2207 = arith.constant 64 : i32
      "tpu.region"() ({
        %run_scoped3A = tpu.sem_alloc : memref<!tpu.dma_semaphore, #tpu.memory_space<semaphore_mem>>
        %dma_start3A_2208 = arith.constant 0 : i32
        %dma_start3A_2209 = arith.constant 99968 : i32
        %dma_start3A_2210 = tpu.memref_slice %arg6[%dma_start3A_2208, %dma_start3A_2209] : memref<64x100000xf32, #tpu.memory_space<hbm>> -> memref<64x32xf32, #tpu.memory_space<hbm>>
        %dma_start3A_2211 = arith.constant 0 : i32
        %dma_start3A_2212 = arith.constant 99968 : i32
        %dma_start3A_2213 = tpu.memref_slice %arg6[%dma_start3A_2211, %dma_start3A_2212] : memref<64x100000xf32, #tpu.memory_space<hbm>> -> memref<64x32xf32, #tpu.memory_space<hbm>>
        tpu.enqueue_dma source(%arg28 : memref<64x32xf32, #tpu.memory_space<vmem>>) target(%dma_start3A_2213 : memref<64x32xf32, #tpu.memory_space<hbm>>) target_semaphore(%run_scoped3A : memref<!tpu.dma_semaphore, #tpu.memory_space<semaphore_mem>>)
        %dma_wait3A_2214 = arith.constant 0 : i32
        %dma_wait3A_2215 = arith.constant 99968 : i32
        %dma_wait3A_2216 = tpu.memref_slice %arg6[%dma_wait3A_2214, %dma_wait3A_2215] : memref<64x100000xf32, #tpu.memory_space<hbm>> -> memref<64x32xf32, #tpu.memory_space<hbm>>
        %dma_wait3A_2217 = arith.constant 0 : i32
        %dma_wait3A_2218 = arith.constant 99968 : i32
        %dma_wait3A_2219 = tpu.memref_slice %arg6[%dma_wait3A_2217, %dma_wait3A_2218] : memref<64x100000xf32, #tpu.memory_space<hbm>> -> memref<64x32xf32, #tpu.memory_space<hbm>>
        tpu.wait_dma2 semaphore(%run_scoped3A : memref<!tpu.dma_semaphore, #tpu.memory_space<semaphore_mem>>) src(%arg28 : memref<64x32xf32, #tpu.memory_space<vmem>>) dst(%dma_wait3A_2219 : memref<64x32xf32, #tpu.memory_space<hbm>>)
        tpu.yield
      }) : () -> ()
    } else {
    }
    return
  }
}

</mosaic_0001>

<sc_bundles>
// kernel: _emb_lora.3.cloned.1.call-start
scs
__scs_entry_jumppad:
0x0: {  	(pc) =	sbr.rel $0x88, $3  }
0x1: {  	(tag) =	ssettag $0x0;
	lr =	simm.s32 $0x1  }
0x2: {  	[smem:$0x3F9D] =	sst lr;
	_ =	strace $0xD0000000  }
0x3: {  	_ = 	snop  }
0x4: {  	_ = 	snop  }
0x5: {  	_ = 	snop  }
0x6: {  	_ = 	snop  }
0x7: {  	_ = 	snop  }
__scs_overlays_trampoline_lowered:
0x8: {  	[smem:$0x3FAC] =	sst s0  }
0x9: {  	[smem:$0x3FAD] =	sst s1  }
0xa: {  	[smem:$0x3FAE] =	sst s2  }
0xb: {  	[smem:$0x3FAF] =	sst s3  }
0xc: {  	[smem:$0x3FB0] =	sst s4  }
0xd: {  	[smem:$0x3FB1] =	sst s5  }
0xe: {  	[smem:$0x3FB2] =	sst s6  }
0xf: {  	[smem:$0x3FB3] =	sst s7  }
0x10: {  	[smem:$0x3FB4] =	sst s8  }
0x11: {  	[smem:$0x3FB5] =	sst s9;
	s0 =	simm.s32 @!p0 $0x0  }
0x12: {  	s1 =	sld [smem:$0x3F9B];
	s0 =	simm.s32 @p0 $0x1  }
0x13: {  	[smem:$0x3FB6] =	sst s0;
	s0 =	simm.s32 @!p1 $0x0  }
0x14: {  	s2 =	sld [smem:$0x3F9A];
	s0 =	simm.s32 @p1 $0x1  }
0x15: {  	[smem:$0x3FB7] =	sst s0;
	s0 =	simm.s32 @!p2 $0x0  }
0x16: {  	s3 =	sld [smem:$0x3FDB];
	s0 =	simm.s32 @p2 $0x1  }
0x17: {  	s4 =	simm.s32 $0x1BF5;
	[smem:$0x3FB9] =	sst s0  }
0x18: {  	s0 =	sld [smem:$0x3F9C];
	_ =	swait.ge [sflag:s4], $0x0  }
0x19: {  	s7 =	sld [smem:$0x3F9D]  }
0x1a: {  	s8 =	sadd.s32 $0xFFFFE003, lr  }
0x1b: {  	s9 =	sadd.s32 $0xFFFFFEF7, lr;
	s5 =	simm.s32 $0xFFFFFFFF;
	p2 =	slt.u32 s8, $0xFFFFF086  }
0x1c: {  	p1 =	slt.u32 s9, $0xF7A;
	s5 =	simm.s32 @!p2 $0x0  }
0x1d: {  	s5 =	simm.s32 @p1 $0x1;
	p0 =	seq.s32 s7, s2  }
0x1e: {  	s7 =	smul.u32 @!p0 $0xF7A, s2;
	p2 =	seq.s32 @!p0 s5, $0x0  }
0x1f: {  	s9 =	smul.u32 $0xF7A, s1;
	s8 =	simm.s32 @!p0 $0x1BF5;
	p2 =	por !p2, p0  }
0x20: {  	[sflag:s8] =	ssyncset.s32 @!p0 $0xFFFFF086;
	s6 =	sadd.s32 @!p0 s3, s7;
	s7 =	simm.s32 @!p0 $0x108  }
0x21: {  	s3 =	sadd.s32 s3, s9;
	s6 =	sadd.s32 @!p0 $0x88, s6;
	s7 =	simm.s32 @p2 $0x1082  }
0x22: {  	[simem:s7], [sflag:s8] =	dma.local @!p0 [hbm:s6], $0xF7A  }
0x23: {  	s9 =	sor.u32 $0xD0000000, s2;
	s6 =	simm.s32 $0x108;
	_ =	swait.ge @!p0 [sflag:s8], $0x0  }
0x24: {  	s3 =	sadd.s32 $0x88, s3;
	s6 =	simm.s32 @!p1 $0x1082;
	[sflag:s4] =	ssyncset.s32 $0xFFFFF086  }
0x25: {  	[simem:s6], [sflag:s4] =	dma.local [hbm:s3], $0xF7A  }
0x26: {  	[smem:$0x3F9D] =	sst s1;
	(tag) =	ssettag s2;
	_ =	strace s9  }
0x27: {  	s1 =	sld [smem:$0x3FAD]  }
0x28: {  	s2 =	sld [smem:$0x3FAE]  }
0x29: {  	s4 =	sld [smem:$0x3FB0]  }
0x2a: {  	p0 =	seq.s32 s5, $0x0;
	s5 =	sld [smem:$0x3FB1]  }
0x2b: {  	s6 =	sld [smem:$0x3FB2]  }
0x2c: {  	s7 =	sld [smem:$0x3FB3]  }
0x2d: {  	s3 =	simm.s32 $0x108;
	s8 =	sld [smem:$0x3FB4]  }
0x2e: {  	s3 =	simm.s32 @!p0 $0x1082;
	s9 =	sld [smem:$0x3FB5]  }
0x2f: {  	lr =	sadd.s32 s0, s3;
	s0 =	sld [smem:$0x3FAC]  }
0x30: {  	s3 =	sld [smem:$0x3FAF]  }
0x31: {  	[smem:$0x3FB8] =	sst s10  }
0x32: {  	s10 =	sld [smem:$0x3FB6];
	_ =	sdelay $0x3  }
0x33: {  	p0 =	seq.s32 s10, $0x1;
	s10 =	sld [smem:$0x3FB8];
	_ =	sdelay $0x3  }
0x34: {  	[smem:$0x3FB8] =	sst s10  }
0x35: {  	s10 =	sld [smem:$0x3FB7];
	_ =	sdelay $0x3  }
0x36: {  	p1 =	seq.s32 s10, $0x1;
	s10 =	sld [smem:$0x3FB8];
	_ =	sdelay $0x3  }
0x37: {  	[smem:$0x3FB8] =	sst s10  }
0x38: {  	s10 =	sld [smem:$0x3FB9]  }
0x39: {  	_ = 	snop;
	(pc) =	sbr.ind lr, $3  }
0x3a: {  	_ = 	snop  }
0x3b: {  	_ = 	snop  }
0x3c: {  	p2 =	seq.s32 s10, $0x1;
	s10 =	sld [smem:$0x3FB8]  }
0x3d: {  	_ =	shalt  }
0x3e: {  	_ =	shalt  }
0x3f: {  	_ =	shalt  }
0x40: {  	_ =	shalt  }
0x41: {  	_ =	shalt  }
0x42: {  	_ =	shalt  }
0x43: {  	_ =	shalt  }
0x44: {  	_ =	shalt  }
0x45: {  	_ =	shalt  }
0x46: {  	_ =	shalt  }
0x47: {  	_ =	shalt  }
0x48: {  	_ =	shalt  }
0x49: {  	_ =	shalt  }
0x4a: {  	_ =	shalt  }
0x4b: {  	_ =	shalt  }
0x4c: {  	_ =	shalt  }
0x4d: {  	_ =	shalt  }
0x4e: {  	_ =	shalt  }
0x4f: {  	_ =	shalt  }
0x50: {  	_ =	shalt  }
0x51: {  	_ =	shalt  }
0x52: {  	_ =	shalt  }
0x53: {  	_ =	shalt  }
0x54: {  	_ =	shalt  }
0x55: {  	_ =	shalt  }
0x56: {  	_ =	shalt  }
0x57: {  	_ =	shalt  }
0x58: {  	_ =	shalt  }
0x59: {  	_ =	shalt  }
0x5a: {  	_ =	shalt  }
0x5b: {  	_ =	shalt  }
0x5c: {  	_ =	shalt  }
0x5d: {  	_ =	shalt  }
0x5e: {  	_ =	shalt  }
0x5f: {  	_ =	shalt  }
0x60: {  	_ =	shalt  }
0x61: {  	_ =	shalt  }
0x62: {  	_ =	shalt  }
0x63: {  	_ =	shalt  }
0x64: {  	_ =	shalt  }
0x65: {  	_ =	shalt  }
0x66: {  	_ =	shalt  }
0x67: {  	_ =	shalt  }
0x68: {  	_ =	shalt  }
0x69: {  	_ =	shalt  }
0x6a: {  	_ =	shalt  }
0x6b: {  	_ =	shalt  }
0x6c: {  	_ =	shalt  }
0x6d: {  	_ =	shalt  }
0x6e: {  	_ =	shalt  }
0x6f: {  	_ =	shalt  }
0x70: {  	_ =	shalt  }
0x71: {  	_ =	shalt  }
0x72: {  	_ =	shalt  }
0x73: {  	_ =	shalt  }
0x74: {  	_ =	shalt  }
0x75: {  	_ =	shalt  }
0x76: {  	_ =	shalt  }
0x77: {  	_ =	shalt  }
0x78: {  	_ =	shalt  }
0x79: {  	_ =	shalt  }
0x7a: {  	_ =	shalt  }
0x7b: {  	_ =	shalt  }
0x7c: {  	_ =	shalt  }
0x7d: {  	_ =	shalt  }
0x7e: {  	_ =	shalt  }
0x7f: {  	_ =	shalt  }
0x80: {  	_ =	shalt  }
0x81: {  	_ =	shalt  }
0x82: {  	_ =	shalt  }
0x83: {  	_ =	shalt  }
0x84: {  	_ =	shalt  }
0x85: {  	_ =	shalt  }
0x86: {  	_ =	shalt  }
0x87: {  	_ =	shalt  }
.Lfunc_end0:
.L_simem_size_0:
called_computation_lowered:
.L_overlay_start_0:
0x88: {  	s2 =	sld [smem:$0x3FD9]  }
0x89: {  	s3 =	sld [smem:$0x3FFE];
	_ =	sdelay $0x1  }
0x8a: {  	s1 =	srdreg.scid  }
0x8b: {  	s0 =	sand.u32 $0x1, s1  }
0x8c: {  	s18 =	sshll.u32 s0, $0xA;
	s2 =	sadd.s32 s3, s2  }
0x8d: {  	s2 =	sadd.s32 s2, s18  }
0x8e: {  	[smem:$0x3FC4] =	sst s2  }
0x8f: {  	_ = 	snop  }
0x90: {  	s2 =	sld [smem:$0x3FC9]  }
0x91: {  	s19 =	sld [smem:$0x3FC8]  }
0x92: {  	s4 =	sld [smem:$0x3FC7]  }
0x93: {  	s5 =	sld [smem:$0x3FC6]  }
0x94: {  	s6 =	sld [smem:$0x3FD0];
	(tm) =	ssettm $0x1  }
0x95: {  	s7 =	sld [smem:$0x3FFB];
	_ =	sdelay $0x3  }
0x96: {  	_ =	strace s7  }
0x97: {  	s7 =	sld [smem:$0x3FFC];
	_ =	sdelay $0x3  }
0x98: {  	_ =	strace s7  }
0x99: {  	s7 =	sld [smem:$0x3FFD];
	_ =	sdelay $0x3  }
0x9a: {  	_ =	strace s7  }
0x9b: {  	_ =	strace $0x8FFFFFFF  }
0x9c: {  	s20 =	sld [smem:$0x3FDB];
	_ =	sdelay $0x1  }
0x9d: {  	s8 =	simm.s32 $_scs_section_size  }
0x9e: {  	s9 =	simm.s32 $_size__tile_overlayer_lowered;
	s10 =	simm.s32 $_tile_overlayer_lowered  }
0x9f: {  	s23 =	simm.s32 $0x1BFF;
	s22 =	sshll.u32 s10, $0x1;
	s7 =	sadd.s32 s8, s20  }
0xa0: {  	s11 =	simm.s32 $0x0;
	s21 =	sshll.u32 s9, $0x1;
	s9 =	sadd.s32 s22, s7  }
0xa1: {  	[timem:s11], [sflag:s23] =	dma.local [hbm:s9], s21  }
0xa2: {  	_ =	swait.ge [sflag:s23], s21  }
0xa3: {  	s8 =	ssub.s32 $0x0, s21;
	[sflag:s23] =	ssyncset.done $0x0  }
0xa4: {  	[sflag:s23] =	ssyncadd.s32 s8;
	_ =	sdelay $0x1  }
0xa5: {  	s24 =	simm.s32 $0x1B8B  }
0xa6: {  	_ =	swait.ge [sflag:s24], $0x1  }
0xa7: {  	[sflag:s24] =	ssyncset.done $0x0  }
0xa8: {  	s25 =	simm.s32 $0x1B8E;
	[sflag:s24] =	ssyncadd.s32 $0xFFFFFFFF  }
0xa9: {  	s26 =	simm.s32 $execute0_lowered;
	[smem:$0x3FD2] =	sst s25  }
0xaa: {  	s8 =	sshll.u32 s26, $0x1;
	_ =	strace $0x80000046;
	[dreg:$0x1] =	wrdreg $0xFFFFFFFF  }
0xab: {  	s28 =	simm.s32 $_size_execute0_lowered;
	s7 =	sadd.s32 s7, s8;
	[dreg:$0x0] =	wrdreg $0x0  }
0xac: {  	s8 =	sshll.u32 s28, $0x1;
	[dreg:$0x2] =	wrdreg s7  }
0xad: {  	[dreg:$0x3] =	wrdreg s8  }
0xae: {  	[dreg:$0x4] =	wrdreg $0xC0  }
0xaf: {  	_ =	task [dreg:s11], $0x5FFFF  }
0xb0: {  	[dreg:$0x1] =	wrdreg $0xFFFFFFFF  }
0xb1: {  	[dreg:$0x0] =	wrdreg $0x60  }
0xb2: {  	[dreg:$0x2] =	wrdreg s2  }
0xb3: {  	[dreg:$0x3] =	wrdreg s19  }
0xb4: {  	[dreg:$0x4] =	wrdreg s4  }
0xb5: {  	[dreg:$0x5] =	wrdreg s5  }
0xb6: {  	[dreg:$0x6] =	wrdreg s6  }
0xb7: {  	[dreg:$0x7] =	wrdreg $0x1D9800  }
0xb8: {  	[dreg:$0x8] =	wrdreg $0x9  }
0xb9: {  	_ =	task.clear_ibuf [dreg:s11], $0x9FFFF;
	_ =	strace $0x90000046  }
0xba: {  	s29 =	simm.s32 $0x9;
	_ =	strace $0x80000048  }
0xbb: {  	_ =	swait.ge [sflag:s29], $0x1  }
0xbc: {  	[sflag:s29] =	ssyncadd.s32 $0xFFFFFFFF  }
0xbd: {  	_ =	strace $0x90000048  }
0xbe: {  	_ =	sfence  }
0xbf: {  	s30 =	sld [smem:$0x0];
	_ =	sdelay $0x2  }
0xc0: {  	s31 =	sshll.u32 s1, $0xD;
	s1 =	sshrl.u32 s1, $0x2  }
0xc1: {  	s3 =	sand.u32 $0x4000, s31;
	s1 =	sadd.s32 s1, s30  }
0xc2: {  	s0 =	sor.u32 s3, s0;
	s1 =	sshll.u32 s1, $0x11  }
0xc3: {  	s0 =	sor.u32 s1, s0  }
0xc4: {  	s0 =	sadd.s32 $0x8F2B, s0  }
0xc5: {  	[sflag:s0] =	ssyncadd.remote.s32 $0x1  }
0xc6: {  	_ =	sfence.sel $0xFFFF  }
0xc7: {  	[dreg:$0x0] =	wrdreg $0xFFFFFFFF;
	(pc) =	sbr.abs _section_cstart, $3  }
0xc8: {  	[dreg:$0x1] =	wrdreg $0xFFFFFFFF  }
0xc9: {  	_ =	task.clear_ibuf [dreg:s11], $0x2FFFF;
	_ =	strace $0x9FFFFFFF  }
0xca: {  	(tm) =	ssettm $0x7FFFFFFF  }
0xcb: {  	_ =	shalt  }
tec
execute0_lowered:
.L_overlay_start_1:
0x0: {  	(tag) =	ssettag $0x1  }
0x1: {  	s1 =	rddreg [dreg:$0x0]  }
0x2: {  	s2 =	rddreg [dreg:$0x1]  }
0x3: {  	s0 =	rddreg [dreg:$0x2]  }
0x4: {  	s3 =	rddreg [dreg:$0x4]  }
0x5: {  	s9 =	rddreg [dreg:$0x5];
	s5 =	simm.s32 $0x0  }
0x6: {  	s4 =	srdreg.scid;
	s10 =	stileid.u32;
	s29 =	simm.s32 $0x1  }
0x7: {  	s30 =	simm.s32 $0x80;
	s31 =	simm.s32 $0xC3800;
	s11 =	simm.s32 $0x0  }
0x8: {  	[smem:$0x7FF] =	sst s5;
	s4 =	sand.u32 $0x1, s4;
	s7 =	smul.u32 $0x1880, s10  }
0x9: {  	s6 =	sshll.u32 s10, $0x1;
	s19 =	smul.u32 $0x310, s10;
	s20 =	sadd.s32 $0x16F80, s0  }
0xa: {  	s21 =	sadd.s32 $0x2DF0, s1;
	_ =	strace $0x80000047;
	[dreg:$0x9] =	wrdreg s20  }
0xb: {  	s22 =	sshll.u32 s10, $0x4;
	s24 =	sadd.s32 $0x30D0, s1;
	[dreg:$0xa] =	wrdreg s21  }
0xc: {  	s28 =	sadd.s32 $0x18680, s3;
	s18 =	ssub.s32 $0x2, s4;
	[dreg:$0xc] =	wrdreg s24  }
0xd: {  	s4 =	sor.u32 s4, s6;
	[dreg:$0x10] =	wrdreg s28;
	s24 =	simm.s32 $0x4  }
0xe: {  	s8 =	sshrl.u32 s18, $0x1;
	s7 =	sadd.s32 s0, s7;
	s6 =	sadd.s32 s1, s19  }
0xf: {  	p0 =	seq.s32 s4, $0x1F;
	s0 =	sadd.s32 $0x18680, s0;
	[dreg:$0x7] =	wrdreg s7  }
0x10: {  	v1 =	vimm.s32 $0xFEDCBA98;
	v0 =	vlaneseq.u32;
	v2 =	vimm.s32 $0x76543210;
	p1 =	sne.s32 s4, $0x1F;
	s19 =	simm.s32 $0x5;
	[dreg:$0x8] =	wrdreg s6  }
0x11: {  	v11 =	vimm.s32 $0x1;
	v12 =	vimm.s32 $0x2;
	v13 =	vimm.s32 $0x3;
	s5 =	ssub.s32 s18, s8;
	s8 =	smul.u32 $0xC80, s4;
	[dreg:$0xb] =	wrdreg s0  }
0x12: {  	v14 =	vimm.s32 $0x4;
	v15 =	vimm.s32 $0x5;
	v16 =	vimm.s32 $0x6;
	s0 =	sadd.s32 s22, s9;
	s22 =	simm.s32 $0x12780;
	s4 =	simm.s32 $0xE400  }
0x13: {  	v17 =	vimm.s32 $0x7;
	v18 =	vimm.s32 $0x8;
	v19 =	vimm.s32 $0x9;
	s6 =	simm.s32 $0x400;
	s7 =	simm.s32 $0x1A980;
	s9 =	simm.s32 $0x1B980  }
0x14: {  	v20 =	vimm.s32 $0xA;
	v21 =	vimm.s32 $0xB;
	v22 =	vimm.s32 $0xC;
	[dreg:$0xd] =	wrdreg s0;
	s20 =	smax.u32 s5, $0x1;
	s0 =	simm.s32 $0xE780  }
0x15: {  	v23 =	vimm.s32 $0xD;
	v24 =	vimm.s32 $0xE;
	v4 =	vunpack.c.l.s4.s8 v1;
	s5 =	simm.s32 $0x2;
	s8 =	simm.s32 @p0 $0x17A00;
	p0 =	seq.s32 s10, $0xF  }
.Ltmp0:
0x16: {  	v25 =	vimm.s32 $0xF;
	v1 =	vshrl.u32 v0, $0x3;
	v6 =	vunpack.c.l.s4.s8 v2;
	s10 =	simm.s32 $0x16780;
	s23 =	sshrl.u32 s8, $0x3;
	(pc) =	sbr.rel .LBB2_1-.Ltmp0, $4  }
0x17: {  	v2 =	vor.u32 $0x2, v1;
	v3 =	vor.u32 $0x4, v1;
	v8 =	vunpack.c.0.s8.s32 v4;
	s18 =	sadd.s32 $0x200, s8;
	s21 =	sadd.s32 s3, s8;
	s14 =	sadd.s32 s1, s23  }
0x18: {  	v5 =	vor.u32 $0x8, v1;
	v7 =	vor.u32 $0xC, v1;
	v9 =	vunpack.c.0.s8.s32 v6;
	s3 =	simm.s32 $0x6;
	s8 =	simm.s32 $0x3;
	s25 =	sadd.s32 $0x10, s14  }
0x19: {  	v4 =	vor.u32 $0x6, v1;
	v6 =	vor.u32 $0xA, v1;
	v10 =	vand.u32 $0xF, v8;
	s23 =	simm.s32 $0x7;
	s26 =	sadd.s32 $0x20, s14;
	[dreg:$0xe] =	wrdreg s25  }
0x1a: {  	v8 =	vor.u32 $0xE, v1;
	v9 =	vcombine.low v10, v9;
	v10 =	vimm.s32 $0x0;
	s17 =	sadd.s32 $0x30, s14;
	[dreg:$0xf] =	wrdreg s26;
	s25 =	simm.s32 $0x18780  }
.LBB2_20:
0x1b: {  	_ =	sdelay $0x3  }
0x1c: {  	[tilespmem:v32+s9+$0x0] =	vst.idx.msk $0xffff, v33  }
0x1d: {  	v26 =	vld.idx.msk [tilespmem:v30+s4+$0x0], $0xffff  }
0x1e: {  	v31 =	vld.idx.msk [tilespmem:v31+s7+$0x0], $0xffff;
	_ =	sdelay $0x1  }
0x1f: {  	v62 =	vor.u32 v0, v29  }
0x20: {  	v27 =	vor.u32 v30, v27;
	_ =	sdelay $0x1  }
0x21: {  	v63 =	vadd.f32 v31, v26;
	_ =	sdelay $0x1  }
0x22: {  	[tilespmem:v62+s9+$0x0] =	vst.idx.msk $0xffff, v63  }
0x23: {  	v27 =	vld.idx.msk [tilespmem:v27+s7+$0x0], $0xffff;
	_ =	sdelay $0x1  }
0x24: {  	v28 =	vor.u32 v28, v29;
	_ =	sdelay $0x2  }
0x25: {  	v26 =	vadd.f32 v27, v26;
	_ =	sdelay $0x1  }
0x26: {  	s12 =	rddreg [dreg:$0x10];
	[tilespmem:v28+s9+$0x0] =	vst.idx.msk $0xffff, v26  }
0x27: {  	[hbm4b:s12+s6] =	stream.strided.scatter [tilespmem:s9], [sflag:$0x7], $0x2000, s31, s6, $0x38;
	[tilespmem:$0x1D990] =	vst v63  }
0x28: {  	_ =	swait.ge [sflag:s23], $0x2000  }
0x29: {  	[sflag:s23] =	ssyncset.done $0x0  }
0x2a: {  	[sflag:s23] =	ssyncadd.s32 $0xFFFFE000  }
.LBB2_21:
0x2b: {  	s11 =	sadd.s32 $0x1, s11  }
0x2c: {  	p2 =	sne.s32 s11, s20  }
.Ltmp1:
0x2d: {  	_ = 	snop;
	(pc) =	sbr.rel @!p2 .LBB2_22-.Ltmp1, $1  }
0x2e: {  	_ =	sdelay $0x3  }
.LBB2_1:
0x2f: {  	s12 =	simm.s32 @p0 $0x0;
	s13 =	rddreg [dreg:$0x9]  }
0x30: {  	[tilespmem:s12], [sflag:$0x7] =	stream.linear.gather @p0 [hbm4b:s13+s12], $0xB800, $0x38;
	[tilespmem:$0x1D990] =	vst v63  }
0x31: {  	s13 =	simm.s32 @p0 $0x7  }
0x32: {  	_ =	swait.ge @p0 [sflag:s13], $0xB800  }
0x33: {  	[sflag:s13] =	ssyncset.done @p0 $0x0  }
0x34: {  	s15 =	simm.s32 @p0 $0xC400;
	s16 =	rddreg [dreg:$0xa];
	[sflag:s13] =	ssyncadd.s32 @p0 $0xFFFF4800  }
0x35: {  	[tilespmem:s15], [sflag:$0x7] =	stream.linear.gather @p0 [hbm4b:s16+s12], $0x1700, $0x38;
	[tilespmem:$0x1D990] =	vst v63  }
0x36: {  	_ =	swait.ge @p0 [sflag:s13], $0x1700  }
0x37: {  	[sflag:s13] =	ssyncset.done @p0 $0x0  }
0x38: {  	s15 =	simm.s32 @p0 $0x1A780;
	s16 =	rddreg [dreg:$0xb];
	[sflag:s13] =	ssyncadd.s32 @p0 $0xFFFFE900  }
0x39: {  	[tilespmem:s15], [sflag:$0x7] =	stream.linear.gather @p0 [hbm4b:s16+s12], $0x100, $0x38;
	[tilespmem:$0x1D990] =	vst v63  }
0x3a: {  	_ =	swait.ge @p0 [sflag:s13], $0x100  }
0x3b: {  	[sflag:s13] =	ssyncset.done @p0 $0x0  }
0x3c: {  	s15 =	simm.s32 @p0 $0x1A880;
	s16 =	rddreg [dreg:$0xc];
	[sflag:s13] =	ssyncadd.s32 @p0 $0xFFFFFF00  }
0x3d: {  	[tilespmem:s15], [sflag:$0x7] =	stream.linear.gather @p0 [hbm4b:s16+s12], $0x20, $0x38;
	[tilespmem:$0x1D990] =	vst v63  }
0x3e: {  	_ =	swait.ge @p0 [sflag:s13], $0x20  }
0x3f: {  	[sflag:s13] =	ssyncset.done @p0 $0x0  }
0x40: {  	s12 =	simm.s32 @!p0 $0x0;
	[sflag:s13] =	ssyncadd.s32 @p0 $0xFFFFFFE0;
	s13 =	rddreg [dreg:$0x7]  }
0x41: {  	[tilespmem:s12], [sflag:$0x7] =	stream.linear.gather @!p0 [hbm4b:s13+s12], $0xC400, $0x38;
	[tilespmem:$0x1D990] =	vst v63  }
0x42: {  	s13 =	simm.s32 @!p0 $0x7  }
0x43: {  	_ =	swait.ge @!p0 [sflag:s13], $0xC400  }
0x44: {  	[sflag:s13] =	ssyncset.done @!p0 $0x0  }
0x45: {  	s15 =	simm.s32 @!p0 $0xC400;
	s16 =	rddreg [dreg:$0x8];
	[sflag:s13] =	ssyncadd.s32 @!p0 $0xFFFF3C00  }
0x46: {  	[tilespmem:s15], [sflag:$0x7] =	stream.linear.gather @!p0 [hbm4b:s16+s12], $0x1880, $0x38;
	[tilespmem:$0x1D990] =	vst v63  }
0x47: {  	_ =	swait.ge @!p0 [sflag:s13], $0x1880  }
0x48: {  	[sflag:s13] =	ssyncset.done @!p0 $0x0  }
0x49: {  	[sflag:s13] =	ssyncadd.s32 @!p0 $0xFFFFE780  }
0x4a: {  	s26 =	simm.s32 $0xDC80;
	s16 =	simm.s32 $0x0;
	s15 =	rddreg [dreg:$0x3]  }
0x4b: {  	[tilespmem:s26], [sflag:$0x7] =	stream.linear.gather [hbm4b:s15+s16], $0x200, $0x38;
	[tilespmem:$0x1D990] =	vst v63  }
0x4c: {  	_ =	swait.ge [sflag:s23], $0x200  }
0x4d: {  	[sflag:s23] =	ssyncset.done $0x0  }
0x4e: {  	v26 =	vimm.f32 @!p0 $0.0e+00;
	[sflag:s23] =	ssyncadd.s32 $0xFFFFFE00  }
0x4f: {  	[tilespmem:$0x1A780] =	vst @!p0 v26  }
0x50: {  	[tilespmem:$0x1A790] =	vst @!p0 v26  }
0x51: {  	[tilespmem:$0x1A7A0] =	vst @!p0 v26  }
0x52: {  	[tilespmem:$0x1A7B0] =	vst @!p0 v26  }
0x53: {  	[tilespmem:$0x1A7C0] =	vst @!p0 v26  }
0x54: {  	[tilespmem:$0x1A7D0] =	vst @!p0 v26  }
0x55: {  	[tilespmem:$0x1A7E0] =	vst @!p0 v26  }
0x56: {  	[tilespmem:$0x1A7F0] =	vst @!p0 v26  }
0x57: {  	[tilespmem:$0x1A800] =	vst @!p0 v26  }
0x58: {  	s13 =	simm.s32 @!p0 $0x188;
	[tilespmem:$0x1A810] =	vst @!p0 v26  }
0x59: {  	s13 =	simm.s32 @p0 $0x170;
	[tilespmem:$0x1A820] =	vst @!p0 v26  }
0x5a: {  	p4 =	sne.s32 s13, $0x1;
	[tilespmem:$0x1A830] =	vst @!p0 v26  }
.Ltmp2:
0x5b: {  	[tilespmem:$0x1A840] =	vst @!p0 v26;
	(pc) =	sbr.rel @!p4 .LBB2_2-.Ltmp2, $4  }
0x5c: {  	[tilespmem:$0x1A850] =	vst @!p0 v26  }
0x5d: {  	[tilespmem:$0x1A860] =	vst @!p0 v26  }
0x5e: {  	s28 =	simm.s32 $0xC400;
	p2 =	por $0x0, $0x0;
	[tilespmem:$0x1A870] =	vst @!p0 v26  }
0x5f: {  	p3 =	por $0x0, $0x0;
	s12 =	simm.s32 $0x40;
	s13 =	sadd.s32 $0xFFFFFFFF, s13;
	v26 =	vimm.f32 $0.0e+00;
	v34 =	vld [tilespmem:s28+$0x0]  }
0x60: {  	_ =	sdelay $0x2  }
0x61: {  	v27 =	vld [tilespmem:s12+$0x30];
	p4 =	sne.s32 s13, $0x1  }
.Ltmp3:
0x62: {  	v38 =	vld [tilespmem:s12+$0xFFFFFFC0];
	v29 =	vcvt.s32.f32 v34;
	(pc) =	sbr.rel @!p4 .LBB2_4-.Ltmp3, $4  }
0x63: {  	v36 =	vld [tilespmem:s12+$0xFFFFFFD0]  }
0x64: {  	v39 =	vld [tilespmem:s12+$0xFFFFFFE0];
	v41 =	vperm.xlane v29, v1;
	v28 =	vperm.xlane v29, v8  }
0x65: {  	v40 =	vld [tilespmem:s12+$0xFFFFFFF0];
	s15 =	simm.s32 $0xC410;
	v44 =	vperm.xlane v29, v2;
	v45 =	vperm.xlane v29, v3  }
0x66: {  	s26 =	sadd.s32 $0xFFFFFFFF, s13;
	p2 =	por $0x1, $0x1;
	v34 =	vld [tilespmem:s15+$0x0];
	v48 =	vperm.xlane v29, v4;
	v28 =	vmul.f32 v27, v28  }
0x67: {  	_ = 	snop  }
0x68: {  	v33 =	vperm.xlane v29, v5;
	v42 =	vld [tilespmem:s12+$0x0]  }
0x69: {  	v35 =	vperm.xlane v29, v6;
	v30 =	vmul.f32 v38, v41;
	v43 =	vld [tilespmem:s12+$0x10]  }
0x6a: {  	v37 =	vperm.xlane v29, v7;
	v46 =	vld [tilespmem:s12+$0x20];
	s13 =	simm.s32 $0xC0;
	v32 =	vmul.f32 v36, v44  }
0x6b: {  	p4 =	sne.s32 s26, $0x1;
	v27 =	vadd.f32 v28, v26;
	v47 =	vld [tilespmem:s13+$0x30];
	v28 =	vmul.f32 v39, v45;
	v29 =	vcvt.s32.f32 v34  }
.Ltmp4:
0x6c: {  	v38 =	vld [tilespmem:s13+$0xFFFFFFC0];
	v31 =	vadd.f32 v30, v26;
	v63 =	vmul.f32 v40, v48;
	v30 =	vadd.f32 v32, v26;
	(pc) =	sbr.rel @!p4 .LBB2_6-.Ltmp4, $4  }
0x6d: {  	v36 =	vld [tilespmem:s13+$0xFFFFFFD0];
	v32 =	vadd.f32 v28, v26;
	v28 =	vmul.f32 v42, v33;
	v41 =	vperm.xlane v29, v1  }
0x6e: {  	v39 =	vld [tilespmem:s13+$0xFFFFFFE0];
	v33 =	vadd.f32 v63, v26;
	v49 =	vperm.xlane v29, v8;
	v44 =	vperm.xlane v29, v2  }
0x6f: {  	s15 =	simm.s32 $0xC420;
	v40 =	vld [tilespmem:s13+$0xFFFFFFF0];
	v45 =	vperm.xlane v29, v3;
	v48 =	vperm.xlane v29, v4;
	v42 =	vadd.f32 v28, v26  }
0x70: {  	s26 =	sadd.s32 $0xFFFFFFFF, s26;
	p3 =	por $0x1, $0x1;
	v34 =	vld [tilespmem:s15+$0x0];
	v28 =	vmul.f32 v47, v49;
	v49 =	vimm.f32 $0.0e+00;
	v47 =	vimm.f32 $0.0e+00  }
.LBB2_7:
0x71: {  	p4 =	sne.s32 s26, $0x1;
	v50 =	vperm.xlane v29, v5;
	v51 =	vld [tilespmem:s13+$0x0];
	v52 =	vperm.xlane v29, v6  }
0x72: {  	v38 =	vmul.f32 v38, v41;
	v41 =	vperm.xlane v29, v7;
	v53 =	vld [tilespmem:s13+$0x10];
	v27 =	vadd.f32 v28, v27  }
0x73: {  	v28 =	vmul.f32 v36, v44;
	v39 =	vmul.f32 v39, v45;
	v54 =	vld [tilespmem:s13+$0x20];
	s13 =	sadd.s32 $0x80, s13  }
0x74: {  	v44 =	vmul.f32 v43, v35;
	v31 =	vadd.f32 v38, v31;
	v35 =	vmovc v52;
	v55 =	vld [tilespmem:s13+$0x30];
	v40 =	vmul.f32 v40, v48  }
.Ltmp5:
0x75: {  	v52 =	vmul.f32 v46, v37;
	v37 =	vmovc v41;
	v30 =	vadd.f32 v28, v30;
	v29 =	vcvt.s32.f32 v34;
	v38 =	vld [tilespmem:s13+$0xFFFFFFC0];
	(pc) =	sbr.rel @p4 .LBB2_7-.Ltmp5, $4  }
0x76: {  	v32 =	vadd.f32 v39, v32;
	v36 =	vld [tilespmem:s13+$0xFFFFFFD0];
	v33 =	vadd.f32 v40, v33;
	v28 =	vmul.f32 v51, v50  }
0x77: {  	v49 =	vadd.f32 v44, v49;
	v41 =	vperm.xlane v29, v1;
	v39 =	vld [tilespmem:s13+$0xFFFFFFE0];
	v50 =	vperm.xlane v29, v8;
	v43 =	vmovc v53  }
0x78: {  	s15 =	sadd.s32 $0x10, s15;
	v44 =	vperm.xlane v29, v2;
	v45 =	vperm.xlane v29, v3;
	v40 =	vld [tilespmem:s13+$0xFFFFFFF0];
	v42 =	vadd.f32 v28, v42;
	v46 =	vmovc v54  }
0x79: {  	s26 =	sadd.s32 $0xFFFFFFFF, s26;
	v47 =	vadd.f32 v52, v47;
	v48 =	vperm.xlane v29, v4;
	v34 =	vld [tilespmem:s15+$0x0];
	v28 =	vmul.f32 v55, v50  }
.LBB2_8:
0x7a: {  	v50 =	vperm.xlane @p2 v29, v5;
	v52 =	vperm.xlane @p2 v29, v6  }
0x7b: {  	v38 =	vmul.f32 @p2 v38, v41;
	s15 =	sadd.s32 @p2 $0x80, s13;
	v35 =	vmul.f32 @p3 v43, v35  }
0x7c: {  	v51 =	vld @p2 [tilespmem:s13+$0x0];
	v29 =	vperm.xlane @p2 v29, v7;
	s12 =	smov.u32 @p2 s15;
	v36 =	vmul.f32 @p2 v36, v44  }
0x7d: {  	v39 =	vmul.f32 @p2 v39, v45;
	v31 =	vadd.f32 @p2 v38, v31;
	v63 =	vld [tilespmem:s12+$0xFFFFFFC0];
	v35 =	vadd.f32 @p3 v35, v49  }
0x7e: {  	v41 =	vld @p2 [tilespmem:s13+$0x10];
	v45 =	vmovc @p2 v52;
	v29 =	vpsel p2, v29, v0;
	v38 =	vmul.f32 @p2 v40, v48;
	v34 =	vcvt.s32.f32 v34  }
0x7f: {  	v53 =	vld [tilespmem:s12+$0xFFFFFFD0];
	v30 =	vadd.f32 @p2 v36, v30;
	v36 =	vmul.f32 @p3 v46, v37;
	v45 =	vpsel p2, v45, v0  }
0x80: {  	v32 =	vadd.f32 @p2 v39, v32;
	v31 =	vpsel p2, v31, v26;
	v54 =	vperm.xlane v34, v1  }
0x81: {  	v56 =	vld [tilespmem:s12+$0xFFFFFFE0];
	v35 =	vpsel p3, v35, v26;
	v33 =	vadd.f32 @p2 v38, v33;
	v38 =	vmul.f32 @p2 v51, v50  }
0x82: {  	v36 =	vadd.f32 @p3 v36, v47;
	v55 =	vperm.xlane v34, v2;
	v39 =	vmul.f32 v63, v54  }
0x83: {  	v59 =	vld [tilespmem:s12+$0xFFFFFFF0];
	v41 =	vpsel p2, v41, v0;
	v30 =	vpsel p2, v30, v26;
	v57 =	vperm.xlane v34, v3  }
0x84: {  	v60 =	vld [tilespmem:s12+$0x0];
	v58 =	vperm.xlane v34, v4;
	v37 =	vmul.f32 v53, v55;
	v31 =	vadd.f32 v39, v31  }
0x85: {  	v43 =	vld @p2 [tilespmem:s13+$0x20];
	v32 =	vpsel p2, v32, v26;
	v49 =	vperm.xlane v34, v6;
	v41 =	vmul.f32 @p2 v41, v45  }
0x86: {  	v61 =	vmul.f32 v56, v57;
	v30 =	vadd.f32 v37, v30;
	v31 =	vadd.f32 $0.0e+00, v31  }
0x87: {  	v48 =	vld [tilespmem:s12+$0x10];
	v52 =	vperm.xlane v34, v7;
	v38 =	vadd.f32 @p2 v38, v42;
	v63 =	vperm.xlane v34, v5  }
0x88: {  	v40 =	vmul.f32 v59, v58;
	v32 =	vadd.f32 v61, v32;
	v30 =	vadd.f32 v30, v31  }
0x89: {  	v50 =	vld [tilespmem:s12+$0x20];
	v33 =	vpsel p2, v33, v26;
	v62 =	vpsel p2, v38, v26;
	v38 =	vmul.f32 v60, v63  }
0x8a: {  	v51 =	vld [tilespmem:s12+$0x30];
	v39 =	vpsel p2, v43, v0;
	v33 =	vadd.f32 v40, v33;
	v30 =	vadd.f32 v32, v30  }
0x8b: {  	v35 =	vadd.f32 @p2 v41, v35;
	v53 =	vld [tilespmem:$0x1A880];
	v29 =	vmul.f32 @p2 v39, v29;
	v37 =	vadd.f32 v38, v62  }
0x8c: {  	v31 =	vpsel p3, v36, v26;
	v36 =	vmul.f32 v48, v49;
	v30 =	vadd.f32 v33, v30  }
0x8d: {  	v54 =	vperm.xlane v34, v8;
	v55 =	vpsel p2, v35, v26;
	v29 =	vadd.f32 @p2 v29, v31  }
0x8e: {  	v32 =	vmul.f32 v50, v52;
	v31 =	vadd.f32 v36, v55;
	v30 =	vadd.f32 v37, v30  }
0x8f: {  	v27 =	vadd.f32 @p2 v28, v27;
	v57 =	vld [tilespmem:$0x1A780];
	v56 =	vmul.f32 v51, v54;
	v29 =	vpsel p2, v29, v26  }
0x90: {  	v58 =	vcvt.s32.f32 v53;
	v29 =	vadd.f32 v32, v29;
	v30 =	vadd.f32 v31, v30  }
0x91: {  	v26 =	vpsel p2, v27, v26;
	v27 =	vld [tilespmem:$0x1A790]  }
0x92: {  	v60 =	vperm.xlane v58, v1;
	v26 =	vadd.f32 v56, v26;
	v59 =	vadd.f32 v29, v30  }
0x93: {  	v61 =	vld [tilespmem:$0x1A7A0]  }
0x94: {  	v63 =	vperm.xlane v58, v2;
	v62 =	vmul.f32 v57, v60;
	v26 =	vadd.f32 v26, v59  }
0x95: {  	v36 =	vld [tilespmem:$0x1A7B0]  }
0x96: {  	v37 =	vperm.xlane v58, v3;
	v27 =	vmul.f32 v27, v63;
	v26 =	vadd.f32 v62, v26  }
0x97: {  	v38 =	vld [tilespmem:$0x1A7C0]  }
0x98: {  	v39 =	vperm.xlane v58, v4;
	v26 =	vadd.f32 v27, v26;
	v27 =	vmul.f32 v61, v37  }
0x99: {  	v40 =	vld [tilespmem:$0x1A7D0]  }
0x9a: {  	v43 =	vld [tilespmem:$0x1A890];
	v41 =	vperm.xlane v58, v5;
	v26 =	vadd.f32 v27, v26;
	v27 =	vmul.f32 v36, v39  }
0x9b: {  	v42 =	vld [tilespmem:$0x1A7E0]  }
0x9c: {  	v44 =	vperm.xlane v58, v6;
	v26 =	vadd.f32 v27, v26;
	v27 =	vmul.f32 v38, v41  }
0x9d: {  	v46 =	vld [tilespmem:$0x1A7F0]  }
0x9e: {  	v45 =	vperm.xlane v58, v7;
	v26 =	vadd.f32 v27, v26;
	v27 =	vmul.f32 v40, v44  }
0x9f: {  	v48 =	vld [tilespmem:$0x1A800];
	v49 =	vcvt.s32.f32 v43  }
0xa0: {  	v47 =	vmul.f32 v42, v45;
	v26 =	vadd.f32 v27, v26;
	v27 =	vperm.xlane v58, v8  }
0xa1: {  	v50 =	vld [tilespmem:$0x1A810]  }
0xa2: {  	v51 =	vperm.xlane v49, v1;
	v26 =	vadd.f32 v47, v26;
	v27 =	vmul.f32 v46, v27  }
0xa3: {  	v52 =	vld [tilespmem:$0x1A820]  }
0xa4: {  	v53 =	vperm.xlane v49, v2;
	v26 =	vadd.f32 v27, v26;
	v27 =	vmul.f32 v48, v51  }
0xa5: {  	v54 =	vld [tilespmem:$0x1A830]  }
0xa6: {  	v55 =	vperm.xlane v49, v3;
	v26 =	vadd.f32 v27, v26;
	v27 =	vmul.f32 v50, v53  }
0xa7: {  	v56 =	vld [tilespmem:$0x1A840]  }
0xa8: {  	v57 =	vperm.xlane v49, v4;
	v26 =	vadd.f32 v27, v26;
	v27 =	vmul.f32 v52, v55  }
0xa9: {  	v58 =	vld [tilespmem:$0x1A850]  }
0xaa: {  	v59 =	vperm.xlane v49, v5;
	v26 =	vadd.f32 v27, v26;
	v27 =	vmul.f32 v54, v57  }
0xab: {  	v60 =	vld [tilespmem:$0x1A860]  }
0xac: {  	v61 =	vperm.xlane v49, v6;
	v26 =	vadd.f32 v27, v26;
	v27 =	vmul.f32 v56, v59  }
0xad: {  	v62 =	vld [tilespmem:$0x1A870]  }
0xae: {  	v63 =	vperm.xlane v49, v7;
	v26 =	vadd.f32 v27, v26;
	v27 =	vmul.f32 v58, v61;
	_ =	sdelay $0x1  }
0xaf: {  	v32 =	vperm.xlane v49, v8;
	v26 =	vadd.f32 v27, v26;
	v27 =	vmul.f32 v60, v63;
	_ =	sdelay $0x1  }
0xb0: {  	v26 =	vadd.f32 v27, v26;
	v27 =	vmul.f32 v62, v32;
	_ =	sdelay $0x1  }
0xb1: {  	v26 =	vadd.f32 v27, v26;
	_ =	sdelay $0x1  }
0xb2: {  	s26 =	rddreg [dreg:$0xd];
	s28 =	simm.s32 $0xDE80;
	[tilespmem:$0xDE80] =	vst v26  }
0xb3: {  	[spmem:s26] =	stream.linear.scatter [tilespmem:s28], [sflag:$0x7], $0x10, $0x38;
	[tilespmem:$0x1D990] =	vst v63  }
0xb4: {  	_ =	swait.ge [sflag:s23], $0x10  }
0xb5: {  	[sflag:s23] =	ssyncset.done $0x0  }
0xb6: {  	[sflag:s23] =	ssyncadd.s32 $0xFFFFFFF0  }
0xb7: {  	[bflag:$0x0] =	sbarrier.arrive $0xFFFF  }
0xb8: {  	s16 =	simm.s32 $0xDF00;
	s15 =	rddreg [dreg:$0x5]  }
0xb9: {  	[tilespmem:s16], [sflag:$0x7] =	stream.linear.gather [spmem:s15], $0x100, $0x38;
	[tilespmem:$0x1D990] =	vst v63  }
0xba: {  	_ =	swait.ge [sflag:s23], $0x100  }
0xbb: {  	[sflag:s23] =	ssyncset.done $0x0  }
0xbc: {  	[sflag:s23] =	ssyncadd.s32 $0xFFFFFF00  }
0xbd: {  	v26 =	vld [tilespmem:$0xDF00]  }
0xbe: {  	v27 =	vld [tilespmem:$0xDF10];
	_ =	sdelay $0x1  }
0xbf: {  	v33 =	vld [tilespmem:$0xDF20];
	_ =	sdelay $0x1  }
0xc0: {  	v34 =	vld [tilespmem:$0xDF30]  }
0xc1: {  	v26 =	vadd.f32 v27, v26  }
0xc2: {  	v27 =	vld [tilespmem:$0xDF40]  }
0xc3: {  	v26 =	vadd.f32 v33, v26  }
0xc4: {  	v35 =	vld [tilespmem:$0xDF50]  }
0xc5: {  	v26 =	vadd.f32 v34, v26  }
0xc6: {  	v36 =	vld [tilespmem:$0xDF60]  }
0xc7: {  	v26 =	vadd.f32 v27, v26  }
0xc8: {  	v27 =	vld [tilespmem:$0xDF70]  }
0xc9: {  	v26 =	vadd.f32 v35, v26  }
0xca: {  	v37 =	vld [tilespmem:$0xDF80]  }
0xcb: {  	v26 =	vadd.f32 v36, v26  }
0xcc: {  	v38 =	vld [tilespmem:$0xDF90]  }
0xcd: {  	v26 =	vadd.f32 v27, v26  }
0xce: {  	v27 =	vld [tilespmem:$0xDFA0]  }
0xcf: {  	v26 =	vadd.f32 v37, v26  }
0xd0: {  	v39 =	vld [tilespmem:$0xDFB0]  }
0xd1: {  	v26 =	vadd.f32 v38, v26  }
0xd2: {  	v40 =	vld [tilespmem:$0xDFC0]  }
0xd3: {  	v26 =	vadd.f32 v27, v26  }
0xd4: {  	v27 =	vld [tilespmem:$0xDFD0]  }
0xd5: {  	v26 =	vadd.f32 v39, v26  }
0xd6: {  	v41 =	vld [tilespmem:$0xDFE0]  }
0xd7: {  	v26 =	vadd.f32 v40, v26  }
0xd8: {  	v42 =	vld [tilespmem:$0xDFF0]  }
0xd9: {  	v26 =	vadd.f32 v27, v26;
	_ =	sdelay $0x1  }
0xda: {  	v26 =	vadd.f32 v41, v26;
	_ =	sdelay $0x1  }
0xdb: {  	v26 =	vadd.f32 v42, v26;
	_ =	sdelay $0x1  }
0xdc: {  	v27 =	vperm.xlane v26, v9  }
0xdd: {  	v43 =	vld [tilespmem:$0xDC80]  }
0xde: {  	v26 =	vadd.f32 v27, v26  }
0xdf: {  	v27 =	vld [tilespmem:$0xDCC0]  }
0xe0: {  	v33 =	vperm.xlane v26, v10  }
0xe1: {  	v44 =	vld [tilespmem:$0xDD00]  }
0xe2: {  	v32 =	vperm.xlane v26, v11;
	v28 =	vmul.f32 v43, v33  }
0xe3: {  	v45 =	vld [tilespmem:$0xDD40]  }
0xe4: {  	v31 =	vperm.xlane v26, v12;
	v27 =	vmul.f32 v27, v32;
	v28 =	vadd.f32 $0.0e+00, v28  }
0xe5: {  	v46 =	vld [tilespmem:$0xDD80]  }
0xe6: {  	v30 =	vperm.xlane v26, v13;
	v47 =	vmul.f32 v44, v31;
	v27 =	vadd.f32 v27, v28  }
0xe7: {  	v48 =	vld [tilespmem:$0xDDC0]  }
0xe8: {  	v29 =	vperm.xlane v26, v14;
	v49 =	vmul.f32 v45, v30;
	v27 =	vadd.f32 v47, v27  }
0xe9: {  	v50 =	vld [tilespmem:$0xDE00]  }
0xea: {  	v35 =	vmul.f32 v46, v29;
	v28 =	vperm.xlane v26, v15;
	v27 =	vadd.f32 v49, v27  }
0xeb: {  	v51 =	vld [tilespmem:$0xDE40]  }
0xec: {  	v36 =	vmul.f32 v48, v28;
	v35 =	vadd.f32 v35, v27;
	v27 =	vperm.xlane v26, v16;
	_ =	sdelay $0x1  }
0xed: {  	v52 =	vld [tilespmem:$0xDC90];
	v26 =	vperm.xlane v26, v17;
	v35 =	vadd.f32 v36, v35;
	v34 =	vmul.f32 v50, v27;
	_ =	sdelay $0x1  }
0xee: {  	v54 =	vld [tilespmem:$0xDCD0];
	v53 =	vmul.f32 v51, v26;
	v34 =	vadd.f32 v34, v35;
	_ =	sdelay $0x1  }
0xef: {  	v55 =	vld [tilespmem:$0xDD10];
	v34 =	vadd.f32 v53, v34  }
0xf0: {  	v36 =	vmul.f32 v52, v33  }
0xf1: {  	v57 =	vld [tilespmem:$0xDD50];
	v56 =	vperm.xlane v34, v10  }
0xf2: {  	v37 =	vmul.f32 v54, v32;
	v36 =	vadd.f32 $0.0e+00, v36;
	[tilespmem:$0xE400] =	vst v34;
	v58 =	vperm.xlane v34, v11  }
0xf3: {  	v60 =	vld [tilespmem:$0xDD90];
	v59 =	vperm.xlane v34, v12;
	[tilespmem:$0xE000] =	vst v56  }
0xf4: {  	v35 =	vmul.f32 v55, v31;
	v36 =	vadd.f32 v37, v36;
	v61 =	vperm.xlane v34, v13;
	[tilespmem:$0xE010] =	vst v58  }
0xf5: {  	v63 =	vld [tilespmem:$0xDDD0];
	v62 =	vperm.xlane v34, v14;
	[tilespmem:$0xE020] =	vst v59  }
0xf6: {  	v45 =	vmul.f32 v57, v30;
	v44 =	vperm.xlane v34, v15;
	v35 =	vadd.f32 v35, v36;
	[tilespmem:$0xE030] =	vst v61  }
0xf7: {  	v47 =	vld [tilespmem:$0xDE10];
	v46 =	vperm.xlane v34, v16;
	[tilespmem:$0xE040] =	vst v62  }
0xf8: {  	v49 =	vmul.f32 v60, v29;
	v48 =	vperm.xlane v34, v17;
	[tilespmem:$0xE050] =	vst v44;
	v35 =	vadd.f32 v45, v35  }
0xf9: {  	v51 =	vld [tilespmem:$0xDE50];
	v50 =	vperm.xlane v34, v18;
	[tilespmem:$0xE060] =	vst v46  }
0xfa: {  	v53 =	vmul.f32 v63, v28;
	v52 =	vperm.xlane v34, v19;
	[tilespmem:$0xE070] =	vst v48;
	v35 =	vadd.f32 v49, v35  }
0xfb: {  	v54 =	vperm.xlane v34, v20;
	[tilespmem:$0xE080] =	vst v50  }
0xfc: {  	v57 =	vld [tilespmem:$0xDCA0];
	v55 =	vperm.xlane v34, v21;
	[tilespmem:$0xE090] =	vst v52;
	v56 =	vmul.f32 v47, v27;
	v35 =	vadd.f32 v53, v35  }
0xfd: {  	[tilespmem:$0xE0A0] =	vst v54;
	v58 =	vperm.xlane v34, v22  }
0xfe: {  	v60 =	vmul.f32 v51, v26;
	[tilespmem:$0xE0B0] =	vst v55;
	v59 =	vperm.xlane v34, v23;
	v61 =	vld [tilespmem:$0xDCE0];
	v35 =	vadd.f32 v56, v35  }
0xff: {  	v62 =	vperm.xlane v34, v24;
	[tilespmem:$0xE0C0] =	vst v58  }
0x100: {  	v63 =	vld [tilespmem:$0xDD20];
	v34 =	vperm.xlane v34, v25;
	[tilespmem:$0xE0D0] =	vst v59;
	v35 =	vadd.f32 v60, v35  }
0x101: {  	v44 =	vmul.f32 v57, v33;
	[tilespmem:$0xE0E0] =	vst v62  }
0x102: {  	v46 =	vld [tilespmem:$0xDD60];
	[tilespmem:$0xE0F0] =	vst v34;
	v45 =	vperm.xlane v35, v10  }
0x103: {  	v37 =	vadd.f32 $0.0e+00, v44;
	v40 =	vmul.f32 v61, v32;
	[tilespmem:$0xE410] =	vst v35;
	v47 =	vperm.xlane v35, v11  }
0x104: {  	v49 =	vld [tilespmem:$0xDDA0];
	v48 =	vperm.xlane v35, v12;
	[tilespmem:$0xE100] =	vst v45  }
0x105: {  	v36 =	vmul.f32 v63, v31;
	v37 =	vadd.f32 v40, v37;
	v50 =	vperm.xlane v35, v13;
	[tilespmem:$0xE110] =	vst v47  }
0x106: {  	v52 =	vld [tilespmem:$0xDDE0];
	v51 =	vperm.xlane v35, v14;
	[tilespmem:$0xE120] =	vst v48  }
0x107: {  	v54 =	vmul.f32 v46, v30;
	v36 =	vadd.f32 v36, v37;
	v53 =	vperm.xlane v35, v15;
	[tilespmem:$0xE130] =	vst v50  }
0x108: {  	v56 =	vld [tilespmem:$0xDE20];
	v55 =	vperm.xlane v35, v16;
	[tilespmem:$0xE140] =	vst v51  }
0x109: {  	v58 =	vmul.f32 v49, v29;
	v57 =	vperm.xlane v35, v17;
	v36 =	vadd.f32 v54, v36;
	[tilespmem:$0xE150] =	vst v53  }
0x10a: {  	v60 =	vld [tilespmem:$0xDE60];
	v59 =	vperm.xlane v35, v18;
	[tilespmem:$0xE160] =	vst v55  }
0x10b: {  	v62 =	vmul.f32 v52, v28;
	v61 =	vperm.xlane v35, v19;
	[tilespmem:$0xE170] =	vst v57;
	v36 =	vadd.f32 v58, v36  }
0x10c: {  	v63 =	vperm.xlane v35, v20;
	[tilespmem:$0xE180] =	vst v59  }
0x10d: {  	v44 =	vld [tilespmem:$0xDCB0];
	v42 =	vperm.xlane v35, v21;
	v43 =	vmul.f32 v56, v27;
	[tilespmem:$0xE190] =	vst v61;
	v36 =	vadd.f32 v62, v36  }
0x10e: {  	v46 =	vperm.xlane v35, v23;
	[tilespmem:$0xE1A0] =	vst v63  }
0x10f: {  	v49 =	vperm.xlane v35, v24;
	[tilespmem:$0xE1B0] =	vst v42;
	v48 =	vld [tilespmem:$0xDCF0];
	v47 =	vmul.f32 v60, v26;
	v36 =	vadd.f32 v43, v36  }
0x110: {  	v45 =	vperm.xlane v35, v22;
	[tilespmem:$0xE1D0] =	vst v46  }
0x111: {  	v35 =	vperm.xlane v35, v25;
	v50 =	vld [tilespmem:$0xDD30];
	[tilespmem:$0xE1E0] =	vst v49;
	v36 =	vadd.f32 v47, v36  }
0x112: {  	v33 =	vmul.f32 v44, v33;
	[tilespmem:$0xE1C0] =	vst v45  }
0x113: {  	v52 =	vld [tilespmem:$0xDD70];
	[tilespmem:$0xE1F0] =	vst v35;
	v51 =	vperm.xlane v36, v10  }
0x114: {  	v33 =	vadd.f32 $0.0e+00, v33;
	v32 =	vmul.f32 v48, v32;
	[tilespmem:$0xE420] =	vst v36;
	v53 =	vperm.xlane v36, v11  }
0x115: {  	v55 =	vld [tilespmem:$0xDDB0];
	v54 =	vperm.xlane v36, v12;
	[tilespmem:$0xE200] =	vst v51  }
0x116: {  	v31 =	vmul.f32 v50, v31;
	v32 =	vadd.f32 v32, v33;
	v56 =	vperm.xlane v36, v13;
	[tilespmem:$0xE210] =	vst v53  }
0x117: {  	v58 =	vld [tilespmem:$0xDDF0];
	v57 =	vperm.xlane v36, v14;
	[tilespmem:$0xE220] =	vst v54  }
0x118: {  	v30 =	vmul.f32 v52, v30;
	v59 =	vperm.xlane v36, v15;
	v31 =	vadd.f32 v31, v32;
	[tilespmem:$0xE230] =	vst v56  }
0x119: {  	v61 =	vld [tilespmem:$0xDE30];
	v60 =	vperm.xlane v36, v16;
	[tilespmem:$0xE240] =	vst v57  }
0x11a: {  	v29 =	vmul.f32 v55, v29;
	v62 =	vperm.xlane v36, v17;
	[tilespmem:$0xE250] =	vst v59;
	v30 =	vadd.f32 v30, v31  }
0x11b: {  	v37 =	vld [tilespmem:$0xDE70];
	v63 =	vperm.xlane v36, v18;
	[tilespmem:$0xE260] =	vst v60  }
0x11c: {  	v28 =	vmul.f32 v58, v28;
	v38 =	vperm.xlane v36, v19;
	[tilespmem:$0xE270] =	vst v62;
	v29 =	vadd.f32 v29, v30  }
0x11d: {  	v39 =	vperm.xlane v36, v20;
	[tilespmem:$0xE280] =	vst v63  }
0x11e: {  	v27 =	vmul.f32 v61, v27;
	v40 =	vperm.xlane v36, v21;
	[tilespmem:$0xE290] =	vst v38;
	v28 =	vadd.f32 v28, v29  }
0x11f: {  	v41 =	vperm.xlane v36, v22;
	[tilespmem:$0xE2A0] =	vst v39  }
0x120: {  	v26 =	vmul.f32 v37, v26;
	v42 =	vperm.xlane v36, v23;
	[tilespmem:$0xE2B0] =	vst v40;
	v27 =	vadd.f32 v27, v28  }
0x121: {  	v43 =	vperm.xlane v36, v24;
	[tilespmem:$0xE2C0] =	vst v41  }
0x122: {  	v44 =	vperm.xlane v36, v25;
	[tilespmem:$0xE2D0] =	vst v42;
	v26 =	vadd.f32 v26, v27  }
0x123: {  	[tilespmem:$0xE2E0] =	vst v43  }
0x124: {  	[tilespmem:$0xE2F0] =	vst v44;
	v27 =	vperm.xlane v26, v10  }
0x125: {  	[tilespmem:$0xE430] =	vst v26;
	v45 =	vperm.xlane v26, v11  }
0x126: {  	[tilespmem:$0xE300] =	vst v27;
	v27 =	vperm.xlane v26, v12  }
0x127: {  	v46 =	vperm.xlane v26, v13;
	[tilespmem:$0xE310] =	vst v45  }
0x128: {  	[tilespmem:$0xE320] =	vst v27;
	v27 =	vperm.xlane v26, v14  }
0x129: {  	v47 =	vperm.xlane v26, v15;
	[tilespmem:$0xE330] =	vst v46  }
0x12a: {  	[tilespmem:$0xE340] =	vst v27;
	v27 =	vperm.xlane v26, v16  }
0x12b: {  	v48 =	vperm.xlane v26, v17;
	[tilespmem:$0xE350] =	vst v47  }
0x12c: {  	[tilespmem:$0xE360] =	vst v27;
	v27 =	vperm.xlane v26, v18  }
0x12d: {  	v49 =	vperm.xlane v26, v19;
	[tilespmem:$0xE370] =	vst v48  }
0x12e: {  	[tilespmem:$0xE380] =	vst v27;
	v27 =	vperm.xlane v26, v20  }
0x12f: {  	v50 =	vperm.xlane v26, v21;
	[tilespmem:$0xE390] =	vst v49  }
0x130: {  	[tilespmem:$0xE3A0] =	vst v27;
	v27 =	vperm.xlane v26, v22  }
0x131: {  	v51 =	vperm.xlane v26, v23;
	[tilespmem:$0xE3B0] =	vst v50  }
0x132: {  	[tilespmem:$0xE3C0] =	vst v27;
	v27 =	vperm.xlane v26, v24  }
0x133: {  	[tilespmem:$0xE3D0] =	vst v51;
	v26 =	vperm.xlane v26, v25  }
0x134: {  	[tilespmem:$0xE3E0] =	vst v27  }
0x135: {  	s12 =	simm.s32 $0x0;
	s15 =	simm.s32 $0xE480;
	[tilespmem:$0xE3F0] =	vst v26  }
0x136: {  	[tilespmem:s15], [sflag:$0x1] =	stream.linear.gather [hbm4b:s14+s12], $0x80, $0x38;
	[tilespmem:$0x1D990] =	vst v63  }
0x137: {  	s16 =	simm.s32 $0xE500;
	s26 =	rddreg [dreg:$0xe]  }
0x138: {  	[tilespmem:s16], [sflag:$0x2] =	stream.linear.gather [hbm4b:s26+s12], $0x80, $0x38;
	[tilespmem:$0x1D990] =	vst v63  }
0x139: {  	_ =	swait.ge [sflag:s29], $0x80  }
0x13a: {  	[sflag:s29] =	ssyncset.done $0x0  }
0x13b: {  	[sflag:s29] =	ssyncadd.s32 $0xFFFFFF80  }
0x13c: {  	v26 =	vld [tilespmem:$0xE480];
	_ =	sdelay $0x1  }
0x13d: {  	v27 =	vld [tilespmem:$0xE490];
	_ =	sdelay $0x1  }
0x13e: {  	v52 =	vld [tilespmem:$0xE4A0]  }
0x13f: {  	v53 =	vshrl.u32 v26, $0x1;
	v26 =	vshll.u32 v26, $0x6  }
0x140: {  	v54 =	vld [tilespmem:$0xE4B0];
	[tilespmem:$0xE580] =	vst v53;
	v26 =	vand.u32 $0x40, v26  }
0x141: {  	[tilespmem:$0xE680] =	vst v26;
	v26 =	vshrl.u32 v27, $0x1;
	v27 =	vshll.u32 v27, $0x6  }
0x142: {  	[tilespmem:$0xE590] =	vst v26;
	v26 =	vand.u32 $0x40, v27;
	v27 =	vld [tilespmem:$0xE4C0]  }
0x143: {  	v28 =	vshll.u32 v52, $0x6;
	[tilespmem:$0xE690] =	vst v26;
	v26 =	vshrl.u32 v52, $0x1  }
0x144: {  	v55 =	vld [tilespmem:$0xE4D0];
	[tilespmem:$0xE5A0] =	vst v26;
	v26 =	vand.u32 $0x40, v28  }
0x145: {  	v29 =	vshll.u32 v54, $0x6;
	[tilespmem:$0xE6A0] =	vst v26;
	v26 =	vshrl.u32 v54, $0x1  }
0x146: {  	v56 =	vld [tilespmem:$0xE4E0];
	[tilespmem:$0xE5B0] =	vst v26;
	v26 =	vand.u32 $0x40, v29  }
0x147: {  	[tilespmem:$0xE6B0] =	vst v26;
	v26 =	vshrl.u32 v27, $0x1;
	v27 =	vshll.u32 v27, $0x6  }
0x148: {  	[tilespmem:$0xE5C0] =	vst v26;
	v26 =	vand.u32 $0x40, v27;
	v27 =	vld [tilespmem:$0xE4F0]  }
0x149: {  	v28 =	vshll.u32 v55, $0x6;
	[tilespmem:$0xE6C0] =	vst v26;
	v26 =	vshrl.u32 v55, $0x1  }
0x14a: {  	[tilespmem:$0xE5D0] =	vst v26;
	v26 =	vand.u32 $0x40, v28  }
0x14b: {  	v57 =	vshll.u32 v56, $0x6;
	[tilespmem:$0xE6D0] =	vst v26;
	v26 =	vshrl.u32 v56, $0x1  }
0x14c: {  	[tilespmem:$0xE5E0] =	vst v26;
	v26 =	vand.u32 $0x40, v57  }
0x14d: {  	[tilespmem:$0xE6E0] =	vst v26;
	v26 =	vshrl.u32 v27, $0x1;
	v27 =	vshll.u32 v27, $0x6  }
0x14e: {  	[tilespmem:$0xE5F0] =	vst v26;
	v26 =	vand.u32 $0x40, v27  }
0x14f: {  	s28 =	simm.s32 $0xE580;
	[tilespmem:$0xE6F0] =	vst v26  }
0x150: {  	[tilespmem:s0], [sflag:$0x3] =	stream.indirect.gather [hbm4b:s2+s30], $0x80, s28, s30, $0xb8;
	[tilespmem:$0x1D990] =	vst v63  }
0x151: {  	_ =	swait.ge [sflag:s5], $0x80  }
0x152: {  	[sflag:s5] =	ssyncset.done $0x0  }
0x153: {  	[sflag:s5] =	ssyncadd.s32 $0xFFFFFF80  }
0x154: {  	v26 =	vld [tilespmem:$0xE500];
	_ =	sdelay $0x1  }
0x155: {  	v27 =	vld [tilespmem:$0xE510];
	_ =	sdelay $0x1  }
0x156: {  	v58 =	vld [tilespmem:$0xE520]  }
0x157: {  	v59 =	vshrl.u32 v26, $0x1;
	v26 =	vshll.u32 v26, $0x6  }
0x158: {  	v60 =	vld [tilespmem:$0xE530];
	[tilespmem:$0xE600] =	vst v59;
	v26 =	vand.u32 $0x40, v26  }
0x159: {  	[tilespmem:$0xE700] =	vst v26;
	v26 =	vshrl.u32 v27, $0x1;
	v27 =	vshll.u32 v27, $0x6  }
0x15a: {  	[tilespmem:$0xE610] =	vst v26;
	v26 =	vand.u32 $0x40, v27;
	v27 =	vld [tilespmem:$0xE540]  }
0x15b: {  	v28 =	vshll.u32 v58, $0x6;
	[tilespmem:$0xE710] =	vst v26;
	v26 =	vshrl.u32 v58, $0x1  }
0x15c: {  	v61 =	vld [tilespmem:$0xE550];
	[tilespmem:$0xE620] =	vst v26;
	v26 =	vand.u32 $0x40, v28  }
0x15d: {  	v29 =	vshll.u32 v60, $0x6;
	[tilespmem:$0xE720] =	vst v26;
	v26 =	vshrl.u32 v60, $0x1  }
0x15e: {  	v62 =	vld [tilespmem:$0xE560];
	[tilespmem:$0xE630] =	vst v26;
	v26 =	vand.u32 $0x40, v29  }
0x15f: {  	[tilespmem:$0xE730] =	vst v26;
	v26 =	vshrl.u32 v27, $0x1;
	v27 =	vshll.u32 v27, $0x6  }
0x160: {  	[tilespmem:$0xE640] =	vst v26;
	v26 =	vand.u32 $0x40, v27;
	v27 =	vld [tilespmem:$0xE570]  }
0x161: {  	v28 =	vshll.u32 v61, $0x6;
	[tilespmem:$0xE740] =	vst v26;
	v26 =	vshrl.u32 v61, $0x1  }
0x162: {  	[tilespmem:$0xE650] =	vst v26;
	v26 =	vand.u32 $0x40, v28  }
0x163: {  	v63 =	vshll.u32 v62, $0x6;
	[tilespmem:$0xE750] =	vst v26;
	v26 =	vshrl.u32 v62, $0x1  }
0x164: {  	[tilespmem:$0xE660] =	vst v26;
	v26 =	vand.u32 $0x40, v63  }
0x165: {  	[tilespmem:$0xE760] =	vst v26;
	v26 =	vshrl.u32 v27, $0x1;
	v27 =	vshll.u32 v27, $0x6  }
0x166: {  	[tilespmem:$0xE670] =	vst v26;
	v26 =	vand.u32 $0x40, v27  }
0x167: {  	s26 =	simm.s32 $0xE600;
	[tilespmem:$0xE770] =	vst v26  }
0x168: {  	[tilespmem:s22], [sflag:$0x4] =	stream.indirect.gather [hbm4b:s2+s30], $0x80, s26, s30, $0xb8;
	[tilespmem:$0x1D990] =	vst v63  }
.Ltmp6:
0x169: {  	_ = 	snop;
	(pc) =	sbr.rel .LBB2_9-.Ltmp6, $4  }
0x16a: {  	s28 =	rddreg [dreg:$0xf]  }
0x16b: {  	[tilespmem:s15], [sflag:$0x1] =	stream.linear.gather [hbm4b:s28+s12], $0x80, $0x38;
	[tilespmem:$0x1D990] =	vst v63  }
0x16c: {  	_ = 	snop  }
0x16d: {  	[tilespmem:s16], [sflag:$0x2] =	stream.linear.gather [hbm4b:s17+s12], $0x80, $0x38;
	[tilespmem:$0x1D990] =	vst v63  }
.LBB2_16:
0x16e: {  	s12 =	sadd.s32 $0x1, s12  }
0x16f: {  	p2 =	sne.s32 s12, $0x19  }
.Ltmp7:
0x170: {  	_ = 	snop;
	(pc) =	sbr.rel @!p2 .LBB2_17-.Ltmp7, $1  }
0x171: {  	_ =	sdelay $0x3  }
.LBB2_9:
0x172: {  	s13 =	sand.u32 $0x1, s12  }
0x173: {  	p2 =	seq.s32 s13, $0x1  }
.Ltmp8:
0x174: {  	_ = 	snop;
	(pc) =	sbr.rel @p2 .LBB2_13-.Ltmp8, $1  }
0x175: {  	_ =	sdelay $0x3  }
0x176: {  	_ =	swait.ge [sflag:s8], $0x4000  }
0x177: {  	p2 =	slt.u32 s12, $0x2;
	[sflag:s8] =	ssyncset.done $0x0  }
0x178: {  	s15 =	simm.s32 @!p2 $0x5;
	[sflag:s8] =	ssyncadd.s32 $0xFFFFC000  }
0x179: {  	_ =	swait.ge @!p2 [sflag:s15], $0x2000  }
0x17a: {  	[sflag:s15] =	ssyncset.done @!p2 $0x0  }
0x17b: {  	[sflag:s15] =	ssyncadd.s32 @!p2 $0xFFFFE000  }
0x17c: {  	v26 =	vld [tilespmem:$0xE680];
	_ =	sdelay $0x1  }
0x17d: {  	s26 =	simm.s32 $0x0  }
0x17e: {  	v27 =	vadd.s32 s26, v0  }
0x17f: {  	v47 =	vand.u32 $0x3F, v27;
	v27 =	vmul.u32 $0x80, v0  }
0x180: {  	v28 =	vadd.s32 v26, v47  }
0x181: {  	v29 =	vadd.s32 v27, v28;
	_ =	sdelay $0x1  }
0x182: {  	v28 =	vld [tilespmem:$0xE690];
	_ =	sdelay $0x1  }
0x183: {  	v50 =	vld.idx.msk [tilespmem:v47+s4+$0x0], $0xffff  }
0x184: {  	v32 =	vld.idx.msk [tilespmem:v29+s0+$0x0], $0xffff  }
0x185: {  	v49 =	vshll.u32 v47, $0x7  }
0x186: {  	v35 =	vor.u32 v0, v49;
	v30 =	vld [tilespmem:$0xE6A0];
	v34 =	vadd.s32 v28, v47;
	v29 =	vor.u32 $0x800, v27  }
0x187: {  	v31 =	vld [tilespmem:$0xE6B0];
	v34 =	vadd.s32 v29, v34  }
0x188: {  	v33 =	vld [tilespmem:$0xE6C0]  }
0x189: {  	v36 =	vld [tilespmem:$0xE6D0];
	v32 =	vadd.f32 v32, v50  }
0x18a: {  	v37 =	vld [tilespmem:$0xE6E0]  }
0x18b: {  	v40 =	vld [tilespmem:$0xE6F0];
	[tilespmem:v35+s10+$0x0] =	vst.idx.msk $0xffff, v32  }
0x18c: {  	v35 =	vld.idx.msk [tilespmem:v34+s0+$0x0], $0xffff  }
0x18d: {  	v32 =	vor.u32 $0x10, v0  }
0x18e: {  	v38 =	vadd.s32 v30, v47;
	v39 =	vor.u32 v32, v49;
	v34 =	vor.u32 $0x1000, v27  }
0x18f: {  	v38 =	vadd.s32 v34, v38;
	_ =	sdelay $0x1  }
0x190: {  	v35 =	vadd.f32 v35, v50;
	_ =	sdelay $0x1  }
0x191: {  	[tilespmem:v39+s10+$0x0] =	vst.idx.msk $0xffff, v35  }
0x192: {  	v39 =	vld.idx.msk [tilespmem:v38+s0+$0x0], $0xffff  }
0x193: {  	v35 =	vor.u32 $0x20, v0  }
0x194: {  	v41 =	vadd.s32 v31, v47;
	v42 =	vor.u32 v35, v49;
	v38 =	vor.u32 $0x1800, v27  }
0x195: {  	v41 =	vadd.s32 v38, v41;
	_ =	sdelay $0x1  }
0x196: {  	v39 =	vadd.f32 v39, v50;
	_ =	sdelay $0x1  }
0x197: {  	[tilespmem:v42+s10+$0x0] =	vst.idx.msk $0xffff, v39  }
0x198: {  	v42 =	vld.idx.msk [tilespmem:v41+s0+$0x0], $0xffff  }
0x199: {  	v39 =	vor.u32 $0x30, v0  }
0x19a: {  	v43 =	vadd.s32 v33, v47;
	v44 =	vor.u32 v39, v49;
	v41 =	vor.u32 $0x2000, v27  }
0x19b: {  	v43 =	vadd.s32 v41, v43;
	_ =	sdelay $0x1  }
0x19c: {  	v42 =	vadd.f32 v42, v50;
	_ =	sdelay $0x1  }
0x19d: {  	[tilespmem:v44+s10+$0x0] =	vst.idx.msk $0xffff, v42  }
0x19e: {  	v44 =	vld.idx.msk [tilespmem:v43+s0+$0x0], $0xffff  }
0x19f: {  	v42 =	vor.u32 $0x40, v0  }
0x1a0: {  	v45 =	vadd.s32 v36, v47;
	v46 =	vor.u32 v42, v49;
	v43 =	vor.u32 $0x2800, v27  }
0x1a1: {  	v45 =	vadd.s32 v43, v45;
	_ =	sdelay $0x1  }
0x1a2: {  	v44 =	vadd.f32 v44, v50;
	_ =	sdelay $0x1  }
0x1a3: {  	[tilespmem:v46+s10+$0x0] =	vst.idx.msk $0xffff, v44  }
0x1a4: {  	v46 =	vld.idx.msk [tilespmem:v45+s0+$0x0], $0xffff  }
0x1a5: {  	v44 =	vor.u32 $0x50, v0  }
0x1a6: {  	v48 =	vadd.s32 v37, v47;
	v51 =	vor.u32 v44, v49;
	v45 =	vor.u32 $0x3000, v27  }
0x1a7: {  	v48 =	vadd.s32 v45, v48;
	_ =	sdelay $0x1  }
0x1a8: {  	v46 =	vadd.f32 v46, v50;
	_ =	sdelay $0x1  }
0x1a9: {  	[tilespmem:v51+s10+$0x0] =	vst.idx.msk $0xffff, v46  }
0x1aa: {  	v48 =	vld.idx.msk [tilespmem:v48+s0+$0x0], $0xffff  }
0x1ab: {  	v46 =	vor.u32 $0x60, v0  }
0x1ac: {  	v62 =	vadd.s32 v40, v47;
	v47 =	vor.u32 $0x3800, v27;
	v52 =	vor.u32 v46, v49  }
0x1ad: {  	v51 =	vadd.s32 v47, v62;
	_ =	sdelay $0x1  }
0x1ae: {  	v48 =	vadd.f32 v48, v50;
	_ =	sdelay $0x1  }
0x1af: {  	[tilespmem:v52+s10+$0x0] =	vst.idx.msk $0xffff, v48  }
0x1b0: {  	s28 =	simm.s32 $0x1;
	v51 =	vld.idx.msk [tilespmem:v51+s0+$0x0], $0xffff  }
0x1b1: {  	v63 =	vadd.s32 s28, v0;
	v48 =	vor.u32 $0x70, v0  }
0x1b2: {  	v57 =	vand.u32 $0x3F, v63;
	v58 =	vor.u32 v48, v49  }
0x1b3: {  	v55 =	vadd.s32 v30, v57;
	v52 =	vadd.s32 v26, v57  }
0x1b4: {  	v54 =	vadd.s32 v31, v57;
	v53 =	vadd.s32 v33, v57;
	v59 =	vadd.s32 v27, v52  }
0x1b5: {  	v56 =	vadd.s32 v28, v57;
	v49 =	vshll.u32 v57, $0x7;
	v60 =	vadd.f32 v51, v50  }
0x1b6: {  	s26 =	simm.s32 $0x2;
	v52 =	vadd.s32 v36, v57;
	v51 =	vadd.s32 v37, v57;
	v50 =	vadd.s32 v40, v57  }
.LBB2_11:
0x1b7: {  	p2 =	sne.s32 s26, $0x3F;
	[tilespmem:v58+s10+$0x0] =	vst.idx.msk $0xffff, v60;
	s15 =	smov.u32 s26;
	s26 =	sadd.s32 $0x1, s26  }
0x1b8: {  	v60 =	vld.idx.msk [tilespmem:v57+s4+$0x0], $0xffff  }
0x1b9: {  	v57 =	vld.idx.msk [tilespmem:v59+s0+$0x0], $0xffff;
	_ =	sdelay $0x2  }
0x1ba: {  	v58 =	vor.u32 v0, v49;
	v59 =	vor.u32 $0x800, v27  }
0x1bb: {  	v56 =	vadd.s32 v59, v56;
	_ =	sdelay $0x1  }
0x1bc: {  	v57 =	vadd.f32 v57, v60;
	_ =	sdelay $0x1  }
0x1bd: {  	[tilespmem:v58+s10+$0x0] =	vst.idx.msk $0xffff, v57  }
0x1be: {  	v56 =	vld.idx.msk [tilespmem:v56+s0+$0x0], $0xffff;
	_ =	sdelay $0x2  }
0x1bf: {  	v57 =	vor.u32 v32, v49;
	v58 =	vor.u32 $0x1000, v27  }
0x1c0: {  	v55 =	vadd.s32 v58, v55;
	_ =	sdelay $0x1  }
0x1c1: {  	v56 =	vadd.f32 v56, v60;
	_ =	sdelay $0x1  }
0x1c2: {  	[tilespmem:v57+s10+$0x0] =	vst.idx.msk $0xffff, v56  }
0x1c3: {  	v55 =	vld.idx.msk [tilespmem:v55+s0+$0x0], $0xffff;
	_ =	sdelay $0x2  }
0x1c4: {  	v56 =	vor.u32 v35, v49;
	v57 =	vor.u32 $0x1800, v27  }
0x1c5: {  	v54 =	vadd.s32 v57, v54;
	_ =	sdelay $0x1  }
0x1c6: {  	v55 =	vadd.f32 v55, v60;
	_ =	sdelay $0x1  }
0x1c7: {  	[tilespmem:v56+s10+$0x0] =	vst.idx.msk $0xffff, v55  }
0x1c8: {  	v54 =	vld.idx.msk [tilespmem:v54+s0+$0x0], $0xffff;
	_ =	sdelay $0x2  }
0x1c9: {  	v55 =	vor.u32 v39, v49;
	v56 =	vor.u32 $0x2000, v27  }
0x1ca: {  	v53 =	vadd.s32 v56, v53;
	_ =	sdelay $0x1  }
0x1cb: {  	v54 =	vadd.f32 v54, v60;
	_ =	sdelay $0x1  }
0x1cc: {  	[tilespmem:v55+s10+$0x0] =	vst.idx.msk $0xffff, v54  }
0x1cd: {  	v53 =	vld.idx.msk [tilespmem:v53+s0+$0x0], $0xffff;
	_ =	sdelay $0x2  }
0x1ce: {  	v54 =	vor.u32 v42, v49;
	v55 =	vor.u32 $0x2800, v27  }
0x1cf: {  	v52 =	vadd.s32 v55, v52;
	_ =	sdelay $0x1  }
0x1d0: {  	v53 =	vadd.f32 v53, v60;
	_ =	sdelay $0x1  }
0x1d1: {  	[tilespmem:v54+s10+$0x0] =	vst.idx.msk $0xffff, v53  }
0x1d2: {  	v52 =	vld.idx.msk [tilespmem:v52+s0+$0x0], $0xffff;
	_ =	sdelay $0x2  }
0x1d3: {  	v53 =	vor.u32 v44, v49;
	v54 =	vor.u32 $0x3000, v27  }
0x1d4: {  	v51 =	vadd.s32 v54, v51;
	_ =	sdelay $0x1  }
0x1d5: {  	v52 =	vadd.f32 v52, v60;
	_ =	sdelay $0x1  }
0x1d6: {  	[tilespmem:v53+s10+$0x0] =	vst.idx.msk $0xffff, v52  }
0x1d7: {  	v51 =	vld.idx.msk [tilespmem:v51+s0+$0x0], $0xffff;
	_ =	sdelay $0x2  }
0x1d8: {  	v52 =	vor.u32 v46, v49;
	v53 =	vor.u32 $0x3800, v27  }
0x1d9: {  	v50 =	vadd.s32 v53, v50;
	_ =	sdelay $0x1  }
0x1da: {  	v51 =	vadd.f32 v51, v60;
	_ =	sdelay $0x1  }
0x1db: {  	[tilespmem:v52+s10+$0x0] =	vst.idx.msk $0xffff, v51  }
0x1dc: {  	v50 =	vld.idx.msk [tilespmem:v50+s0+$0x0], $0xffff;
	_ =	sdelay $0x1  }
0x1dd: {  	v51 =	vadd.s32 s15, v0  }
.Ltmp9:
0x1de: {  	v58 =	vor.u32 v48, v49;
	v57 =	vand.u32 $0x3F, v51;
	(pc) =	sbr.rel @p2 .LBB2_11-.Ltmp9, $4  }
0x1df: {  	v51 =	vadd.s32 v26, v57;
	v49 =	vshll.u32 v57, $0x7;
	v56 =	vadd.s32 v28, v57  }
0x1e0: {  	v55 =	vadd.s32 v30, v57;
	v54 =	vadd.s32 v31, v57;
	v59 =	vadd.s32 v27, v51  }
0x1e1: {  	v53 =	vadd.s32 v33, v57;
	v52 =	vadd.s32 v36, v57;
	v60 =	vadd.f32 v50, v60  }
0x1e2: {  	v51 =	vadd.s32 v37, v57;
	v50 =	vadd.s32 v40, v57  }
0x1e3: {  	_ =	sdelay $0x3  }
0x1e4: {  	[tilespmem:v58+s10+$0x0] =	vst.idx.msk $0xffff, v60  }
0x1e5: {  	v26 =	vld.idx.msk [tilespmem:v57+s4+$0x0], $0xffff  }
0x1e6: {  	v27 =	vld.idx.msk [tilespmem:v59+s0+$0x0], $0xffff;
	_ =	sdelay $0x1  }
0x1e7: {  	v28 =	vor.u32 v0, v49  }
0x1e8: {  	v29 =	vadd.s32 v29, v56;
	_ =	sdelay $0x1  }
0x1e9: {  	v27 =	vadd.f32 v27, v26;
	_ =	sdelay $0x1  }
0x1ea: {  	[tilespmem:v28+s10+$0x0] =	vst.idx.msk $0xffff, v27  }
0x1eb: {  	v27 =	vld.idx.msk [tilespmem:v29+s0+$0x0], $0xffff;
	_ =	sdelay $0x1  }
0x1ec: {  	v36 =	vor.u32 v32, v49  }
0x1ed: {  	v37 =	vadd.s32 v34, v55;
	_ =	sdelay $0x1  }
0x1ee: {  	v27 =	vadd.f32 v27, v26;
	_ =	sdelay $0x1  }
0x1ef: {  	[tilespmem:v36+s10+$0x0] =	vst.idx.msk $0xffff, v27  }
0x1f0: {  	v27 =	vld.idx.msk [tilespmem:v37+s0+$0x0], $0xffff;
	_ =	sdelay $0x1  }
0x1f1: {  	v40 =	vor.u32 v35, v49  }
0x1f2: {  	v54 =	vadd.s32 v38, v54;
	_ =	sdelay $0x1  }
0x1f3: {  	v27 =	vadd.f32 v27, v26;
	_ =	sdelay $0x1  }
0x1f4: {  	[tilespmem:v40+s10+$0x0] =	vst.idx.msk $0xffff, v27  }
0x1f5: {  	v27 =	vld.idx.msk [tilespmem:v54+s0+$0x0], $0xffff;
	_ =	sdelay $0x1  }
0x1f6: {  	v55 =	vor.u32 v39, v49  }
0x1f7: {  	v56 =	vadd.s32 v41, v53;
	_ =	sdelay $0x1  }
0x1f8: {  	v27 =	vadd.f32 v27, v26;
	_ =	sdelay $0x1  }
0x1f9: {  	[tilespmem:v55+s10+$0x0] =	vst.idx.msk $0xffff, v27  }
0x1fa: {  	v27 =	vld.idx.msk [tilespmem:v56+s0+$0x0], $0xffff;
	_ =	sdelay $0x1  }
0x1fb: {  	v57 =	vor.u32 v42, v49  }
0x1fc: {  	v58 =	vadd.s32 v43, v52;
	_ =	sdelay $0x1  }
0x1fd: {  	v27 =	vadd.f32 v27, v26;
	_ =	sdelay $0x1  }
0x1fe: {  	[tilespmem:v57+s10+$0x0] =	vst.idx.msk $0xffff, v27  }
0x1ff: {  	v27 =	vld.idx.msk [tilespmem:v58+s0+$0x0], $0xffff;
	_ =	sdelay $0x1  }
0x200: {  	v59 =	vor.u32 v44, v49  }
0x201: {  	v60 =	vadd.s32 v45, v51;
	_ =	sdelay $0x1  }
0x202: {  	v27 =	vadd.f32 v27, v26;
	_ =	sdelay $0x1  }
0x203: {  	[tilespmem:v59+s10+$0x0] =	vst.idx.msk $0xffff, v27  }
0x204: {  	v27 =	vld.idx.msk [tilespmem:v60+s0+$0x0], $0xffff;
	_ =	sdelay $0x1  }
0x205: {  	v61 =	vor.u32 v46, v49  }
0x206: {  	v62 =	vadd.s32 v47, v50;
	_ =	sdelay $0x1  }
0x207: {  	v27 =	vadd.f32 v27, v26;
	_ =	sdelay $0x1  }
0x208: {  	[tilespmem:v61+s10+$0x0] =	vst.idx.msk $0xffff, v27  }
0x209: {  	v27 =	vld.idx.msk [tilespmem:v62+s0+$0x0], $0xffff;
	_ =	sdelay $0x1  }
0x20a: {  	v63 =	vor.u32 v48, v49;
	_ =	sdelay $0x2  }
0x20b: {  	v26 =	vadd.f32 v27, v26  }
0x20c: {  	s15 =	sshll.u32 s12, $0x7  }
0x20d: {  	p2 =	sgt.u32 s12, $0x16;
	s26 =	sadd.s32 s21, s15;
	[tilespmem:v63+s10+$0x0] =	vst.idx.msk $0xffff, v26  }
0x20e: {  	[hbm4b:s26+s6] =	stream.strided.scatter [tilespmem:s10], [sflag:$0x5], $0x2000, s31, s6, $0x38;
	[tilespmem:$0x1D990] =	vst v63  }
0x20f: {  	s26 =	simm.s32 @!p2 $0x1  }
0x210: {  	_ =	swait.ge @!p2 [sflag:s26], $0x80  }
0x211: {  	[sflag:s26] =	ssyncset.done @!p2 $0x0  }
0x212: {  	[sflag:s26] =	ssyncadd.s32 @!p2 $0xFFFFFF80  }
0x213: {  	v26 =	vld @!p2 [tilespmem:$0xE480];
	_ =	sdelay $0x1  }
0x214: {  	v27 =	vld @!p2 [tilespmem:$0xE490];
	_ =	sdelay $0x1  }
0x215: {  	v28 =	vld @!p2 [tilespmem:$0xE4A0]  }
0x216: {  	v29 =	vshrl.u32 @!p2 v26, $0x1;
	v26 =	vshll.u32 @!p2 v26, $0x6  }
0x217: {  	[tilespmem:$0xE580] =	vst @!p2 v29;
	v26 =	vand.u32 @!p2 $0x40, v26;
	v29 =	vld @!p2 [tilespmem:$0xE4B0]  }
0x218: {  	[tilespmem:$0xE680] =	vst @!p2 v26;
	v26 =	vshrl.u32 @!p2 v27, $0x1;
	v27 =	vshll.u32 @!p2 v27, $0x6  }
0x219: {  	[tilespmem:$0xE590] =	vst @!p2 v26;
	v26 =	vand.u32 @!p2 $0x40, v27;
	v27 =	vld @!p2 [tilespmem:$0xE4C0]  }
0x21a: {  	[tilespmem:$0xE690] =	vst @!p2 v26;
	v26 =	vshrl.u32 @!p2 v28, $0x1;
	v28 =	vshll.u32 @!p2 v28, $0x6  }
0x21b: {  	[tilespmem:$0xE5A0] =	vst @!p2 v26;
	v26 =	vand.u32 @!p2 $0x40, v28;
	v28 =	vld @!p2 [tilespmem:$0xE4D0]  }
0x21c: {  	[tilespmem:$0xE6A0] =	vst @!p2 v26;
	v26 =	vshrl.u32 @!p2 v29, $0x1;
	v29 =	vshll.u32 @!p2 v29, $0x6  }
0x21d: {  	[tilespmem:$0xE5B0] =	vst @!p2 v26;
	v26 =	vand.u32 @!p2 $0x40, v29;
	v29 =	vld @!p2 [tilespmem:$0xE4E0]  }
0x21e: {  	[tilespmem:$0xE6B0] =	vst @!p2 v26;
	v26 =	vshrl.u32 @!p2 v27, $0x1;
	v27 =	vshll.u32 @!p2 v27, $0x6  }
0x21f: {  	[tilespmem:$0xE5C0] =	vst @!p2 v26;
	v26 =	vand.u32 @!p2 $0x40, v27;
	v27 =	vld @!p2 [tilespmem:$0xE4F0]  }
0x220: {  	[tilespmem:$0xE6C0] =	vst @!p2 v26;
	v26 =	vshrl.u32 @!p2 v28, $0x1;
	v28 =	vshll.u32 @!p2 v28, $0x6  }
0x221: {  	[tilespmem:$0xE5D0] =	vst @!p2 v26;
	v26 =	vand.u32 @!p2 $0x40, v28  }
0x222: {  	[tilespmem:$0xE6D0] =	vst @!p2 v26;
	v26 =	vshrl.u32 @!p2 v29, $0x1;
	v28 =	vshll.u32 @!p2 v29, $0x6  }
0x223: {  	[tilespmem:$0xE5E0] =	vst @!p2 v26;
	v26 =	vand.u32 @!p2 $0x40, v28  }
0x224: {  	[tilespmem:$0xE6E0] =	vst @!p2 v26;
	v26 =	vshrl.u32 @!p2 v27, $0x1;
	v27 =	vshll.u32 @!p2 v27, $0x6  }
0x225: {  	s28 =	simm.s32 @!p2 $0xE580;
	[tilespmem:$0xE5F0] =	vst @!p2 v26;
	v26 =	vand.u32 @!p2 $0x40, v27  }
0x226: {  	s16 =	simm.s32 @!p2 $0xE780;
	p3 =	sgt.u32 @!p2 s12, $0x14;
	s26 =	simm.s32 @!p2 $0x80;
	[tilespmem:$0xE6F0] =	vst @!p2 v26  }
0x227: {  	[tilespmem:s16], [sflag:$0x3] =	stream.indirect.gather @!p2 [hbm4b:s2+s26], $0x80, s28, s26, $0xb8;
	[tilespmem:$0x1D990] =	vst v63  }
0x228: {  	p2 =	por p3, p2  }
0x229: {  	s15 =	sadd.s32 @!p2 s15, s18  }
0x22a: {  	s15 =	sshrl.u32 @!p2 s15, $0x3  }
0x22b: {  	s16 =	simm.s32 @!p2 $0x0;
	s26 =	simm.s32 @!p2 $0xE480;
	s15 =	sadd.s32 @!p2 s1, s15  }
0x22c: {  	[tilespmem:s26], [sflag:$0x1] =	stream.linear.gather @!p2 [hbm4b:s15+s16], $0x80, $0x38;
	[tilespmem:$0x1D990] =	vst v63  }
0x22d: {  	p2 =	seq.s32 s13, $0x0  }
.Ltmp10:
0x22e: {  	_ = 	snop;
	(pc) =	sbr.rel @p2 .LBB2_16-.Ltmp10, $1  }
0x22f: {  	_ =	sdelay $0x3  }
.LBB2_13:
0x230: {  	_ =	swait.ge [sflag:s24], $0x4000  }
0x231: {  	p2 =	slt.u32 s12, $0x2;
	[sflag:s24] =	ssyncset.done $0x0  }
0x232: {  	s13 =	simm.s32 @!p2 $0x6;
	[sflag:s24] =	ssyncadd.s32 $0xFFFFC000  }
0x233: {  	_ =	swait.ge @!p2 [sflag:s13], $0x2000  }
0x234: {  	[sflag:s13] =	ssyncset.done @!p2 $0x0  }
0x235: {  	[sflag:s13] =	ssyncadd.s32 @!p2 $0xFFFFE000  }
0x236: {  	v26 =	vld [tilespmem:$0xE700];
	_ =	sdelay $0x1  }
0x237: {  	s26 =	simm.s32 $0x0  }
0x238: {  	v27 =	vadd.s32 s26, v0  }
0x239: {  	v47 =	vand.u32 $0x3F, v27;
	v27 =	vmul.u32 $0x80, v0  }
0x23a: {  	v28 =	vadd.s32 v26, v47  }
0x23b: {  	v29 =	vadd.s32 v27, v28;
	_ =	sdelay $0x1  }
0x23c: {  	v28 =	vld [tilespmem:$0xE710];
	_ =	sdelay $0x1  }
0x23d: {  	v50 =	vld.idx.msk [tilespmem:v47+s4+$0x0], $0xffff  }
0x23e: {  	v32 =	vld.idx.msk [tilespmem:v29+s22+$0x0], $0xffff  }
0x23f: {  	v49 =	vshll.u32 v47, $0x7  }
0x240: {  	v35 =	vor.u32 v0, v49;
	v30 =	vld [tilespmem:$0xE720];
	v34 =	vadd.s32 v28, v47;
	v29 =	vor.u32 $0x800, v27  }
0x241: {  	v31 =	vld [tilespmem:$0xE730];
	v34 =	vadd.s32 v29, v34  }
0x242: {  	v33 =	vld [tilespmem:$0xE740]  }
0x243: {  	v36 =	vld [tilespmem:$0xE750];
	v32 =	vadd.f32 v32, v50  }
0x244: {  	v37 =	vld [tilespmem:$0xE760]  }
0x245: {  	v40 =	vld [tilespmem:$0xE770];
	[tilespmem:v35+s25+$0x0] =	vst.idx.msk $0xffff, v32  }
0x246: {  	v35 =	vld.idx.msk [tilespmem:v34+s22+$0x0], $0xffff  }
0x247: {  	v32 =	vor.u32 $0x10, v0  }
0x248: {  	v38 =	vadd.s32 v30, v47;
	v39 =	vor.u32 v32, v49;
	v34 =	vor.u32 $0x1000, v27  }
0x249: {  	v38 =	vadd.s32 v34, v38;
	_ =	sdelay $0x1  }
0x24a: {  	v35 =	vadd.f32 v35, v50;
	_ =	sdelay $0x1  }
0x24b: {  	[tilespmem:v39+s25+$0x0] =	vst.idx.msk $0xffff, v35  }
0x24c: {  	v39 =	vld.idx.msk [tilespmem:v38+s22+$0x0], $0xffff  }
0x24d: {  	v35 =	vor.u32 $0x20, v0  }
0x24e: {  	v41 =	vadd.s32 v31, v47;
	v42 =	vor.u32 v35, v49;
	v38 =	vor.u32 $0x1800, v27  }
0x24f: {  	v41 =	vadd.s32 v38, v41;
	_ =	sdelay $0x1  }
0x250: {  	v39 =	vadd.f32 v39, v50;
	_ =	sdelay $0x1  }
0x251: {  	[tilespmem:v42+s25+$0x0] =	vst.idx.msk $0xffff, v39  }
0x252: {  	v42 =	vld.idx.msk [tilespmem:v41+s22+$0x0], $0xffff  }
0x253: {  	v39 =	vor.u32 $0x30, v0  }
0x254: {  	v43 =	vadd.s32 v33, v47;
	v44 =	vor.u32 v39, v49;
	v41 =	vor.u32 $0x2000, v27  }
0x255: {  	v43 =	vadd.s32 v41, v43;
	_ =	sdelay $0x1  }
0x256: {  	v42 =	vadd.f32 v42, v50;
	_ =	sdelay $0x1  }
0x257: {  	[tilespmem:v44+s25+$0x0] =	vst.idx.msk $0xffff, v42  }
0x258: {  	v44 =	vld.idx.msk [tilespmem:v43+s22+$0x0], $0xffff  }
0x259: {  	v42 =	vor.u32 $0x40, v0  }
0x25a: {  	v45 =	vadd.s32 v36, v47;
	v46 =	vor.u32 v42, v49;
	v43 =	vor.u32 $0x2800, v27  }
0x25b: {  	v45 =	vadd.s32 v43, v45;
	_ =	sdelay $0x1  }
0x25c: {  	v44 =	vadd.f32 v44, v50;
	_ =	sdelay $0x1  }
0x25d: {  	[tilespmem:v46+s25+$0x0] =	vst.idx.msk $0xffff, v44  }
0x25e: {  	v46 =	vld.idx.msk [tilespmem:v45+s22+$0x0], $0xffff  }
0x25f: {  	v44 =	vor.u32 $0x50, v0  }
0x260: {  	v48 =	vadd.s32 v37, v47;
	v51 =	vor.u32 v44, v49;
	v45 =	vor.u32 $0x3000, v27  }
0x261: {  	v48 =	vadd.s32 v45, v48;
	_ =	sdelay $0x1  }
0x262: {  	v46 =	vadd.f32 v46, v50;
	_ =	sdelay $0x1  }
0x263: {  	[tilespmem:v51+s25+$0x0] =	vst.idx.msk $0xffff, v46  }
0x264: {  	v48 =	vld.idx.msk [tilespmem:v48+s22+$0x0], $0xffff  }
0x265: {  	v46 =	vor.u32 $0x60, v0  }
0x266: {  	v62 =	vadd.s32 v40, v47;
	v47 =	vor.u32 $0x3800, v27;
	v52 =	vor.u32 v46, v49  }
0x267: {  	v51 =	vadd.s32 v47, v62;
	_ =	sdelay $0x1  }
0x268: {  	v48 =	vadd.f32 v48, v50;
	_ =	sdelay $0x1  }
0x269: {  	[tilespmem:v52+s25+$0x0] =	vst.idx.msk $0xffff, v48  }
0x26a: {  	s28 =	simm.s32 $0x1;
	v51 =	vld.idx.msk [tilespmem:v51+s22+$0x0], $0xffff  }
0x26b: {  	v63 =	vadd.s32 s28, v0;
	v48 =	vor.u32 $0x70, v0  }
0x26c: {  	v57 =	vand.u32 $0x3F, v63;
	v58 =	vor.u32 v48, v49  }
0x26d: {  	v55 =	vadd.s32 v30, v57;
	v52 =	vadd.s32 v26, v57  }
0x26e: {  	v54 =	vadd.s32 v31, v57;
	v53 =	vadd.s32 v33, v57;
	v59 =	vadd.s32 v27, v52  }
0x26f: {  	v56 =	vadd.s32 v28, v57;
	v49 =	vshll.u32 v57, $0x7;
	v60 =	vadd.f32 v51, v50  }
0x270: {  	s13 =	simm.s32 $0x2;
	v52 =	vadd.s32 v36, v57;
	v51 =	vadd.s32 v37, v57;
	v50 =	vadd.s32 v40, v57  }
.LBB2_14:
0x271: {  	p2 =	sne.s32 s13, $0x3F;
	[tilespmem:v58+s25+$0x0] =	vst.idx.msk $0xffff, v60;
	s15 =	smov.u32 s13;
	s13 =	sadd.s32 $0x1, s13  }
0x272: {  	v60 =	vld.idx.msk [tilespmem:v57+s4+$0x0], $0xffff  }
0x273: {  	v57 =	vld.idx.msk [tilespmem:v59+s22+$0x0], $0xffff;
	_ =	sdelay $0x2  }
0x274: {  	v58 =	vor.u32 v0, v49;
	v59 =	vor.u32 $0x800, v27  }
0x275: {  	v56 =	vadd.s32 v59, v56;
	_ =	sdelay $0x1  }
0x276: {  	v57 =	vadd.f32 v57, v60;
	_ =	sdelay $0x1  }
0x277: {  	[tilespmem:v58+s25+$0x0] =	vst.idx.msk $0xffff, v57  }
0x278: {  	v56 =	vld.idx.msk [tilespmem:v56+s22+$0x0], $0xffff;
	_ =	sdelay $0x2  }
0x279: {  	v57 =	vor.u32 v32, v49;
	v58 =	vor.u32 $0x1000, v27  }
0x27a: {  	v55 =	vadd.s32 v58, v55;
	_ =	sdelay $0x1  }
0x27b: {  	v56 =	vadd.f32 v56, v60;
	_ =	sdelay $0x1  }
0x27c: {  	[tilespmem:v57+s25+$0x0] =	vst.idx.msk $0xffff, v56  }
0x27d: {  	v55 =	vld.idx.msk [tilespmem:v55+s22+$0x0], $0xffff;
	_ =	sdelay $0x2  }
0x27e: {  	v56 =	vor.u32 v35, v49;
	v57 =	vor.u32 $0x1800, v27  }
0x27f: {  	v54 =	vadd.s32 v57, v54;
	_ =	sdelay $0x1  }
0x280: {  	v55 =	vadd.f32 v55, v60;
	_ =	sdelay $0x1  }
0x281: {  	[tilespmem:v56+s25+$0x0] =	vst.idx.msk $0xffff, v55  }
0x282: {  	v54 =	vld.idx.msk [tilespmem:v54+s22+$0x0], $0xffff;
	_ =	sdelay $0x2  }
0x283: {  	v55 =	vor.u32 v39, v49;
	v56 =	vor.u32 $0x2000, v27  }
0x284: {  	v53 =	vadd.s32 v56, v53;
	_ =	sdelay $0x1  }
0x285: {  	v54 =	vadd.f32 v54, v60;
	_ =	sdelay $0x1  }
0x286: {  	[tilespmem:v55+s25+$0x0] =	vst.idx.msk $0xffff, v54  }
0x287: {  	v53 =	vld.idx.msk [tilespmem:v53+s22+$0x0], $0xffff;
	_ =	sdelay $0x2  }
0x288: {  	v54 =	vor.u32 v42, v49;
	v55 =	vor.u32 $0x2800, v27  }
0x289: {  	v52 =	vadd.s32 v55, v52;
	_ =	sdelay $0x1  }
0x28a: {  	v53 =	vadd.f32 v53, v60;
	_ =	sdelay $0x1  }
0x28b: {  	[tilespmem:v54+s25+$0x0] =	vst.idx.msk $0xffff, v53  }
0x28c: {  	v52 =	vld.idx.msk [tilespmem:v52+s22+$0x0], $0xffff;
	_ =	sdelay $0x2  }
0x28d: {  	v53 =	vor.u32 v44, v49;
	v54 =	vor.u32 $0x3000, v27  }
0x28e: {  	v51 =	vadd.s32 v54, v51;
	_ =	sdelay $0x1  }
0x28f: {  	v52 =	vadd.f32 v52, v60;
	_ =	sdelay $0x1  }
0x290: {  	[tilespmem:v53+s25+$0x0] =	vst.idx.msk $0xffff, v52  }
0x291: {  	v51 =	vld.idx.msk [tilespmem:v51+s22+$0x0], $0xffff;
	_ =	sdelay $0x2  }
0x292: {  	v52 =	vor.u32 v46, v49;
	v53 =	vor.u32 $0x3800, v27  }
0x293: {  	v50 =	vadd.s32 v53, v50;
	_ =	sdelay $0x1  }
0x294: {  	v51 =	vadd.f32 v51, v60;
	_ =	sdelay $0x1  }
0x295: {  	[tilespmem:v52+s25+$0x0] =	vst.idx.msk $0xffff, v51  }
0x296: {  	v50 =	vld.idx.msk [tilespmem:v50+s22+$0x0], $0xffff;
	_ =	sdelay $0x1  }
0x297: {  	v51 =	vadd.s32 s15, v0  }
.Ltmp11:
0x298: {  	v58 =	vor.u32 v48, v49;
	v57 =	vand.u32 $0x3F, v51;
	(pc) =	sbr.rel @p2 .LBB2_14-.Ltmp11, $4  }
0x299: {  	v51 =	vadd.s32 v26, v57;
	v49 =	vshll.u32 v57, $0x7;
	v56 =	vadd.s32 v28, v57  }
0x29a: {  	v55 =	vadd.s32 v30, v57;
	v54 =	vadd.s32 v31, v57;
	v59 =	vadd.s32 v27, v51  }
0x29b: {  	v53 =	vadd.s32 v33, v57;
	v52 =	vadd.s32 v36, v57;
	v60 =	vadd.f32 v50, v60  }
0x29c: {  	v51 =	vadd.s32 v37, v57;
	v50 =	vadd.s32 v40, v57  }
0x29d: {  	_ =	sdelay $0x3  }
0x29e: {  	[tilespmem:v58+s25+$0x0] =	vst.idx.msk $0xffff, v60  }
0x29f: {  	v26 =	vld.idx.msk [tilespmem:v57+s4+$0x0], $0xffff  }
0x2a0: {  	v27 =	vld.idx.msk [tilespmem:v59+s22+$0x0], $0xffff;
	_ =	sdelay $0x1  }
0x2a1: {  	v28 =	vor.u32 v0, v49  }
0x2a2: {  	v29 =	vadd.s32 v29, v56;
	_ =	sdelay $0x1  }
0x2a3: {  	v27 =	vadd.f32 v27, v26;
	_ =	sdelay $0x1  }
0x2a4: {  	[tilespmem:v28+s25+$0x0] =	vst.idx.msk $0xffff, v27  }
0x2a5: {  	v27 =	vld.idx.msk [tilespmem:v29+s22+$0x0], $0xffff;
	_ =	sdelay $0x1  }
0x2a6: {  	v36 =	vor.u32 v32, v49  }
0x2a7: {  	v37 =	vadd.s32 v34, v55;
	_ =	sdelay $0x1  }
0x2a8: {  	v27 =	vadd.f32 v27, v26;
	_ =	sdelay $0x1  }
0x2a9: {  	[tilespmem:v36+s25+$0x0] =	vst.idx.msk $0xffff, v27  }
0x2aa: {  	v27 =	vld.idx.msk [tilespmem:v37+s22+$0x0], $0xffff;
	_ =	sdelay $0x1  }
0x2ab: {  	v40 =	vor.u32 v35, v49  }
0x2ac: {  	v54 =	vadd.s32 v38, v54;
	_ =	sdelay $0x1  }
0x2ad: {  	v27 =	vadd.f32 v27, v26;
	_ =	sdelay $0x1  }
0x2ae: {  	[tilespmem:v40+s25+$0x0] =	vst.idx.msk $0xffff, v27  }
0x2af: {  	v27 =	vld.idx.msk [tilespmem:v54+s22+$0x0], $0xffff;
	_ =	sdelay $0x1  }
0x2b0: {  	v55 =	vor.u32 v39, v49  }
0x2b1: {  	v56 =	vadd.s32 v41, v53;
	_ =	sdelay $0x1  }
0x2b2: {  	v27 =	vadd.f32 v27, v26;
	_ =	sdelay $0x1  }
0x2b3: {  	[tilespmem:v55+s25+$0x0] =	vst.idx.msk $0xffff, v27  }
0x2b4: {  	v27 =	vld.idx.msk [tilespmem:v56+s22+$0x0], $0xffff;
	_ =	sdelay $0x1  }
0x2b5: {  	v57 =	vor.u32 v42, v49  }
0x2b6: {  	v58 =	vadd.s32 v43, v52;
	_ =	sdelay $0x1  }
0x2b7: {  	v27 =	vadd.f32 v27, v26;
	_ =	sdelay $0x1  }
0x2b8: {  	[tilespmem:v57+s25+$0x0] =	vst.idx.msk $0xffff, v27  }
0x2b9: {  	v27 =	vld.idx.msk [tilespmem:v58+s22+$0x0], $0xffff;
	_ =	sdelay $0x1  }
0x2ba: {  	v59 =	vor.u32 v44, v49  }
0x2bb: {  	v60 =	vadd.s32 v45, v51;
	_ =	sdelay $0x1  }
0x2bc: {  	v27 =	vadd.f32 v27, v26;
	_ =	sdelay $0x1  }
0x2bd: {  	[tilespmem:v59+s25+$0x0] =	vst.idx.msk $0xffff, v27  }
0x2be: {  	v27 =	vld.idx.msk [tilespmem:v60+s22+$0x0], $0xffff;
	_ =	sdelay $0x1  }
0x2bf: {  	v61 =	vor.u32 v46, v49  }
0x2c0: {  	v62 =	vadd.s32 v47, v50;
	_ =	sdelay $0x1  }
0x2c1: {  	v27 =	vadd.f32 v27, v26;
	_ =	sdelay $0x1  }
0x2c2: {  	[tilespmem:v61+s25+$0x0] =	vst.idx.msk $0xffff, v27  }
0x2c3: {  	v27 =	vld.idx.msk [tilespmem:v62+s22+$0x0], $0xffff;
	_ =	sdelay $0x1  }
0x2c4: {  	v63 =	vor.u32 v48, v49;
	_ =	sdelay $0x2  }
0x2c5: {  	v26 =	vadd.f32 v27, v26  }
0x2c6: {  	s13 =	sshll.u32 s12, $0x7  }
0x2c7: {  	p2 =	sgt.u32 s12, $0x16;
	s15 =	sadd.s32 s21, s13;
	[tilespmem:v63+s25+$0x0] =	vst.idx.msk $0xffff, v26  }
0x2c8: {  	[hbm4b:s15+s6] =	stream.strided.scatter [tilespmem:s25], [sflag:$0x6], $0x2000, s31, s6, $0x38;
	[tilespmem:$0x1D990] =	vst v63  }
0x2c9: {  	s15 =	simm.s32 @!p2 $0x2  }
0x2ca: {  	_ =	swait.ge @!p2 [sflag:s15], $0x80  }
0x2cb: {  	[sflag:s15] =	ssyncset.done @!p2 $0x0  }
0x2cc: {  	[sflag:s15] =	ssyncadd.s32 @!p2 $0xFFFFFF80  }
0x2cd: {  	v26 =	vld @!p2 [tilespmem:$0xE500];
	_ =	sdelay $0x1  }
0x2ce: {  	v27 =	vld @!p2 [tilespmem:$0xE510];
	_ =	sdelay $0x1  }
0x2cf: {  	v28 =	vld @!p2 [tilespmem:$0xE520]  }
0x2d0: {  	v29 =	vshrl.u32 @!p2 v26, $0x1;
	v26 =	vshll.u32 @!p2 v26, $0x6  }
0x2d1: {  	[tilespmem:$0xE600] =	vst @!p2 v29;
	v26 =	vand.u32 @!p2 $0x40, v26;
	v29 =	vld @!p2 [tilespmem:$0xE530]  }
0x2d2: {  	[tilespmem:$0xE700] =	vst @!p2 v26;
	v26 =	vshrl.u32 @!p2 v27, $0x1;
	v27 =	vshll.u32 @!p2 v27, $0x6  }
0x2d3: {  	[tilespmem:$0xE610] =	vst @!p2 v26;
	v26 =	vand.u32 @!p2 $0x40, v27;
	v27 =	vld @!p2 [tilespmem:$0xE540]  }
0x2d4: {  	[tilespmem:$0xE710] =	vst @!p2 v26;
	v26 =	vshrl.u32 @!p2 v28, $0x1;
	v28 =	vshll.u32 @!p2 v28, $0x6  }
0x2d5: {  	[tilespmem:$0xE620] =	vst @!p2 v26;
	v26 =	vand.u32 @!p2 $0x40, v28;
	v28 =	vld @!p2 [tilespmem:$0xE550]  }
0x2d6: {  	[tilespmem:$0xE720] =	vst @!p2 v26;
	v26 =	vshrl.u32 @!p2 v29, $0x1;
	v29 =	vshll.u32 @!p2 v29, $0x6  }
0x2d7: {  	[tilespmem:$0xE630] =	vst @!p2 v26;
	v26 =	vand.u32 @!p2 $0x40, v29;
	v29 =	vld @!p2 [tilespmem:$0xE560]  }
0x2d8: {  	[tilespmem:$0xE730] =	vst @!p2 v26;
	v26 =	vshrl.u32 @!p2 v27, $0x1;
	v27 =	vshll.u32 @!p2 v27, $0x6  }
0x2d9: {  	[tilespmem:$0xE640] =	vst @!p2 v26;
	v26 =	vand.u32 @!p2 $0x40, v27;
	v27 =	vld @!p2 [tilespmem:$0xE570]  }
0x2da: {  	[tilespmem:$0xE740] =	vst @!p2 v26;
	v26 =	vshrl.u32 @!p2 v28, $0x1;
	v28 =	vshll.u32 @!p2 v28, $0x6  }
0x2db: {  	[tilespmem:$0xE650] =	vst @!p2 v26;
	v26 =	vand.u32 @!p2 $0x40, v28  }
0x2dc: {  	[tilespmem:$0xE750] =	vst @!p2 v26;
	v26 =	vshrl.u32 @!p2 v29, $0x1;
	v28 =	vshll.u32 @!p2 v29, $0x6  }
0x2dd: {  	[tilespmem:$0xE660] =	vst @!p2 v26;
	v26 =	vand.u32 @!p2 $0x40, v28  }
0x2de: {  	[tilespmem:$0xE760] =	vst @!p2 v26;
	v26 =	vshrl.u32 @!p2 v27, $0x1;
	v27 =	vshll.u32 @!p2 v27, $0x6  }
0x2df: {  	s16 =	simm.s32 @!p2 $0xE600;
	[tilespmem:$0xE670] =	vst @!p2 v26;
	v26 =	vand.u32 @!p2 $0x40, v27  }
0x2e0: {  	s26 =	simm.s32 @!p2 $0x12780;
	p3 =	sgt.u32 @!p2 s12, $0x14;
	s15 =	simm.s32 @!p2 $0x80;
	[tilespmem:$0xE770] =	vst @!p2 v26  }
0x2e1: {  	[tilespmem:s26], [sflag:$0x4] =	stream.indirect.gather @!p2 [hbm4b:s2+s15], $0x80, s16, s15, $0xb8;
	[tilespmem:$0x1D990] =	vst v63  }
.Ltmp12:
0x2e2: {  	p2 =	por p3, p2;
	(pc) =	sbr.rel .LBB2_16-.Ltmp12, $4  }
0x2e3: {  	s13 =	sadd.s32 @!p2 s13, s18  }
0x2e4: {  	s13 =	sshrl.u32 @!p2 s13, $0x3  }
0x2e5: {  	s15 =	simm.s32 @!p2 $0x0;
	s16 =	simm.s32 @!p2 $0xE500;
	s13 =	sadd.s32 @!p2 s1, s13  }
0x2e6: {  	[tilespmem:s16], [sflag:$0x2] =	stream.linear.gather @!p2 [hbm4b:s13+s15], $0x80, $0x38;
	[tilespmem:$0x1D990] =	vst v63  }
.LBB2_17:
0x2e7: {  	_ =	swait.ge [sflag:s3], $0x2000  }
.Ltmp13:
0x2e8: {  	[sflag:s3] =	ssyncset.done $0x0;
	(pc) =	sbr.rel @p1 .LBB2_21-.Ltmp13, $4  }
0x2e9: {  	[sflag:s3] =	ssyncadd.s32 $0xFFFFE000  }
0x2ea: {  	_ =	swait.ge [sflag:s19], $0x2000  }
0x2eb: {  	[sflag:s19] =	ssyncset.done $0x0  }
0x2ec: {  	[sflag:s19] =	ssyncadd.s32 $0xFFFFE000  }
0x2ed: {  	v26 =	vld [tilespmem:$0x1A880]  }
0x2ee: {  	v27 =	vld [tilespmem:$0x1A890];
	_ =	sdelay $0x3  }
0x2ef: {  	v29 =	vmul.u32 $0x80, v0;
	s12 =	simm.s32 $0x0;
	v28 =	vshrl.u32 v26, $0x1;
	v26 =	vshll.u32 v26, $0x6  }
0x2f0: {  	v30 =	vadd.s32 s12, v0;
	[tilespmem:$0x1A900] =	vst v28;
	v26 =	vand.u32 $0x40, v26;
	v28 =	vshrl.u32 v27, $0x1  }
0x2f1: {  	s26 =	simm.s32 $0x20;
	s13 =	simm.s32 $0x1A900;
	[tilespmem:$0x1A910] =	vst v28;
	v26 =	vor.u32 v29, v26;
	v28 =	vand.u32 $0x3F, v30  }
0x2f2: {  	[tilespmem:s7], [sflag:$0x3] =	stream.indirect.gather [hbm4b:s2+s26], $0x80, s13, s26, $0xb8;
	v30 =	vor.u32 v28, v26;
	[tilespmem:$0x1D990] =	vst v63  }
0x2f3: {  	_ =	swait.ge [sflag:s8], $0x1000  }
0x2f4: {  	[sflag:s8] =	ssyncset.done $0x0  }
0x2f5: {  	[sflag:s8] =	ssyncadd.s32 $0xFFFFF000  }
0x2f6: {  	v33 =	vld.idx.msk [tilespmem:v28+s4+$0x0], $0xffff  }
0x2f7: {  	v27 =	vshll.u32 v27, $0x6;
	v30 =	vld.idx.msk [tilespmem:v30+s7+$0x0], $0xffff  }
0x2f8: {  	v27 =	vand.u32 $0x40, v27;
	v29 =	vor.u32 $0x800, v29;
	v31 =	vshll.u32 v28, $0x7  }
0x2f9: {  	v27 =	vor.u32 v29, v27;
	v29 =	vor.u32 v0, v31  }
0x2fa: {  	v28 =	vor.u32 v28, v27;
	_ =	sdelay $0x1  }
0x2fb: {  	v30 =	vadd.f32 v30, v33;
	_ =	sdelay $0x1  }
0x2fc: {  	[tilespmem:v29+s9+$0x0] =	vst.idx.msk $0xffff, v30  }
0x2fd: {  	v34 =	vld.idx.msk [tilespmem:v28+s7+$0x0], $0xffff  }
0x2fe: {  	s28 =	simm.s32 $0x1;
	v28 =	vor.u32 $0x10, v0  }
0x2ff: {  	v29 =	vadd.s32 s28, v0;
	v32 =	vor.u32 v28, v31  }
0x300: {  	v30 =	vand.u32 $0x3F, v29  }
0x301: {  	v31 =	vor.u32 v30, v26  }
0x302: {  	v33 =	vadd.f32 v34, v33  }
0x303: {  	s12 =	simm.s32 $0x2;
	v29 =	vshll.u32 v30, $0x7  }
.LBB2_19:
0x304: {  	p2 =	sne.s32 s12, $0x3F;
	[tilespmem:v32+s9+$0x0] =	vst.idx.msk $0xffff, v33;
	s13 =	smov.u32 s12;
	s12 =	sadd.s32 $0x1, s12  }
0x305: {  	v33 =	vld.idx.msk [tilespmem:v30+s4+$0x0], $0xffff  }
0x306: {  	v31 =	vld.idx.msk [tilespmem:v31+s7+$0x0], $0xffff;
	_ =	sdelay $0x2  }
0x307: {  	v32 =	vor.u32 v0, v29  }
0x308: {  	v30 =	vor.u32 v30, v27;
	_ =	sdelay $0x1  }
0x309: {  	v31 =	vadd.f32 v31, v33;
	_ =	sdelay $0x1  }
0x30a: {  	[tilespmem:v32+s9+$0x0] =	vst.idx.msk $0xffff, v31  }
0x30b: {  	v34 =	vld.idx.msk [tilespmem:v30+s7+$0x0], $0xffff;
	_ =	sdelay $0x1  }
.Ltmp14:
0x30c: {  	(pc) =	sbr.rel @p2 .LBB2_19-.Ltmp14, $4  }
0x30d: {  	v32 =	vor.u32 v28, v29;
	v30 =	vadd.s32 s13, v0  }
0x30e: {  	v30 =	vand.u32 $0x3F, v30  }
0x30f: {  	v31 =	vor.u32 v30, v26;
	v29 =	vshll.u32 v30, $0x7  }
0x310: {  	v33 =	vadd.f32 v34, v33  }
.Ltmp15:
0x311: {  	_ = 	snop;
	(pc) =	sbr.rel .LBB2_20-.Ltmp15, $1  }
0x312: {  	_ =	sdelay $0x3  }
.LBB2_2:
.Ltmp16:
0x313: {  	(pc) =	sbr.rel .LBB2_8-.Ltmp16, $4  }
0x314: {  	_ = 	snop  }
0x315: {  	v27 =	vimm.f32 $0.0e+00;
	v31 =	vimm.f32 $0.0e+00  }
0x316: {  	v30 =	vimm.f32 $0.0e+00;
	v32 =	vimm.f32 $0.0e+00;
	v33 =	vimm.f32 $0.0e+00  }
0x317: {  	s13 =	simm.s32 $0x40;
	v49 =	vimm.f32 $0.0e+00;
	v42 =	vimm.f32 $0.0e+00;
	v47 =	vimm.f32 $0.0e+00  }
.LBB2_4:
.Ltmp17:
0x318: {  	(pc) =	sbr.rel .LBB2_8-.Ltmp17, $4  }
0x319: {  	_ = 	snop  }
0x31a: {  	v27 =	vimm.f32 $0.0e+00;
	v31 =	vimm.f32 $0.0e+00  }
0x31b: {  	v30 =	vimm.f32 $0.0e+00;
	v32 =	vimm.f32 $0.0e+00;
	v33 =	vimm.f32 $0.0e+00  }
0x31c: {  	s13 =	simm.s32 $0x40;
	v49 =	vimm.f32 $0.0e+00;
	v42 =	vimm.f32 $0.0e+00;
	v47 =	vimm.f32 $0.0e+00  }
.LBB2_6:
.Ltmp18:
0x31d: {  	(pc) =	sbr.rel .LBB2_8-.Ltmp18, $2  }
0x31e: {  	_ =	sdelay $0x2  }
0x31f: {  	v49 =	vimm.f32 $0.0e+00;
	v47 =	vimm.f32 $0.0e+00  }
.LBB2_22:
0x320: {  	_ =	sfence.sel $0x180000  }
0x321: {  	[bflag:$0x0] =	sbarrier.arrive $0xFFFF  }
0x322: {  	_ =	strace $0x90000047  }
0x323: {  	s0 =	stileid.u32;
	[bflag:$0x2] =	sbarrier.arrive $0xFFFF  }
0x324: {  	p0 =	sne.s32 s0, $0x0;
	s0 =	rddreg [dreg:$0x6]  }
0x325: {  	s0 =	sadd.s32 @!p0 $0x100000, s0  }
0x326: {  	[sflag:s0] =	ssyncadd.tile.s32 @!p0 $0x1;
	_ =	shalt  }
.Lfunc_end2:
_tile_overlayer_lowered:
.L_overlay_start_2:
0x327: {  	(tag) =	ssettag $0x2  }
0x328: {  	s0 =	rddreg [dreg:$0x0];
	s2 =	stileid.u32  }
0x329: {  	s1 =	rddreg [dreg:$0x1];
	p0 =	sne.s32 s2, $0x0  }
0x32a: {  	s3 =	rddreg [dreg:$0x2];
	[bflag:$0x3] =	sbarrier.arrive $0xFFFF;
	s2 =	simm.s32 @!p0 $0x1C07  }
0x32b: {  	[timem:s3], [sflag:s2] =	dma.local @!p0 [hbm:s0], s1  }
0x32c: {  	s0 =	simm.s32 @!p0 $0x7  }
0x32d: {  	_ =	swait.ge @!p0 [sflag:s0], s1  }
0x32e: {  	s1 =	ssub.s32 @!p0 $0x0, s1;
	[sflag:s0] =	ssyncset.done @!p0 $0x0  }
0x32f: {  	[sflag:s0] =	ssyncadd.s32 @!p0 s1  }
0x330: {  	[bflag:$0x3] =	sbarrier.arrive $0xFFFF  }
0x331: {  	_ =	shalt  }

</sc_bundles>
